<compile_context>
chip_gen: v7x
topology: tpu7x:2x2x1
jax: 0.10.2.dev20260603
libtpu: 0.0.44.dev20260713+nightly
codegen_flags: <defaults>
</compile_context>

<pallas_src>
import functools

import jax
import jax.numpy as jnp
from jax import lax
from jax.experimental import pallas as pl
from jax.experimental.pallas import tpu as pltpu
from jax.experimental.pallas import tpu_sc as plsc

K = 2
DIM = 32
TEMP = 0.1
NUM_CATES = 100



def _sc_gather_fn(B, D):
    info = plsc.get_sparse_core_info()
    NC, NS = info.num_cores, info.num_subcores
    NW = NC * NS
    b_per_w = B // NW
    mesh = plsc.VectorSubcoreMesh(core_axis_name="c", subcore_axis_name="s")

    @functools.partial(
        pl.kernel,
        mesh=mesh,
        out_type=jax.ShapeDtypeStruct((NW, D, b_per_w), jnp.float32),
        scratch_types=[
            pltpu.VMEM((b_per_w,), jnp.int32),
            pltpu.VMEM((12, D, 128), jnp.float32),
            pltpu.VMEM((D, b_per_w), jnp.float32),
        ] + [pltpu.SemaphoreType.DMA] * 12,
        compiler_params=pltpu.CompilerParams(needs_layout_passes=False),
    )
    def gather(tableT_hbm, idx_hbm, out_hbm, ids_v, bufs, cols_v, *sems):
        wid = lax.axis_index("s") * NC + lax.axis_index("c")
        base = wid * b_per_w
        pltpu.sync_copy(idx_hbm.at[pl.ds(base, b_per_w)], ids_v)
        uids = []
        for j in range(b_per_w // 16):
            vec = ids_v[pl.ds(j * 16, 16)]
            for i in range(16):
                uids.append(vec[i])
        NBUF = 12

        def issue(k):
            off = pl.multiple_of((uids[k] // 128) * 128, 128)
            return pltpu.async_copy(
                tableT_hbm.at[:, pl.ds(off, 128)], bufs.at[k % NBUF],
                sems[k % NBUF])

        rows16 = [lax.iota(jnp.int32, 16) + (16 * kk) for kk in range(D // 16)]
        AHEAD = NBUF // 2
        handles = [issue(k) for k in range(AHEAD)]
        handles += [None] * (b_per_w - AHEAD)
        for k in range(b_per_w):
            handles[k].wait()
            if k + AHEAD < b_per_w:
                handles[k + AHEAD] = issue(k + AHEAD)
            cvec = jnp.full((16,), uids[k] % 128, jnp.int32)
            kvec = jnp.full((16,), k, jnp.int32)
            for kk in range(D // 16):
                vals = plsc.load_gather(bufs.at[k % NBUF], [rows16[kk], cvec])
                plsc.store_scatter(cols_v, [rows16[kk], kvec], vals)
        pltpu.sync_copy(cols_v, out_hbm.at[wid])

    return gather



def _tc_prep_body(cid_ref, itemT_ref, cateT_ref, gv_ref, mt_ref):
    cid = cid_ref[...]
    itemT = itemT_ref[...]
    cateT = cateT_ref[...]
    gv = gv_ref[...]

    f32 = jnp.float32
    hi = lax.Precision.HIGHEST
    N = cid.shape[1]

    cgT = lax.dot_general(gv, cateT, (((1,), (0,)), ((), ())),
                          preferred_element_type=f32, precision=hi)
    onehotT = (lax.broadcasted_iota(jnp.int32, (NUM_CATES, N), 0) == cid
               ).astype(f32)
    logitsT = lax.dot_general(cgT, onehotT, (((1,), (0,)), ((), ())),
                              preferred_element_type=f32, precision=hi)
    e = jnp.exp(logitsT * (1.0 / TEMP))
    denom = e[0:1, :] + e[1:2, :]
    g0 = e[0:1, :] / denom
    g1 = e[1:2, :] / denom

    t = jnp.sum(itemT * itemT, axis=0, keepdims=True)
    mt_ref[...] = jnp.concatenate(
        [itemT * (2.0 * g0), itemT * (2.0 * g1), -g0, -g1, -t], axis=0)


def _tc_main_body(ut3_ref, mt_ref, out_ref):
    ut3 = ut3_ref[...]
    ut = jnp.concatenate([ut3[w] for w in range(ut3.shape[0])], axis=1)
    mt = mt_ref[...]

    f32 = jnp.float32
    hi = lax.Precision.HIGHEST
    s0 = jnp.sum(ut[:DIM, :] * ut[:DIM, :], axis=0, keepdims=True)
    s1 = jnp.sum(ut[DIM:, :] * ut[DIM:, :], axis=0, keepdims=True)
    ones = jnp.ones_like(s0)
    at = jnp.concatenate([ut, s0, s1, ones], axis=0)

    out_ref[...] = lax.dot_general(mt, at, (((0,), (0,)), ((), ())),
                                   preferred_element_type=f32, precision=hi)


def _tc_call(ut3, cid_row, itemT, cateT, gate_vectors):
    B = ut3.shape[0] * ut3.shape[2]
    N = itemT.shape[1]
    mt = pl.pallas_call(
        _tc_prep_body,
        out_shape=jax.ShapeDtypeStruct((2 * DIM + 3, N), jnp.float32),
    )(cid_row, itemT, cateT, gate_vectors)
    return pl.pallas_call(
        _tc_main_body,
        out_shape=jax.ShapeDtypeStruct((N, B), jnp.float32),
    )(ut3, mt)


@jax.jit
def kernel(user_ids, cate_ids, user_table, item_table, cate_table, gate_vectors):
    B = user_ids.shape[0]
    D = user_table.shape[1]
    tableT = user_table.T
    ut3 = _sc_gather_fn(B, D)(tableT, user_ids.astype(jnp.int32))
    cid_row = cate_ids.astype(jnp.int32).reshape(1, -1)
    outT = _tc_call(ut3, cid_row, item_table.T, cate_table.T, gate_vectors)
    return outT.T

# --- scband reference (transcript-rebuilt; emitter-appended) ---
"""Pipeline reference for scband-cml-76613626626200 (READ-ONLY COPY).

The authoritative reference and input builder live on the scoring server;
editing this copy changes nothing except your own understanding.
"""

import jax, jax.numpy as jnp
import numpy as np

NUM_USERS = 1000000
NUM_ITEMS = 1000
NUM_CATES = 100
K = 2
DIM = 32
TEMP = 0.1
B = 1024


def temp_softmax(logits, temperature):
    exp_logits = jnp.exp(logits / temperature)
    return exp_logits / exp_logits.sum(axis=-1, keepdims=True)


def setup_inputs(seed: int = 0) -> dict:
    key = jax.random.key(seed)
    k1, k2, k3, k4, k5, k6 = jax.random.split(key, 6)
    user_ids = jax.random.randint(k1, (B,), 0, NUM_USERS, dtype=jnp.int64 if jax.config.jax_enable_x64 else jnp.int32)
    cate_ids = jax.random.randint(k2, (NUM_ITEMS,), 0, NUM_CATES, dtype=jnp.int64 if jax.config.jax_enable_x64 else jnp.int32)
    user_table = jax.random.normal(k3, (NUM_USERS, K * DIM), dtype=jnp.float32) * 0.01
    item_table = jax.random.normal(k4, (NUM_ITEMS, DIM), dtype=jnp.float32) * (1.0 / DIM ** 0.5)
    cate_table = jax.random.normal(k5, (NUM_CATES, 10), dtype=jnp.float32) * 0.01
    gate_vectors = jax.random.normal(k6, (K, 10), dtype=jnp.float32)
    return {
        "user_ids": user_ids,
        "cate_ids": cate_ids,
        "user_table": user_table,
        "item_table": item_table,
        "cate_table": cate_table,
        "gate_vectors": gate_vectors,
    }


def reference(user_ids, cate_ids, user_table, item_table, cate_table, gate_vectors):
    # CML.predict: gather user embeddings, squared L2 distance to every item,
    # gated by category-driven softmax over the K per-user sub-embeddings.
    b = user_ids.shape[0]
    user_emb = jnp.take(user_table, user_ids, axis=0)            # [B, K*DIM]
    user_emb = user_emb.reshape(b, K, DIM)[:, :, None, :]         # [B, K, 1, DIM]
    item_emb = item_table.reshape(1, 1, NUM_ITEMS, DIM)           # [1, 1, N, DIM]
    scores = jnp.square(user_emb - item_emb).sum(-1)              # [B, K, N]
    # get_gate over all items
    cate_emb = jnp.take(cate_table, cate_ids, axis=0)             # [N, 10]
    gate_out = cate_emb @ gate_vectors.T                          # [N, K]
    gate1 = temp_softmax(gate_out, TEMP)                          # [N, K]
    gate = jnp.broadcast_to(gate1.T[None, :, :], (b, K, NUM_ITEMS))  # [B, K, N]
    scores = jnp.sum(gate * scores, axis=1)                       # [B, N]
    return -scores

if __name__ == "__main__":
    import jax
    _d = setup_inputs()
    print(jax.jit(kernel)(*tuple(_d.values())))

</pallas_src>

<mosaic_0001>
#map = affine_map<(d0, d1) -> (0, 0)>
#map1 = affine_map<(d0, d1) -> (0)>
#map2 = affine_map<(d0, d1) -> (0, 0, 0)>
module attributes {stable_mosaic.version = 14 : i64} {
  func.func @gather(%arg0: i32, %arg1: i32, %arg2: memref<64x1000000xf32, #tpu.memory_space<hbm>>, %arg3: memref<1024xi32, #tpu.memory_space<hbm>>, %arg4: memref<32x64x32xf32, #tpu.memory_space<hbm>>, %arg5: memref<32xi32, #tpu.memory_space<vmem>>, %arg6: memref<12x64x128xf32, #tpu.memory_space<vmem>>, %arg7: memref<64x32xf32, #tpu.memory_space<vmem>>, %arg8: memref<!tpu.dma_semaphore, #tpu.memory_space<semaphore_mem>>, %arg9: memref<!tpu.dma_semaphore, #tpu.memory_space<semaphore_mem>>, %arg10: memref<!tpu.dma_semaphore, #tpu.memory_space<semaphore_mem>>, %arg11: memref<!tpu.dma_semaphore, #tpu.memory_space<semaphore_mem>>, %arg12: memref<!tpu.dma_semaphore, #tpu.memory_space<semaphore_mem>>, %arg13: memref<!tpu.dma_semaphore, #tpu.memory_space<semaphore_mem>>, %arg14: memref<!tpu.dma_semaphore, #tpu.memory_space<semaphore_mem>>, %arg15: memref<!tpu.dma_semaphore, #tpu.memory_space<semaphore_mem>>, %arg16: memref<!tpu.dma_semaphore, #tpu.memory_space<semaphore_mem>>, %arg17: memref<!tpu.dma_semaphore, #tpu.memory_space<semaphore_mem>>, %arg18: memref<!tpu.dma_semaphore, #tpu.memory_space<semaphore_mem>>, %arg19: memref<!tpu.dma_semaphore, #tpu.memory_space<semaphore_mem>>) attributes {dimension_semantics = [#tpu.dimension_semantics<core_parallel>, #tpu.dimension_semantics<subcore_parallel>], iteration_bounds = array<i64: 2, 16>, scalar_prefetch = 0 : i64, scratch_operands = 15 : i64, tpu.core_type = #tpu.core_type<sc_vector_subcore>, window_params = [{transform_indices = #map}, {transform_indices = #map1}, {transform_indices = #map2}]} {
    %mul3A = arith.constant 2 : i32
    %mul3A_0 = arith.muli %arg1, %mul3A : i32
    %add3A = arith.addi %mul3A_0, %arg0 : i32
    %mul3A_1 = arith.constant 32 : i32
    %mul3A_2 = arith.muli %add3A, %mul3A_1 : i32
    "tpu.region"() ({
      %run_scoped3A = tpu.sem_alloc : memref<!tpu.dma_semaphore, #tpu.memory_space<semaphore_mem>>
      %dma_start3A_3140 = tpu.memref_slice %arg3[%mul3A_2] : memref<1024xi32, #tpu.memory_space<hbm>> -> memref<32xi32, #tpu.memory_space<hbm>>
      %dma_start3A_3141 = tpu.memref_slice %arg3[%mul3A_2] : memref<1024xi32, #tpu.memory_space<hbm>> -> memref<32xi32, #tpu.memory_space<hbm>>
      tpu.enqueue_dma source(%dma_start3A_3141 : memref<32xi32, #tpu.memory_space<hbm>>) target(%arg5 : memref<32xi32, #tpu.memory_space<vmem>>) target_semaphore(%run_scoped3A : memref<!tpu.dma_semaphore, #tpu.memory_space<semaphore_mem>>)
      %dma_wait3A_3142 = tpu.memref_slice %arg3[%mul3A_2] : memref<1024xi32, #tpu.memory_space<hbm>> -> memref<32xi32, #tpu.memory_space<hbm>>
      %dma_wait3A_3143 = tpu.memref_slice %arg3[%mul3A_2] : memref<1024xi32, #tpu.memory_space<hbm>> -> memref<32xi32, #tpu.memory_space<hbm>>
      tpu.wait_dma2 semaphore(%run_scoped3A : memref<!tpu.dma_semaphore, #tpu.memory_space<semaphore_mem>>) src(%dma_wait3A_3143 : memref<32xi32, #tpu.memory_space<hbm>>) dst(%arg5 : memref<32xi32, #tpu.memory_space<vmem>>)
      tpu.yield
    }) : () -> ()
    %get3A = arith.constant 0 : index
    %get3A_3 = tpu.vector_load %arg5[%get3A] {strides = array<i32>} : memref<32xi32, #tpu.memory_space<vmem>>, vector<16xi32>,
    %slice3A = vector.extract_strided_slice %get3A_3 {offsets = [0], sizes = [1], strides = [1]} : vector<16xi32> to vector<1xi32>
    %squeeze3A = vector.extract %slice3A[0] : i32 from vector<1xi32>
    %slice3A_4 = vector.extract_strided_slice %get3A_3 {offsets = [1], sizes = [1], strides = [1]} : vector<16xi32> to vector<1xi32>
    %squeeze3A_5 = vector.extract %slice3A_4[0] : i32 from vector<1xi32>
    %slice3A_6 = vector.extract_strided_slice %get3A_3 {offsets = [2], sizes = [1], strides = [1]} : vector<16xi32> to vector<1xi32>
    %squeeze3A_7 = vector.extract %slice3A_6[0] : i32 from vector<1xi32>
    %slice3A_8 = vector.extract_strided_slice %get3A_3 {offsets = [3], sizes = [1], strides = [1]} : vector<16xi32> to vector<1xi32>
    %squeeze3A_9 = vector.extract %slice3A_8[0] : i32 from vector<1xi32>
    %slice3A_10 = vector.extract_strided_slice %get3A_3 {offsets = [4], sizes = [1], strides = [1]} : vector<16xi32> to vector<1xi32>
    %squeeze3A_11 = vector.extract %slice3A_10[0] : i32 from vector<1xi32>
    %slice3A_12 = vector.extract_strided_slice %get3A_3 {offsets = [5], sizes = [1], strides = [1]} : vector<16xi32> to vector<1xi32>
    %squeeze3A_13 = vector.extract %slice3A_12[0] : i32 from vector<1xi32>
    %slice3A_14 = vector.extract_strided_slice %get3A_3 {offsets = [6], sizes = [1], strides = [1]} : vector<16xi32> to vector<1xi32>
    %squeeze3A_15 = vector.extract %slice3A_14[0] : i32 from vector<1xi32>
    %slice3A_16 = vector.extract_strided_slice %get3A_3 {offsets = [7], sizes = [1], strides = [1]} : vector<16xi32> to vector<1xi32>
    %squeeze3A_17 = vector.extract %slice3A_16[0] : i32 from vector<1xi32>
    %slice3A_18 = vector.extract_strided_slice %get3A_3 {offsets = [8], sizes = [1], strides = [1]} : vector<16xi32> to vector<1xi32>
    %squeeze3A_19 = vector.extract %slice3A_18[0] : i32 from vector<1xi32>
    %slice3A_20 = vector.extract_strided_slice %get3A_3 {offsets = [9], sizes = [1], strides = [1]} : vector<16xi32> to vector<1xi32>
    %squeeze3A_21 = vector.extract %slice3A_20[0] : i32 from vector<1xi32>
    %slice3A_22 = vector.extract_strided_slice %get3A_3 {offsets = [10], sizes = [1], strides = [1]} : vector<16xi32> to vector<1xi32>
    %squeeze3A_23 = vector.extract %slice3A_22[0] : i32 from vector<1xi32>
    %slice3A_24 = vector.extract_strided_slice %get3A_3 {offsets = [11], sizes = [1], strides = [1]} : vector<16xi32> to vector<1xi32>
    %squeeze3A_25 = vector.extract %slice3A_24[0] : i32 from vector<1xi32>
    %slice3A_26 = vector.extract_strided_slice %get3A_3 {offsets = [12], sizes = [1], strides = [1]} : vector<16xi32> to vector<1xi32>
    %squeeze3A_27 = vector.extract %slice3A_26[0] : i32 from vector<1xi32>
    %slice3A_28 = vector.extract_strided_slice %get3A_3 {offsets = [13], sizes = [1], strides = [1]} : vector<16xi32> to vector<1xi32>
    %squeeze3A_29 = vector.extract %slice3A_28[0] : i32 from vector<1xi32>
    %slice3A_30 = vector.extract_strided_slice %get3A_3 {offsets = [14], sizes = [1], strides = [1]} : vector<16xi32> to vector<1xi32>
    %squeeze3A_31 = vector.extract %slice3A_30[0] : i32 from vector<1xi32>
    %slice3A_32 = vector.extract_strided_slice %get3A_3 {offsets = [15], sizes = [1], strides = [1]} : vector<16xi32> to vector<1xi32>
    %squeeze3A_33 = vector.extract %slice3A_32[0] : i32 from vector<1xi32>
    %get3A_34 = arith.constant 16 : index
    %get3A_35 = tpu.vector_load %arg5[%get3A_34] {strides = array<i32>} : memref<32xi32, #tpu.memory_space<vmem>>, vector<16xi32>,
    %slice3A_36 = vector.extract_strided_slice %get3A_35 {offsets = [0], sizes = [1], strides = [1]} : vector<16xi32> to vector<1xi32>
    %squeeze3A_37 = vector.extract %slice3A_36[0] : i32 from vector<1xi32>
    %slice3A_38 = vector.extract_strided_slice %get3A_35 {offsets = [1], sizes = [1], strides = [1]} : vector<16xi32> to vector<1xi32>
    %squeeze3A_39 = vector.extract %slice3A_38[0] : i32 from vector<1xi32>
    %slice3A_40 = vector.extract_strided_slice %get3A_35 {offsets = [2], sizes = [1], strides = [1]} : vector<16xi32> to vector<1xi32>
    %squeeze3A_41 = vector.extract %slice3A_40[0] : i32 from vector<1xi32>
    %slice3A_42 = vector.extract_strided_slice %get3A_35 {offsets = [3], sizes = [1], strides = [1]} : vector<16xi32> to vector<1xi32>
    %squeeze3A_43 = vector.extract %slice3A_42[0] : i32 from vector<1xi32>
    %slice3A_44 = vector.extract_strided_slice %get3A_35 {offsets = [4], sizes = [1], strides = [1]} : vector<16xi32> to vector<1xi32>
    %squeeze3A_45 = vector.extract %slice3A_44[0] : i32 from vector<1xi32>
    %slice3A_46 = vector.extract_strided_slice %get3A_35 {offsets = [5], sizes = [1], strides = [1]} : vector<16xi32> to vector<1xi32>
    %squeeze3A_47 = vector.extract %slice3A_46[0] : i32 from vector<1xi32>
    %slice3A_48 = vector.extract_strided_slice %get3A_35 {offsets = [6], sizes = [1], strides = [1]} : vector<16xi32> to vector<1xi32>
    %squeeze3A_49 = vector.extract %slice3A_48[0] : i32 from vector<1xi32>
    %slice3A_50 = vector.extract_strided_slice %get3A_35 {offsets = [7], sizes = [1], strides = [1]} : vector<16xi32> to vector<1xi32>
    %squeeze3A_51 = vector.extract %slice3A_50[0] : i32 from vector<1xi32>
    %slice3A_52 = vector.extract_strided_slice %get3A_35 {offsets = [8], sizes = [1], strides = [1]} : vector<16xi32> to vector<1xi32>
    %squeeze3A_53 = vector.extract %slice3A_52[0] : i32 from vector<1xi32>
    %slice3A_54 = vector.extract_strided_slice %get3A_35 {offsets = [9], sizes = [1], strides = [1]} : vector<16xi32> to vector<1xi32>
    %squeeze3A_55 = vector.extract %slice3A_54[0] : i32 from vector<1xi32>
    %slice3A_56 = vector.extract_strided_slice %get3A_35 {offsets = [10], sizes = [1], strides = [1]} : vector<16xi32> to vector<1xi32>
    %squeeze3A_57 = vector.extract %slice3A_56[0] : i32 from vector<1xi32>
    %slice3A_58 = vector.extract_strided_slice %get3A_35 {offsets = [11], sizes = [1], strides = [1]} : vector<16xi32> to vector<1xi32>
    %squeeze3A_59 = vector.extract %slice3A_58[0] : i32 from vector<1xi32>
    %slice3A_60 = vector.extract_strided_slice %get3A_35 {offsets = [12], sizes = [1], strides = [1]} : vector<16xi32> to vector<1xi32>
    %squeeze3A_61 = vector.extract %slice3A_60[0] : i32 from vector<1xi32>
    %slice3A_62 = vector.extract_strided_slice %get3A_35 {offsets = [13], sizes = [1], strides = [1]} : vector<16xi32> to vector<1xi32>
    %squeeze3A_63 = vector.extract %slice3A_62[0] : i32 from vector<1xi32>
    %slice3A_64 = vector.extract_strided_slice %get3A_35 {offsets = [14], sizes = [1], strides = [1]} : vector<16xi32> to vector<1xi32>
    %squeeze3A_65 = vector.extract %slice3A_64[0] : i32 from vector<1xi32>
    %slice3A_66 = vector.extract_strided_slice %get3A_35 {offsets = [15], sizes = [1], strides = [1]} : vector<16xi32> to vector<1xi32>
    %squeeze3A_67 = vector.extract %slice3A_66[0] : i32 from vector<1xi32>
    %iota3A = tpu.iota {dimensions = array<i32: 0>} : vector<16xi32>
    %add3A_68 = arith.constant 0 : i32
    %add3A_69 = vector.broadcast %add3A_68 : i32 to vector<16xi32>
    %add3A_70 = arith.addi %iota3A, %add3A_69 : vector<16xi32>
    %iota3A_71 = tpu.iota {dimensions = array<i32: 0>} : vector<16xi32>
    %add3A_72 = arith.constant 16 : i32
    %add3A_73 = vector.broadcast %add3A_72 : i32 to vector<16xi32>
    %add3A_74 = arith.addi %iota3A_71, %add3A_73 : vector<16xi32>
    %iota3A_75 = tpu.iota {dimensions = array<i32: 0>} : vector<16xi32>
    %add3A_76 = arith.constant 32 : i32
    %add3A_77 = vector.broadcast %add3A_76 : i32 to vector<16xi32>
    %add3A_78 = arith.addi %iota3A_75, %add3A_77 : vector<16xi32>
    %iota3A_79 = tpu.iota {dimensions = array<i32: 0>} : vector<16xi32>
    %add3A_80 = arith.constant 48 : i32
    %add3A_81 = vector.broadcast %add3A_80 : i32 to vector<16xi32>
    %add3A_82 = arith.addi %iota3A_79, %add3A_81 : vector<16xi32>
    %jit3A = arith.constant 128 : i32
    %div3A = arith.divsi %squeeze3A, %jit3A : i32
    %sign3A = arith.constant 0 : i32
    %sign3A_83 = arith.cmpi sgt, %squeeze3A, %sign3A : i32
    %sign3A_84 = arith.extui %sign3A_83 : i1 to i32
    %sign3A_85 = arith.constant 0 : i32
    %sign3A_86 = arith.cmpi slt, %squeeze3A, %sign3A_85 : i32
    %sign3A_87 = arith.extui %sign3A_86 : i1 to i32
    %sign3A_88 = arith.subi %sign3A_84, %sign3A_87 : i32
    %sign3A_89 = arith.constant 0 : i32
    %sign3A_90 = arith.cmpi sgt, %jit3A, %sign3A_89 : i32
    %sign3A_91 = arith.extui %sign3A_90 : i1 to i32
    %sign3A_92 = arith.constant 0 : i32
    %sign3A_93 = arith.cmpi slt, %jit3A, %sign3A_92 : i32
    %sign3A_94 = arith.extui %sign3A_93 : i1 to i32
    %sign3A_95 = arith.subi %sign3A_91, %sign3A_94 : i32
    %ne3A = arith.cmpi ne, %sign3A_88, %sign3A_95 : i32
    %rem3A = arith.remsi %squeeze3A, %jit3A : i32
    %ne3A_96 = arith.constant 0 : i32
    %ne3A_97 = arith.cmpi ne, %rem3A, %ne3A_96 : i32
    %and3A = arith.andi %ne3A, %ne3A_97 : i1
    %sub3A = arith.constant 1 : i32
    %sub3A_98 = arith.subi %div3A, %sub3A : i32
    %select_n3A = arith.select %and3A, %sub3A_98, %div3A : i32
    %mul3A_99 = arith.constant 128 : i32
    %mul3A_100 = arith.muli %select_n3A, %mul3A_99 : i32
    %multiple_of3A = tpu.assume_multiple %mul3A_100, 128 : i32
    %dma_start3A = arith.constant 0 : i32
    %dma_start3A_101 = arith.constant 0 : i32
    %dma_start3A_102 = arith.constant 0 : i32
    %dma_start3A_103 = tpu.memref_slice %arg6[%dma_start3A, %dma_start3A_101, %dma_start3A_102] : memref<12x64x128xf32, #tpu.memory_space<vmem>> -> memref<1x64x128xf32, #tpu.memory_space<vmem>>
    %dma_start3A_104 = tpu.memref_squeeze %dma_start3A_103 : memref<1x64x128xf32, #tpu.memory_space<vmem>> -> memref<64x128xf32, #tpu.memory_space<vmem>>
    %dma_start3A_105 = arith.constant 0 : i32
    %dma_start3A_106 = tpu.memref_slice %arg2[%dma_start3A_105, %multiple_of3A] : memref<64x1000000xf32, #tpu.memory_space<hbm>> -> memref<64x128xf32, #tpu.memory_space<hbm>>
    %dma_start3A_107 = arith.constant 0 : i32
    %dma_start3A_108 = arith.constant 0 : i32
    %dma_start3A_109 = tpu.memref_slice %arg6[%dma_start3A, %dma_start3A_107, %dma_start3A_108] : memref<12x64x128xf32, #tpu.memory_space<vmem>> -> memref<1x64x128xf32, #tpu.memory_space<vmem>>
    %dma_start3A_110 = tpu.memref_squeeze %dma_start3A_109 : memref<1x64x128xf32, #tpu.memory_space<vmem>> -> memref<64x128xf32, #tpu.memory_space<vmem>>
    %dma_start3A_111 = arith.constant 0 : i32
    %dma_start3A_112 = tpu.memref_slice %arg2[%dma_start3A_111, %multiple_of3A] : memref<64x1000000xf32, #tpu.memory_space<hbm>> -> memref<64x128xf32, #tpu.memory_space<hbm>>
    tpu.enqueue_dma source(%dma_start3A_112 : memref<64x128xf32, #tpu.memory_space<hbm>>) target(%dma_start3A_110 : memref<64x128xf32, #tpu.memory_space<vmem>>) target_semaphore(%arg8 : memref<!tpu.dma_semaphore, #tpu.memory_space<semaphore_mem>>)
    %jit3A_113 = arith.constant 128 : i32
    %div3A_114 = arith.divsi %squeeze3A_5, %jit3A_113 : i32
    %sign3A_115 = arith.constant 0 : i32
    %sign3A_116 = arith.cmpi sgt, %squeeze3A_5, %sign3A_115 : i32
    %sign3A_117 = arith.extui %sign3A_116 : i1 to i32
    %sign3A_118 = arith.constant 0 : i32
    %sign3A_119 = arith.cmpi slt, %squeeze3A_5, %sign3A_118 : i32
    %sign3A_120 = arith.extui %sign3A_119 : i1 to i32
    %sign3A_121 = arith.subi %sign3A_117, %sign3A_120 : i32
    %sign3A_122 = arith.constant 0 : i32
    %sign3A_123 = arith.cmpi sgt, %jit3A_113, %sign3A_122 : i32
    %sign3A_124 = arith.extui %sign3A_123 : i1 to i32
    %sign3A_125 = arith.constant 0 : i32
    %sign3A_126 = arith.cmpi slt, %jit3A_113, %sign3A_125 : i32
    %sign3A_127 = arith.extui %sign3A_126 : i1 to i32
    %sign3A_128 = arith.subi %sign3A_124, %sign3A_127 : i32
    %ne3A_129 = arith.cmpi ne, %sign3A_121, %sign3A_128 : i32
    %rem3A_130 = arith.remsi %squeeze3A_5, %jit3A_113 : i32
    %ne3A_131 = arith.constant 0 : i32
    %ne3A_132 = arith.cmpi ne, %rem3A_130, %ne3A_131 : i32
    %and3A_133 = arith.andi %ne3A_129, %ne3A_132 : i1
    %sub3A_134 = arith.constant 1 : i32
    %sub3A_135 = arith.subi %div3A_114, %sub3A_134 : i32
    %select_n3A_136 = arith.select %and3A_133, %sub3A_135, %div3A_114 : i32
    %mul3A_137 = arith.constant 128 : i32
    %mul3A_138 = arith.muli %select_n3A_136, %mul3A_137 : i32
    %multiple_of3A_139 = tpu.assume_multiple %mul3A_138, 128 : i32
    %dma_start3A_140 = arith.constant 1 : i32
    %dma_start3A_141 = arith.constant 0 : i32
    %dma_start3A_142 = arith.constant 0 : i32
    %dma_start3A_143 = tpu.memref_slice %arg6[%dma_start3A_140, %dma_start3A_141, %dma_start3A_142] : memref<12x64x128xf32, #tpu.memory_space<vmem>> -> memref<1x64x128xf32, #tpu.memory_space<vmem>>
    %dma_start3A_144 = tpu.memref_squeeze %dma_start3A_143 : memref<1x64x128xf32, #tpu.memory_space<vmem>> -> memref<64x128xf32, #tpu.memory_space<vmem>>
    %dma_start3A_145 = arith.constant 0 : i32
    %dma_start3A_146 = tpu.memref_slice %arg2[%dma_start3A_145, %multiple_of3A_139] : memref<64x1000000xf32, #tpu.memory_space<hbm>> -> memref<64x128xf32, #tpu.memory_space<hbm>>
    %dma_start3A_147 = arith.constant 0 : i32
    %dma_start3A_148 = arith.constant 0 : i32
    %dma_start3A_149 = tpu.memref_slice %arg6[%dma_start3A_140, %dma_start3A_147, %dma_start3A_148] : memref<12x64x128xf32, #tpu.memory_space<vmem>> -> memref<1x64x128xf32, #tpu.memory_space<vmem>>
    %dma_start3A_150 = tpu.memref_squeeze %dma_start3A_149 : memref<1x64x128xf32, #tpu.memory_space<vmem>> -> memref<64x128xf32, #tpu.memory_space<vmem>>
    %dma_start3A_151 = arith.constant 0 : i32
    %dma_start3A_152 = tpu.memref_slice %arg2[%dma_start3A_151, %multiple_of3A_139] : memref<64x1000000xf32, #tpu.memory_space<hbm>> -> memref<64x128xf32, #tpu.memory_space<hbm>>
    tpu.enqueue_dma source(%dma_start3A_152 : memref<64x128xf32, #tpu.memory_space<hbm>>) target(%dma_start3A_150 : memref<64x128xf32, #tpu.memory_space<vmem>>) target_semaphore(%arg9 : memref<!tpu.dma_semaphore, #tpu.memory_space<semaphore_mem>>)
    %jit3A_153 = arith.constant 128 : i32
    %div3A_154 = arith.divsi %squeeze3A_7, %jit3A_153 : i32
    %sign3A_155 = arith.constant 0 : i32
    %sign3A_156 = arith.cmpi sgt, %squeeze3A_7, %sign3A_155 : i32
    %sign3A_157 = arith.extui %sign3A_156 : i1 to i32
    %sign3A_158 = arith.constant 0 : i32
    %sign3A_159 = arith.cmpi slt, %squeeze3A_7, %sign3A_158 : i32
    %sign3A_160 = arith.extui %sign3A_159 : i1 to i32
    %sign3A_161 = arith.subi %sign3A_157, %sign3A_160 : i32
    %sign3A_162 = arith.constant 0 : i32
    %sign3A_163 = arith.cmpi sgt, %jit3A_153, %sign3A_162 : i32
    %sign3A_164 = arith.extui %sign3A_163 : i1 to i32
    %sign3A_165 = arith.constant 0 : i32
    %sign3A_166 = arith.cmpi slt, %jit3A_153, %sign3A_165 : i32
    %sign3A_167 = arith.extui %sign3A_166 : i1 to i32
    %sign3A_168 = arith.subi %sign3A_164, %sign3A_167 : i32
    %ne3A_169 = arith.cmpi ne, %sign3A_161, %sign3A_168 : i32
    %rem3A_170 = arith.remsi %squeeze3A_7, %jit3A_153 : i32
    %ne3A_171 = arith.constant 0 : i32
    %ne3A_172 = arith.cmpi ne, %rem3A_170, %ne3A_171 : i32
    %and3A_173 = arith.andi %ne3A_169, %ne3A_172 : i1
    %sub3A_174 = arith.constant 1 : i32
    %sub3A_175 = arith.subi %div3A_154, %sub3A_174 : i32
    %select_n3A_176 = arith.select %and3A_173, %sub3A_175, %div3A_154 : i32
    %mul3A_177 = arith.constant 128 : i32
    %mul3A_178 = arith.muli %select_n3A_176, %mul3A_177 : i32
    %multiple_of3A_179 = tpu.assume_multiple %mul3A_178, 128 : i32
    %dma_start3A_180 = arith.constant 2 : i32
    %dma_start3A_181 = arith.constant 0 : i32
    %dma_start3A_182 = arith.constant 0 : i32
    %dma_start3A_183 = tpu.memref_slice %arg6[%dma_start3A_180, %dma_start3A_181, %dma_start3A_182] : memref<12x64x128xf32, #tpu.memory_space<vmem>> -> memref<1x64x128xf32, #tpu.memory_space<vmem>>
    %dma_start3A_184 = tpu.memref_squeeze %dma_start3A_183 : memref<1x64x128xf32, #tpu.memory_space<vmem>> -> memref<64x128xf32, #tpu.memory_space<vmem>>
    %dma_start3A_185 = arith.constant 0 : i32
    %dma_start3A_186 = tpu.memref_slice %arg2[%dma_start3A_185, %multiple_of3A_179] : memref<64x1000000xf32, #tpu.memory_space<hbm>> -> memref<64x128xf32, #tpu.memory_space<hbm>>
    %dma_start3A_187 = arith.constant 0 : i32
    %dma_start3A_188 = arith.constant 0 : i32
    %dma_start3A_189 = tpu.memref_slice %arg6[%dma_start3A_180, %dma_start3A_187, %dma_start3A_188] : memref<12x64x128xf32, #tpu.memory_space<vmem>> -> memref<1x64x128xf32, #tpu.memory_space<vmem>>
    %dma_start3A_190 = tpu.memref_squeeze %dma_start3A_189 : memref<1x64x128xf32, #tpu.memory_space<vmem>> -> memref<64x128xf32, #tpu.memory_space<vmem>>
    %dma_start3A_191 = arith.constant 0 : i32
    %dma_start3A_192 = tpu.memref_slice %arg2[%dma_start3A_191, %multiple_of3A_179] : memref<64x1000000xf32, #tpu.memory_space<hbm>> -> memref<64x128xf32, #tpu.memory_space<hbm>>
    tpu.enqueue_dma source(%dma_start3A_192 : memref<64x128xf32, #tpu.memory_space<hbm>>) target(%dma_start3A_190 : memref<64x128xf32, #tpu.memory_space<vmem>>) target_semaphore(%arg10 : memref<!tpu.dma_semaphore, #tpu.memory_space<semaphore_mem>>)
    %jit3A_193 = arith.constant 128 : i32
    %div3A_194 = arith.divsi %squeeze3A_9, %jit3A_193 : i32
    %sign3A_195 = arith.constant 0 : i32
    %sign3A_196 = arith.cmpi sgt, %squeeze3A_9, %sign3A_195 : i32
    %sign3A_197 = arith.extui %sign3A_196 : i1 to i32
    %sign3A_198 = arith.constant 0 : i32
    %sign3A_199 = arith.cmpi slt, %squeeze3A_9, %sign3A_198 : i32
    %sign3A_200 = arith.extui %sign3A_199 : i1 to i32
    %sign3A_201 = arith.subi %sign3A_197, %sign3A_200 : i32
    %sign3A_202 = arith.constant 0 : i32
    %sign3A_203 = arith.cmpi sgt, %jit3A_193, %sign3A_202 : i32
    %sign3A_204 = arith.extui %sign3A_203 : i1 to i32
    %sign3A_205 = arith.constant 0 : i32
    %sign3A_206 = arith.cmpi slt, %jit3A_193, %sign3A_205 : i32
    %sign3A_207 = arith.extui %sign3A_206 : i1 to i32
    %sign3A_208 = arith.subi %sign3A_204, %sign3A_207 : i32
    %ne3A_209 = arith.cmpi ne, %sign3A_201, %sign3A_208 : i32
    %rem3A_210 = arith.remsi %squeeze3A_9, %jit3A_193 : i32
    %ne3A_211 = arith.constant 0 : i32
    %ne3A_212 = arith.cmpi ne, %rem3A_210, %ne3A_211 : i32
    %and3A_213 = arith.andi %ne3A_209, %ne3A_212 : i1
    %sub3A_214 = arith.constant 1 : i32
    %sub3A_215 = arith.subi %div3A_194, %sub3A_214 : i32
    %select_n3A_216 = arith.select %and3A_213, %sub3A_215, %div3A_194 : i32
    %mul3A_217 = arith.constant 128 : i32
    %mul3A_218 = arith.muli %select_n3A_216, %mul3A_217 : i32
    %multiple_of3A_219 = tpu.assume_multiple %mul3A_218, 128 : i32
    %dma_start3A_220 = arith.constant 3 : i32
    %dma_start3A_221 = arith.constant 0 : i32
    %dma_start3A_222 = arith.constant 0 : i32
    %dma_start3A_223 = tpu.memref_slice %arg6[%dma_start3A_220, %dma_start3A_221, %dma_start3A_222] : memref<12x64x128xf32, #tpu.memory_space<vmem>> -> memref<1x64x128xf32, #tpu.memory_space<vmem>>
    %dma_start3A_224 = tpu.memref_squeeze %dma_start3A_223 : memref<1x64x128xf32, #tpu.memory_space<vmem>> -> memref<64x128xf32, #tpu.memory_space<vmem>>
    %dma_start3A_225 = arith.constant 0 : i32
    %dma_start3A_226 = tpu.memref_slice %arg2[%dma_start3A_225, %multiple_of3A_219] : memref<64x1000000xf32, #tpu.memory_space<hbm>> -> memref<64x128xf32, #tpu.memory_space<hbm>>
    %dma_start3A_227 = arith.constant 0 : i32
    %dma_start3A_228 = arith.constant 0 : i32
    %dma_start3A_229 = tpu.memref_slice %arg6[%dma_start3A_220, %dma_start3A_227, %dma_start3A_228] : memref<12x64x128xf32, #tpu.memory_space<vmem>> -> memref<1x64x128xf32, #tpu.memory_space<vmem>>
    %dma_start3A_230 = tpu.memref_squeeze %dma_start3A_229 : memref<1x64x128xf32, #tpu.memory_space<vmem>> -> memref<64x128xf32, #tpu.memory_space<vmem>>
    %dma_start3A_231 = arith.constant 0 : i32
    %dma_start3A_232 = tpu.memref_slice %arg2[%dma_start3A_231, %multiple_of3A_219] : memref<64x1000000xf32, #tpu.memory_space<hbm>> -> memref<64x128xf32, #tpu.memory_space<hbm>>
    tpu.enqueue_dma source(%dma_start3A_232 : memref<64x128xf32, #tpu.memory_space<hbm>>) target(%dma_start3A_230 : memref<64x128xf32, #tpu.memory_space<vmem>>) target_semaphore(%arg11 : memref<!tpu.dma_semaphore, #tpu.memory_space<semaphore_mem>>)
    %jit3A_233 = arith.constant 128 : i32
    %div3A_234 = arith.divsi %squeeze3A_11, %jit3A_233 : i32
    %sign3A_235 = arith.constant 0 : i32
    %sign3A_236 = arith.cmpi sgt, %squeeze3A_11, %sign3A_235 : i32
    %sign3A_237 = arith.extui %sign3A_236 : i1 to i32
    %sign3A_238 = arith.constant 0 : i32
    %sign3A_239 = arith.cmpi slt, %squeeze3A_11, %sign3A_238 : i32
    %sign3A_240 = arith.extui %sign3A_239 : i1 to i32
    %sign3A_241 = arith.subi %sign3A_237, %sign3A_240 : i32
    %sign3A_242 = arith.constant 0 : i32
    %sign3A_243 = arith.cmpi sgt, %jit3A_233, %sign3A_242 : i32
    %sign3A_244 = arith.extui %sign3A_243 : i1 to i32
    %sign3A_245 = arith.constant 0 : i32
    %sign3A_246 = arith.cmpi slt, %jit3A_233, %sign3A_245 : i32
    %sign3A_247 = arith.extui %sign3A_246 : i1 to i32
    %sign3A_248 = arith.subi %sign3A_244, %sign3A_247 : i32
    %ne3A_249 = arith.cmpi ne, %sign3A_241, %sign3A_248 : i32
    %rem3A_250 = arith.remsi %squeeze3A_11, %jit3A_233 : i32
    %ne3A_251 = arith.constant 0 : i32
    %ne3A_252 = arith.cmpi ne, %rem3A_250, %ne3A_251 : i32
    %and3A_253 = arith.andi %ne3A_249, %ne3A_252 : i1
    %sub3A_254 = arith.constant 1 : i32
    %sub3A_255 = arith.subi %div3A_234, %sub3A_254 : i32
    %select_n3A_256 = arith.select %and3A_253, %sub3A_255, %div3A_234 : i32
    %mul3A_257 = arith.constant 128 : i32
    %mul3A_258 = arith.muli %select_n3A_256, %mul3A_257 : i32
    %multiple_of3A_259 = tpu.assume_multiple %mul3A_258, 128 : i32
    %dma_start3A_260 = arith.constant 4 : i32
    %dma_start3A_261 = arith.constant 0 : i32
    %dma_start3A_262 = arith.constant 0 : i32
    %dma_start3A_263 = tpu.memref_slice %arg6[%dma_start3A_260, %dma_start3A_261, %dma_start3A_262] : memref<12x64x128xf32, #tpu.memory_space<vmem>> -> memref<1x64x128xf32, #tpu.memory_space<vmem>>
    %dma_start3A_264 = tpu.memref_squeeze %dma_start3A_263 : memref<1x64x128xf32, #tpu.memory_space<vmem>> -> memref<64x128xf32, #tpu.memory_space<vmem>>
    %dma_start3A_265 = arith.constant 0 : i32
    %dma_start3A_266 = tpu.memref_slice %arg2[%dma_start3A_265, %multiple_of3A_259] : memref<64x1000000xf32, #tpu.memory_space<hbm>> -> memref<64x128xf32, #tpu.memory_space<hbm>>
    %dma_start3A_267 = arith.constant 0 : i32
    %dma_start3A_268 = arith.constant 0 : i32
    %dma_start3A_269 = tpu.memref_slice %arg6[%dma_start3A_260, %dma_start3A_267, %dma_start3A_268] : memref<12x64x128xf32, #tpu.memory_space<vmem>> -> memref<1x64x128xf32, #tpu.memory_space<vmem>>
    %dma_start3A_270 = tpu.memref_squeeze %dma_start3A_269 : memref<1x64x128xf32, #tpu.memory_space<vmem>> -> memref<64x128xf32, #tpu.memory_space<vmem>>
    %dma_start3A_271 = arith.constant 0 : i32
    %dma_start3A_272 = tpu.memref_slice %arg2[%dma_start3A_271, %multiple_of3A_259] : memref<64x1000000xf32, #tpu.memory_space<hbm>> -> memref<64x128xf32, #tpu.memory_space<hbm>>
    tpu.enqueue_dma source(%dma_start3A_272 : memref<64x128xf32, #tpu.memory_space<hbm>>) target(%dma_start3A_270 : memref<64x128xf32, #tpu.memory_space<vmem>>) target_semaphore(%arg12 : memref<!tpu.dma_semaphore, #tpu.memory_space<semaphore_mem>>)
    %jit3A_273 = arith.constant 128 : i32
    %div3A_274 = arith.divsi %squeeze3A_13, %jit3A_273 : i32
    %sign3A_275 = arith.constant 0 : i32
    %sign3A_276 = arith.cmpi sgt, %squeeze3A_13, %sign3A_275 : i32
    %sign3A_277 = arith.extui %sign3A_276 : i1 to i32
    %sign3A_278 = arith.constant 0 : i32
    %sign3A_279 = arith.cmpi slt, %squeeze3A_13, %sign3A_278 : i32
    %sign3A_280 = arith.extui %sign3A_279 : i1 to i32
    %sign3A_281 = arith.subi %sign3A_277, %sign3A_280 : i32
    %sign3A_282 = arith.constant 0 : i32
    %sign3A_283 = arith.cmpi sgt, %jit3A_273, %sign3A_282 : i32
    %sign3A_284 = arith.extui %sign3A_283 : i1 to i32
    %sign3A_285 = arith.constant 0 : i32
    %sign3A_286 = arith.cmpi slt, %jit3A_273, %sign3A_285 : i32
    %sign3A_287 = arith.extui %sign3A_286 : i1 to i32
    %sign3A_288 = arith.subi %sign3A_284, %sign3A_287 : i32
    %ne3A_289 = arith.cmpi ne, %sign3A_281, %sign3A_288 : i32
    %rem3A_290 = arith.remsi %squeeze3A_13, %jit3A_273 : i32
    %ne3A_291 = arith.constant 0 : i32
    %ne3A_292 = arith.cmpi ne, %rem3A_290, %ne3A_291 : i32
    %and3A_293 = arith.andi %ne3A_289, %ne3A_292 : i1
    %sub3A_294 = arith.constant 1 : i32
    %sub3A_295 = arith.subi %div3A_274, %sub3A_294 : i32
    %select_n3A_296 = arith.select %and3A_293, %sub3A_295, %div3A_274 : i32
    %mul3A_297 = arith.constant 128 : i32
    %mul3A_298 = arith.muli %select_n3A_296, %mul3A_297 : i32
    %multiple_of3A_299 = tpu.assume_multiple %mul3A_298, 128 : i32
    %dma_start3A_300 = arith.constant 5 : i32
    %dma_start3A_301 = arith.constant 0 : i32
    %dma_start3A_302 = arith.constant 0 : i32
    %dma_start3A_303 = tpu.memref_slice %arg6[%dma_start3A_300, %dma_start3A_301, %dma_start3A_302] : memref<12x64x128xf32, #tpu.memory_space<vmem>> -> memref<1x64x128xf32, #tpu.memory_space<vmem>>
    %dma_start3A_304 = tpu.memref_squeeze %dma_start3A_303 : memref<1x64x128xf32, #tpu.memory_space<vmem>> -> memref<64x128xf32, #tpu.memory_space<vmem>>
    %dma_start3A_305 = arith.constant 0 : i32
    %dma_start3A_306 = tpu.memref_slice %arg2[%dma_start3A_305, %multiple_of3A_299] : memref<64x1000000xf32, #tpu.memory_space<hbm>> -> memref<64x128xf32, #tpu.memory_space<hbm>>
    %dma_start3A_307 = arith.constant 0 : i32
    %dma_start3A_308 = arith.constant 0 : i32
    %dma_start3A_309 = tpu.memref_slice %arg6[%dma_start3A_300, %dma_start3A_307, %dma_start3A_308] : memref<12x64x128xf32, #tpu.memory_space<vmem>> -> memref<1x64x128xf32, #tpu.memory_space<vmem>>
    %dma_start3A_310 = tpu.memref_squeeze %dma_start3A_309 : memref<1x64x128xf32, #tpu.memory_space<vmem>> -> memref<64x128xf32, #tpu.memory_space<vmem>>
    %dma_start3A_311 = arith.constant 0 : i32
    %dma_start3A_312 = tpu.memref_slice %arg2[%dma_start3A_311, %multiple_of3A_299] : memref<64x1000000xf32, #tpu.memory_space<hbm>> -> memref<64x128xf32, #tpu.memory_space<hbm>>
    tpu.enqueue_dma source(%dma_start3A_312 : memref<64x128xf32, #tpu.memory_space<hbm>>) target(%dma_start3A_310 : memref<64x128xf32, #tpu.memory_space<vmem>>) target_semaphore(%arg13 : memref<!tpu.dma_semaphore, #tpu.memory_space<semaphore_mem>>)
    %dma_wait3A = arith.constant 0 : i32
    %dma_wait3A_313 = arith.constant 0 : i32
    %dma_wait3A_314 = arith.constant 0 : i32
    %dma_wait3A_315 = tpu.memref_slice %arg6[%dma_wait3A, %dma_wait3A_313, %dma_wait3A_314] : memref<12x64x128xf32, #tpu.memory_space<vmem>> -> memref<1x64x128xf32, #tpu.memory_space<vmem>>
    %dma_wait3A_316 = tpu.memref_squeeze %dma_wait3A_315 : memref<1x64x128xf32, #tpu.memory_space<vmem>> -> memref<64x128xf32, #tpu.memory_space<vmem>>
    %dma_wait3A_317 = arith.constant 0 : i32
    %dma_wait3A_318 = tpu.memref_slice %arg2[%dma_wait3A_317, %multiple_of3A] : memref<64x1000000xf32, #tpu.memory_space<hbm>> -> memref<64x128xf32, #tpu.memory_space<hbm>>
    %dma_wait3A_319 = arith.constant 0 : i32
    %dma_wait3A_320 = arith.constant 0 : i32
    %dma_wait3A_321 = tpu.memref_slice %arg6[%dma_wait3A, %dma_wait3A_319, %dma_wait3A_320] : memref<12x64x128xf32, #tpu.memory_space<vmem>> -> memref<1x64x128xf32, #tpu.memory_space<vmem>>
    %dma_wait3A_322 = tpu.memref_squeeze %dma_wait3A_321 : memref<1x64x128xf32, #tpu.memory_space<vmem>> -> memref<64x128xf32, #tpu.memory_space<vmem>>
    %dma_wait3A_323 = arith.constant 0 : i32
    %dma_wait3A_324 = tpu.memref_slice %arg2[%dma_wait3A_323, %multiple_of3A] : memref<64x1000000xf32, #tpu.memory_space<hbm>> -> memref<64x128xf32, #tpu.memory_space<hbm>>
    tpu.wait_dma2 semaphore(%arg8 : memref<!tpu.dma_semaphore, #tpu.memory_space<semaphore_mem>>) src(%dma_wait3A_324 : memref<64x128xf32, #tpu.memory_space<hbm>>) dst(%dma_wait3A_322 : memref<64x128xf32, #tpu.memory_space<vmem>>)
    %jit3A_325 = arith.constant 128 : i32
    %div3A_326 = arith.divsi %squeeze3A_15, %jit3A_325 : i32
    %sign3A_327 = arith.constant 0 : i32
    %sign3A_328 = arith.cmpi sgt, %squeeze3A_15, %sign3A_327 : i32
    %sign3A_329 = arith.extui %sign3A_328 : i1 to i32
    %sign3A_330 = arith.constant 0 : i32
    %sign3A_331 = arith.cmpi slt, %squeeze3A_15, %sign3A_330 : i32
    %sign3A_332 = arith.extui %sign3A_331 : i1 to i32
    %sign3A_333 = arith.subi %sign3A_329, %sign3A_332 : i32
    %sign3A_334 = arith.constant 0 : i32
    %sign3A_335 = arith.cmpi sgt, %jit3A_325, %sign3A_334 : i32
    %sign3A_336 = arith.extui %sign3A_335 : i1 to i32
    %sign3A_337 = arith.constant 0 : i32
    %sign3A_338 = arith.cmpi slt, %jit3A_325, %sign3A_337 : i32
    %sign3A_339 = arith.extui %sign3A_338 : i1 to i32
    %sign3A_340 = arith.subi %sign3A_336, %sign3A_339 : i32
    %ne3A_341 = arith.cmpi ne, %sign3A_333, %sign3A_340 : i32
    %rem3A_342 = arith.remsi %squeeze3A_15, %jit3A_325 : i32
    %ne3A_343 = arith.constant 0 : i32
    %ne3A_344 = arith.cmpi ne, %rem3A_342, %ne3A_343 : i32
    %and3A_345 = arith.andi %ne3A_341, %ne3A_344 : i1
    %sub3A_346 = arith.constant 1 : i32
    %sub3A_347 = arith.subi %div3A_326, %sub3A_346 : i32
    %select_n3A_348 = arith.select %and3A_345, %sub3A_347, %div3A_326 : i32
    %mul3A_349 = arith.constant 128 : i32
    %mul3A_350 = arith.muli %select_n3A_348, %mul3A_349 : i32
    %multiple_of3A_351 = tpu.assume_multiple %mul3A_350, 128 : i32
    %dma_start3A_352 = arith.constant 6 : i32
    %dma_start3A_353 = arith.constant 0 : i32
    %dma_start3A_354 = arith.constant 0 : i32
    %dma_start3A_355 = tpu.memref_slice %arg6[%dma_start3A_352, %dma_start3A_353, %dma_start3A_354] : memref<12x64x128xf32, #tpu.memory_space<vmem>> -> memref<1x64x128xf32, #tpu.memory_space<vmem>>
    %dma_start3A_356 = tpu.memref_squeeze %dma_start3A_355 : memref<1x64x128xf32, #tpu.memory_space<vmem>> -> memref<64x128xf32, #tpu.memory_space<vmem>>
    %dma_start3A_357 = arith.constant 0 : i32
    %dma_start3A_358 = tpu.memref_slice %arg2[%dma_start3A_357, %multiple_of3A_351] : memref<64x1000000xf32, #tpu.memory_space<hbm>> -> memref<64x128xf32, #tpu.memory_space<hbm>>
    %dma_start3A_359 = arith.constant 0 : i32
    %dma_start3A_360 = arith.constant 0 : i32
    %dma_start3A_361 = tpu.memref_slice %arg6[%dma_start3A_352, %dma_start3A_359, %dma_start3A_360] : memref<12x64x128xf32, #tpu.memory_space<vmem>> -> memref<1x64x128xf32, #tpu.memory_space<vmem>>
    %dma_start3A_362 = tpu.memref_squeeze %dma_start3A_361 : memref<1x64x128xf32, #tpu.memory_space<vmem>> -> memref<64x128xf32, #tpu.memory_space<vmem>>
    %dma_start3A_363 = arith.constant 0 : i32
    %dma_start3A_364 = tpu.memref_slice %arg2[%dma_start3A_363, %multiple_of3A_351] : memref<64x1000000xf32, #tpu.memory_space<hbm>> -> memref<64x128xf32, #tpu.memory_space<hbm>>
    tpu.enqueue_dma source(%dma_start3A_364 : memref<64x128xf32, #tpu.memory_space<hbm>>) target(%dma_start3A_362 : memref<64x128xf32, #tpu.memory_space<vmem>>) target_semaphore(%arg14 : memref<!tpu.dma_semaphore, #tpu.memory_space<semaphore_mem>>)
    %jit3A_365 = arith.constant 128 : i32
    %eq3A = arith.constant 0 : i32
    %eq3A_366 = arith.cmpi eq, %jit3A_365, %eq3A : i32
    %jit3A_367 = arith.constant 1 : i32
    %select_n3A_368 = arith.select %eq3A_366, %jit3A_367, %jit3A_365 : i32
    %rem3A_369 = arith.remsi %squeeze3A, %select_n3A_368 : i32
    %ne3A_370 = arith.constant 0 : i32
    %ne3A_371 = arith.cmpi ne, %rem3A_369, %ne3A_370 : i32
    %lt3A = arith.constant 0 : i32
    %lt3A_372 = arith.cmpi slt, %rem3A_369, %lt3A : i32
    %lt3A_373 = arith.constant 0 : i32
    %lt3A_374 = arith.cmpi slt, %select_n3A_368, %lt3A_373 : i32
    %ne3A_375 = arith.xori %lt3A_372, %lt3A_374 : i1
    %and3A_376 = arith.andi %ne3A_375, %ne3A_371 : i1
    %add3A_377 = arith.addi %rem3A_369, %select_n3A_368 : i32
    %select_n3A_378 = arith.select %and3A_376, %add3A_377, %rem3A_369 : i32
    %broadcast_in_dim3A = vector.broadcast %select_n3A_378 : i32 to vector<16xi32>
    %broadcast_in_dim3A_379 = arith.constant 0 : i32
    %broadcast_in_dim3A_380 = vector.broadcast %broadcast_in_dim3A_379 : i32 to vector<16xi32>
    %gather3A = arith.constant 0 : i32
    %gather3A_381 = arith.constant 0 : i32
    %gather3A_382 = arith.constant 0 : i32
    %gather3A_383 = tpu.memref_slice %arg6[%gather3A, %gather3A_381, %gather3A_382] : memref<12x64x128xf32, #tpu.memory_space<vmem>> -> memref<1x64x128xf32, #tpu.memory_space<vmem>>
    %gather3A_384 = tpu.memref_squeeze %gather3A_383 : memref<1x64x128xf32, #tpu.memory_space<vmem>> -> memref<64x128xf32, #tpu.memory_space<vmem>>
    %gather3A_385 = tpu.vector_load_idx %gather3A_384[%add3A_70, %broadcast_in_dim3A] : memref<64x128xf32, #tpu.memory_space<vmem>>[vector<16xi32>, vector<16xi32>], vector<16xf32>,
    tpu.vector_store_idx %arg7[%add3A_70, %broadcast_in_dim3A_380], %gather3A_385 : memref<64x32xf32, #tpu.memory_space<vmem>>[vector<16xi32>, vector<16xi32>], vector<16xf32>,
    %gather3A_386 = arith.constant 0 : i32
    %gather3A_387 = arith.constant 0 : i32
    %gather3A_388 = arith.constant 0 : i32
    %gather3A_389 = tpu.memref_slice %arg6[%gather3A_386, %gather3A_387, %gather3A_388] : memref<12x64x128xf32, #tpu.memory_space<vmem>> -> memref<1x64x128xf32, #tpu.memory_space<vmem>>
    %gather3A_390 = tpu.memref_squeeze %gather3A_389 : memref<1x64x128xf32, #tpu.memory_space<vmem>> -> memref<64x128xf32, #tpu.memory_space<vmem>>
    %gather3A_391 = tpu.vector_load_idx %gather3A_390[%add3A_74, %broadcast_in_dim3A] : memref<64x128xf32, #tpu.memory_space<vmem>>[vector<16xi32>, vector<16xi32>], vector<16xf32>,
    tpu.vector_store_idx %arg7[%add3A_74, %broadcast_in_dim3A_380], %gather3A_391 : memref<64x32xf32, #tpu.memory_space<vmem>>[vector<16xi32>, vector<16xi32>], vector<16xf32>,
    %gather3A_392 = arith.constant 0 : i32
    %gather3A_393 = arith.constant 0 : i32
    %gather3A_394 = arith.constant 0 : i32
    %gather3A_395 = tpu.memref_slice %arg6[%gather3A_392, %gather3A_393, %gather3A_394] : memref<12x64x128xf32, #tpu.memory_space<vmem>> -> memref<1x64x128xf32, #tpu.memory_space<vmem>>
    %gather3A_396 = tpu.memref_squeeze %gather3A_395 : memref<1x64x128xf32, #tpu.memory_space<vmem>> -> memref<64x128xf32, #tpu.memory_space<vmem>>
    %gather3A_397 = tpu.vector_load_idx %gather3A_396[%add3A_78, %broadcast_in_dim3A] : memref<64x128xf32, #tpu.memory_space<vmem>>[vector<16xi32>, vector<16xi32>], vector<16xf32>,
    tpu.vector_store_idx %arg7[%add3A_78, %broadcast_in_dim3A_380], %gather3A_397 : memref<64x32xf32, #tpu.memory_space<vmem>>[vector<16xi32>, vector<16xi32>], vector<16xf32>,
    %gather3A_398 = arith.constant 0 : i32
    %gather3A_399 = arith.constant 0 : i32
    %gather3A_400 = arith.constant 0 : i32
    %gather3A_401 = tpu.memref_slice %arg6[%gather3A_398, %gather3A_399, %gather3A_400] : memref<12x64x128xf32, #tpu.memory_space<vmem>> -> memref<1x64x128xf32, #tpu.memory_space<vmem>>
    %gather3A_402 = tpu.memref_squeeze %gather3A_401 : memref<1x64x128xf32, #tpu.memory_space<vmem>> -> memref<64x128xf32, #tpu.memory_space<vmem>>
    %gather3A_403 = tpu.vector_load_idx %gather3A_402[%add3A_82, %broadcast_in_dim3A] : memref<64x128xf32, #tpu.memory_space<vmem>>[vector<16xi32>, vector<16xi32>], vector<16xf32>,
    tpu.vector_store_idx %arg7[%add3A_82, %broadcast_in_dim3A_380], %gather3A_403 : memref<64x32xf32, #tpu.memory_space<vmem>>[vector<16xi32>, vector<16xi32>], vector<16xf32>,
    %dma_wait3A_404 = arith.constant 1 : i32
    %dma_wait3A_405 = arith.constant 0 : i32
    %dma_wait3A_406 = arith.constant 0 : i32
    %dma_wait3A_407 = tpu.memref_slice %arg6[%dma_wait3A_404, %dma_wait3A_405, %dma_wait3A_406] : memref<12x64x128xf32, #tpu.memory_space<vmem>> -> memref<1x64x128xf32, #tpu.memory_space<vmem>>
    %dma_wait3A_408 = tpu.memref_squeeze %dma_wait3A_407 : memref<1x64x128xf32, #tpu.memory_space<vmem>> -> memref<64x128xf32, #tpu.memory_space<vmem>>
    %dma_wait3A_409 = arith.constant 0 : i32
    %dma_wait3A_410 = tpu.memref_slice %arg2[%dma_wait3A_409, %multiple_of3A_139] : memref<64x1000000xf32, #tpu.memory_space<hbm>> -> memref<64x128xf32, #tpu.memory_space<hbm>>
    %dma_wait3A_411 = arith.constant 0 : i32
    %dma_wait3A_412 = arith.constant 0 : i32
    %dma_wait3A_413 = tpu.memref_slice %arg6[%dma_wait3A_404, %dma_wait3A_411, %dma_wait3A_412] : memref<12x64x128xf32, #tpu.memory_space<vmem>> -> memref<1x64x128xf32, #tpu.memory_space<vmem>>
    %dma_wait3A_414 = tpu.memref_squeeze %dma_wait3A_413 : memref<1x64x128xf32, #tpu.memory_space<vmem>> -> memref<64x128xf32, #tpu.memory_space<vmem>>
    %dma_wait3A_415 = arith.constant 0 : i32
    %dma_wait3A_416 = tpu.memref_slice %arg2[%dma_wait3A_415, %multiple_of3A_139] : memref<64x1000000xf32, #tpu.memory_space<hbm>> -> memref<64x128xf32, #tpu.memory_space<hbm>>
    tpu.wait_dma2 semaphore(%arg9 : memref<!tpu.dma_semaphore, #tpu.memory_space<semaphore_mem>>) src(%dma_wait3A_416 : memref<64x128xf32, #tpu.memory_space<hbm>>) dst(%dma_wait3A_414 : memref<64x128xf32, #tpu.memory_space<vmem>>)
    %jit3A_417 = arith.constant 128 : i32
    %div3A_418 = arith.divsi %squeeze3A_17, %jit3A_417 : i32
    %sign3A_419 = arith.constant 0 : i32
    %sign3A_420 = arith.cmpi sgt, %squeeze3A_17, %sign3A_419 : i32
    %sign3A_421 = arith.extui %sign3A_420 : i1 to i32
    %sign3A_422 = arith.constant 0 : i32
    %sign3A_423 = arith.cmpi slt, %squeeze3A_17, %sign3A_422 : i32
    %sign3A_424 = arith.extui %sign3A_423 : i1 to i32
    %sign3A_425 = arith.subi %sign3A_421, %sign3A_424 : i32
    %sign3A_426 = arith.constant 0 : i32
    %sign3A_427 = arith.cmpi sgt, %jit3A_417, %sign3A_426 : i32
    %sign3A_428 = arith.extui %sign3A_427 : i1 to i32
    %sign3A_429 = arith.constant 0 : i32
    %sign3A_430 = arith.cmpi slt, %jit3A_417, %sign3A_429 : i32
    %sign3A_431 = arith.extui %sign3A_430 : i1 to i32
    %sign3A_432 = arith.subi %sign3A_428, %sign3A_431 : i32
    %ne3A_433 = arith.cmpi ne, %sign3A_425, %sign3A_432 : i32
    %rem3A_434 = arith.remsi %squeeze3A_17, %jit3A_417 : i32
    %ne3A_435 = arith.constant 0 : i32
    %ne3A_436 = arith.cmpi ne, %rem3A_434, %ne3A_435 : i32
    %and3A_437 = arith.andi %ne3A_433, %ne3A_436 : i1
    %sub3A_438 = arith.constant 1 : i32
    %sub3A_439 = arith.subi %div3A_418, %sub3A_438 : i32
    %select_n3A_440 = arith.select %and3A_437, %sub3A_439, %div3A_418 : i32
    %mul3A_441 = arith.constant 128 : i32
    %mul3A_442 = arith.muli %select_n3A_440, %mul3A_441 : i32
    %multiple_of3A_443 = tpu.assume_multiple %mul3A_442, 128 : i32
    %dma_start3A_444 = arith.constant 7 : i32
    %dma_start3A_445 = arith.constant 0 : i32
    %dma_start3A_446 = arith.constant 0 : i32
    %dma_start3A_447 = tpu.memref_slice %arg6[%dma_start3A_444, %dma_start3A_445, %dma_start3A_446] : memref<12x64x128xf32, #tpu.memory_space<vmem>> -> memref<1x64x128xf32, #tpu.memory_space<vmem>>
    %dma_start3A_448 = tpu.memref_squeeze %dma_start3A_447 : memref<1x64x128xf32, #tpu.memory_space<vmem>> -> memref<64x128xf32, #tpu.memory_space<vmem>>
    %dma_start3A_449 = arith.constant 0 : i32
    %dma_start3A_450 = tpu.memref_slice %arg2[%dma_start3A_449, %multiple_of3A_443] : memref<64x1000000xf32, #tpu.memory_space<hbm>> -> memref<64x128xf32, #tpu.memory_space<hbm>>
    %dma_start3A_451 = arith.constant 0 : i32
    %dma_start3A_452 = arith.constant 0 : i32
    %dma_start3A_453 = tpu.memref_slice %arg6[%dma_start3A_444, %dma_start3A_451, %dma_start3A_452] : memref<12x64x128xf32, #tpu.memory_space<vmem>> -> memref<1x64x128xf32, #tpu.memory_space<vmem>>
    %dma_start3A_454 = tpu.memref_squeeze %dma_start3A_453 : memref<1x64x128xf32, #tpu.memory_space<vmem>> -> memref<64x128xf32, #tpu.memory_space<vmem>>
    %dma_start3A_455 = arith.constant 0 : i32
    %dma_start3A_456 = tpu.memref_slice %arg2[%dma_start3A_455, %multiple_of3A_443] : memref<64x1000000xf32, #tpu.memory_space<hbm>> -> memref<64x128xf32, #tpu.memory_space<hbm>>
    tpu.enqueue_dma source(%dma_start3A_456 : memref<64x128xf32, #tpu.memory_space<hbm>>) target(%dma_start3A_454 : memref<64x128xf32, #tpu.memory_space<vmem>>) target_semaphore(%arg15 : memref<!tpu.dma_semaphore, #tpu.memory_space<semaphore_mem>>)
    %jit3A_457 = arith.constant 128 : i32
    %eq3A_458 = arith.constant 0 : i32
    %eq3A_459 = arith.cmpi eq, %jit3A_457, %eq3A_458 : i32
    %jit3A_460 = arith.constant 1 : i32
    %select_n3A_461 = arith.select %eq3A_459, %jit3A_460, %jit3A_457 : i32
    %rem3A_462 = arith.remsi %squeeze3A_5, %select_n3A_461 : i32
    %ne3A_463 = arith.constant 0 : i32
    %ne3A_464 = arith.cmpi ne, %rem3A_462, %ne3A_463 : i32
    %lt3A_465 = arith.constant 0 : i32
    %lt3A_466 = arith.cmpi slt, %rem3A_462, %lt3A_465 : i32
    %lt3A_467 = arith.constant 0 : i32
    %lt3A_468 = arith.cmpi slt, %select_n3A_461, %lt3A_467 : i32
    %ne3A_469 = arith.xori %lt3A_466, %lt3A_468 : i1
    %and3A_470 = arith.andi %ne3A_469, %ne3A_464 : i1
    %add3A_471 = arith.addi %rem3A_462, %select_n3A_461 : i32
    %select_n3A_472 = arith.select %and3A_470, %add3A_471, %rem3A_462 : i32
    %broadcast_in_dim3A_473 = vector.broadcast %select_n3A_472 : i32 to vector<16xi32>
    %broadcast_in_dim3A_474 = arith.constant 1 : i32
    %broadcast_in_dim3A_475 = vector.broadcast %broadcast_in_dim3A_474 : i32 to vector<16xi32>
    %gather3A_476 = arith.constant 1 : i32
    %gather3A_477 = arith.constant 0 : i32
    %gather3A_478 = arith.constant 0 : i32
    %gather3A_479 = tpu.memref_slice %arg6[%gather3A_476, %gather3A_477, %gather3A_478] : memref<12x64x128xf32, #tpu.memory_space<vmem>> -> memref<1x64x128xf32, #tpu.memory_space<vmem>>
    %gather3A_480 = tpu.memref_squeeze %gather3A_479 : memref<1x64x128xf32, #tpu.memory_space<vmem>> -> memref<64x128xf32, #tpu.memory_space<vmem>>
    %gather3A_481 = tpu.vector_load_idx %gather3A_480[%add3A_70, %broadcast_in_dim3A_473] : memref<64x128xf32, #tpu.memory_space<vmem>>[vector<16xi32>, vector<16xi32>], vector<16xf32>,
    tpu.vector_store_idx %arg7[%add3A_70, %broadcast_in_dim3A_475], %gather3A_481 : memref<64x32xf32, #tpu.memory_space<vmem>>[vector<16xi32>, vector<16xi32>], vector<16xf32>,
    %gather3A_482 = arith.constant 1 : i32
    %gather3A_483 = arith.constant 0 : i32
    %gather3A_484 = arith.constant 0 : i32
    %gather3A_485 = tpu.memref_slice %arg6[%gather3A_482, %gather3A_483, %gather3A_484] : memref<12x64x128xf32, #tpu.memory_space<vmem>> -> memref<1x64x128xf32, #tpu.memory_space<vmem>>
    %gather3A_486 = tpu.memref_squeeze %gather3A_485 : memref<1x64x128xf32, #tpu.memory_space<vmem>> -> memref<64x128xf32, #tpu.memory_space<vmem>>
    %gather3A_487 = tpu.vector_load_idx %gather3A_486[%add3A_74, %broadcast_in_dim3A_473] : memref<64x128xf32, #tpu.memory_space<vmem>>[vector<16xi32>, vector<16xi32>], vector<16xf32>,
    tpu.vector_store_idx %arg7[%add3A_74, %broadcast_in_dim3A_475], %gather3A_487 : memref<64x32xf32, #tpu.memory_space<vmem>>[vector<16xi32>, vector<16xi32>], vector<16xf32>,
    %gather3A_488 = arith.constant 1 : i32
    %gather3A_489 = arith.constant 0 : i32
    %gather3A_490 = arith.constant 0 : i32
    %gather3A_491 = tpu.memref_slice %arg6[%gather3A_488, %gather3A_489, %gather3A_490] : memref<12x64x128xf32, #tpu.memory_space<vmem>> -> memref<1x64x128xf32, #tpu.memory_space<vmem>>
    %gather3A_492 = tpu.memref_squeeze %gather3A_491 : memref<1x64x128xf32, #tpu.memory_space<vmem>> -> memref<64x128xf32, #tpu.memory_space<vmem>>
    %gather3A_493 = tpu.vector_load_idx %gather3A_492[%add3A_78, %broadcast_in_dim3A_473] : memref<64x128xf32, #tpu.memory_space<vmem>>[vector<16xi32>, vector<16xi32>], vector<16xf32>,
    tpu.vector_store_idx %arg7[%add3A_78, %broadcast_in_dim3A_475], %gather3A_493 : memref<64x32xf32, #tpu.memory_space<vmem>>[vector<16xi32>, vector<16xi32>], vector<16xf32>,
    %gather3A_494 = arith.constant 1 : i32
    %gather3A_495 = arith.constant 0 : i32
    %gather3A_496 = arith.constant 0 : i32
    %gather3A_497 = tpu.memref_slice %arg6[%gather3A_494, %gather3A_495, %gather3A_496] : memref<12x64x128xf32, #tpu.memory_space<vmem>> -> memref<1x64x128xf32, #tpu.memory_space<vmem>>
    %gather3A_498 = tpu.memref_squeeze %gather3A_497 : memref<1x64x128xf32, #tpu.memory_space<vmem>> -> memref<64x128xf32, #tpu.memory_space<vmem>>
    %gather3A_499 = tpu.vector_load_idx %gather3A_498[%add3A_82, %broadcast_in_dim3A_473] : memref<64x128xf32, #tpu.memory_space<vmem>>[vector<16xi32>, vector<16xi32>], vector<16xf32>,
    tpu.vector_store_idx %arg7[%add3A_82, %broadcast_in_dim3A_475], %gather3A_499 : memref<64x32xf32, #tpu.memory_space<vmem>>[vector<16xi32>, vector<16xi32>], vector<16xf32>,
    %dma_wait3A_500 = arith.constant 2 : i32
    %dma_wait3A_501 = arith.constant 0 : i32
    %dma_wait3A_502 = arith.constant 0 : i32
    %dma_wait3A_503 = tpu.memref_slice %arg6[%dma_wait3A_500, %dma_wait3A_501, %dma_wait3A_502] : memref<12x64x128xf32, #tpu.memory_space<vmem>> -> memref<1x64x128xf32, #tpu.memory_space<vmem>>
    %dma_wait3A_504 = tpu.memref_squeeze %dma_wait3A_503 : memref<1x64x128xf32, #tpu.memory_space<vmem>> -> memref<64x128xf32, #tpu.memory_space<vmem>>
    %dma_wait3A_505 = arith.constant 0 : i32
    %dma_wait3A_506 = tpu.memref_slice %arg2[%dma_wait3A_505, %multiple_of3A_179] : memref<64x1000000xf32, #tpu.memory_space<hbm>> -> memref<64x128xf32, #tpu.memory_space<hbm>>
    %dma_wait3A_507 = arith.constant 0 : i32
    %dma_wait3A_508 = arith.constant 0 : i32
    %dma_wait3A_509 = tpu.memref_slice %arg6[%dma_wait3A_500, %dma_wait3A_507, %dma_wait3A_508] : memref<12x64x128xf32, #tpu.memory_space<vmem>> -> memref<1x64x128xf32, #tpu.memory_space<vmem>>
    %dma_wait3A_510 = tpu.memref_squeeze %dma_wait3A_509 : memref<1x64x128xf32, #tpu.memory_space<vmem>> -> memref<64x128xf32, #tpu.memory_space<vmem>>
    %dma_wait3A_511 = arith.constant 0 : i32
    %dma_wait3A_512 = tpu.memref_slice %arg2[%dma_wait3A_511, %multiple_of3A_179] : memref<64x1000000xf32, #tpu.memory_space<hbm>> -> memref<64x128xf32, #tpu.memory_space<hbm>>
    tpu.wait_dma2 semaphore(%arg10 : memref<!tpu.dma_semaphore, #tpu.memory_space<semaphore_mem>>) src(%dma_wait3A_512 : memref<64x128xf32, #tpu.memory_space<hbm>>) dst(%dma_wait3A_510 : memref<64x128xf32, #tpu.memory_space<vmem>>)
    %jit3A_513 = arith.constant 128 : i32
    %div3A_514 = arith.divsi %squeeze3A_19, %jit3A_513 : i32
    %sign3A_515 = arith.constant 0 : i32
    %sign3A_516 = arith.cmpi sgt, %squeeze3A_19, %sign3A_515 : i32
    %sign3A_517 = arith.extui %sign3A_516 : i1 to i32
    %sign3A_518 = arith.constant 0 : i32
    %sign3A_519 = arith.cmpi slt, %squeeze3A_19, %sign3A_518 : i32
    %sign3A_520 = arith.extui %sign3A_519 : i1 to i32
    %sign3A_521 = arith.subi %sign3A_517, %sign3A_520 : i32
    %sign3A_522 = arith.constant 0 : i32
    %sign3A_523 = arith.cmpi sgt, %jit3A_513, %sign3A_522 : i32
    %sign3A_524 = arith.extui %sign3A_523 : i1 to i32
    %sign3A_525 = arith.constant 0 : i32
    %sign3A_526 = arith.cmpi slt, %jit3A_513, %sign3A_525 : i32
    %sign3A_527 = arith.extui %sign3A_526 : i1 to i32
    %sign3A_528 = arith.subi %sign3A_524, %sign3A_527 : i32
    %ne3A_529 = arith.cmpi ne, %sign3A_521, %sign3A_528 : i32
    %rem3A_530 = arith.remsi %squeeze3A_19, %jit3A_513 : i32
    %ne3A_531 = arith.constant 0 : i32
    %ne3A_532 = arith.cmpi ne, %rem3A_530, %ne3A_531 : i32
    %and3A_533 = arith.andi %ne3A_529, %ne3A_532 : i1
    %sub3A_534 = arith.constant 1 : i32
    %sub3A_535 = arith.subi %div3A_514, %sub3A_534 : i32
    %select_n3A_536 = arith.select %and3A_533, %sub3A_535, %div3A_514 : i32
    %mul3A_537 = arith.constant 128 : i32
    %mul3A_538 = arith.muli %select_n3A_536, %mul3A_537 : i32
    %multiple_of3A_539 = tpu.assume_multiple %mul3A_538, 128 : i32
    %dma_start3A_540 = arith.constant 8 : i32
    %dma_start3A_541 = arith.constant 0 : i32
    %dma_start3A_542 = arith.constant 0 : i32
    %dma_start3A_543 = tpu.memref_slice %arg6[%dma_start3A_540, %dma_start3A_541, %dma_start3A_542] : memref<12x64x128xf32, #tpu.memory_space<vmem>> -> memref<1x64x128xf32, #tpu.memory_space<vmem>>
    %dma_start3A_544 = tpu.memref_squeeze %dma_start3A_543 : memref<1x64x128xf32, #tpu.memory_space<vmem>> -> memref<64x128xf32, #tpu.memory_space<vmem>>
    %dma_start3A_545 = arith.constant 0 : i32
    %dma_start3A_546 = tpu.memref_slice %arg2[%dma_start3A_545, %multiple_of3A_539] : memref<64x1000000xf32, #tpu.memory_space<hbm>> -> memref<64x128xf32, #tpu.memory_space<hbm>>
    %dma_start3A_547 = arith.constant 0 : i32
    %dma_start3A_548 = arith.constant 0 : i32
    %dma_start3A_549 = tpu.memref_slice %arg6[%dma_start3A_540, %dma_start3A_547, %dma_start3A_548] : memref<12x64x128xf32, #tpu.memory_space<vmem>> -> memref<1x64x128xf32, #tpu.memory_space<vmem>>
    %dma_start3A_550 = tpu.memref_squeeze %dma_start3A_549 : memref<1x64x128xf32, #tpu.memory_space<vmem>> -> memref<64x128xf32, #tpu.memory_space<vmem>>
    %dma_start3A_551 = arith.constant 0 : i32
    %dma_start3A_552 = tpu.memref_slice %arg2[%dma_start3A_551, %multiple_of3A_539] : memref<64x1000000xf32, #tpu.memory_space<hbm>> -> memref<64x128xf32, #tpu.memory_space<hbm>>
    tpu.enqueue_dma source(%dma_start3A_552 : memref<64x128xf32, #tpu.memory_space<hbm>>) target(%dma_start3A_550 : memref<64x128xf32, #tpu.memory_space<vmem>>) target_semaphore(%arg16 : memref<!tpu.dma_semaphore, #tpu.memory_space<semaphore_mem>>)
    %jit3A_553 = arith.constant 128 : i32
    %eq3A_554 = arith.constant 0 : i32
    %eq3A_555 = arith.cmpi eq, %jit3A_553, %eq3A_554 : i32
    %jit3A_556 = arith.constant 1 : i32
    %select_n3A_557 = arith.select %eq3A_555, %jit3A_556, %jit3A_553 : i32
    %rem3A_558 = arith.remsi %squeeze3A_7, %select_n3A_557 : i32
    %ne3A_559 = arith.constant 0 : i32
    %ne3A_560 = arith.cmpi ne, %rem3A_558, %ne3A_559 : i32
    %lt3A_561 = arith.constant 0 : i32
    %lt3A_562 = arith.cmpi slt, %rem3A_558, %lt3A_561 : i32
    %lt3A_563 = arith.constant 0 : i32
    %lt3A_564 = arith.cmpi slt, %select_n3A_557, %lt3A_563 : i32
    %ne3A_565 = arith.xori %lt3A_562, %lt3A_564 : i1
    %and3A_566 = arith.andi %ne3A_565, %ne3A_560 : i1
    %add3A_567 = arith.addi %rem3A_558, %select_n3A_557 : i32
    %select_n3A_568 = arith.select %and3A_566, %add3A_567, %rem3A_558 : i32
    %broadcast_in_dim3A_569 = vector.broadcast %select_n3A_568 : i32 to vector<16xi32>
    %broadcast_in_dim3A_570 = arith.constant 2 : i32
    %broadcast_in_dim3A_571 = vector.broadcast %broadcast_in_dim3A_570 : i32 to vector<16xi32>
    %gather3A_572 = arith.constant 2 : i32
    %gather3A_573 = arith.constant 0 : i32
    %gather3A_574 = arith.constant 0 : i32
    %gather3A_575 = tpu.memref_slice %arg6[%gather3A_572, %gather3A_573, %gather3A_574] : memref<12x64x128xf32, #tpu.memory_space<vmem>> -> memref<1x64x128xf32, #tpu.memory_space<vmem>>
    %gather3A_576 = tpu.memref_squeeze %gather3A_575 : memref<1x64x128xf32, #tpu.memory_space<vmem>> -> memref<64x128xf32, #tpu.memory_space<vmem>>
    %gather3A_577 = tpu.vector_load_idx %gather3A_576[%add3A_70, %broadcast_in_dim3A_569] : memref<64x128xf32, #tpu.memory_space<vmem>>[vector<16xi32>, vector<16xi32>], vector<16xf32>,
    tpu.vector_store_idx %arg7[%add3A_70, %broadcast_in_dim3A_571], %gather3A_577 : memref<64x32xf32, #tpu.memory_space<vmem>>[vector<16xi32>, vector<16xi32>], vector<16xf32>,
    %gather3A_578 = arith.constant 2 : i32
    %gather3A_579 = arith.constant 0 : i32
    %gather3A_580 = arith.constant 0 : i32
    %gather3A_581 = tpu.memref_slice %arg6[%gather3A_578, %gather3A_579, %gather3A_580] : memref<12x64x128xf32, #tpu.memory_space<vmem>> -> memref<1x64x128xf32, #tpu.memory_space<vmem>>
    %gather3A_582 = tpu.memref_squeeze %gather3A_581 : memref<1x64x128xf32, #tpu.memory_space<vmem>> -> memref<64x128xf32, #tpu.memory_space<vmem>>
    %gather3A_583 = tpu.vector_load_idx %gather3A_582[%add3A_74, %broadcast_in_dim3A_569] : memref<64x128xf32, #tpu.memory_space<vmem>>[vector<16xi32>, vector<16xi32>], vector<16xf32>,
    tpu.vector_store_idx %arg7[%add3A_74, %broadcast_in_dim3A_571], %gather3A_583 : memref<64x32xf32, #tpu.memory_space<vmem>>[vector<16xi32>, vector<16xi32>], vector<16xf32>,
    %gather3A_584 = arith.constant 2 : i32
    %gather3A_585 = arith.constant 0 : i32
    %gather3A_586 = arith.constant 0 : i32
    %gather3A_587 = tpu.memref_slice %arg6[%gather3A_584, %gather3A_585, %gather3A_586] : memref<12x64x128xf32, #tpu.memory_space<vmem>> -> memref<1x64x128xf32, #tpu.memory_space<vmem>>
    %gather3A_588 = tpu.memref_squeeze %gather3A_587 : memref<1x64x128xf32, #tpu.memory_space<vmem>> -> memref<64x128xf32, #tpu.memory_space<vmem>>
    %gather3A_589 = tpu.vector_load_idx %gather3A_588[%add3A_78, %broadcast_in_dim3A_569] : memref<64x128xf32, #tpu.memory_space<vmem>>[vector<16xi32>, vector<16xi32>], vector<16xf32>,
    tpu.vector_store_idx %arg7[%add3A_78, %broadcast_in_dim3A_571], %gather3A_589 : memref<64x32xf32, #tpu.memory_space<vmem>>[vector<16xi32>, vector<16xi32>], vector<16xf32>,
    %gather3A_590 = arith.constant 2 : i32
    %gather3A_591 = arith.constant 0 : i32
    %gather3A_592 = arith.constant 0 : i32
    %gather3A_593 = tpu.memref_slice %arg6[%gather3A_590, %gather3A_591, %gather3A_592] : memref<12x64x128xf32, #tpu.memory_space<vmem>> -> memref<1x64x128xf32, #tpu.memory_space<vmem>>
    %gather3A_594 = tpu.memref_squeeze %gather3A_593 : memref<1x64x128xf32, #tpu.memory_space<vmem>> -> memref<64x128xf32, #tpu.memory_space<vmem>>
    %gather3A_595 = tpu.vector_load_idx %gather3A_594[%add3A_82, %broadcast_in_dim3A_569] : memref<64x128xf32, #tpu.memory_space<vmem>>[vector<16xi32>, vector<16xi32>], vector<16xf32>,
    tpu.vector_store_idx %arg7[%add3A_82, %broadcast_in_dim3A_571], %gather3A_595 : memref<64x32xf32, #tpu.memory_space<vmem>>[vector<16xi32>, vector<16xi32>], vector<16xf32>,
    %dma_wait3A_596 = arith.constant 3 : i32
    %dma_wait3A_597 = arith.constant 0 : i32
    %dma_wait3A_598 = arith.constant 0 : i32
    %dma_wait3A_599 = tpu.memref_slice %arg6[%dma_wait3A_596, %dma_wait3A_597, %dma_wait3A_598] : memref<12x64x128xf32, #tpu.memory_space<vmem>> -> memref<1x64x128xf32, #tpu.memory_space<vmem>>
    %dma_wait3A_600 = tpu.memref_squeeze %dma_wait3A_599 : memref<1x64x128xf32, #tpu.memory_space<vmem>> -> memref<64x128xf32, #tpu.memory_space<vmem>>
    %dma_wait3A_601 = arith.constant 0 : i32
    %dma_wait3A_602 = tpu.memref_slice %arg2[%dma_wait3A_601, %multiple_of3A_219] : memref<64x1000000xf32, #tpu.memory_space<hbm>> -> memref<64x128xf32, #tpu.memory_space<hbm>>
    %dma_wait3A_603 = arith.constant 0 : i32
    %dma_wait3A_604 = arith.constant 0 : i32
    %dma_wait3A_605 = tpu.memref_slice %arg6[%dma_wait3A_596, %dma_wait3A_603, %dma_wait3A_604] : memref<12x64x128xf32, #tpu.memory_space<vmem>> -> memref<1x64x128xf32, #tpu.memory_space<vmem>>
    %dma_wait3A_606 = tpu.memref_squeeze %dma_wait3A_605 : memref<1x64x128xf32, #tpu.memory_space<vmem>> -> memref<64x128xf32, #tpu.memory_space<vmem>>
    %dma_wait3A_607 = arith.constant 0 : i32
    %dma_wait3A_608 = tpu.memref_slice %arg2[%dma_wait3A_607, %multiple_of3A_219] : memref<64x1000000xf32, #tpu.memory_space<hbm>> -> memref<64x128xf32, #tpu.memory_space<hbm>>
    tpu.wait_dma2 semaphore(%arg11 : memref<!tpu.dma_semaphore, #tpu.memory_space<semaphore_mem>>) src(%dma_wait3A_608 : memref<64x128xf32, #tpu.memory_space<hbm>>) dst(%dma_wait3A_606 : memref<64x128xf32, #tpu.memory_space<vmem>>)
    %jit3A_609 = arith.constant 128 : i32
    %div3A_610 = arith.divsi %squeeze3A_21, %jit3A_609 : i32
    %sign3A_611 = arith.constant 0 : i32
    %sign3A_612 = arith.cmpi sgt, %squeeze3A_21, %sign3A_611 : i32
    %sign3A_613 = arith.extui %sign3A_612 : i1 to i32
    %sign3A_614 = arith.constant 0 : i32
    %sign3A_615 = arith.cmpi slt, %squeeze3A_21, %sign3A_614 : i32
    %sign3A_616 = arith.extui %sign3A_615 : i1 to i32
    %sign3A_617 = arith.subi %sign3A_613, %sign3A_616 : i32
    %sign3A_618 = arith.constant 0 : i32
    %sign3A_619 = arith.cmpi sgt, %jit3A_609, %sign3A_618 : i32
    %sign3A_620 = arith.extui %sign3A_619 : i1 to i32
    %sign3A_621 = arith.constant 0 : i32
    %sign3A_622 = arith.cmpi slt, %jit3A_609, %sign3A_621 : i32
    %sign3A_623 = arith.extui %sign3A_622 : i1 to i32
    %sign3A_624 = arith.subi %sign3A_620, %sign3A_623 : i32
    %ne3A_625 = arith.cmpi ne, %sign3A_617, %sign3A_624 : i32
    %rem3A_626 = arith.remsi %squeeze3A_21, %jit3A_609 : i32
    %ne3A_627 = arith.constant 0 : i32
    %ne3A_628 = arith.cmpi ne, %rem3A_626, %ne3A_627 : i32
    %and3A_629 = arith.andi %ne3A_625, %ne3A_628 : i1
    %sub3A_630 = arith.constant 1 : i32
    %sub3A_631 = arith.subi %div3A_610, %sub3A_630 : i32
    %select_n3A_632 = arith.select %and3A_629, %sub3A_631, %div3A_610 : i32
    %mul3A_633 = arith.constant 128 : i32
    %mul3A_634 = arith.muli %select_n3A_632, %mul3A_633 : i32
    %multiple_of3A_635 = tpu.assume_multiple %mul3A_634, 128 : i32
    %dma_start3A_636 = arith.constant 9 : i32
    %dma_start3A_637 = arith.constant 0 : i32
    %dma_start3A_638 = arith.constant 0 : i32
    %dma_start3A_639 = tpu.memref_slice %arg6[%dma_start3A_636, %dma_start3A_637, %dma_start3A_638] : memref<12x64x128xf32, #tpu.memory_space<vmem>> -> memref<1x64x128xf32, #tpu.memory_space<vmem>>
    %dma_start3A_640 = tpu.memref_squeeze %dma_start3A_639 : memref<1x64x128xf32, #tpu.memory_space<vmem>> -> memref<64x128xf32, #tpu.memory_space<vmem>>
    %dma_start3A_641 = arith.constant 0 : i32
    %dma_start3A_642 = tpu.memref_slice %arg2[%dma_start3A_641, %multiple_of3A_635] : memref<64x1000000xf32, #tpu.memory_space<hbm>> -> memref<64x128xf32, #tpu.memory_space<hbm>>
    %dma_start3A_643 = arith.constant 0 : i32
    %dma_start3A_644 = arith.constant 0 : i32
    %dma_start3A_645 = tpu.memref_slice %arg6[%dma_start3A_636, %dma_start3A_643, %dma_start3A_644] : memref<12x64x128xf32, #tpu.memory_space<vmem>> -> memref<1x64x128xf32, #tpu.memory_space<vmem>>
    %dma_start3A_646 = tpu.memref_squeeze %dma_start3A_645 : memref<1x64x128xf32, #tpu.memory_space<vmem>> -> memref<64x128xf32, #tpu.memory_space<vmem>>
    %dma_start3A_647 = arith.constant 0 : i32
    %dma_start3A_648 = tpu.memref_slice %arg2[%dma_start3A_647, %multiple_of3A_635] : memref<64x1000000xf32, #tpu.memory_space<hbm>> -> memref<64x128xf32, #tpu.memory_space<hbm>>
    tpu.enqueue_dma source(%dma_start3A_648 : memref<64x128xf32, #tpu.memory_space<hbm>>) target(%dma_start3A_646 : memref<64x128xf32, #tpu.memory_space<vmem>>) target_semaphore(%arg17 : memref<!tpu.dma_semaphore, #tpu.memory_space<semaphore_mem>>)
    %jit3A_649 = arith.constant 128 : i32
    %eq3A_650 = arith.constant 0 : i32
    %eq3A_651 = arith.cmpi eq, %jit3A_649, %eq3A_650 : i32
    %jit3A_652 = arith.constant 1 : i32
    %select_n3A_653 = arith.select %eq3A_651, %jit3A_652, %jit3A_649 : i32
    %rem3A_654 = arith.remsi %squeeze3A_9, %select_n3A_653 : i32
    %ne3A_655 = arith.constant 0 : i32
    %ne3A_656 = arith.cmpi ne, %rem3A_654, %ne3A_655 : i32
    %lt3A_657 = arith.constant 0 : i32
    %lt3A_658 = arith.cmpi slt, %rem3A_654, %lt3A_657 : i32
    %lt3A_659 = arith.constant 0 : i32
    %lt3A_660 = arith.cmpi slt, %select_n3A_653, %lt3A_659 : i32
    %ne3A_661 = arith.xori %lt3A_658, %lt3A_660 : i1
    %and3A_662 = arith.andi %ne3A_661, %ne3A_656 : i1
    %add3A_663 = arith.addi %rem3A_654, %select_n3A_653 : i32
    %select_n3A_664 = arith.select %and3A_662, %add3A_663, %rem3A_654 : i32
    %broadcast_in_dim3A_665 = vector.broadcast %select_n3A_664 : i32 to vector<16xi32>
    %broadcast_in_dim3A_666 = arith.constant 3 : i32
    %broadcast_in_dim3A_667 = vector.broadcast %broadcast_in_dim3A_666 : i32 to vector<16xi32>
    %gather3A_668 = arith.constant 3 : i32
    %gather3A_669 = arith.constant 0 : i32
    %gather3A_670 = arith.constant 0 : i32
    %gather3A_671 = tpu.memref_slice %arg6[%gather3A_668, %gather3A_669, %gather3A_670] : memref<12x64x128xf32, #tpu.memory_space<vmem>> -> memref<1x64x128xf32, #tpu.memory_space<vmem>>
    %gather3A_672 = tpu.memref_squeeze %gather3A_671 : memref<1x64x128xf32, #tpu.memory_space<vmem>> -> memref<64x128xf32, #tpu.memory_space<vmem>>
    %gather3A_673 = tpu.vector_load_idx %gather3A_672[%add3A_70, %broadcast_in_dim3A_665] : memref<64x128xf32, #tpu.memory_space<vmem>>[vector<16xi32>, vector<16xi32>], vector<16xf32>,
    tpu.vector_store_idx %arg7[%add3A_70, %broadcast_in_dim3A_667], %gather3A_673 : memref<64x32xf32, #tpu.memory_space<vmem>>[vector<16xi32>, vector<16xi32>], vector<16xf32>,
    %gather3A_674 = arith.constant 3 : i32
    %gather3A_675 = arith.constant 0 : i32
    %gather3A_676 = arith.constant 0 : i32
    %gather3A_677 = tpu.memref_slice %arg6[%gather3A_674, %gather3A_675, %gather3A_676] : memref<12x64x128xf32, #tpu.memory_space<vmem>> -> memref<1x64x128xf32, #tpu.memory_space<vmem>>
    %gather3A_678 = tpu.memref_squeeze %gather3A_677 : memref<1x64x128xf32, #tpu.memory_space<vmem>> -> memref<64x128xf32, #tpu.memory_space<vmem>>
    %gather3A_679 = tpu.vector_load_idx %gather3A_678[%add3A_74, %broadcast_in_dim3A_665] : memref<64x128xf32, #tpu.memory_space<vmem>>[vector<16xi32>, vector<16xi32>], vector<16xf32>,
    tpu.vector_store_idx %arg7[%add3A_74, %broadcast_in_dim3A_667], %gather3A_679 : memref<64x32xf32, #tpu.memory_space<vmem>>[vector<16xi32>, vector<16xi32>], vector<16xf32>,
    %gather3A_680 = arith.constant 3 : i32
    %gather3A_681 = arith.constant 0 : i32
    %gather3A_682 = arith.constant 0 : i32
    %gather3A_683 = tpu.memref_slice %arg6[%gather3A_680, %gather3A_681, %gather3A_682] : memref<12x64x128xf32, #tpu.memory_space<vmem>> -> memref<1x64x128xf32, #tpu.memory_space<vmem>>
    %gather3A_684 = tpu.memref_squeeze %gather3A_683 : memref<1x64x128xf32, #tpu.memory_space<vmem>> -> memref<64x128xf32, #tpu.memory_space<vmem>>
    %gather3A_685 = tpu.vector_load_idx %gather3A_684[%add3A_78, %broadcast_in_dim3A_665] : memref<64x128xf32, #tpu.memory_space<vmem>>[vector<16xi32>, vector<16xi32>], vector<16xf32>,
    tpu.vector_store_idx %arg7[%add3A_78, %broadcast_in_dim3A_667], %gather3A_685 : memref<64x32xf32, #tpu.memory_space<vmem>>[vector<16xi32>, vector<16xi32>], vector<16xf32>,
    %gather3A_686 = arith.constant 3 : i32
    %gather3A_687 = arith.constant 0 : i32
    %gather3A_688 = arith.constant 0 : i32
    %gather3A_689 = tpu.memref_slice %arg6[%gather3A_686, %gather3A_687, %gather3A_688] : memref<12x64x128xf32, #tpu.memory_space<vmem>> -> memref<1x64x128xf32, #tpu.memory_space<vmem>>
    %gather3A_690 = tpu.memref_squeeze %gather3A_689 : memref<1x64x128xf32, #tpu.memory_space<vmem>> -> memref<64x128xf32, #tpu.memory_space<vmem>>
    %gather3A_691 = tpu.vector_load_idx %gather3A_690[%add3A_82, %broadcast_in_dim3A_665] : memref<64x128xf32, #tpu.memory_space<vmem>>[vector<16xi32>, vector<16xi32>], vector<16xf32>,
    tpu.vector_store_idx %arg7[%add3A_82, %broadcast_in_dim3A_667], %gather3A_691 : memref<64x32xf32, #tpu.memory_space<vmem>>[vector<16xi32>, vector<16xi32>], vector<16xf32>,
    %dma_wait3A_692 = arith.constant 4 : i32
    %dma_wait3A_693 = arith.constant 0 : i32
    %dma_wait3A_694 = arith.constant 0 : i32
    %dma_wait3A_695 = tpu.memref_slice %arg6[%dma_wait3A_692, %dma_wait3A_693, %dma_wait3A_694] : memref<12x64x128xf32, #tpu.memory_space<vmem>> -> memref<1x64x128xf32, #tpu.memory_space<vmem>>
    %dma_wait3A_696 = tpu.memref_squeeze %dma_wait3A_695 : memref<1x64x128xf32, #tpu.memory_space<vmem>> -> memref<64x128xf32, #tpu.memory_space<vmem>>
    %dma_wait3A_697 = arith.constant 0 : i32
    %dma_wait3A_698 = tpu.memref_slice %arg2[%dma_wait3A_697, %multiple_of3A_259] : memref<64x1000000xf32, #tpu.memory_space<hbm>> -> memref<64x128xf32, #tpu.memory_space<hbm>>
    %dma_wait3A_699 = arith.constant 0 : i32
    %dma_wait3A_700 = arith.constant 0 : i32
    %dma_wait3A_701 = tpu.memref_slice %arg6[%dma_wait3A_692, %dma_wait3A_699, %dma_wait3A_700] : memref<12x64x128xf32, #tpu.memory_space<vmem>> -> memref<1x64x128xf32, #tpu.memory_space<vmem>>
    %dma_wait3A_702 = tpu.memref_squeeze %dma_wait3A_701 : memref<1x64x128xf32, #tpu.memory_space<vmem>> -> memref<64x128xf32, #tpu.memory_space<vmem>>
    %dma_wait3A_703 = arith.constant 0 : i32
    %dma_wait3A_704 = tpu.memref_slice %arg2[%dma_wait3A_703, %multiple_of3A_259] : memref<64x1000000xf32, #tpu.memory_space<hbm>> -> memref<64x128xf32, #tpu.memory_space<hbm>>
    tpu.wait_dma2 semaphore(%arg12 : memref<!tpu.dma_semaphore, #tpu.memory_space<semaphore_mem>>) src(%dma_wait3A_704 : memref<64x128xf32, #tpu.memory_space<hbm>>) dst(%dma_wait3A_702 : memref<64x128xf32, #tpu.memory_space<vmem>>)
    %jit3A_705 = arith.constant 128 : i32
    %div3A_706 = arith.divsi %squeeze3A_23, %jit3A_705 : i32
    %sign3A_707 = arith.constant 0 : i32
    %sign3A_708 = arith.cmpi sgt, %squeeze3A_23, %sign3A_707 : i32
    %sign3A_709 = arith.extui %sign3A_708 : i1 to i32
    %sign3A_710 = arith.constant 0 : i32
    %sign3A_711 = arith.cmpi slt, %squeeze3A_23, %sign3A_710 : i32
    %sign3A_712 = arith.extui %sign3A_711 : i1 to i32
    %sign3A_713 = arith.subi %sign3A_709, %sign3A_712 : i32
    %sign3A_714 = arith.constant 0 : i32
    %sign3A_715 = arith.cmpi sgt, %jit3A_705, %sign3A_714 : i32
    %sign3A_716 = arith.extui %sign3A_715 : i1 to i32
    %sign3A_717 = arith.constant 0 : i32
    %sign3A_718 = arith.cmpi slt, %jit3A_705, %sign3A_717 : i32
    %sign3A_719 = arith.extui %sign3A_718 : i1 to i32
    %sign3A_720 = arith.subi %sign3A_716, %sign3A_719 : i32
    %ne3A_721 = arith.cmpi ne, %sign3A_713, %sign3A_720 : i32
    %rem3A_722 = arith.remsi %squeeze3A_23, %jit3A_705 : i32
    %ne3A_723 = arith.constant 0 : i32
    %ne3A_724 = arith.cmpi ne, %rem3A_722, %ne3A_723 : i32
    %and3A_725 = arith.andi %ne3A_721, %ne3A_724 : i1
    %sub3A_726 = arith.constant 1 : i32
    %sub3A_727 = arith.subi %div3A_706, %sub3A_726 : i32
    %select_n3A_728 = arith.select %and3A_725, %sub3A_727, %div3A_706 : i32
    %mul3A_729 = arith.constant 128 : i32
    %mul3A_730 = arith.muli %select_n3A_728, %mul3A_729 : i32
    %multiple_of3A_731 = tpu.assume_multiple %mul3A_730, 128 : i32
    %dma_start3A_732 = arith.constant 10 : i32
    %dma_start3A_733 = arith.constant 0 : i32
    %dma_start3A_734 = arith.constant 0 : i32
    %dma_start3A_735 = tpu.memref_slice %arg6[%dma_start3A_732, %dma_start3A_733, %dma_start3A_734] : memref<12x64x128xf32, #tpu.memory_space<vmem>> -> memref<1x64x128xf32, #tpu.memory_space<vmem>>
    %dma_start3A_736 = tpu.memref_squeeze %dma_start3A_735 : memref<1x64x128xf32, #tpu.memory_space<vmem>> -> memref<64x128xf32, #tpu.memory_space<vmem>>
    %dma_start3A_737 = arith.constant 0 : i32
    %dma_start3A_738 = tpu.memref_slice %arg2[%dma_start3A_737, %multiple_of3A_731] : memref<64x1000000xf32, #tpu.memory_space<hbm>> -> memref<64x128xf32, #tpu.memory_space<hbm>>
    %dma_start3A_739 = arith.constant 0 : i32
    %dma_start3A_740 = arith.constant 0 : i32
    %dma_start3A_741 = tpu.memref_slice %arg6[%dma_start3A_732, %dma_start3A_739, %dma_start3A_740] : memref<12x64x128xf32, #tpu.memory_space<vmem>> -> memref<1x64x128xf32, #tpu.memory_space<vmem>>
    %dma_start3A_742 = tpu.memref_squeeze %dma_start3A_741 : memref<1x64x128xf32, #tpu.memory_space<vmem>> -> memref<64x128xf32, #tpu.memory_space<vmem>>
    %dma_start3A_743 = arith.constant 0 : i32
    %dma_start3A_744 = tpu.memref_slice %arg2[%dma_start3A_743, %multiple_of3A_731] : memref<64x1000000xf32, #tpu.memory_space<hbm>> -> memref<64x128xf32, #tpu.memory_space<hbm>>
    tpu.enqueue_dma source(%dma_start3A_744 : memref<64x128xf32, #tpu.memory_space<hbm>>) target(%dma_start3A_742 : memref<64x128xf32, #tpu.memory_space<vmem>>) target_semaphore(%arg18 : memref<!tpu.dma_semaphore, #tpu.memory_space<semaphore_mem>>)
    %jit3A_745 = arith.constant 128 : i32
    %eq3A_746 = arith.constant 0 : i32
    %eq3A_747 = arith.cmpi eq, %jit3A_745, %eq3A_746 : i32
    %jit3A_748 = arith.constant 1 : i32
    %select_n3A_749 = arith.select %eq3A_747, %jit3A_748, %jit3A_745 : i32
    %rem3A_750 = arith.remsi %squeeze3A_11, %select_n3A_749 : i32
    %ne3A_751 = arith.constant 0 : i32
    %ne3A_752 = arith.cmpi ne, %rem3A_750, %ne3A_751 : i32
    %lt3A_753 = arith.constant 0 : i32
    %lt3A_754 = arith.cmpi slt, %rem3A_750, %lt3A_753 : i32
    %lt3A_755 = arith.constant 0 : i32
    %lt3A_756 = arith.cmpi slt, %select_n3A_749, %lt3A_755 : i32
    %ne3A_757 = arith.xori %lt3A_754, %lt3A_756 : i1
    %and3A_758 = arith.andi %ne3A_757, %ne3A_752 : i1
    %add3A_759 = arith.addi %rem3A_750, %select_n3A_749 : i32
    %select_n3A_760 = arith.select %and3A_758, %add3A_759, %rem3A_750 : i32
    %broadcast_in_dim3A_761 = vector.broadcast %select_n3A_760 : i32 to vector<16xi32>
    %broadcast_in_dim3A_762 = arith.constant 4 : i32
    %broadcast_in_dim3A_763 = vector.broadcast %broadcast_in_dim3A_762 : i32 to vector<16xi32>
    %gather3A_764 = arith.constant 4 : i32
    %gather3A_765 = arith.constant 0 : i32
    %gather3A_766 = arith.constant 0 : i32
    %gather3A_767 = tpu.memref_slice %arg6[%gather3A_764, %gather3A_765, %gather3A_766] : memref<12x64x128xf32, #tpu.memory_space<vmem>> -> memref<1x64x128xf32, #tpu.memory_space<vmem>>
    %gather3A_768 = tpu.memref_squeeze %gather3A_767 : memref<1x64x128xf32, #tpu.memory_space<vmem>> -> memref<64x128xf32, #tpu.memory_space<vmem>>
    %gather3A_769 = tpu.vector_load_idx %gather3A_768[%add3A_70, %broadcast_in_dim3A_761] : memref<64x128xf32, #tpu.memory_space<vmem>>[vector<16xi32>, vector<16xi32>], vector<16xf32>,
    tpu.vector_store_idx %arg7[%add3A_70, %broadcast_in_dim3A_763], %gather3A_769 : memref<64x32xf32, #tpu.memory_space<vmem>>[vector<16xi32>, vector<16xi32>], vector<16xf32>,
    %gather3A_770 = arith.constant 4 : i32
    %gather3A_771 = arith.constant 0 : i32
    %gather3A_772 = arith.constant 0 : i32
    %gather3A_773 = tpu.memref_slice %arg6[%gather3A_770, %gather3A_771, %gather3A_772] : memref<12x64x128xf32, #tpu.memory_space<vmem>> -> memref<1x64x128xf32, #tpu.memory_space<vmem>>
    %gather3A_774 = tpu.memref_squeeze %gather3A_773 : memref<1x64x128xf32, #tpu.memory_space<vmem>> -> memref<64x128xf32, #tpu.memory_space<vmem>>
    %gather3A_775 = tpu.vector_load_idx %gather3A_774[%add3A_74, %broadcast_in_dim3A_761] : memref<64x128xf32, #tpu.memory_space<vmem>>[vector<16xi32>, vector<16xi32>], vector<16xf32>,
    tpu.vector_store_idx %arg7[%add3A_74, %broadcast_in_dim3A_763], %gather3A_775 : memref<64x32xf32, #tpu.memory_space<vmem>>[vector<16xi32>, vector<16xi32>], vector<16xf32>,
    %gather3A_776 = arith.constant 4 : i32
    %gather3A_777 = arith.constant 0 : i32
    %gather3A_778 = arith.constant 0 : i32
    %gather3A_779 = tpu.memref_slice %arg6[%gather3A_776, %gather3A_777, %gather3A_778] : memref<12x64x128xf32, #tpu.memory_space<vmem>> -> memref<1x64x128xf32, #tpu.memory_space<vmem>>
    %gather3A_780 = tpu.memref_squeeze %gather3A_779 : memref<1x64x128xf32, #tpu.memory_space<vmem>> -> memref<64x128xf32, #tpu.memory_space<vmem>>
    %gather3A_781 = tpu.vector_load_idx %gather3A_780[%add3A_78, %broadcast_in_dim3A_761] : memref<64x128xf32, #tpu.memory_space<vmem>>[vector<16xi32>, vector<16xi32>], vector<16xf32>,
    tpu.vector_store_idx %arg7[%add3A_78, %broadcast_in_dim3A_763], %gather3A_781 : memref<64x32xf32, #tpu.memory_space<vmem>>[vector<16xi32>, vector<16xi32>], vector<16xf32>,
    %gather3A_782 = arith.constant 4 : i32
    %gather3A_783 = arith.constant 0 : i32
    %gather3A_784 = arith.constant 0 : i32
    %gather3A_785 = tpu.memref_slice %arg6[%gather3A_782, %gather3A_783, %gather3A_784] : memref<12x64x128xf32, #tpu.memory_space<vmem>> -> memref<1x64x128xf32, #tpu.memory_space<vmem>>
    %gather3A_786 = tpu.memref_squeeze %gather3A_785 : memref<1x64x128xf32, #tpu.memory_space<vmem>> -> memref<64x128xf32, #tpu.memory_space<vmem>>
    %gather3A_787 = tpu.vector_load_idx %gather3A_786[%add3A_82, %broadcast_in_dim3A_761] : memref<64x128xf32, #tpu.memory_space<vmem>>[vector<16xi32>, vector<16xi32>], vector<16xf32>,
    tpu.vector_store_idx %arg7[%add3A_82, %broadcast_in_dim3A_763], %gather3A_787 : memref<64x32xf32, #tpu.memory_space<vmem>>[vector<16xi32>, vector<16xi32>], vector<16xf32>,
    %dma_wait3A_788 = arith.constant 5 : i32
    %dma_wait3A_789 = arith.constant 0 : i32
    %dma_wait3A_790 = arith.constant 0 : i32
    %dma_wait3A_791 = tpu.memref_slice %arg6[%dma_wait3A_788, %dma_wait3A_789, %dma_wait3A_790] : memref<12x64x128xf32, #tpu.memory_space<vmem>> -> memref<1x64x128xf32, #tpu.memory_space<vmem>>
    %dma_wait3A_792 = tpu.memref_squeeze %dma_wait3A_791 : memref<1x64x128xf32, #tpu.memory_space<vmem>> -> memref<64x128xf32, #tpu.memory_space<vmem>>
    %dma_wait3A_793 = arith.constant 0 : i32
    %dma_wait3A_794 = tpu.memref_slice %arg2[%dma_wait3A_793, %multiple_of3A_299] : memref<64x1000000xf32, #tpu.memory_space<hbm>> -> memref<64x128xf32, #tpu.memory_space<hbm>>
    %dma_wait3A_795 = arith.constant 0 : i32
    %dma_wait3A_796 = arith.constant 0 : i32
    %dma_wait3A_797 = tpu.memref_slice %arg6[%dma_wait3A_788, %dma_wait3A_795, %dma_wait3A_796] : memref<12x64x128xf32, #tpu.memory_space<vmem>> -> memref<1x64x128xf32, #tpu.memory_space<vmem>>
    %dma_wait3A_798 = tpu.memref_squeeze %dma_wait3A_797 : memref<1x64x128xf32, #tpu.memory_space<vmem>> -> memref<64x128xf32, #tpu.memory_space<vmem>>
    %dma_wait3A_799 = arith.constant 0 : i32
    %dma_wait3A_800 = tpu.memref_slice %arg2[%dma_wait3A_799, %multiple_of3A_299] : memref<64x1000000xf32, #tpu.memory_space<hbm>> -> memref<64x128xf32, #tpu.memory_space<hbm>>
    tpu.wait_dma2 semaphore(%arg13 : memref<!tpu.dma_semaphore, #tpu.memory_space<semaphore_mem>>) src(%dma_wait3A_800 : memref<64x128xf32, #tpu.memory_space<hbm>>) dst(%dma_wait3A_798 : memref<64x128xf32, #tpu.memory_space<vmem>>)
    %jit3A_801 = arith.constant 128 : i32
    %div3A_802 = arith.divsi %squeeze3A_25, %jit3A_801 : i32
    %sign3A_803 = arith.constant 0 : i32
    %sign3A_804 = arith.cmpi sgt, %squeeze3A_25, %sign3A_803 : i32
    %sign3A_805 = arith.extui %sign3A_804 : i1 to i32
    %sign3A_806 = arith.constant 0 : i32
    %sign3A_807 = arith.cmpi slt, %squeeze3A_25, %sign3A_806 : i32
    %sign3A_808 = arith.extui %sign3A_807 : i1 to i32
    %sign3A_809 = arith.subi %sign3A_805, %sign3A_808 : i32
    %sign3A_810 = arith.constant 0 : i32
    %sign3A_811 = arith.cmpi sgt, %jit3A_801, %sign3A_810 : i32
    %sign3A_812 = arith.extui %sign3A_811 : i1 to i32
    %sign3A_813 = arith.constant 0 : i32
    %sign3A_814 = arith.cmpi slt, %jit3A_801, %sign3A_813 : i32
    %sign3A_815 = arith.extui %sign3A_814 : i1 to i32
    %sign3A_816 = arith.subi %sign3A_812, %sign3A_815 : i32
    %ne3A_817 = arith.cmpi ne, %sign3A_809, %sign3A_816 : i32
    %rem3A_818 = arith.remsi %squeeze3A_25, %jit3A_801 : i32
    %ne3A_819 = arith.constant 0 : i32
    %ne3A_820 = arith.cmpi ne, %rem3A_818, %ne3A_819 : i32
    %and3A_821 = arith.andi %ne3A_817, %ne3A_820 : i1
    %sub3A_822 = arith.constant 1 : i32
    %sub3A_823 = arith.subi %div3A_802, %sub3A_822 : i32
    %select_n3A_824 = arith.select %and3A_821, %sub3A_823, %div3A_802 : i32
    %mul3A_825 = arith.constant 128 : i32
    %mul3A_826 = arith.muli %select_n3A_824, %mul3A_825 : i32
    %multiple_of3A_827 = tpu.assume_multiple %mul3A_826, 128 : i32
    %dma_start3A_828 = arith.constant 11 : i32
    %dma_start3A_829 = arith.constant 0 : i32
    %dma_start3A_830 = arith.constant 0 : i32
    %dma_start3A_831 = tpu.memref_slice %arg6[%dma_start3A_828, %dma_start3A_829, %dma_start3A_830] : memref<12x64x128xf32, #tpu.memory_space<vmem>> -> memref<1x64x128xf32, #tpu.memory_space<vmem>>
    %dma_start3A_832 = tpu.memref_squeeze %dma_start3A_831 : memref<1x64x128xf32, #tpu.memory_space<vmem>> -> memref<64x128xf32, #tpu.memory_space<vmem>>
    %dma_start3A_833 = arith.constant 0 : i32
    %dma_start3A_834 = tpu.memref_slice %arg2[%dma_start3A_833, %multiple_of3A_827] : memref<64x1000000xf32, #tpu.memory_space<hbm>> -> memref<64x128xf32, #tpu.memory_space<hbm>>
    %dma_start3A_835 = arith.constant 0 : i32
    %dma_start3A_836 = arith.constant 0 : i32
    %dma_start3A_837 = tpu.memref_slice %arg6[%dma_start3A_828, %dma_start3A_835, %dma_start3A_836] : memref<12x64x128xf32, #tpu.memory_space<vmem>> -> memref<1x64x128xf32, #tpu.memory_space<vmem>>
    %dma_start3A_838 = tpu.memref_squeeze %dma_start3A_837 : memref<1x64x128xf32, #tpu.memory_space<vmem>> -> memref<64x128xf32, #tpu.memory_space<vmem>>
    %dma_start3A_839 = arith.constant 0 : i32
    %dma_start3A_840 = tpu.memref_slice %arg2[%dma_start3A_839, %multiple_of3A_827] : memref<64x1000000xf32, #tpu.memory_space<hbm>> -> memref<64x128xf32, #tpu.memory_space<hbm>>
    tpu.enqueue_dma source(%dma_start3A_840 : memref<64x128xf32, #tpu.memory_space<hbm>>) target(%dma_start3A_838 : memref<64x128xf32, #tpu.memory_space<vmem>>) target_semaphore(%arg19 : memref<!tpu.dma_semaphore, #tpu.memory_space<semaphore_mem>>)
    %jit3A_841 = arith.constant 128 : i32
    %eq3A_842 = arith.constant 0 : i32
    %eq3A_843 = arith.cmpi eq, %jit3A_841, %eq3A_842 : i32
    %jit3A_844 = arith.constant 1 : i32
    %select_n3A_845 = arith.select %eq3A_843, %jit3A_844, %jit3A_841 : i32
    %rem3A_846 = arith.remsi %squeeze3A_13, %select_n3A_845 : i32
    %ne3A_847 = arith.constant 0 : i32
    %ne3A_848 = arith.cmpi ne, %rem3A_846, %ne3A_847 : i32
    %lt3A_849 = arith.constant 0 : i32
    %lt3A_850 = arith.cmpi slt, %rem3A_846, %lt3A_849 : i32
    %lt3A_851 = arith.constant 0 : i32
    %lt3A_852 = arith.cmpi slt, %select_n3A_845, %lt3A_851 : i32
    %ne3A_853 = arith.xori %lt3A_850, %lt3A_852 : i1
    %and3A_854 = arith.andi %ne3A_853, %ne3A_848 : i1
    %add3A_855 = arith.addi %rem3A_846, %select_n3A_845 : i32
    %select_n3A_856 = arith.select %and3A_854, %add3A_855, %rem3A_846 : i32
    %broadcast_in_dim3A_857 = vector.broadcast %select_n3A_856 : i32 to vector<16xi32>
    %broadcast_in_dim3A_858 = arith.constant 5 : i32
    %broadcast_in_dim3A_859 = vector.broadcast %broadcast_in_dim3A_858 : i32 to vector<16xi32>
    %gather3A_860 = arith.constant 5 : i32
    %gather3A_861 = arith.constant 0 : i32
    %gather3A_862 = arith.constant 0 : i32
    %gather3A_863 = tpu.memref_slice %arg6[%gather3A_860, %gather3A_861, %gather3A_862] : memref<12x64x128xf32, #tpu.memory_space<vmem>> -> memref<1x64x128xf32, #tpu.memory_space<vmem>>
    %gather3A_864 = tpu.memref_squeeze %gather3A_863 : memref<1x64x128xf32, #tpu.memory_space<vmem>> -> memref<64x128xf32, #tpu.memory_space<vmem>>
    %gather3A_865 = tpu.vector_load_idx %gather3A_864[%add3A_70, %broadcast_in_dim3A_857] : memref<64x128xf32, #tpu.memory_space<vmem>>[vector<16xi32>, vector<16xi32>], vector<16xf32>,
    tpu.vector_store_idx %arg7[%add3A_70, %broadcast_in_dim3A_859], %gather3A_865 : memref<64x32xf32, #tpu.memory_space<vmem>>[vector<16xi32>, vector<16xi32>], vector<16xf32>,
    %gather3A_866 = arith.constant 5 : i32
    %gather3A_867 = arith.constant 0 : i32
    %gather3A_868 = arith.constant 0 : i32
    %gather3A_869 = tpu.memref_slice %arg6[%gather3A_866, %gather3A_867, %gather3A_868] : memref<12x64x128xf32, #tpu.memory_space<vmem>> -> memref<1x64x128xf32, #tpu.memory_space<vmem>>
    %gather3A_870 = tpu.memref_squeeze %gather3A_869 : memref<1x64x128xf32, #tpu.memory_space<vmem>> -> memref<64x128xf32, #tpu.memory_space<vmem>>
    %gather3A_871 = tpu.vector_load_idx %gather3A_870[%add3A_74, %broadcast_in_dim3A_857] : memref<64x128xf32, #tpu.memory_space<vmem>>[vector<16xi32>, vector<16xi32>], vector<16xf32>,
    tpu.vector_store_idx %arg7[%add3A_74, %broadcast_in_dim3A_859], %gather3A_871 : memref<64x32xf32, #tpu.memory_space<vmem>>[vector<16xi32>, vector<16xi32>], vector<16xf32>,
    %gather3A_872 = arith.constant 5 : i32
    %gather3A_873 = arith.constant 0 : i32
    %gather3A_874 = arith.constant 0 : i32
    %gather3A_875 = tpu.memref_slice %arg6[%gather3A_872, %gather3A_873, %gather3A_874] : memref<12x64x128xf32, #tpu.memory_space<vmem>> -> memref<1x64x128xf32, #tpu.memory_space<vmem>>
    %gather3A_876 = tpu.memref_squeeze %gather3A_875 : memref<1x64x128xf32, #tpu.memory_space<vmem>> -> memref<64x128xf32, #tpu.memory_space<vmem>>
    %gather3A_877 = tpu.vector_load_idx %gather3A_876[%add3A_78, %broadcast_in_dim3A_857] : memref<64x128xf32, #tpu.memory_space<vmem>>[vector<16xi32>, vector<16xi32>], vector<16xf32>,
    tpu.vector_store_idx %arg7[%add3A_78, %broadcast_in_dim3A_859], %gather3A_877 : memref<64x32xf32, #tpu.memory_space<vmem>>[vector<16xi32>, vector<16xi32>], vector<16xf32>,
    %gather3A_878 = arith.constant 5 : i32
    %gather3A_879 = arith.constant 0 : i32
    %gather3A_880 = arith.constant 0 : i32
    %gather3A_881 = tpu.memref_slice %arg6[%gather3A_878, %gather3A_879, %gather3A_880] : memref<12x64x128xf32, #tpu.memory_space<vmem>> -> memref<1x64x128xf32, #tpu.memory_space<vmem>>
    %gather3A_882 = tpu.memref_squeeze %gather3A_881 : memref<1x64x128xf32, #tpu.memory_space<vmem>> -> memref<64x128xf32, #tpu.memory_space<vmem>>
    %gather3A_883 = tpu.vector_load_idx %gather3A_882[%add3A_82, %broadcast_in_dim3A_857] : memref<64x128xf32, #tpu.memory_space<vmem>>[vector<16xi32>, vector<16xi32>], vector<16xf32>,
    tpu.vector_store_idx %arg7[%add3A_82, %broadcast_in_dim3A_859], %gather3A_883 : memref<64x32xf32, #tpu.memory_space<vmem>>[vector<16xi32>, vector<16xi32>], vector<16xf32>,
    %dma_wait3A_884 = arith.constant 6 : i32
    %dma_wait3A_885 = arith.constant 0 : i32
    %dma_wait3A_886 = arith.constant 0 : i32
    %dma_wait3A_887 = tpu.memref_slice %arg6[%dma_wait3A_884, %dma_wait3A_885, %dma_wait3A_886] : memref<12x64x128xf32, #tpu.memory_space<vmem>> -> memref<1x64x128xf32, #tpu.memory_space<vmem>>
    %dma_wait3A_888 = tpu.memref_squeeze %dma_wait3A_887 : memref<1x64x128xf32, #tpu.memory_space<vmem>> -> memref<64x128xf32, #tpu.memory_space<vmem>>
    %dma_wait3A_889 = arith.constant 0 : i32
    %dma_wait3A_890 = tpu.memref_slice %arg2[%dma_wait3A_889, %multiple_of3A_351] : memref<64x1000000xf32, #tpu.memory_space<hbm>> -> memref<64x128xf32, #tpu.memory_space<hbm>>
    %dma_wait3A_891 = arith.constant 0 : i32
    %dma_wait3A_892 = arith.constant 0 : i32
    %dma_wait3A_893 = tpu.memref_slice %arg6[%dma_wait3A_884, %dma_wait3A_891, %dma_wait3A_892] : memref<12x64x128xf32, #tpu.memory_space<vmem>> -> memref<1x64x128xf32, #tpu.memory_space<vmem>>
    %dma_wait3A_894 = tpu.memref_squeeze %dma_wait3A_893 : memref<1x64x128xf32, #tpu.memory_space<vmem>> -> memref<64x128xf32, #tpu.memory_space<vmem>>
    %dma_wait3A_895 = arith.constant 0 : i32
    %dma_wait3A_896 = tpu.memref_slice %arg2[%dma_wait3A_895, %multiple_of3A_351] : memref<64x1000000xf32, #tpu.memory_space<hbm>> -> memref<64x128xf32, #tpu.memory_space<hbm>>
    tpu.wait_dma2 semaphore(%arg14 : memref<!tpu.dma_semaphore, #tpu.memory_space<semaphore_mem>>) src(%dma_wait3A_896 : memref<64x128xf32, #tpu.memory_space<hbm>>) dst(%dma_wait3A_894 : memref<64x128xf32, #tpu.memory_space<vmem>>)
    %jit3A_897 = arith.constant 128 : i32
    %div3A_898 = arith.divsi %squeeze3A_27, %jit3A_897 : i32
    %sign3A_899 = arith.constant 0 : i32
    %sign3A_900 = arith.cmpi sgt, %squeeze3A_27, %sign3A_899 : i32
    %sign3A_901 = arith.extui %sign3A_900 : i1 to i32
    %sign3A_902 = arith.constant 0 : i32
    %sign3A_903 = arith.cmpi slt, %squeeze3A_27, %sign3A_902 : i32
    %sign3A_904 = arith.extui %sign3A_903 : i1 to i32
    %sign3A_905 = arith.subi %sign3A_901, %sign3A_904 : i32
    %sign3A_906 = arith.constant 0 : i32
    %sign3A_907 = arith.cmpi sgt, %jit3A_897, %sign3A_906 : i32
    %sign3A_908 = arith.extui %sign3A_907 : i1 to i32
    %sign3A_909 = arith.constant 0 : i32
    %sign3A_910 = arith.cmpi slt, %jit3A_897, %sign3A_909 : i32
    %sign3A_911 = arith.extui %sign3A_910 : i1 to i32
    %sign3A_912 = arith.subi %sign3A_908, %sign3A_911 : i32
    %ne3A_913 = arith.cmpi ne, %sign3A_905, %sign3A_912 : i32
    %rem3A_914 = arith.remsi %squeeze3A_27, %jit3A_897 : i32
    %ne3A_915 = arith.constant 0 : i32
    %ne3A_916 = arith.cmpi ne, %rem3A_914, %ne3A_915 : i32
    %and3A_917 = arith.andi %ne3A_913, %ne3A_916 : i1
    %sub3A_918 = arith.constant 1 : i32
    %sub3A_919 = arith.subi %div3A_898, %sub3A_918 : i32
    %select_n3A_920 = arith.select %and3A_917, %sub3A_919, %div3A_898 : i32
    %mul3A_921 = arith.constant 128 : i32
    %mul3A_922 = arith.muli %select_n3A_920, %mul3A_921 : i32
    %multiple_of3A_923 = tpu.assume_multiple %mul3A_922, 128 : i32
    %dma_start3A_924 = arith.constant 0 : i32
    %dma_start3A_925 = arith.constant 0 : i32
    %dma_start3A_926 = arith.constant 0 : i32
    %dma_start3A_927 = tpu.memref_slice %arg6[%dma_start3A_924, %dma_start3A_925, %dma_start3A_926] : memref<12x64x128xf32, #tpu.memory_space<vmem>> -> memref<1x64x128xf32, #tpu.memory_space<vmem>>
    %dma_start3A_928 = tpu.memref_squeeze %dma_start3A_927 : memref<1x64x128xf32, #tpu.memory_space<vmem>> -> memref<64x128xf32, #tpu.memory_space<vmem>>
    %dma_start3A_929 = arith.constant 0 : i32
    %dma_start3A_930 = tpu.memref_slice %arg2[%dma_start3A_929, %multiple_of3A_923] : memref<64x1000000xf32, #tpu.memory_space<hbm>> -> memref<64x128xf32, #tpu.memory_space<hbm>>
    %dma_start3A_931 = arith.constant 0 : i32
    %dma_start3A_932 = arith.constant 0 : i32
    %dma_start3A_933 = tpu.memref_slice %arg6[%dma_start3A_924, %dma_start3A_931, %dma_start3A_932] : memref<12x64x128xf32, #tpu.memory_space<vmem>> -> memref<1x64x128xf32, #tpu.memory_space<vmem>>
    %dma_start3A_934 = tpu.memref_squeeze %dma_start3A_933 : memref<1x64x128xf32, #tpu.memory_space<vmem>> -> memref<64x128xf32, #tpu.memory_space<vmem>>
    %dma_start3A_935 = arith.constant 0 : i32
    %dma_start3A_936 = tpu.memref_slice %arg2[%dma_start3A_935, %multiple_of3A_923] : memref<64x1000000xf32, #tpu.memory_space<hbm>> -> memref<64x128xf32, #tpu.memory_space<hbm>>
    tpu.enqueue_dma source(%dma_start3A_936 : memref<64x128xf32, #tpu.memory_space<hbm>>) target(%dma_start3A_934 : memref<64x128xf32, #tpu.memory_space<vmem>>) target_semaphore(%arg8 : memref<!tpu.dma_semaphore, #tpu.memory_space<semaphore_mem>>)
    %jit3A_937 = arith.constant 128 : i32
    %eq3A_938 = arith.constant 0 : i32
    %eq3A_939 = arith.cmpi eq, %jit3A_937, %eq3A_938 : i32
    %jit3A_940 = arith.constant 1 : i32
    %select_n3A_941 = arith.select %eq3A_939, %jit3A_940, %jit3A_937 : i32
    %rem3A_942 = arith.remsi %squeeze3A_15, %select_n3A_941 : i32
    %ne3A_943 = arith.constant 0 : i32
    %ne3A_944 = arith.cmpi ne, %rem3A_942, %ne3A_943 : i32
    %lt3A_945 = arith.constant 0 : i32
    %lt3A_946 = arith.cmpi slt, %rem3A_942, %lt3A_945 : i32
    %lt3A_947 = arith.constant 0 : i32
    %lt3A_948 = arith.cmpi slt, %select_n3A_941, %lt3A_947 : i32
    %ne3A_949 = arith.xori %lt3A_946, %lt3A_948 : i1
    %and3A_950 = arith.andi %ne3A_949, %ne3A_944 : i1
    %add3A_951 = arith.addi %rem3A_942, %select_n3A_941 : i32
    %select_n3A_952 = arith.select %and3A_950, %add3A_951, %rem3A_942 : i32
    %broadcast_in_dim3A_953 = vector.broadcast %select_n3A_952 : i32 to vector<16xi32>
    %broadcast_in_dim3A_954 = arith.constant 6 : i32
    %broadcast_in_dim3A_955 = vector.broadcast %broadcast_in_dim3A_954 : i32 to vector<16xi32>
    %gather3A_956 = arith.constant 6 : i32
    %gather3A_957 = arith.constant 0 : i32
    %gather3A_958 = arith.constant 0 : i32
    %gather3A_959 = tpu.memref_slice %arg6[%gather3A_956, %gather3A_957, %gather3A_958] : memref<12x64x128xf32, #tpu.memory_space<vmem>> -> memref<1x64x128xf32, #tpu.memory_space<vmem>>
    %gather3A_960 = tpu.memref_squeeze %gather3A_959 : memref<1x64x128xf32, #tpu.memory_space<vmem>> -> memref<64x128xf32, #tpu.memory_space<vmem>>
    %gather3A_961 = tpu.vector_load_idx %gather3A_960[%add3A_70, %broadcast_in_dim3A_953] : memref<64x128xf32, #tpu.memory_space<vmem>>[vector<16xi32>, vector<16xi32>], vector<16xf32>,
    tpu.vector_store_idx %arg7[%add3A_70, %broadcast_in_dim3A_955], %gather3A_961 : memref<64x32xf32, #tpu.memory_space<vmem>>[vector<16xi32>, vector<16xi32>], vector<16xf32>,
    %gather3A_962 = arith.constant 6 : i32
    %gather3A_963 = arith.constant 0 : i32
    %gather3A_964 = arith.constant 0 : i32
    %gather3A_965 = tpu.memref_slice %arg6[%gather3A_962, %gather3A_963, %gather3A_964] : memref<12x64x128xf32, #tpu.memory_space<vmem>> -> memref<1x64x128xf32, #tpu.memory_space<vmem>>
    %gather3A_966 = tpu.memref_squeeze %gather3A_965 : memref<1x64x128xf32, #tpu.memory_space<vmem>> -> memref<64x128xf32, #tpu.memory_space<vmem>>
    %gather3A_967 = tpu.vector_load_idx %gather3A_966[%add3A_74, %broadcast_in_dim3A_953] : memref<64x128xf32, #tpu.memory_space<vmem>>[vector<16xi32>, vector<16xi32>], vector<16xf32>,
    tpu.vector_store_idx %arg7[%add3A_74, %broadcast_in_dim3A_955], %gather3A_967 : memref<64x32xf32, #tpu.memory_space<vmem>>[vector<16xi32>, vector<16xi32>], vector<16xf32>,
    %gather3A_968 = arith.constant 6 : i32
    %gather3A_969 = arith.constant 0 : i32
    %gather3A_970 = arith.constant 0 : i32
    %gather3A_971 = tpu.memref_slice %arg6[%gather3A_968, %gather3A_969, %gather3A_970] : memref<12x64x128xf32, #tpu.memory_space<vmem>> -> memref<1x64x128xf32, #tpu.memory_space<vmem>>
    %gather3A_972 = tpu.memref_squeeze %gather3A_971 : memref<1x64x128xf32, #tpu.memory_space<vmem>> -> memref<64x128xf32, #tpu.memory_space<vmem>>
    %gather3A_973 = tpu.vector_load_idx %gather3A_972[%add3A_78, %broadcast_in_dim3A_953] : memref<64x128xf32, #tpu.memory_space<vmem>>[vector<16xi32>, vector<16xi32>], vector<16xf32>,
    tpu.vector_store_idx %arg7[%add3A_78, %broadcast_in_dim3A_955], %gather3A_973 : memref<64x32xf32, #tpu.memory_space<vmem>>[vector<16xi32>, vector<16xi32>], vector<16xf32>,
    %gather3A_974 = arith.constant 6 : i32
    %gather3A_975 = arith.constant 0 : i32
    %gather3A_976 = arith.constant 0 : i32
    %gather3A_977 = tpu.memref_slice %arg6[%gather3A_974, %gather3A_975, %gather3A_976] : memref<12x64x128xf32, #tpu.memory_space<vmem>> -> memref<1x64x128xf32, #tpu.memory_space<vmem>>
    %gather3A_978 = tpu.memref_squeeze %gather3A_977 : memref<1x64x128xf32, #tpu.memory_space<vmem>> -> memref<64x128xf32, #tpu.memory_space<vmem>>
    %gather3A_979 = tpu.vector_load_idx %gather3A_978[%add3A_82, %broadcast_in_dim3A_953] : memref<64x128xf32, #tpu.memory_space<vmem>>[vector<16xi32>, vector<16xi32>], vector<16xf32>,
    tpu.vector_store_idx %arg7[%add3A_82, %broadcast_in_dim3A_955], %gather3A_979 : memref<64x32xf32, #tpu.memory_space<vmem>>[vector<16xi32>, vector<16xi32>], vector<16xf32>,
    %dma_wait3A_980 = arith.constant 7 : i32
    %dma_wait3A_981 = arith.constant 0 : i32
    %dma_wait3A_982 = arith.constant 0 : i32
    %dma_wait3A_983 = tpu.memref_slice %arg6[%dma_wait3A_980, %dma_wait3A_981, %dma_wait3A_982] : memref<12x64x128xf32, #tpu.memory_space<vmem>> -> memref<1x64x128xf32, #tpu.memory_space<vmem>>
    %dma_wait3A_984 = tpu.memref_squeeze %dma_wait3A_983 : memref<1x64x128xf32, #tpu.memory_space<vmem>> -> memref<64x128xf32, #tpu.memory_space<vmem>>
    %dma_wait3A_985 = arith.constant 0 : i32
    %dma_wait3A_986 = tpu.memref_slice %arg2[%dma_wait3A_985, %multiple_of3A_443] : memref<64x1000000xf32, #tpu.memory_space<hbm>> -> memref<64x128xf32, #tpu.memory_space<hbm>>
    %dma_wait3A_987 = arith.constant 0 : i32
    %dma_wait3A_988 = arith.constant 0 : i32
    %dma_wait3A_989 = tpu.memref_slice %arg6[%dma_wait3A_980, %dma_wait3A_987, %dma_wait3A_988] : memref<12x64x128xf32, #tpu.memory_space<vmem>> -> memref<1x64x128xf32, #tpu.memory_space<vmem>>
    %dma_wait3A_990 = tpu.memref_squeeze %dma_wait3A_989 : memref<1x64x128xf32, #tpu.memory_space<vmem>> -> memref<64x128xf32, #tpu.memory_space<vmem>>
    %dma_wait3A_991 = arith.constant 0 : i32
    %dma_wait3A_992 = tpu.memref_slice %arg2[%dma_wait3A_991, %multiple_of3A_443] : memref<64x1000000xf32, #tpu.memory_space<hbm>> -> memref<64x128xf32, #tpu.memory_space<hbm>>
    tpu.wait_dma2 semaphore(%arg15 : memref<!tpu.dma_semaphore, #tpu.memory_space<semaphore_mem>>) src(%dma_wait3A_992 : memref<64x128xf32, #tpu.memory_space<hbm>>) dst(%dma_wait3A_990 : memref<64x128xf32, #tpu.memory_space<vmem>>)
    %jit3A_993 = arith.constant 128 : i32
    %div3A_994 = arith.divsi %squeeze3A_29, %jit3A_993 : i32
    %sign3A_995 = arith.constant 0 : i32
    %sign3A_996 = arith.cmpi sgt, %squeeze3A_29, %sign3A_995 : i32
    %sign3A_997 = arith.extui %sign3A_996 : i1 to i32
    %sign3A_998 = arith.constant 0 : i32
    %sign3A_999 = arith.cmpi slt, %squeeze3A_29, %sign3A_998 : i32
    %sign3A_1000 = arith.extui %sign3A_999 : i1 to i32
    %sign3A_1001 = arith.subi %sign3A_997, %sign3A_1000 : i32
    %sign3A_1002 = arith.constant 0 : i32
    %sign3A_1003 = arith.cmpi sgt, %jit3A_993, %sign3A_1002 : i32
    %sign3A_1004 = arith.extui %sign3A_1003 : i1 to i32
    %sign3A_1005 = arith.constant 0 : i32
    %sign3A_1006 = arith.cmpi slt, %jit3A_993, %sign3A_1005 : i32
    %sign3A_1007 = arith.extui %sign3A_1006 : i1 to i32
    %sign3A_1008 = arith.subi %sign3A_1004, %sign3A_1007 : i32
    %ne3A_1009 = arith.cmpi ne, %sign3A_1001, %sign3A_1008 : i32
    %rem3A_1010 = arith.remsi %squeeze3A_29, %jit3A_993 : i32
    %ne3A_1011 = arith.constant 0 : i32
    %ne3A_1012 = arith.cmpi ne, %rem3A_1010, %ne3A_1011 : i32
    %and3A_1013 = arith.andi %ne3A_1009, %ne3A_1012 : i1
    %sub3A_1014 = arith.constant 1 : i32
    %sub3A_1015 = arith.subi %div3A_994, %sub3A_1014 : i32
    %select_n3A_1016 = arith.select %and3A_1013, %sub3A_1015, %div3A_994 : i32
    %mul3A_1017 = arith.constant 128 : i32
    %mul3A_1018 = arith.muli %select_n3A_1016, %mul3A_1017 : i32
    %multiple_of3A_1019 = tpu.assume_multiple %mul3A_1018, 128 : i32
    %dma_start3A_1020 = arith.constant 1 : i32
    %dma_start3A_1021 = arith.constant 0 : i32
    %dma_start3A_1022 = arith.constant 0 : i32
    %dma_start3A_1023 = tpu.memref_slice %arg6[%dma_start3A_1020, %dma_start3A_1021, %dma_start3A_1022] : memref<12x64x128xf32, #tpu.memory_space<vmem>> -> memref<1x64x128xf32, #tpu.memory_space<vmem>>
    %dma_start3A_1024 = tpu.memref_squeeze %dma_start3A_1023 : memref<1x64x128xf32, #tpu.memory_space<vmem>> -> memref<64x128xf32, #tpu.memory_space<vmem>>
    %dma_start3A_1025 = arith.constant 0 : i32
    %dma_start3A_1026 = tpu.memref_slice %arg2[%dma_start3A_1025, %multiple_of3A_1019] : memref<64x1000000xf32, #tpu.memory_space<hbm>> -> memref<64x128xf32, #tpu.memory_space<hbm>>
    %dma_start3A_1027 = arith.constant 0 : i32
    %dma_start3A_1028 = arith.constant 0 : i32
    %dma_start3A_1029 = tpu.memref_slice %arg6[%dma_start3A_1020, %dma_start3A_1027, %dma_start3A_1028] : memref<12x64x128xf32, #tpu.memory_space<vmem>> -> memref<1x64x128xf32, #tpu.memory_space<vmem>>
    %dma_start3A_1030 = tpu.memref_squeeze %dma_start3A_1029 : memref<1x64x128xf32, #tpu.memory_space<vmem>> -> memref<64x128xf32, #tpu.memory_space<vmem>>
    %dma_start3A_1031 = arith.constant 0 : i32
    %dma_start3A_1032 = tpu.memref_slice %arg2[%dma_start3A_1031, %multiple_of3A_1019] : memref<64x1000000xf32, #tpu.memory_space<hbm>> -> memref<64x128xf32, #tpu.memory_space<hbm>>
    tpu.enqueue_dma source(%dma_start3A_1032 : memref<64x128xf32, #tpu.memory_space<hbm>>) target(%dma_start3A_1030 : memref<64x128xf32, #tpu.memory_space<vmem>>) target_semaphore(%arg9 : memref<!tpu.dma_semaphore, #tpu.memory_space<semaphore_mem>>)
    %jit3A_1033 = arith.constant 128 : i32
    %eq3A_1034 = arith.constant 0 : i32
    %eq3A_1035 = arith.cmpi eq, %jit3A_1033, %eq3A_1034 : i32
    %jit3A_1036 = arith.constant 1 : i32
    %select_n3A_1037 = arith.select %eq3A_1035, %jit3A_1036, %jit3A_1033 : i32
    %rem3A_1038 = arith.remsi %squeeze3A_17, %select_n3A_1037 : i32
    %ne3A_1039 = arith.constant 0 : i32
    %ne3A_1040 = arith.cmpi ne, %rem3A_1038, %ne3A_1039 : i32
    %lt3A_1041 = arith.constant 0 : i32
    %lt3A_1042 = arith.cmpi slt, %rem3A_1038, %lt3A_1041 : i32
    %lt3A_1043 = arith.constant 0 : i32
    %lt3A_1044 = arith.cmpi slt, %select_n3A_1037, %lt3A_1043 : i32
    %ne3A_1045 = arith.xori %lt3A_1042, %lt3A_1044 : i1
    %and3A_1046 = arith.andi %ne3A_1045, %ne3A_1040 : i1
    %add3A_1047 = arith.addi %rem3A_1038, %select_n3A_1037 : i32
    %select_n3A_1048 = arith.select %and3A_1046, %add3A_1047, %rem3A_1038 : i32
    %broadcast_in_dim3A_1049 = vector.broadcast %select_n3A_1048 : i32 to vector<16xi32>
    %broadcast_in_dim3A_1050 = arith.constant 7 : i32
    %broadcast_in_dim3A_1051 = vector.broadcast %broadcast_in_dim3A_1050 : i32 to vector<16xi32>
    %gather3A_1052 = arith.constant 7 : i32
    %gather3A_1053 = arith.constant 0 : i32
    %gather3A_1054 = arith.constant 0 : i32
    %gather3A_1055 = tpu.memref_slice %arg6[%gather3A_1052, %gather3A_1053, %gather3A_1054] : memref<12x64x128xf32, #tpu.memory_space<vmem>> -> memref<1x64x128xf32, #tpu.memory_space<vmem>>
    %gather3A_1056 = tpu.memref_squeeze %gather3A_1055 : memref<1x64x128xf32, #tpu.memory_space<vmem>> -> memref<64x128xf32, #tpu.memory_space<vmem>>
    %gather3A_1057 = tpu.vector_load_idx %gather3A_1056[%add3A_70, %broadcast_in_dim3A_1049] : memref<64x128xf32, #tpu.memory_space<vmem>>[vector<16xi32>, vector<16xi32>], vector<16xf32>,
    tpu.vector_store_idx %arg7[%add3A_70, %broadcast_in_dim3A_1051], %gather3A_1057 : memref<64x32xf32, #tpu.memory_space<vmem>>[vector<16xi32>, vector<16xi32>], vector<16xf32>,
    %gather3A_1058 = arith.constant 7 : i32
    %gather3A_1059 = arith.constant 0 : i32
    %gather3A_1060 = arith.constant 0 : i32
    %gather3A_1061 = tpu.memref_slice %arg6[%gather3A_1058, %gather3A_1059, %gather3A_1060] : memref<12x64x128xf32, #tpu.memory_space<vmem>> -> memref<1x64x128xf32, #tpu.memory_space<vmem>>
    %gather3A_1062 = tpu.memref_squeeze %gather3A_1061 : memref<1x64x128xf32, #tpu.memory_space<vmem>> -> memref<64x128xf32, #tpu.memory_space<vmem>>
    %gather3A_1063 = tpu.vector_load_idx %gather3A_1062[%add3A_74, %broadcast_in_dim3A_1049] : memref<64x128xf32, #tpu.memory_space<vmem>>[vector<16xi32>, vector<16xi32>], vector<16xf32>,
    tpu.vector_store_idx %arg7[%add3A_74, %broadcast_in_dim3A_1051], %gather3A_1063 : memref<64x32xf32, #tpu.memory_space<vmem>>[vector<16xi32>, vector<16xi32>], vector<16xf32>,
    %gather3A_1064 = arith.constant 7 : i32
    %gather3A_1065 = arith.constant 0 : i32
    %gather3A_1066 = arith.constant 0 : i32
    %gather3A_1067 = tpu.memref_slice %arg6[%gather3A_1064, %gather3A_1065, %gather3A_1066] : memref<12x64x128xf32, #tpu.memory_space<vmem>> -> memref<1x64x128xf32, #tpu.memory_space<vmem>>
    %gather3A_1068 = tpu.memref_squeeze %gather3A_1067 : memref<1x64x128xf32, #tpu.memory_space<vmem>> -> memref<64x128xf32, #tpu.memory_space<vmem>>
    %gather3A_1069 = tpu.vector_load_idx %gather3A_1068[%add3A_78, %broadcast_in_dim3A_1049] : memref<64x128xf32, #tpu.memory_space<vmem>>[vector<16xi32>, vector<16xi32>], vector<16xf32>,
    tpu.vector_store_idx %arg7[%add3A_78, %broadcast_in_dim3A_1051], %gather3A_1069 : memref<64x32xf32, #tpu.memory_space<vmem>>[vector<16xi32>, vector<16xi32>], vector<16xf32>,
    %gather3A_1070 = arith.constant 7 : i32
    %gather3A_1071 = arith.constant 0 : i32
    %gather3A_1072 = arith.constant 0 : i32
    %gather3A_1073 = tpu.memref_slice %arg6[%gather3A_1070, %gather3A_1071, %gather3A_1072] : memref<12x64x128xf32, #tpu.memory_space<vmem>> -> memref<1x64x128xf32, #tpu.memory_space<vmem>>
    %gather3A_1074 = tpu.memref_squeeze %gather3A_1073 : memref<1x64x128xf32, #tpu.memory_space<vmem>> -> memref<64x128xf32, #tpu.memory_space<vmem>>
    %gather3A_1075 = tpu.vector_load_idx %gather3A_1074[%add3A_82, %broadcast_in_dim3A_1049] : memref<64x128xf32, #tpu.memory_space<vmem>>[vector<16xi32>, vector<16xi32>], vector<16xf32>,
    tpu.vector_store_idx %arg7[%add3A_82, %broadcast_in_dim3A_1051], %gather3A_1075 : memref<64x32xf32, #tpu.memory_space<vmem>>[vector<16xi32>, vector<16xi32>], vector<16xf32>,
    %dma_wait3A_1076 = arith.constant 8 : i32
    %dma_wait3A_1077 = arith.constant 0 : i32
    %dma_wait3A_1078 = arith.constant 0 : i32
    %dma_wait3A_1079 = tpu.memref_slice %arg6[%dma_wait3A_1076, %dma_wait3A_1077, %dma_wait3A_1078] : memref<12x64x128xf32, #tpu.memory_space<vmem>> -> memref<1x64x128xf32, #tpu.memory_space<vmem>>
    %dma_wait3A_1080 = tpu.memref_squeeze %dma_wait3A_1079 : memref<1x64x128xf32, #tpu.memory_space<vmem>> -> memref<64x128xf32, #tpu.memory_space<vmem>>
    %dma_wait3A_1081 = arith.constant 0 : i32
    %dma_wait3A_1082 = tpu.memref_slice %arg2[%dma_wait3A_1081, %multiple_of3A_539] : memref<64x1000000xf32, #tpu.memory_space<hbm>> -> memref<64x128xf32, #tpu.memory_space<hbm>>
    %dma_wait3A_1083 = arith.constant 0 : i32
    %dma_wait3A_1084 = arith.constant 0 : i32
    %dma_wait3A_1085 = tpu.memref_slice %arg6[%dma_wait3A_1076, %dma_wait3A_1083, %dma_wait3A_1084] : memref<12x64x128xf32, #tpu.memory_space<vmem>> -> memref<1x64x128xf32, #tpu.memory_space<vmem>>
    %dma_wait3A_1086 = tpu.memref_squeeze %dma_wait3A_1085 : memref<1x64x128xf32, #tpu.memory_space<vmem>> -> memref<64x128xf32, #tpu.memory_space<vmem>>
    %dma_wait3A_1087 = arith.constant 0 : i32
    %dma_wait3A_1088 = tpu.memref_slice %arg2[%dma_wait3A_1087, %multiple_of3A_539] : memref<64x1000000xf32, #tpu.memory_space<hbm>> -> memref<64x128xf32, #tpu.memory_space<hbm>>
    tpu.wait_dma2 semaphore(%arg16 : memref<!tpu.dma_semaphore, #tpu.memory_space<semaphore_mem>>) src(%dma_wait3A_1088 : memref<64x128xf32, #tpu.memory_space<hbm>>) dst(%dma_wait3A_1086 : memref<64x128xf32, #tpu.memory_space<vmem>>)
    %jit3A_1089 = arith.constant 128 : i32
    %div3A_1090 = arith.divsi %squeeze3A_31, %jit3A_1089 : i32
    %sign3A_1091 = arith.constant 0 : i32
    %sign3A_1092 = arith.cmpi sgt, %squeeze3A_31, %sign3A_1091 : i32
    %sign3A_1093 = arith.extui %sign3A_1092 : i1 to i32
    %sign3A_1094 = arith.constant 0 : i32
    %sign3A_1095 = arith.cmpi slt, %squeeze3A_31, %sign3A_1094 : i32
    %sign3A_1096 = arith.extui %sign3A_1095 : i1 to i32
    %sign3A_1097 = arith.subi %sign3A_1093, %sign3A_1096 : i32
    %sign3A_1098 = arith.constant 0 : i32
    %sign3A_1099 = arith.cmpi sgt, %jit3A_1089, %sign3A_1098 : i32
    %sign3A_1100 = arith.extui %sign3A_1099 : i1 to i32
    %sign3A_1101 = arith.constant 0 : i32
    %sign3A_1102 = arith.cmpi slt, %jit3A_1089, %sign3A_1101 : i32
    %sign3A_1103 = arith.extui %sign3A_1102 : i1 to i32
    %sign3A_1104 = arith.subi %sign3A_1100, %sign3A_1103 : i32
    %ne3A_1105 = arith.cmpi ne, %sign3A_1097, %sign3A_1104 : i32
    %rem3A_1106 = arith.remsi %squeeze3A_31, %jit3A_1089 : i32
    %ne3A_1107 = arith.constant 0 : i32
    %ne3A_1108 = arith.cmpi ne, %rem3A_1106, %ne3A_1107 : i32
    %and3A_1109 = arith.andi %ne3A_1105, %ne3A_1108 : i1
    %sub3A_1110 = arith.constant 1 : i32
    %sub3A_1111 = arith.subi %div3A_1090, %sub3A_1110 : i32
    %select_n3A_1112 = arith.select %and3A_1109, %sub3A_1111, %div3A_1090 : i32
    %mul3A_1113 = arith.constant 128 : i32
    %mul3A_1114 = arith.muli %select_n3A_1112, %mul3A_1113 : i32
    %multiple_of3A_1115 = tpu.assume_multiple %mul3A_1114, 128 : i32
    %dma_start3A_1116 = arith.constant 2 : i32
    %dma_start3A_1117 = arith.constant 0 : i32
    %dma_start3A_1118 = arith.constant 0 : i32
    %dma_start3A_1119 = tpu.memref_slice %arg6[%dma_start3A_1116, %dma_start3A_1117, %dma_start3A_1118] : memref<12x64x128xf32, #tpu.memory_space<vmem>> -> memref<1x64x128xf32, #tpu.memory_space<vmem>>
    %dma_start3A_1120 = tpu.memref_squeeze %dma_start3A_1119 : memref<1x64x128xf32, #tpu.memory_space<vmem>> -> memref<64x128xf32, #tpu.memory_space<vmem>>
    %dma_start3A_1121 = arith.constant 0 : i32
    %dma_start3A_1122 = tpu.memref_slice %arg2[%dma_start3A_1121, %multiple_of3A_1115] : memref<64x1000000xf32, #tpu.memory_space<hbm>> -> memref<64x128xf32, #tpu.memory_space<hbm>>
    %dma_start3A_1123 = arith.constant 0 : i32
    %dma_start3A_1124 = arith.constant 0 : i32
    %dma_start3A_1125 = tpu.memref_slice %arg6[%dma_start3A_1116, %dma_start3A_1123, %dma_start3A_1124] : memref<12x64x128xf32, #tpu.memory_space<vmem>> -> memref<1x64x128xf32, #tpu.memory_space<vmem>>
    %dma_start3A_1126 = tpu.memref_squeeze %dma_start3A_1125 : memref<1x64x128xf32, #tpu.memory_space<vmem>> -> memref<64x128xf32, #tpu.memory_space<vmem>>
    %dma_start3A_1127 = arith.constant 0 : i32
    %dma_start3A_1128 = tpu.memref_slice %arg2[%dma_start3A_1127, %multiple_of3A_1115] : memref<64x1000000xf32, #tpu.memory_space<hbm>> -> memref<64x128xf32, #tpu.memory_space<hbm>>
    tpu.enqueue_dma source(%dma_start3A_1128 : memref<64x128xf32, #tpu.memory_space<hbm>>) target(%dma_start3A_1126 : memref<64x128xf32, #tpu.memory_space<vmem>>) target_semaphore(%arg10 : memref<!tpu.dma_semaphore, #tpu.memory_space<semaphore_mem>>)
    %jit3A_1129 = arith.constant 128 : i32
    %eq3A_1130 = arith.constant 0 : i32
    %eq3A_1131 = arith.cmpi eq, %jit3A_1129, %eq3A_1130 : i32
    %jit3A_1132 = arith.constant 1 : i32
    %select_n3A_1133 = arith.select %eq3A_1131, %jit3A_1132, %jit3A_1129 : i32
    %rem3A_1134 = arith.remsi %squeeze3A_19, %select_n3A_1133 : i32
    %ne3A_1135 = arith.constant 0 : i32
    %ne3A_1136 = arith.cmpi ne, %rem3A_1134, %ne3A_1135 : i32
    %lt3A_1137 = arith.constant 0 : i32
    %lt3A_1138 = arith.cmpi slt, %rem3A_1134, %lt3A_1137 : i32
    %lt3A_1139 = arith.constant 0 : i32
    %lt3A_1140 = arith.cmpi slt, %select_n3A_1133, %lt3A_1139 : i32
    %ne3A_1141 = arith.xori %lt3A_1138, %lt3A_1140 : i1
    %and3A_1142 = arith.andi %ne3A_1141, %ne3A_1136 : i1
    %add3A_1143 = arith.addi %rem3A_1134, %select_n3A_1133 : i32
    %select_n3A_1144 = arith.select %and3A_1142, %add3A_1143, %rem3A_1134 : i32
    %broadcast_in_dim3A_1145 = vector.broadcast %select_n3A_1144 : i32 to vector<16xi32>
    %broadcast_in_dim3A_1146 = arith.constant 8 : i32
    %broadcast_in_dim3A_1147 = vector.broadcast %broadcast_in_dim3A_1146 : i32 to vector<16xi32>
    %gather3A_1148 = arith.constant 8 : i32
    %gather3A_1149 = arith.constant 0 : i32
    %gather3A_1150 = arith.constant 0 : i32
    %gather3A_1151 = tpu.memref_slice %arg6[%gather3A_1148, %gather3A_1149, %gather3A_1150] : memref<12x64x128xf32, #tpu.memory_space<vmem>> -> memref<1x64x128xf32, #tpu.memory_space<vmem>>
    %gather3A_1152 = tpu.memref_squeeze %gather3A_1151 : memref<1x64x128xf32, #tpu.memory_space<vmem>> -> memref<64x128xf32, #tpu.memory_space<vmem>>
    %gather3A_1153 = tpu.vector_load_idx %gather3A_1152[%add3A_70, %broadcast_in_dim3A_1145] : memref<64x128xf32, #tpu.memory_space<vmem>>[vector<16xi32>, vector<16xi32>], vector<16xf32>,
    tpu.vector_store_idx %arg7[%add3A_70, %broadcast_in_dim3A_1147], %gather3A_1153 : memref<64x32xf32, #tpu.memory_space<vmem>>[vector<16xi32>, vector<16xi32>], vector<16xf32>,
    %gather3A_1154 = arith.constant 8 : i32
    %gather3A_1155 = arith.constant 0 : i32
    %gather3A_1156 = arith.constant 0 : i32
    %gather3A_1157 = tpu.memref_slice %arg6[%gather3A_1154, %gather3A_1155, %gather3A_1156] : memref<12x64x128xf32, #tpu.memory_space<vmem>> -> memref<1x64x128xf32, #tpu.memory_space<vmem>>
    %gather3A_1158 = tpu.memref_squeeze %gather3A_1157 : memref<1x64x128xf32, #tpu.memory_space<vmem>> -> memref<64x128xf32, #tpu.memory_space<vmem>>
    %gather3A_1159 = tpu.vector_load_idx %gather3A_1158[%add3A_74, %broadcast_in_dim3A_1145] : memref<64x128xf32, #tpu.memory_space<vmem>>[vector<16xi32>, vector<16xi32>], vector<16xf32>,
    tpu.vector_store_idx %arg7[%add3A_74, %broadcast_in_dim3A_1147], %gather3A_1159 : memref<64x32xf32, #tpu.memory_space<vmem>>[vector<16xi32>, vector<16xi32>], vector<16xf32>,
    %gather3A_1160 = arith.constant 8 : i32
    %gather3A_1161 = arith.constant 0 : i32
    %gather3A_1162 = arith.constant 0 : i32
    %gather3A_1163 = tpu.memref_slice %arg6[%gather3A_1160, %gather3A_1161, %gather3A_1162] : memref<12x64x128xf32, #tpu.memory_space<vmem>> -> memref<1x64x128xf32, #tpu.memory_space<vmem>>
    %gather3A_1164 = tpu.memref_squeeze %gather3A_1163 : memref<1x64x128xf32, #tpu.memory_space<vmem>> -> memref<64x128xf32, #tpu.memory_space<vmem>>
    %gather3A_1165 = tpu.vector_load_idx %gather3A_1164[%add3A_78, %broadcast_in_dim3A_1145] : memref<64x128xf32, #tpu.memory_space<vmem>>[vector<16xi32>, vector<16xi32>], vector<16xf32>,
    tpu.vector_store_idx %arg7[%add3A_78, %broadcast_in_dim3A_1147], %gather3A_1165 : memref<64x32xf32, #tpu.memory_space<vmem>>[vector<16xi32>, vector<16xi32>], vector<16xf32>,
    %gather3A_1166 = arith.constant 8 : i32
    %gather3A_1167 = arith.constant 0 : i32
    %gather3A_1168 = arith.constant 0 : i32
    %gather3A_1169 = tpu.memref_slice %arg6[%gather3A_1166, %gather3A_1167, %gather3A_1168] : memref<12x64x128xf32, #tpu.memory_space<vmem>> -> memref<1x64x128xf32, #tpu.memory_space<vmem>>
    %gather3A_1170 = tpu.memref_squeeze %gather3A_1169 : memref<1x64x128xf32, #tpu.memory_space<vmem>> -> memref<64x128xf32, #tpu.memory_space<vmem>>
    %gather3A_1171 = tpu.vector_load_idx %gather3A_1170[%add3A_82, %broadcast_in_dim3A_1145] : memref<64x128xf32, #tpu.memory_space<vmem>>[vector<16xi32>, vector<16xi32>], vector<16xf32>,
    tpu.vector_store_idx %arg7[%add3A_82, %broadcast_in_dim3A_1147], %gather3A_1171 : memref<64x32xf32, #tpu.memory_space<vmem>>[vector<16xi32>, vector<16xi32>], vector<16xf32>,
    %dma_wait3A_1172 = arith.constant 9 : i32
    %dma_wait3A_1173 = arith.constant 0 : i32
    %dma_wait3A_1174 = arith.constant 0 : i32
    %dma_wait3A_1175 = tpu.memref_slice %arg6[%dma_wait3A_1172, %dma_wait3A_1173, %dma_wait3A_1174] : memref<12x64x128xf32, #tpu.memory_space<vmem>> -> memref<1x64x128xf32, #tpu.memory_space<vmem>>
    %dma_wait3A_1176 = tpu.memref_squeeze %dma_wait3A_1175 : memref<1x64x128xf32, #tpu.memory_space<vmem>> -> memref<64x128xf32, #tpu.memory_space<vmem>>
    %dma_wait3A_1177 = arith.constant 0 : i32
    %dma_wait3A_1178 = tpu.memref_slice %arg2[%dma_wait3A_1177, %multiple_of3A_635] : memref<64x1000000xf32, #tpu.memory_space<hbm>> -> memref<64x128xf32, #tpu.memory_space<hbm>>
    %dma_wait3A_1179 = arith.constant 0 : i32
    %dma_wait3A_1180 = arith.constant 0 : i32
    %dma_wait3A_1181 = tpu.memref_slice %arg6[%dma_wait3A_1172, %dma_wait3A_1179, %dma_wait3A_1180] : memref<12x64x128xf32, #tpu.memory_space<vmem>> -> memref<1x64x128xf32, #tpu.memory_space<vmem>>
    %dma_wait3A_1182 = tpu.memref_squeeze %dma_wait3A_1181 : memref<1x64x128xf32, #tpu.memory_space<vmem>> -> memref<64x128xf32, #tpu.memory_space<vmem>>
    %dma_wait3A_1183 = arith.constant 0 : i32
    %dma_wait3A_1184 = tpu.memref_slice %arg2[%dma_wait3A_1183, %multiple_of3A_635] : memref<64x1000000xf32, #tpu.memory_space<hbm>> -> memref<64x128xf32, #tpu.memory_space<hbm>>
    tpu.wait_dma2 semaphore(%arg17 : memref<!tpu.dma_semaphore, #tpu.memory_space<semaphore_mem>>) src(%dma_wait3A_1184 : memref<64x128xf32, #tpu.memory_space<hbm>>) dst(%dma_wait3A_1182 : memref<64x128xf32, #tpu.memory_space<vmem>>)
    %jit3A_1185 = arith.constant 128 : i32
    %div3A_1186 = arith.divsi %squeeze3A_33, %jit3A_1185 : i32
    %sign3A_1187 = arith.constant 0 : i32
    %sign3A_1188 = arith.cmpi sgt, %squeeze3A_33, %sign3A_1187 : i32
    %sign3A_1189 = arith.extui %sign3A_1188 : i1 to i32
    %sign3A_1190 = arith.constant 0 : i32
    %sign3A_1191 = arith.cmpi slt, %squeeze3A_33, %sign3A_1190 : i32
    %sign3A_1192 = arith.extui %sign3A_1191 : i1 to i32
    %sign3A_1193 = arith.subi %sign3A_1189, %sign3A_1192 : i32
    %sign3A_1194 = arith.constant 0 : i32
    %sign3A_1195 = arith.cmpi sgt, %jit3A_1185, %sign3A_1194 : i32
    %sign3A_1196 = arith.extui %sign3A_1195 : i1 to i32
    %sign3A_1197 = arith.constant 0 : i32
    %sign3A_1198 = arith.cmpi slt, %jit3A_1185, %sign3A_1197 : i32
    %sign3A_1199 = arith.extui %sign3A_1198 : i1 to i32
    %sign3A_1200 = arith.subi %sign3A_1196, %sign3A_1199 : i32
    %ne3A_1201 = arith.cmpi ne, %sign3A_1193, %sign3A_1200 : i32
    %rem3A_1202 = arith.remsi %squeeze3A_33, %jit3A_1185 : i32
    %ne3A_1203 = arith.constant 0 : i32
    %ne3A_1204 = arith.cmpi ne, %rem3A_1202, %ne3A_1203 : i32
    %and3A_1205 = arith.andi %ne3A_1201, %ne3A_1204 : i1
    %sub3A_1206 = arith.constant 1 : i32
    %sub3A_1207 = arith.subi %div3A_1186, %sub3A_1206 : i32
    %select_n3A_1208 = arith.select %and3A_1205, %sub3A_1207, %div3A_1186 : i32
    %mul3A_1209 = arith.constant 128 : i32
    %mul3A_1210 = arith.muli %select_n3A_1208, %mul3A_1209 : i32
    %multiple_of3A_1211 = tpu.assume_multiple %mul3A_1210, 128 : i32
    %dma_start3A_1212 = arith.constant 3 : i32
    %dma_start3A_1213 = arith.constant 0 : i32
    %dma_start3A_1214 = arith.constant 0 : i32
    %dma_start3A_1215 = tpu.memref_slice %arg6[%dma_start3A_1212, %dma_start3A_1213, %dma_start3A_1214] : memref<12x64x128xf32, #tpu.memory_space<vmem>> -> memref<1x64x128xf32, #tpu.memory_space<vmem>>
    %dma_start3A_1216 = tpu.memref_squeeze %dma_start3A_1215 : memref<1x64x128xf32, #tpu.memory_space<vmem>> -> memref<64x128xf32, #tpu.memory_space<vmem>>
    %dma_start3A_1217 = arith.constant 0 : i32
    %dma_start3A_1218 = tpu.memref_slice %arg2[%dma_start3A_1217, %multiple_of3A_1211] : memref<64x1000000xf32, #tpu.memory_space<hbm>> -> memref<64x128xf32, #tpu.memory_space<hbm>>
    %dma_start3A_1219 = arith.constant 0 : i32
    %dma_start3A_1220 = arith.constant 0 : i32
    %dma_start3A_1221 = tpu.memref_slice %arg6[%dma_start3A_1212, %dma_start3A_1219, %dma_start3A_1220] : memref<12x64x128xf32, #tpu.memory_space<vmem>> -> memref<1x64x128xf32, #tpu.memory_space<vmem>>
    %dma_start3A_1222 = tpu.memref_squeeze %dma_start3A_1221 : memref<1x64x128xf32, #tpu.memory_space<vmem>> -> memref<64x128xf32, #tpu.memory_space<vmem>>
    %dma_start3A_1223 = arith.constant 0 : i32
    %dma_start3A_1224 = tpu.memref_slice %arg2[%dma_start3A_1223, %multiple_of3A_1211] : memref<64x1000000xf32, #tpu.memory_space<hbm>> -> memref<64x128xf32, #tpu.memory_space<hbm>>
    tpu.enqueue_dma source(%dma_start3A_1224 : memref<64x128xf32, #tpu.memory_space<hbm>>) target(%dma_start3A_1222 : memref<64x128xf32, #tpu.memory_space<vmem>>) target_semaphore(%arg11 : memref<!tpu.dma_semaphore, #tpu.memory_space<semaphore_mem>>)
    %jit3A_1225 = arith.constant 128 : i32
    %eq3A_1226 = arith.constant 0 : i32
    %eq3A_1227 = arith.cmpi eq, %jit3A_1225, %eq3A_1226 : i32
    %jit3A_1228 = arith.constant 1 : i32
    %select_n3A_1229 = arith.select %eq3A_1227, %jit3A_1228, %jit3A_1225 : i32
    %rem3A_1230 = arith.remsi %squeeze3A_21, %select_n3A_1229 : i32
    %ne3A_1231 = arith.constant 0 : i32
    %ne3A_1232 = arith.cmpi ne, %rem3A_1230, %ne3A_1231 : i32
    %lt3A_1233 = arith.constant 0 : i32
    %lt3A_1234 = arith.cmpi slt, %rem3A_1230, %lt3A_1233 : i32
    %lt3A_1235 = arith.constant 0 : i32
    %lt3A_1236 = arith.cmpi slt, %select_n3A_1229, %lt3A_1235 : i32
    %ne3A_1237 = arith.xori %lt3A_1234, %lt3A_1236 : i1
    %and3A_1238 = arith.andi %ne3A_1237, %ne3A_1232 : i1
    %add3A_1239 = arith.addi %rem3A_1230, %select_n3A_1229 : i32
    %select_n3A_1240 = arith.select %and3A_1238, %add3A_1239, %rem3A_1230 : i32
    %broadcast_in_dim3A_1241 = vector.broadcast %select_n3A_1240 : i32 to vector<16xi32>
    %broadcast_in_dim3A_1242 = arith.constant 9 : i32
    %broadcast_in_dim3A_1243 = vector.broadcast %broadcast_in_dim3A_1242 : i32 to vector<16xi32>
    %gather3A_1244 = arith.constant 9 : i32
    %gather3A_1245 = arith.constant 0 : i32
    %gather3A_1246 = arith.constant 0 : i32
    %gather3A_1247 = tpu.memref_slice %arg6[%gather3A_1244, %gather3A_1245, %gather3A_1246] : memref<12x64x128xf32, #tpu.memory_space<vmem>> -> memref<1x64x128xf32, #tpu.memory_space<vmem>>
    %gather3A_1248 = tpu.memref_squeeze %gather3A_1247 : memref<1x64x128xf32, #tpu.memory_space<vmem>> -> memref<64x128xf32, #tpu.memory_space<vmem>>
    %gather3A_1249 = tpu.vector_load_idx %gather3A_1248[%add3A_70, %broadcast_in_dim3A_1241] : memref<64x128xf32, #tpu.memory_space<vmem>>[vector<16xi32>, vector<16xi32>], vector<16xf32>,
    tpu.vector_store_idx %arg7[%add3A_70, %broadcast_in_dim3A_1243], %gather3A_1249 : memref<64x32xf32, #tpu.memory_space<vmem>>[vector<16xi32>, vector<16xi32>], vector<16xf32>,
    %gather3A_1250 = arith.constant 9 : i32
    %gather3A_1251 = arith.constant 0 : i32
    %gather3A_1252 = arith.constant 0 : i32
    %gather3A_1253 = tpu.memref_slice %arg6[%gather3A_1250, %gather3A_1251, %gather3A_1252] : memref<12x64x128xf32, #tpu.memory_space<vmem>> -> memref<1x64x128xf32, #tpu.memory_space<vmem>>
    %gather3A_1254 = tpu.memref_squeeze %gather3A_1253 : memref<1x64x128xf32, #tpu.memory_space<vmem>> -> memref<64x128xf32, #tpu.memory_space<vmem>>
    %gather3A_1255 = tpu.vector_load_idx %gather3A_1254[%add3A_74, %broadcast_in_dim3A_1241] : memref<64x128xf32, #tpu.memory_space<vmem>>[vector<16xi32>, vector<16xi32>], vector<16xf32>,
    tpu.vector_store_idx %arg7[%add3A_74, %broadcast_in_dim3A_1243], %gather3A_1255 : memref<64x32xf32, #tpu.memory_space<vmem>>[vector<16xi32>, vector<16xi32>], vector<16xf32>,
    %gather3A_1256 = arith.constant 9 : i32
    %gather3A_1257 = arith.constant 0 : i32
    %gather3A_1258 = arith.constant 0 : i32
    %gather3A_1259 = tpu.memref_slice %arg6[%gather3A_1256, %gather3A_1257, %gather3A_1258] : memref<12x64x128xf32, #tpu.memory_space<vmem>> -> memref<1x64x128xf32, #tpu.memory_space<vmem>>
    %gather3A_1260 = tpu.memref_squeeze %gather3A_1259 : memref<1x64x128xf32, #tpu.memory_space<vmem>> -> memref<64x128xf32, #tpu.memory_space<vmem>>
    %gather3A_1261 = tpu.vector_load_idx %gather3A_1260[%add3A_78, %broadcast_in_dim3A_1241] : memref<64x128xf32, #tpu.memory_space<vmem>>[vector<16xi32>, vector<16xi32>], vector<16xf32>,
    tpu.vector_store_idx %arg7[%add3A_78, %broadcast_in_dim3A_1243], %gather3A_1261 : memref<64x32xf32, #tpu.memory_space<vmem>>[vector<16xi32>, vector<16xi32>], vector<16xf32>,
    %gather3A_1262 = arith.constant 9 : i32
    %gather3A_1263 = arith.constant 0 : i32
    %gather3A_1264 = arith.constant 0 : i32
    %gather3A_1265 = tpu.memref_slice %arg6[%gather3A_1262, %gather3A_1263, %gather3A_1264] : memref<12x64x128xf32, #tpu.memory_space<vmem>> -> memref<1x64x128xf32, #tpu.memory_space<vmem>>
    %gather3A_1266 = tpu.memref_squeeze %gather3A_1265 : memref<1x64x128xf32, #tpu.memory_space<vmem>> -> memref<64x128xf32, #tpu.memory_space<vmem>>
    %gather3A_1267 = tpu.vector_load_idx %gather3A_1266[%add3A_82, %broadcast_in_dim3A_1241] : memref<64x128xf32, #tpu.memory_space<vmem>>[vector<16xi32>, vector<16xi32>], vector<16xf32>,
    tpu.vector_store_idx %arg7[%add3A_82, %broadcast_in_dim3A_1243], %gather3A_1267 : memref<64x32xf32, #tpu.memory_space<vmem>>[vector<16xi32>, vector<16xi32>], vector<16xf32>,
    %dma_wait3A_1268 = arith.constant 10 : i32
    %dma_wait3A_1269 = arith.constant 0 : i32
    %dma_wait3A_1270 = arith.constant 0 : i32
    %dma_wait3A_1271 = tpu.memref_slice %arg6[%dma_wait3A_1268, %dma_wait3A_1269, %dma_wait3A_1270] : memref<12x64x128xf32, #tpu.memory_space<vmem>> -> memref<1x64x128xf32, #tpu.memory_space<vmem>>
    %dma_wait3A_1272 = tpu.memref_squeeze %dma_wait3A_1271 : memref<1x64x128xf32, #tpu.memory_space<vmem>> -> memref<64x128xf32, #tpu.memory_space<vmem>>
    %dma_wait3A_1273 = arith.constant 0 : i32
    %dma_wait3A_1274 = tpu.memref_slice %arg2[%dma_wait3A_1273, %multiple_of3A_731] : memref<64x1000000xf32, #tpu.memory_space<hbm>> -> memref<64x128xf32, #tpu.memory_space<hbm>>
    %dma_wait3A_1275 = arith.constant 0 : i32
    %dma_wait3A_1276 = arith.constant 0 : i32
    %dma_wait3A_1277 = tpu.memref_slice %arg6[%dma_wait3A_1268, %dma_wait3A_1275, %dma_wait3A_1276] : memref<12x64x128xf32, #tpu.memory_space<vmem>> -> memref<1x64x128xf32, #tpu.memory_space<vmem>>
    %dma_wait3A_1278 = tpu.memref_squeeze %dma_wait3A_1277 : memref<1x64x128xf32, #tpu.memory_space<vmem>> -> memref<64x128xf32, #tpu.memory_space<vmem>>
    %dma_wait3A_1279 = arith.constant 0 : i32
    %dma_wait3A_1280 = tpu.memref_slice %arg2[%dma_wait3A_1279, %multiple_of3A_731] : memref<64x1000000xf32, #tpu.memory_space<hbm>> -> memref<64x128xf32, #tpu.memory_space<hbm>>
    tpu.wait_dma2 semaphore(%arg18 : memref<!tpu.dma_semaphore, #tpu.memory_space<semaphore_mem>>) src(%dma_wait3A_1280 : memref<64x128xf32, #tpu.memory_space<hbm>>) dst(%dma_wait3A_1278 : memref<64x128xf32, #tpu.memory_space<vmem>>)
    %jit3A_1281 = arith.constant 128 : i32
    %div3A_1282 = arith.divsi %squeeze3A_37, %jit3A_1281 : i32
    %sign3A_1283 = arith.constant 0 : i32
    %sign3A_1284 = arith.cmpi sgt, %squeeze3A_37, %sign3A_1283 : i32
    %sign3A_1285 = arith.extui %sign3A_1284 : i1 to i32
    %sign3A_1286 = arith.constant 0 : i32
    %sign3A_1287 = arith.cmpi slt, %squeeze3A_37, %sign3A_1286 : i32
    %sign3A_1288 = arith.extui %sign3A_1287 : i1 to i32
    %sign3A_1289 = arith.subi %sign3A_1285, %sign3A_1288 : i32
    %sign3A_1290 = arith.constant 0 : i32
    %sign3A_1291 = arith.cmpi sgt, %jit3A_1281, %sign3A_1290 : i32
    %sign3A_1292 = arith.extui %sign3A_1291 : i1 to i32
    %sign3A_1293 = arith.constant 0 : i32
    %sign3A_1294 = arith.cmpi slt, %jit3A_1281, %sign3A_1293 : i32
    %sign3A_1295 = arith.extui %sign3A_1294 : i1 to i32
    %sign3A_1296 = arith.subi %sign3A_1292, %sign3A_1295 : i32
    %ne3A_1297 = arith.cmpi ne, %sign3A_1289, %sign3A_1296 : i32
    %rem3A_1298 = arith.remsi %squeeze3A_37, %jit3A_1281 : i32
    %ne3A_1299 = arith.constant 0 : i32
    %ne3A_1300 = arith.cmpi ne, %rem3A_1298, %ne3A_1299 : i32
    %and3A_1301 = arith.andi %ne3A_1297, %ne3A_1300 : i1
    %sub3A_1302 = arith.constant 1 : i32
    %sub3A_1303 = arith.subi %div3A_1282, %sub3A_1302 : i32
    %select_n3A_1304 = arith.select %and3A_1301, %sub3A_1303, %div3A_1282 : i32
    %mul3A_1305 = arith.constant 128 : i32
    %mul3A_1306 = arith.muli %select_n3A_1304, %mul3A_1305 : i32
    %multiple_of3A_1307 = tpu.assume_multiple %mul3A_1306, 128 : i32
    %dma_start3A_1308 = arith.constant 4 : i32
    %dma_start3A_1309 = arith.constant 0 : i32
    %dma_start3A_1310 = arith.constant 0 : i32
    %dma_start3A_1311 = tpu.memref_slice %arg6[%dma_start3A_1308, %dma_start3A_1309, %dma_start3A_1310] : memref<12x64x128xf32, #tpu.memory_space<vmem>> -> memref<1x64x128xf32, #tpu.memory_space<vmem>>
    %dma_start3A_1312 = tpu.memref_squeeze %dma_start3A_1311 : memref<1x64x128xf32, #tpu.memory_space<vmem>> -> memref<64x128xf32, #tpu.memory_space<vmem>>
    %dma_start3A_1313 = arith.constant 0 : i32
    %dma_start3A_1314 = tpu.memref_slice %arg2[%dma_start3A_1313, %multiple_of3A_1307] : memref<64x1000000xf32, #tpu.memory_space<hbm>> -> memref<64x128xf32, #tpu.memory_space<hbm>>
    %dma_start3A_1315 = arith.constant 0 : i32
    %dma_start3A_1316 = arith.constant 0 : i32
    %dma_start3A_1317 = tpu.memref_slice %arg6[%dma_start3A_1308, %dma_start3A_1315, %dma_start3A_1316] : memref<12x64x128xf32, #tpu.memory_space<vmem>> -> memref<1x64x128xf32, #tpu.memory_space<vmem>>
    %dma_start3A_1318 = tpu.memref_squeeze %dma_start3A_1317 : memref<1x64x128xf32, #tpu.memory_space<vmem>> -> memref<64x128xf32, #tpu.memory_space<vmem>>
    %dma_start3A_1319 = arith.constant 0 : i32
    %dma_start3A_1320 = tpu.memref_slice %arg2[%dma_start3A_1319, %multiple_of3A_1307] : memref<64x1000000xf32, #tpu.memory_space<hbm>> -> memref<64x128xf32, #tpu.memory_space<hbm>>
    tpu.enqueue_dma source(%dma_start3A_1320 : memref<64x128xf32, #tpu.memory_space<hbm>>) target(%dma_start3A_1318 : memref<64x128xf32, #tpu.memory_space<vmem>>) target_semaphore(%arg12 : memref<!tpu.dma_semaphore, #tpu.memory_space<semaphore_mem>>)
    %jit3A_1321 = arith.constant 128 : i32
    %eq3A_1322 = arith.constant 0 : i32
    %eq3A_1323 = arith.cmpi eq, %jit3A_1321, %eq3A_1322 : i32
    %jit3A_1324 = arith.constant 1 : i32
    %select_n3A_1325 = arith.select %eq3A_1323, %jit3A_1324, %jit3A_1321 : i32
    %rem3A_1326 = arith.remsi %squeeze3A_23, %select_n3A_1325 : i32
    %ne3A_1327 = arith.constant 0 : i32
    %ne3A_1328 = arith.cmpi ne, %rem3A_1326, %ne3A_1327 : i32
    %lt3A_1329 = arith.constant 0 : i32
    %lt3A_1330 = arith.cmpi slt, %rem3A_1326, %lt3A_1329 : i32
    %lt3A_1331 = arith.constant 0 : i32
    %lt3A_1332 = arith.cmpi slt, %select_n3A_1325, %lt3A_1331 : i32
    %ne3A_1333 = arith.xori %lt3A_1330, %lt3A_1332 : i1
    %and3A_1334 = arith.andi %ne3A_1333, %ne3A_1328 : i1
    %add3A_1335 = arith.addi %rem3A_1326, %select_n3A_1325 : i32
    %select_n3A_1336 = arith.select %and3A_1334, %add3A_1335, %rem3A_1326 : i32
    %broadcast_in_dim3A_1337 = vector.broadcast %select_n3A_1336 : i32 to vector<16xi32>
    %broadcast_in_dim3A_1338 = arith.constant 10 : i32
    %broadcast_in_dim3A_1339 = vector.broadcast %broadcast_in_dim3A_1338 : i32 to vector<16xi32>
    %gather3A_1340 = arith.constant 10 : i32
    %gather3A_1341 = arith.constant 0 : i32
    %gather3A_1342 = arith.constant 0 : i32
    %gather3A_1343 = tpu.memref_slice %arg6[%gather3A_1340, %gather3A_1341, %gather3A_1342] : memref<12x64x128xf32, #tpu.memory_space<vmem>> -> memref<1x64x128xf32, #tpu.memory_space<vmem>>
    %gather3A_1344 = tpu.memref_squeeze %gather3A_1343 : memref<1x64x128xf32, #tpu.memory_space<vmem>> -> memref<64x128xf32, #tpu.memory_space<vmem>>
    %gather3A_1345 = tpu.vector_load_idx %gather3A_1344[%add3A_70, %broadcast_in_dim3A_1337] : memref<64x128xf32, #tpu.memory_space<vmem>>[vector<16xi32>, vector<16xi32>], vector<16xf32>,
    tpu.vector_store_idx %arg7[%add3A_70, %broadcast_in_dim3A_1339], %gather3A_1345 : memref<64x32xf32, #tpu.memory_space<vmem>>[vector<16xi32>, vector<16xi32>], vector<16xf32>,
    %gather3A_1346 = arith.constant 10 : i32
    %gather3A_1347 = arith.constant 0 : i32
    %gather3A_1348 = arith.constant 0 : i32
    %gather3A_1349 = tpu.memref_slice %arg6[%gather3A_1346, %gather3A_1347, %gather3A_1348] : memref<12x64x128xf32, #tpu.memory_space<vmem>> -> memref<1x64x128xf32, #tpu.memory_space<vmem>>
    %gather3A_1350 = tpu.memref_squeeze %gather3A_1349 : memref<1x64x128xf32, #tpu.memory_space<vmem>> -> memref<64x128xf32, #tpu.memory_space<vmem>>
    %gather3A_1351 = tpu.vector_load_idx %gather3A_1350[%add3A_74, %broadcast_in_dim3A_1337] : memref<64x128xf32, #tpu.memory_space<vmem>>[vector<16xi32>, vector<16xi32>], vector<16xf32>,
    tpu.vector_store_idx %arg7[%add3A_74, %broadcast_in_dim3A_1339], %gather3A_1351 : memref<64x32xf32, #tpu.memory_space<vmem>>[vector<16xi32>, vector<16xi32>], vector<16xf32>,
    %gather3A_1352 = arith.constant 10 : i32
    %gather3A_1353 = arith.constant 0 : i32
    %gather3A_1354 = arith.constant 0 : i32
    %gather3A_1355 = tpu.memref_slice %arg6[%gather3A_1352, %gather3A_1353, %gather3A_1354] : memref<12x64x128xf32, #tpu.memory_space<vmem>> -> memref<1x64x128xf32, #tpu.memory_space<vmem>>
    %gather3A_1356 = tpu.memref_squeeze %gather3A_1355 : memref<1x64x128xf32, #tpu.memory_space<vmem>> -> memref<64x128xf32, #tpu.memory_space<vmem>>
    %gather3A_1357 = tpu.vector_load_idx %gather3A_1356[%add3A_78, %broadcast_in_dim3A_1337] : memref<64x128xf32, #tpu.memory_space<vmem>>[vector<16xi32>, vector<16xi32>], vector<16xf32>,
    tpu.vector_store_idx %arg7[%add3A_78, %broadcast_in_dim3A_1339], %gather3A_1357 : memref<64x32xf32, #tpu.memory_space<vmem>>[vector<16xi32>, vector<16xi32>], vector<16xf32>,
    %gather3A_1358 = arith.constant 10 : i32
    %gather3A_1359 = arith.constant 0 : i32
    %gather3A_1360 = arith.constant 0 : i32
    %gather3A_1361 = tpu.memref_slice %arg6[%gather3A_1358, %gather3A_1359, %gather3A_1360] : memref<12x64x128xf32, #tpu.memory_space<vmem>> -> memref<1x64x128xf32, #tpu.memory_space<vmem>>
    %gather3A_1362 = tpu.memref_squeeze %gather3A_1361 : memref<1x64x128xf32, #tpu.memory_space<vmem>> -> memref<64x128xf32, #tpu.memory_space<vmem>>
    %gather3A_1363 = tpu.vector_load_idx %gather3A_1362[%add3A_82, %broadcast_in_dim3A_1337] : memref<64x128xf32, #tpu.memory_space<vmem>>[vector<16xi32>, vector<16xi32>], vector<16xf32>,
    tpu.vector_store_idx %arg7[%add3A_82, %broadcast_in_dim3A_1339], %gather3A_1363 : memref<64x32xf32, #tpu.memory_space<vmem>>[vector<16xi32>, vector<16xi32>], vector<16xf32>,
    %dma_wait3A_1364 = arith.constant 11 : i32
    %dma_wait3A_1365 = arith.constant 0 : i32
    %dma_wait3A_1366 = arith.constant 0 : i32
    %dma_wait3A_1367 = tpu.memref_slice %arg6[%dma_wait3A_1364, %dma_wait3A_1365, %dma_wait3A_1366] : memref<12x64x128xf32, #tpu.memory_space<vmem>> -> memref<1x64x128xf32, #tpu.memory_space<vmem>>
    %dma_wait3A_1368 = tpu.memref_squeeze %dma_wait3A_1367 : memref<1x64x128xf32, #tpu.memory_space<vmem>> -> memref<64x128xf32, #tpu.memory_space<vmem>>
    %dma_wait3A_1369 = arith.constant 0 : i32
    %dma_wait3A_1370 = tpu.memref_slice %arg2[%dma_wait3A_1369, %multiple_of3A_827] : memref<64x1000000xf32, #tpu.memory_space<hbm>> -> memref<64x128xf32, #tpu.memory_space<hbm>>
    %dma_wait3A_1371 = arith.constant 0 : i32
    %dma_wait3A_1372 = arith.constant 0 : i32
    %dma_wait3A_1373 = tpu.memref_slice %arg6[%dma_wait3A_1364, %dma_wait3A_1371, %dma_wait3A_1372] : memref<12x64x128xf32, #tpu.memory_space<vmem>> -> memref<1x64x128xf32, #tpu.memory_space<vmem>>
    %dma_wait3A_1374 = tpu.memref_squeeze %dma_wait3A_1373 : memref<1x64x128xf32, #tpu.memory_space<vmem>> -> memref<64x128xf32, #tpu.memory_space<vmem>>
    %dma_wait3A_1375 = arith.constant 0 : i32
    %dma_wait3A_1376 = tpu.memref_slice %arg2[%dma_wait3A_1375, %multiple_of3A_827] : memref<64x1000000xf32, #tpu.memory_space<hbm>> -> memref<64x128xf32, #tpu.memory_space<hbm>>
    tpu.wait_dma2 semaphore(%arg19 : memref<!tpu.dma_semaphore, #tpu.memory_space<semaphore_mem>>) src(%dma_wait3A_1376 : memref<64x128xf32, #tpu.memory_space<hbm>>) dst(%dma_wait3A_1374 : memref<64x128xf32, #tpu.memory_space<vmem>>)
    %jit3A_1377 = arith.constant 128 : i32
    %div3A_1378 = arith.divsi %squeeze3A_39, %jit3A_1377 : i32
    %sign3A_1379 = arith.constant 0 : i32
    %sign3A_1380 = arith.cmpi sgt, %squeeze3A_39, %sign3A_1379 : i32
    %sign3A_1381 = arith.extui %sign3A_1380 : i1 to i32
    %sign3A_1382 = arith.constant 0 : i32
    %sign3A_1383 = arith.cmpi slt, %squeeze3A_39, %sign3A_1382 : i32
    %sign3A_1384 = arith.extui %sign3A_1383 : i1 to i32
    %sign3A_1385 = arith.subi %sign3A_1381, %sign3A_1384 : i32
    %sign3A_1386 = arith.constant 0 : i32
    %sign3A_1387 = arith.cmpi sgt, %jit3A_1377, %sign3A_1386 : i32
    %sign3A_1388 = arith.extui %sign3A_1387 : i1 to i32
    %sign3A_1389 = arith.constant 0 : i32
    %sign3A_1390 = arith.cmpi slt, %jit3A_1377, %sign3A_1389 : i32
    %sign3A_1391 = arith.extui %sign3A_1390 : i1 to i32
    %sign3A_1392 = arith.subi %sign3A_1388, %sign3A_1391 : i32
    %ne3A_1393 = arith.cmpi ne, %sign3A_1385, %sign3A_1392 : i32
    %rem3A_1394 = arith.remsi %squeeze3A_39, %jit3A_1377 : i32
    %ne3A_1395 = arith.constant 0 : i32
    %ne3A_1396 = arith.cmpi ne, %rem3A_1394, %ne3A_1395 : i32
    %and3A_1397 = arith.andi %ne3A_1393, %ne3A_1396 : i1
    %sub3A_1398 = arith.constant 1 : i32
    %sub3A_1399 = arith.subi %div3A_1378, %sub3A_1398 : i32
    %select_n3A_1400 = arith.select %and3A_1397, %sub3A_1399, %div3A_1378 : i32
    %mul3A_1401 = arith.constant 128 : i32
    %mul3A_1402 = arith.muli %select_n3A_1400, %mul3A_1401 : i32
    %multiple_of3A_1403 = tpu.assume_multiple %mul3A_1402, 128 : i32
    %dma_start3A_1404 = arith.constant 5 : i32
    %dma_start3A_1405 = arith.constant 0 : i32
    %dma_start3A_1406 = arith.constant 0 : i32
    %dma_start3A_1407 = tpu.memref_slice %arg6[%dma_start3A_1404, %dma_start3A_1405, %dma_start3A_1406] : memref<12x64x128xf32, #tpu.memory_space<vmem>> -> memref<1x64x128xf32, #tpu.memory_space<vmem>>
    %dma_start3A_1408 = tpu.memref_squeeze %dma_start3A_1407 : memref<1x64x128xf32, #tpu.memory_space<vmem>> -> memref<64x128xf32, #tpu.memory_space<vmem>>
    %dma_start3A_1409 = arith.constant 0 : i32
    %dma_start3A_1410 = tpu.memref_slice %arg2[%dma_start3A_1409, %multiple_of3A_1403] : memref<64x1000000xf32, #tpu.memory_space<hbm>> -> memref<64x128xf32, #tpu.memory_space<hbm>>
    %dma_start3A_1411 = arith.constant 0 : i32
    %dma_start3A_1412 = arith.constant 0 : i32
    %dma_start3A_1413 = tpu.memref_slice %arg6[%dma_start3A_1404, %dma_start3A_1411, %dma_start3A_1412] : memref<12x64x128xf32, #tpu.memory_space<vmem>> -> memref<1x64x128xf32, #tpu.memory_space<vmem>>
    %dma_start3A_1414 = tpu.memref_squeeze %dma_start3A_1413 : memref<1x64x128xf32, #tpu.memory_space<vmem>> -> memref<64x128xf32, #tpu.memory_space<vmem>>
    %dma_start3A_1415 = arith.constant 0 : i32
    %dma_start3A_1416 = tpu.memref_slice %arg2[%dma_start3A_1415, %multiple_of3A_1403] : memref<64x1000000xf32, #tpu.memory_space<hbm>> -> memref<64x128xf32, #tpu.memory_space<hbm>>
    tpu.enqueue_dma source(%dma_start3A_1416 : memref<64x128xf32, #tpu.memory_space<hbm>>) target(%dma_start3A_1414 : memref<64x128xf32, #tpu.memory_space<vmem>>) target_semaphore(%arg13 : memref<!tpu.dma_semaphore, #tpu.memory_space<semaphore_mem>>)
    %jit3A_1417 = arith.constant 128 : i32
    %eq3A_1418 = arith.constant 0 : i32
    %eq3A_1419 = arith.cmpi eq, %jit3A_1417, %eq3A_1418 : i32
    %jit3A_1420 = arith.constant 1 : i32
    %select_n3A_1421 = arith.select %eq3A_1419, %jit3A_1420, %jit3A_1417 : i32
    %rem3A_1422 = arith.remsi %squeeze3A_25, %select_n3A_1421 : i32
    %ne3A_1423 = arith.constant 0 : i32
    %ne3A_1424 = arith.cmpi ne, %rem3A_1422, %ne3A_1423 : i32
    %lt3A_1425 = arith.constant 0 : i32
    %lt3A_1426 = arith.cmpi slt, %rem3A_1422, %lt3A_1425 : i32
    %lt3A_1427 = arith.constant 0 : i32
    %lt3A_1428 = arith.cmpi slt, %select_n3A_1421, %lt3A_1427 : i32
    %ne3A_1429 = arith.xori %lt3A_1426, %lt3A_1428 : i1
    %and3A_1430 = arith.andi %ne3A_1429, %ne3A_1424 : i1
    %add3A_1431 = arith.addi %rem3A_1422, %select_n3A_1421 : i32
    %select_n3A_1432 = arith.select %and3A_1430, %add3A_1431, %rem3A_1422 : i32
    %broadcast_in_dim3A_1433 = vector.broadcast %select_n3A_1432 : i32 to vector<16xi32>
    %broadcast_in_dim3A_1434 = arith.constant 11 : i32
    %broadcast_in_dim3A_1435 = vector.broadcast %broadcast_in_dim3A_1434 : i32 to vector<16xi32>
    %gather3A_1436 = arith.constant 11 : i32
    %gather3A_1437 = arith.constant 0 : i32
    %gather3A_1438 = arith.constant 0 : i32
    %gather3A_1439 = tpu.memref_slice %arg6[%gather3A_1436, %gather3A_1437, %gather3A_1438] : memref<12x64x128xf32, #tpu.memory_space<vmem>> -> memref<1x64x128xf32, #tpu.memory_space<vmem>>
    %gather3A_1440 = tpu.memref_squeeze %gather3A_1439 : memref<1x64x128xf32, #tpu.memory_space<vmem>> -> memref<64x128xf32, #tpu.memory_space<vmem>>
    %gather3A_1441 = tpu.vector_load_idx %gather3A_1440[%add3A_70, %broadcast_in_dim3A_1433] : memref<64x128xf32, #tpu.memory_space<vmem>>[vector<16xi32>, vector<16xi32>], vector<16xf32>,
    tpu.vector_store_idx %arg7[%add3A_70, %broadcast_in_dim3A_1435], %gather3A_1441 : memref<64x32xf32, #tpu.memory_space<vmem>>[vector<16xi32>, vector<16xi32>], vector<16xf32>,
    %gather3A_1442 = arith.constant 11 : i32
    %gather3A_1443 = arith.constant 0 : i32
    %gather3A_1444 = arith.constant 0 : i32
    %gather3A_1445 = tpu.memref_slice %arg6[%gather3A_1442, %gather3A_1443, %gather3A_1444] : memref<12x64x128xf32, #tpu.memory_space<vmem>> -> memref<1x64x128xf32, #tpu.memory_space<vmem>>
    %gather3A_1446 = tpu.memref_squeeze %gather3A_1445 : memref<1x64x128xf32, #tpu.memory_space<vmem>> -> memref<64x128xf32, #tpu.memory_space<vmem>>
    %gather3A_1447 = tpu.vector_load_idx %gather3A_1446[%add3A_74, %broadcast_in_dim3A_1433] : memref<64x128xf32, #tpu.memory_space<vmem>>[vector<16xi32>, vector<16xi32>], vector<16xf32>,
    tpu.vector_store_idx %arg7[%add3A_74, %broadcast_in_dim3A_1435], %gather3A_1447 : memref<64x32xf32, #tpu.memory_space<vmem>>[vector<16xi32>, vector<16xi32>], vector<16xf32>,
    %gather3A_1448 = arith.constant 11 : i32
    %gather3A_1449 = arith.constant 0 : i32
    %gather3A_1450 = arith.constant 0 : i32
    %gather3A_1451 = tpu.memref_slice %arg6[%gather3A_1448, %gather3A_1449, %gather3A_1450] : memref<12x64x128xf32, #tpu.memory_space<vmem>> -> memref<1x64x128xf32, #tpu.memory_space<vmem>>
    %gather3A_1452 = tpu.memref_squeeze %gather3A_1451 : memref<1x64x128xf32, #tpu.memory_space<vmem>> -> memref<64x128xf32, #tpu.memory_space<vmem>>
    %gather3A_1453 = tpu.vector_load_idx %gather3A_1452[%add3A_78, %broadcast_in_dim3A_1433] : memref<64x128xf32, #tpu.memory_space<vmem>>[vector<16xi32>, vector<16xi32>], vector<16xf32>,
    tpu.vector_store_idx %arg7[%add3A_78, %broadcast_in_dim3A_1435], %gather3A_1453 : memref<64x32xf32, #tpu.memory_space<vmem>>[vector<16xi32>, vector<16xi32>], vector<16xf32>,
    %gather3A_1454 = arith.constant 11 : i32
    %gather3A_1455 = arith.constant 0 : i32
    %gather3A_1456 = arith.constant 0 : i32
    %gather3A_1457 = tpu.memref_slice %arg6[%gather3A_1454, %gather3A_1455, %gather3A_1456] : memref<12x64x128xf32, #tpu.memory_space<vmem>> -> memref<1x64x128xf32, #tpu.memory_space<vmem>>
    %gather3A_1458 = tpu.memref_squeeze %gather3A_1457 : memref<1x64x128xf32, #tpu.memory_space<vmem>> -> memref<64x128xf32, #tpu.memory_space<vmem>>
    %gather3A_1459 = tpu.vector_load_idx %gather3A_1458[%add3A_82, %broadcast_in_dim3A_1433] : memref<64x128xf32, #tpu.memory_space<vmem>>[vector<16xi32>, vector<16xi32>], vector<16xf32>,
    tpu.vector_store_idx %arg7[%add3A_82, %broadcast_in_dim3A_1435], %gather3A_1459 : memref<64x32xf32, #tpu.memory_space<vmem>>[vector<16xi32>, vector<16xi32>], vector<16xf32>,
    %dma_wait3A_1460 = arith.constant 0 : i32
    %dma_wait3A_1461 = arith.constant 0 : i32
    %dma_wait3A_1462 = arith.constant 0 : i32
    %dma_wait3A_1463 = tpu.memref_slice %arg6[%dma_wait3A_1460, %dma_wait3A_1461, %dma_wait3A_1462] : memref<12x64x128xf32, #tpu.memory_space<vmem>> -> memref<1x64x128xf32, #tpu.memory_space<vmem>>
    %dma_wait3A_1464 = tpu.memref_squeeze %dma_wait3A_1463 : memref<1x64x128xf32, #tpu.memory_space<vmem>> -> memref<64x128xf32, #tpu.memory_space<vmem>>
    %dma_wait3A_1465 = arith.constant 0 : i32
    %dma_wait3A_1466 = tpu.memref_slice %arg2[%dma_wait3A_1465, %multiple_of3A_923] : memref<64x1000000xf32, #tpu.memory_space<hbm>> -> memref<64x128xf32, #tpu.memory_space<hbm>>
    %dma_wait3A_1467 = arith.constant 0 : i32
    %dma_wait3A_1468 = arith.constant 0 : i32
    %dma_wait3A_1469 = tpu.memref_slice %arg6[%dma_wait3A_1460, %dma_wait3A_1467, %dma_wait3A_1468] : memref<12x64x128xf32, #tpu.memory_space<vmem>> -> memref<1x64x128xf32, #tpu.memory_space<vmem>>
    %dma_wait3A_1470 = tpu.memref_squeeze %dma_wait3A_1469 : memref<1x64x128xf32, #tpu.memory_space<vmem>> -> memref<64x128xf32, #tpu.memory_space<vmem>>
    %dma_wait3A_1471 = arith.constant 0 : i32
    %dma_wait3A_1472 = tpu.memref_slice %arg2[%dma_wait3A_1471, %multiple_of3A_923] : memref<64x1000000xf32, #tpu.memory_space<hbm>> -> memref<64x128xf32, #tpu.memory_space<hbm>>
    tpu.wait_dma2 semaphore(%arg8 : memref<!tpu.dma_semaphore, #tpu.memory_space<semaphore_mem>>) src(%dma_wait3A_1472 : memref<64x128xf32, #tpu.memory_space<hbm>>) dst(%dma_wait3A_1470 : memref<64x128xf32, #tpu.memory_space<vmem>>)
    %jit3A_1473 = arith.constant 128 : i32
    %div3A_1474 = arith.divsi %squeeze3A_41, %jit3A_1473 : i32
    %sign3A_1475 = arith.constant 0 : i32
    %sign3A_1476 = arith.cmpi sgt, %squeeze3A_41, %sign3A_1475 : i32
    %sign3A_1477 = arith.extui %sign3A_1476 : i1 to i32
    %sign3A_1478 = arith.constant 0 : i32
    %sign3A_1479 = arith.cmpi slt, %squeeze3A_41, %sign3A_1478 : i32
    %sign3A_1480 = arith.extui %sign3A_1479 : i1 to i32
    %sign3A_1481 = arith.subi %sign3A_1477, %sign3A_1480 : i32
    %sign3A_1482 = arith.constant 0 : i32
    %sign3A_1483 = arith.cmpi sgt, %jit3A_1473, %sign3A_1482 : i32
    %sign3A_1484 = arith.extui %sign3A_1483 : i1 to i32
    %sign3A_1485 = arith.constant 0 : i32
    %sign3A_1486 = arith.cmpi slt, %jit3A_1473, %sign3A_1485 : i32
    %sign3A_1487 = arith.extui %sign3A_1486 : i1 to i32
    %sign3A_1488 = arith.subi %sign3A_1484, %sign3A_1487 : i32
    %ne3A_1489 = arith.cmpi ne, %sign3A_1481, %sign3A_1488 : i32
    %rem3A_1490 = arith.remsi %squeeze3A_41, %jit3A_1473 : i32
    %ne3A_1491 = arith.constant 0 : i32
    %ne3A_1492 = arith.cmpi ne, %rem3A_1490, %ne3A_1491 : i32
    %and3A_1493 = arith.andi %ne3A_1489, %ne3A_1492 : i1
    %sub3A_1494 = arith.constant 1 : i32
    %sub3A_1495 = arith.subi %div3A_1474, %sub3A_1494 : i32
    %select_n3A_1496 = arith.select %and3A_1493, %sub3A_1495, %div3A_1474 : i32
    %mul3A_1497 = arith.constant 128 : i32
    %mul3A_1498 = arith.muli %select_n3A_1496, %mul3A_1497 : i32
    %multiple_of3A_1499 = tpu.assume_multiple %mul3A_1498, 128 : i32
    %dma_start3A_1500 = arith.constant 6 : i32
    %dma_start3A_1501 = arith.constant 0 : i32
    %dma_start3A_1502 = arith.constant 0 : i32
    %dma_start3A_1503 = tpu.memref_slice %arg6[%dma_start3A_1500, %dma_start3A_1501, %dma_start3A_1502] : memref<12x64x128xf32, #tpu.memory_space<vmem>> -> memref<1x64x128xf32, #tpu.memory_space<vmem>>
    %dma_start3A_1504 = tpu.memref_squeeze %dma_start3A_1503 : memref<1x64x128xf32, #tpu.memory_space<vmem>> -> memref<64x128xf32, #tpu.memory_space<vmem>>
    %dma_start3A_1505 = arith.constant 0 : i32
    %dma_start3A_1506 = tpu.memref_slice %arg2[%dma_start3A_1505, %multiple_of3A_1499] : memref<64x1000000xf32, #tpu.memory_space<hbm>> -> memref<64x128xf32, #tpu.memory_space<hbm>>
    %dma_start3A_1507 = arith.constant 0 : i32
    %dma_start3A_1508 = arith.constant 0 : i32
    %dma_start3A_1509 = tpu.memref_slice %arg6[%dma_start3A_1500, %dma_start3A_1507, %dma_start3A_1508] : memref<12x64x128xf32, #tpu.memory_space<vmem>> -> memref<1x64x128xf32, #tpu.memory_space<vmem>>
    %dma_start3A_1510 = tpu.memref_squeeze %dma_start3A_1509 : memref<1x64x128xf32, #tpu.memory_space<vmem>> -> memref<64x128xf32, #tpu.memory_space<vmem>>
    %dma_start3A_1511 = arith.constant 0 : i32
    %dma_start3A_1512 = tpu.memref_slice %arg2[%dma_start3A_1511, %multiple_of3A_1499] : memref<64x1000000xf32, #tpu.memory_space<hbm>> -> memref<64x128xf32, #tpu.memory_space<hbm>>
    tpu.enqueue_dma source(%dma_start3A_1512 : memref<64x128xf32, #tpu.memory_space<hbm>>) target(%dma_start3A_1510 : memref<64x128xf32, #tpu.memory_space<vmem>>) target_semaphore(%arg14 : memref<!tpu.dma_semaphore, #tpu.memory_space<semaphore_mem>>)
    %jit3A_1513 = arith.constant 128 : i32
    %eq3A_1514 = arith.constant 0 : i32
    %eq3A_1515 = arith.cmpi eq, %jit3A_1513, %eq3A_1514 : i32
    %jit3A_1516 = arith.constant 1 : i32
    %select_n3A_1517 = arith.select %eq3A_1515, %jit3A_1516, %jit3A_1513 : i32
    %rem3A_1518 = arith.remsi %squeeze3A_27, %select_n3A_1517 : i32
    %ne3A_1519 = arith.constant 0 : i32
    %ne3A_1520 = arith.cmpi ne, %rem3A_1518, %ne3A_1519 : i32
    %lt3A_1521 = arith.constant 0 : i32
    %lt3A_1522 = arith.cmpi slt, %rem3A_1518, %lt3A_1521 : i32
    %lt3A_1523 = arith.constant 0 : i32
    %lt3A_1524 = arith.cmpi slt, %select_n3A_1517, %lt3A_1523 : i32
    %ne3A_1525 = arith.xori %lt3A_1522, %lt3A_1524 : i1
    %and3A_1526 = arith.andi %ne3A_1525, %ne3A_1520 : i1
    %add3A_1527 = arith.addi %rem3A_1518, %select_n3A_1517 : i32
    %select_n3A_1528 = arith.select %and3A_1526, %add3A_1527, %rem3A_1518 : i32
    %broadcast_in_dim3A_1529 = vector.broadcast %select_n3A_1528 : i32 to vector<16xi32>
    %broadcast_in_dim3A_1530 = arith.constant 12 : i32
    %broadcast_in_dim3A_1531 = vector.broadcast %broadcast_in_dim3A_1530 : i32 to vector<16xi32>
    %gather3A_1532 = arith.constant 0 : i32
    %gather3A_1533 = arith.constant 0 : i32
    %gather3A_1534 = arith.constant 0 : i32
    %gather3A_1535 = tpu.memref_slice %arg6[%gather3A_1532, %gather3A_1533, %gather3A_1534] : memref<12x64x128xf32, #tpu.memory_space<vmem>> -> memref<1x64x128xf32, #tpu.memory_space<vmem>>
    %gather3A_1536 = tpu.memref_squeeze %gather3A_1535 : memref<1x64x128xf32, #tpu.memory_space<vmem>> -> memref<64x128xf32, #tpu.memory_space<vmem>>
    %gather3A_1537 = tpu.vector_load_idx %gather3A_1536[%add3A_70, %broadcast_in_dim3A_1529] : memref<64x128xf32, #tpu.memory_space<vmem>>[vector<16xi32>, vector<16xi32>], vector<16xf32>,
    tpu.vector_store_idx %arg7[%add3A_70, %broadcast_in_dim3A_1531], %gather3A_1537 : memref<64x32xf32, #tpu.memory_space<vmem>>[vector<16xi32>, vector<16xi32>], vector<16xf32>,
    %gather3A_1538 = arith.constant 0 : i32
    %gather3A_1539 = arith.constant 0 : i32
    %gather3A_1540 = arith.constant 0 : i32
    %gather3A_1541 = tpu.memref_slice %arg6[%gather3A_1538, %gather3A_1539, %gather3A_1540] : memref<12x64x128xf32, #tpu.memory_space<vmem>> -> memref<1x64x128xf32, #tpu.memory_space<vmem>>
    %gather3A_1542 = tpu.memref_squeeze %gather3A_1541 : memref<1x64x128xf32, #tpu.memory_space<vmem>> -> memref<64x128xf32, #tpu.memory_space<vmem>>
    %gather3A_1543 = tpu.vector_load_idx %gather3A_1542[%add3A_74, %broadcast_in_dim3A_1529] : memref<64x128xf32, #tpu.memory_space<vmem>>[vector<16xi32>, vector<16xi32>], vector<16xf32>,
    tpu.vector_store_idx %arg7[%add3A_74, %broadcast_in_dim3A_1531], %gather3A_1543 : memref<64x32xf32, #tpu.memory_space<vmem>>[vector<16xi32>, vector<16xi32>], vector<16xf32>,
    %gather3A_1544 = arith.constant 0 : i32
    %gather3A_1545 = arith.constant 0 : i32
    %gather3A_1546 = arith.constant 0 : i32
    %gather3A_1547 = tpu.memref_slice %arg6[%gather3A_1544, %gather3A_1545, %gather3A_1546] : memref<12x64x128xf32, #tpu.memory_space<vmem>> -> memref<1x64x128xf32, #tpu.memory_space<vmem>>
    %gather3A_1548 = tpu.memref_squeeze %gather3A_1547 : memref<1x64x128xf32, #tpu.memory_space<vmem>> -> memref<64x128xf32, #tpu.memory_space<vmem>>
    %gather3A_1549 = tpu.vector_load_idx %gather3A_1548[%add3A_78, %broadcast_in_dim3A_1529] : memref<64x128xf32, #tpu.memory_space<vmem>>[vector<16xi32>, vector<16xi32>], vector<16xf32>,
    tpu.vector_store_idx %arg7[%add3A_78, %broadcast_in_dim3A_1531], %gather3A_1549 : memref<64x32xf32, #tpu.memory_space<vmem>>[vector<16xi32>, vector<16xi32>], vector<16xf32>,
    %gather3A_1550 = arith.constant 0 : i32
    %gather3A_1551 = arith.constant 0 : i32
    %gather3A_1552 = arith.constant 0 : i32
    %gather3A_1553 = tpu.memref_slice %arg6[%gather3A_1550, %gather3A_1551, %gather3A_1552] : memref<12x64x128xf32, #tpu.memory_space<vmem>> -> memref<1x64x128xf32, #tpu.memory_space<vmem>>
    %gather3A_1554 = tpu.memref_squeeze %gather3A_1553 : memref<1x64x128xf32, #tpu.memory_space<vmem>> -> memref<64x128xf32, #tpu.memory_space<vmem>>
    %gather3A_1555 = tpu.vector_load_idx %gather3A_1554[%add3A_82, %broadcast_in_dim3A_1529] : memref<64x128xf32, #tpu.memory_space<vmem>>[vector<16xi32>, vector<16xi32>], vector<16xf32>,
    tpu.vector_store_idx %arg7[%add3A_82, %broadcast_in_dim3A_1531], %gather3A_1555 : memref<64x32xf32, #tpu.memory_space<vmem>>[vector<16xi32>, vector<16xi32>], vector<16xf32>,
    %dma_wait3A_1556 = arith.constant 1 : i32
    %dma_wait3A_1557 = arith.constant 0 : i32
    %dma_wait3A_1558 = arith.constant 0 : i32
    %dma_wait3A_1559 = tpu.memref_slice %arg6[%dma_wait3A_1556, %dma_wait3A_1557, %dma_wait3A_1558] : memref<12x64x128xf32, #tpu.memory_space<vmem>> -> memref<1x64x128xf32, #tpu.memory_space<vmem>>
    %dma_wait3A_1560 = tpu.memref_squeeze %dma_wait3A_1559 : memref<1x64x128xf32, #tpu.memory_space<vmem>> -> memref<64x128xf32, #tpu.memory_space<vmem>>
    %dma_wait3A_1561 = arith.constant 0 : i32
    %dma_wait3A_1562 = tpu.memref_slice %arg2[%dma_wait3A_1561, %multiple_of3A_1019] : memref<64x1000000xf32, #tpu.memory_space<hbm>> -> memref<64x128xf32, #tpu.memory_space<hbm>>
    %dma_wait3A_1563 = arith.constant 0 : i32
    %dma_wait3A_1564 = arith.constant 0 : i32
    %dma_wait3A_1565 = tpu.memref_slice %arg6[%dma_wait3A_1556, %dma_wait3A_1563, %dma_wait3A_1564] : memref<12x64x128xf32, #tpu.memory_space<vmem>> -> memref<1x64x128xf32, #tpu.memory_space<vmem>>
    %dma_wait3A_1566 = tpu.memref_squeeze %dma_wait3A_1565 : memref<1x64x128xf32, #tpu.memory_space<vmem>> -> memref<64x128xf32, #tpu.memory_space<vmem>>
    %dma_wait3A_1567 = arith.constant 0 : i32
    %dma_wait3A_1568 = tpu.memref_slice %arg2[%dma_wait3A_1567, %multiple_of3A_1019] : memref<64x1000000xf32, #tpu.memory_space<hbm>> -> memref<64x128xf32, #tpu.memory_space<hbm>>
    tpu.wait_dma2 semaphore(%arg9 : memref<!tpu.dma_semaphore, #tpu.memory_space<semaphore_mem>>) src(%dma_wait3A_1568 : memref<64x128xf32, #tpu.memory_space<hbm>>) dst(%dma_wait3A_1566 : memref<64x128xf32, #tpu.memory_space<vmem>>)
    %jit3A_1569 = arith.constant 128 : i32
    %div3A_1570 = arith.divsi %squeeze3A_43, %jit3A_1569 : i32
    %sign3A_1571 = arith.constant 0 : i32
    %sign3A_1572 = arith.cmpi sgt, %squeeze3A_43, %sign3A_1571 : i32
    %sign3A_1573 = arith.extui %sign3A_1572 : i1 to i32
    %sign3A_1574 = arith.constant 0 : i32
    %sign3A_1575 = arith.cmpi slt, %squeeze3A_43, %sign3A_1574 : i32
    %sign3A_1576 = arith.extui %sign3A_1575 : i1 to i32
    %sign3A_1577 = arith.subi %sign3A_1573, %sign3A_1576 : i32
    %sign3A_1578 = arith.constant 0 : i32
    %sign3A_1579 = arith.cmpi sgt, %jit3A_1569, %sign3A_1578 : i32
    %sign3A_1580 = arith.extui %sign3A_1579 : i1 to i32
    %sign3A_1581 = arith.constant 0 : i32
    %sign3A_1582 = arith.cmpi slt, %jit3A_1569, %sign3A_1581 : i32
    %sign3A_1583 = arith.extui %sign3A_1582 : i1 to i32
    %sign3A_1584 = arith.subi %sign3A_1580, %sign3A_1583 : i32
    %ne3A_1585 = arith.cmpi ne, %sign3A_1577, %sign3A_1584 : i32
    %rem3A_1586 = arith.remsi %squeeze3A_43, %jit3A_1569 : i32
    %ne3A_1587 = arith.constant 0 : i32
    %ne3A_1588 = arith.cmpi ne, %rem3A_1586, %ne3A_1587 : i32
    %and3A_1589 = arith.andi %ne3A_1585, %ne3A_1588 : i1
    %sub3A_1590 = arith.constant 1 : i32
    %sub3A_1591 = arith.subi %div3A_1570, %sub3A_1590 : i32
    %select_n3A_1592 = arith.select %and3A_1589, %sub3A_1591, %div3A_1570 : i32
    %mul3A_1593 = arith.constant 128 : i32
    %mul3A_1594 = arith.muli %select_n3A_1592, %mul3A_1593 : i32
    %multiple_of3A_1595 = tpu.assume_multiple %mul3A_1594, 128 : i32
    %dma_start3A_1596 = arith.constant 7 : i32
    %dma_start3A_1597 = arith.constant 0 : i32
    %dma_start3A_1598 = arith.constant 0 : i32
    %dma_start3A_1599 = tpu.memref_slice %arg6[%dma_start3A_1596, %dma_start3A_1597, %dma_start3A_1598] : memref<12x64x128xf32, #tpu.memory_space<vmem>> -> memref<1x64x128xf32, #tpu.memory_space<vmem>>
    %dma_start3A_1600 = tpu.memref_squeeze %dma_start3A_1599 : memref<1x64x128xf32, #tpu.memory_space<vmem>> -> memref<64x128xf32, #tpu.memory_space<vmem>>
    %dma_start3A_1601 = arith.constant 0 : i32
    %dma_start3A_1602 = tpu.memref_slice %arg2[%dma_start3A_1601, %multiple_of3A_1595] : memref<64x1000000xf32, #tpu.memory_space<hbm>> -> memref<64x128xf32, #tpu.memory_space<hbm>>
    %dma_start3A_1603 = arith.constant 0 : i32
    %dma_start3A_1604 = arith.constant 0 : i32
    %dma_start3A_1605 = tpu.memref_slice %arg6[%dma_start3A_1596, %dma_start3A_1603, %dma_start3A_1604] : memref<12x64x128xf32, #tpu.memory_space<vmem>> -> memref<1x64x128xf32, #tpu.memory_space<vmem>>
    %dma_start3A_1606 = tpu.memref_squeeze %dma_start3A_1605 : memref<1x64x128xf32, #tpu.memory_space<vmem>> -> memref<64x128xf32, #tpu.memory_space<vmem>>
    %dma_start3A_1607 = arith.constant 0 : i32
    %dma_start3A_1608 = tpu.memref_slice %arg2[%dma_start3A_1607, %multiple_of3A_1595] : memref<64x1000000xf32, #tpu.memory_space<hbm>> -> memref<64x128xf32, #tpu.memory_space<hbm>>
    tpu.enqueue_dma source(%dma_start3A_1608 : memref<64x128xf32, #tpu.memory_space<hbm>>) target(%dma_start3A_1606 : memref<64x128xf32, #tpu.memory_space<vmem>>) target_semaphore(%arg15 : memref<!tpu.dma_semaphore, #tpu.memory_space<semaphore_mem>>)
    %jit3A_1609 = arith.constant 128 : i32
    %eq3A_1610 = arith.constant 0 : i32
    %eq3A_1611 = arith.cmpi eq, %jit3A_1609, %eq3A_1610 : i32
    %jit3A_1612 = arith.constant 1 : i32
    %select_n3A_1613 = arith.select %eq3A_1611, %jit3A_1612, %jit3A_1609 : i32
    %rem3A_1614 = arith.remsi %squeeze3A_29, %select_n3A_1613 : i32
    %ne3A_1615 = arith.constant 0 : i32
    %ne3A_1616 = arith.cmpi ne, %rem3A_1614, %ne3A_1615 : i32
    %lt3A_1617 = arith.constant 0 : i32
    %lt3A_1618 = arith.cmpi slt, %rem3A_1614, %lt3A_1617 : i32
    %lt3A_1619 = arith.constant 0 : i32
    %lt3A_1620 = arith.cmpi slt, %select_n3A_1613, %lt3A_1619 : i32
    %ne3A_1621 = arith.xori %lt3A_1618, %lt3A_1620 : i1
    %and3A_1622 = arith.andi %ne3A_1621, %ne3A_1616 : i1
    %add3A_1623 = arith.addi %rem3A_1614, %select_n3A_1613 : i32
    %select_n3A_1624 = arith.select %and3A_1622, %add3A_1623, %rem3A_1614 : i32
    %broadcast_in_dim3A_1625 = vector.broadcast %select_n3A_1624 : i32 to vector<16xi32>
    %broadcast_in_dim3A_1626 = arith.constant 13 : i32
    %broadcast_in_dim3A_1627 = vector.broadcast %broadcast_in_dim3A_1626 : i32 to vector<16xi32>
    %gather3A_1628 = arith.constant 1 : i32
    %gather3A_1629 = arith.constant 0 : i32
    %gather3A_1630 = arith.constant 0 : i32
    %gather3A_1631 = tpu.memref_slice %arg6[%gather3A_1628, %gather3A_1629, %gather3A_1630] : memref<12x64x128xf32, #tpu.memory_space<vmem>> -> memref<1x64x128xf32, #tpu.memory_space<vmem>>
    %gather3A_1632 = tpu.memref_squeeze %gather3A_1631 : memref<1x64x128xf32, #tpu.memory_space<vmem>> -> memref<64x128xf32, #tpu.memory_space<vmem>>
    %gather3A_1633 = tpu.vector_load_idx %gather3A_1632[%add3A_70, %broadcast_in_dim3A_1625] : memref<64x128xf32, #tpu.memory_space<vmem>>[vector<16xi32>, vector<16xi32>], vector<16xf32>,
    tpu.vector_store_idx %arg7[%add3A_70, %broadcast_in_dim3A_1627], %gather3A_1633 : memref<64x32xf32, #tpu.memory_space<vmem>>[vector<16xi32>, vector<16xi32>], vector<16xf32>,
    %gather3A_1634 = arith.constant 1 : i32
    %gather3A_1635 = arith.constant 0 : i32
    %gather3A_1636 = arith.constant 0 : i32
    %gather3A_1637 = tpu.memref_slice %arg6[%gather3A_1634, %gather3A_1635, %gather3A_1636] : memref<12x64x128xf32, #tpu.memory_space<vmem>> -> memref<1x64x128xf32, #tpu.memory_space<vmem>>
    %gather3A_1638 = tpu.memref_squeeze %gather3A_1637 : memref<1x64x128xf32, #tpu.memory_space<vmem>> -> memref<64x128xf32, #tpu.memory_space<vmem>>
    %gather3A_1639 = tpu.vector_load_idx %gather3A_1638[%add3A_74, %broadcast_in_dim3A_1625] : memref<64x128xf32, #tpu.memory_space<vmem>>[vector<16xi32>, vector<16xi32>], vector<16xf32>,
    tpu.vector_store_idx %arg7[%add3A_74, %broadcast_in_dim3A_1627], %gather3A_1639 : memref<64x32xf32, #tpu.memory_space<vmem>>[vector<16xi32>, vector<16xi32>], vector<16xf32>,
    %gather3A_1640 = arith.constant 1 : i32
    %gather3A_1641 = arith.constant 0 : i32
    %gather3A_1642 = arith.constant 0 : i32
    %gather3A_1643 = tpu.memref_slice %arg6[%gather3A_1640, %gather3A_1641, %gather3A_1642] : memref<12x64x128xf32, #tpu.memory_space<vmem>> -> memref<1x64x128xf32, #tpu.memory_space<vmem>>
    %gather3A_1644 = tpu.memref_squeeze %gather3A_1643 : memref<1x64x128xf32, #tpu.memory_space<vmem>> -> memref<64x128xf32, #tpu.memory_space<vmem>>
    %gather3A_1645 = tpu.vector_load_idx %gather3A_1644[%add3A_78, %broadcast_in_dim3A_1625] : memref<64x128xf32, #tpu.memory_space<vmem>>[vector<16xi32>, vector<16xi32>], vector<16xf32>,
    tpu.vector_store_idx %arg7[%add3A_78, %broadcast_in_dim3A_1627], %gather3A_1645 : memref<64x32xf32, #tpu.memory_space<vmem>>[vector<16xi32>, vector<16xi32>], vector<16xf32>,
    %gather3A_1646 = arith.constant 1 : i32
    %gather3A_1647 = arith.constant 0 : i32
    %gather3A_1648 = arith.constant 0 : i32
    %gather3A_1649 = tpu.memref_slice %arg6[%gather3A_1646, %gather3A_1647, %gather3A_1648] : memref<12x64x128xf32, #tpu.memory_space<vmem>> -> memref<1x64x128xf32, #tpu.memory_space<vmem>>
    %gather3A_1650 = tpu.memref_squeeze %gather3A_1649 : memref<1x64x128xf32, #tpu.memory_space<vmem>> -> memref<64x128xf32, #tpu.memory_space<vmem>>
    %gather3A_1651 = tpu.vector_load_idx %gather3A_1650[%add3A_82, %broadcast_in_dim3A_1625] : memref<64x128xf32, #tpu.memory_space<vmem>>[vector<16xi32>, vector<16xi32>], vector<16xf32>,
    tpu.vector_store_idx %arg7[%add3A_82, %broadcast_in_dim3A_1627], %gather3A_1651 : memref<64x32xf32, #tpu.memory_space<vmem>>[vector<16xi32>, vector<16xi32>], vector<16xf32>,
    %dma_wait3A_1652 = arith.constant 2 : i32
    %dma_wait3A_1653 = arith.constant 0 : i32
    %dma_wait3A_1654 = arith.constant 0 : i32
    %dma_wait3A_1655 = tpu.memref_slice %arg6[%dma_wait3A_1652, %dma_wait3A_1653, %dma_wait3A_1654] : memref<12x64x128xf32, #tpu.memory_space<vmem>> -> memref<1x64x128xf32, #tpu.memory_space<vmem>>
    %dma_wait3A_1656 = tpu.memref_squeeze %dma_wait3A_1655 : memref<1x64x128xf32, #tpu.memory_space<vmem>> -> memref<64x128xf32, #tpu.memory_space<vmem>>
    %dma_wait3A_1657 = arith.constant 0 : i32
    %dma_wait3A_1658 = tpu.memref_slice %arg2[%dma_wait3A_1657, %multiple_of3A_1115] : memref<64x1000000xf32, #tpu.memory_space<hbm>> -> memref<64x128xf32, #tpu.memory_space<hbm>>
    %dma_wait3A_1659 = arith.constant 0 : i32
    %dma_wait3A_1660 = arith.constant 0 : i32
    %dma_wait3A_1661 = tpu.memref_slice %arg6[%dma_wait3A_1652, %dma_wait3A_1659, %dma_wait3A_1660] : memref<12x64x128xf32, #tpu.memory_space<vmem>> -> memref<1x64x128xf32, #tpu.memory_space<vmem>>
    %dma_wait3A_1662 = tpu.memref_squeeze %dma_wait3A_1661 : memref<1x64x128xf32, #tpu.memory_space<vmem>> -> memref<64x128xf32, #tpu.memory_space<vmem>>
    %dma_wait3A_1663 = arith.constant 0 : i32
    %dma_wait3A_1664 = tpu.memref_slice %arg2[%dma_wait3A_1663, %multiple_of3A_1115] : memref<64x1000000xf32, #tpu.memory_space<hbm>> -> memref<64x128xf32, #tpu.memory_space<hbm>>
    tpu.wait_dma2 semaphore(%arg10 : memref<!tpu.dma_semaphore, #tpu.memory_space<semaphore_mem>>) src(%dma_wait3A_1664 : memref<64x128xf32, #tpu.memory_space<hbm>>) dst(%dma_wait3A_1662 : memref<64x128xf32, #tpu.memory_space<vmem>>)
    %jit3A_1665 = arith.constant 128 : i32
    %div3A_1666 = arith.divsi %squeeze3A_45, %jit3A_1665 : i32
    %sign3A_1667 = arith.constant 0 : i32
    %sign3A_1668 = arith.cmpi sgt, %squeeze3A_45, %sign3A_1667 : i32
    %sign3A_1669 = arith.extui %sign3A_1668 : i1 to i32
    %sign3A_1670 = arith.constant 0 : i32
    %sign3A_1671 = arith.cmpi slt, %squeeze3A_45, %sign3A_1670 : i32
    %sign3A_1672 = arith.extui %sign3A_1671 : i1 to i32
    %sign3A_1673 = arith.subi %sign3A_1669, %sign3A_1672 : i32
    %sign3A_1674 = arith.constant 0 : i32
    %sign3A_1675 = arith.cmpi sgt, %jit3A_1665, %sign3A_1674 : i32
    %sign3A_1676 = arith.extui %sign3A_1675 : i1 to i32
    %sign3A_1677 = arith.constant 0 : i32
    %sign3A_1678 = arith.cmpi slt, %jit3A_1665, %sign3A_1677 : i32
    %sign3A_1679 = arith.extui %sign3A_1678 : i1 to i32
    %sign3A_1680 = arith.subi %sign3A_1676, %sign3A_1679 : i32
    %ne3A_1681 = arith.cmpi ne, %sign3A_1673, %sign3A_1680 : i32
    %rem3A_1682 = arith.remsi %squeeze3A_45, %jit3A_1665 : i32
    %ne3A_1683 = arith.constant 0 : i32
    %ne3A_1684 = arith.cmpi ne, %rem3A_1682, %ne3A_1683 : i32
    %and3A_1685 = arith.andi %ne3A_1681, %ne3A_1684 : i1
    %sub3A_1686 = arith.constant 1 : i32
    %sub3A_1687 = arith.subi %div3A_1666, %sub3A_1686 : i32
    %select_n3A_1688 = arith.select %and3A_1685, %sub3A_1687, %div3A_1666 : i32
    %mul3A_1689 = arith.constant 128 : i32
    %mul3A_1690 = arith.muli %select_n3A_1688, %mul3A_1689 : i32
    %multiple_of3A_1691 = tpu.assume_multiple %mul3A_1690, 128 : i32
    %dma_start3A_1692 = arith.constant 8 : i32
    %dma_start3A_1693 = arith.constant 0 : i32
    %dma_start3A_1694 = arith.constant 0 : i32
    %dma_start3A_1695 = tpu.memref_slice %arg6[%dma_start3A_1692, %dma_start3A_1693, %dma_start3A_1694] : memref<12x64x128xf32, #tpu.memory_space<vmem>> -> memref<1x64x128xf32, #tpu.memory_space<vmem>>
    %dma_start3A_1696 = tpu.memref_squeeze %dma_start3A_1695 : memref<1x64x128xf32, #tpu.memory_space<vmem>> -> memref<64x128xf32, #tpu.memory_space<vmem>>
    %dma_start3A_1697 = arith.constant 0 : i32
    %dma_start3A_1698 = tpu.memref_slice %arg2[%dma_start3A_1697, %multiple_of3A_1691] : memref<64x1000000xf32, #tpu.memory_space<hbm>> -> memref<64x128xf32, #tpu.memory_space<hbm>>
    %dma_start3A_1699 = arith.constant 0 : i32
    %dma_start3A_1700 = arith.constant 0 : i32
    %dma_start3A_1701 = tpu.memref_slice %arg6[%dma_start3A_1692, %dma_start3A_1699, %dma_start3A_1700] : memref<12x64x128xf32, #tpu.memory_space<vmem>> -> memref<1x64x128xf32, #tpu.memory_space<vmem>>
    %dma_start3A_1702 = tpu.memref_squeeze %dma_start3A_1701 : memref<1x64x128xf32, #tpu.memory_space<vmem>> -> memref<64x128xf32, #tpu.memory_space<vmem>>
    %dma_start3A_1703 = arith.constant 0 : i32
    %dma_start3A_1704 = tpu.memref_slice %arg2[%dma_start3A_1703, %multiple_of3A_1691] : memref<64x1000000xf32, #tpu.memory_space<hbm>> -> memref<64x128xf32, #tpu.memory_space<hbm>>
    tpu.enqueue_dma source(%dma_start3A_1704 : memref<64x128xf32, #tpu.memory_space<hbm>>) target(%dma_start3A_1702 : memref<64x128xf32, #tpu.memory_space<vmem>>) target_semaphore(%arg16 : memref<!tpu.dma_semaphore, #tpu.memory_space<semaphore_mem>>)
    %jit3A_1705 = arith.constant 128 : i32
    %eq3A_1706 = arith.constant 0 : i32
    %eq3A_1707 = arith.cmpi eq, %jit3A_1705, %eq3A_1706 : i32
    %jit3A_1708 = arith.constant 1 : i32
    %select_n3A_1709 = arith.select %eq3A_1707, %jit3A_1708, %jit3A_1705 : i32
    %rem3A_1710 = arith.remsi %squeeze3A_31, %select_n3A_1709 : i32
    %ne3A_1711 = arith.constant 0 : i32
    %ne3A_1712 = arith.cmpi ne, %rem3A_1710, %ne3A_1711 : i32
    %lt3A_1713 = arith.constant 0 : i32
    %lt3A_1714 = arith.cmpi slt, %rem3A_1710, %lt3A_1713 : i32
    %lt3A_1715 = arith.constant 0 : i32
    %lt3A_1716 = arith.cmpi slt, %select_n3A_1709, %lt3A_1715 : i32
    %ne3A_1717 = arith.xori %lt3A_1714, %lt3A_1716 : i1
    %and3A_1718 = arith.andi %ne3A_1717, %ne3A_1712 : i1
    %add3A_1719 = arith.addi %rem3A_1710, %select_n3A_1709 : i32
    %select_n3A_1720 = arith.select %and3A_1718, %add3A_1719, %rem3A_1710 : i32
    %broadcast_in_dim3A_1721 = vector.broadcast %select_n3A_1720 : i32 to vector<16xi32>
    %broadcast_in_dim3A_1722 = arith.constant 14 : i32
    %broadcast_in_dim3A_1723 = vector.broadcast %broadcast_in_dim3A_1722 : i32 to vector<16xi32>
    %gather3A_1724 = arith.constant 2 : i32
    %gather3A_1725 = arith.constant 0 : i32
    %gather3A_1726 = arith.constant 0 : i32
    %gather3A_1727 = tpu.memref_slice %arg6[%gather3A_1724, %gather3A_1725, %gather3A_1726] : memref<12x64x128xf32, #tpu.memory_space<vmem>> -> memref<1x64x128xf32, #tpu.memory_space<vmem>>
    %gather3A_1728 = tpu.memref_squeeze %gather3A_1727 : memref<1x64x128xf32, #tpu.memory_space<vmem>> -> memref<64x128xf32, #tpu.memory_space<vmem>>
    %gather3A_1729 = tpu.vector_load_idx %gather3A_1728[%add3A_70, %broadcast_in_dim3A_1721] : memref<64x128xf32, #tpu.memory_space<vmem>>[vector<16xi32>, vector<16xi32>], vector<16xf32>,
    tpu.vector_store_idx %arg7[%add3A_70, %broadcast_in_dim3A_1723], %gather3A_1729 : memref<64x32xf32, #tpu.memory_space<vmem>>[vector<16xi32>, vector<16xi32>], vector<16xf32>,
    %gather3A_1730 = arith.constant 2 : i32
    %gather3A_1731 = arith.constant 0 : i32
    %gather3A_1732 = arith.constant 0 : i32
    %gather3A_1733 = tpu.memref_slice %arg6[%gather3A_1730, %gather3A_1731, %gather3A_1732] : memref<12x64x128xf32, #tpu.memory_space<vmem>> -> memref<1x64x128xf32, #tpu.memory_space<vmem>>
    %gather3A_1734 = tpu.memref_squeeze %gather3A_1733 : memref<1x64x128xf32, #tpu.memory_space<vmem>> -> memref<64x128xf32, #tpu.memory_space<vmem>>
    %gather3A_1735 = tpu.vector_load_idx %gather3A_1734[%add3A_74, %broadcast_in_dim3A_1721] : memref<64x128xf32, #tpu.memory_space<vmem>>[vector<16xi32>, vector<16xi32>], vector<16xf32>,
    tpu.vector_store_idx %arg7[%add3A_74, %broadcast_in_dim3A_1723], %gather3A_1735 : memref<64x32xf32, #tpu.memory_space<vmem>>[vector<16xi32>, vector<16xi32>], vector<16xf32>,
    %gather3A_1736 = arith.constant 2 : i32
    %gather3A_1737 = arith.constant 0 : i32
    %gather3A_1738 = arith.constant 0 : i32
    %gather3A_1739 = tpu.memref_slice %arg6[%gather3A_1736, %gather3A_1737, %gather3A_1738] : memref<12x64x128xf32, #tpu.memory_space<vmem>> -> memref<1x64x128xf32, #tpu.memory_space<vmem>>
    %gather3A_1740 = tpu.memref_squeeze %gather3A_1739 : memref<1x64x128xf32, #tpu.memory_space<vmem>> -> memref<64x128xf32, #tpu.memory_space<vmem>>
    %gather3A_1741 = tpu.vector_load_idx %gather3A_1740[%add3A_78, %broadcast_in_dim3A_1721] : memref<64x128xf32, #tpu.memory_space<vmem>>[vector<16xi32>, vector<16xi32>], vector<16xf32>,
    tpu.vector_store_idx %arg7[%add3A_78, %broadcast_in_dim3A_1723], %gather3A_1741 : memref<64x32xf32, #tpu.memory_space<vmem>>[vector<16xi32>, vector<16xi32>], vector<16xf32>,
    %gather3A_1742 = arith.constant 2 : i32
    %gather3A_1743 = arith.constant 0 : i32
    %gather3A_1744 = arith.constant 0 : i32
    %gather3A_1745 = tpu.memref_slice %arg6[%gather3A_1742, %gather3A_1743, %gather3A_1744] : memref<12x64x128xf32, #tpu.memory_space<vmem>> -> memref<1x64x128xf32, #tpu.memory_space<vmem>>
    %gather3A_1746 = tpu.memref_squeeze %gather3A_1745 : memref<1x64x128xf32, #tpu.memory_space<vmem>> -> memref<64x128xf32, #tpu.memory_space<vmem>>
    %gather3A_1747 = tpu.vector_load_idx %gather3A_1746[%add3A_82, %broadcast_in_dim3A_1721] : memref<64x128xf32, #tpu.memory_space<vmem>>[vector<16xi32>, vector<16xi32>], vector<16xf32>,
    tpu.vector_store_idx %arg7[%add3A_82, %broadcast_in_dim3A_1723], %gather3A_1747 : memref<64x32xf32, #tpu.memory_space<vmem>>[vector<16xi32>, vector<16xi32>], vector<16xf32>,
    %dma_wait3A_1748 = arith.constant 3 : i32
    %dma_wait3A_1749 = arith.constant 0 : i32
    %dma_wait3A_1750 = arith.constant 0 : i32
    %dma_wait3A_1751 = tpu.memref_slice %arg6[%dma_wait3A_1748, %dma_wait3A_1749, %dma_wait3A_1750] : memref<12x64x128xf32, #tpu.memory_space<vmem>> -> memref<1x64x128xf32, #tpu.memory_space<vmem>>
    %dma_wait3A_1752 = tpu.memref_squeeze %dma_wait3A_1751 : memref<1x64x128xf32, #tpu.memory_space<vmem>> -> memref<64x128xf32, #tpu.memory_space<vmem>>
    %dma_wait3A_1753 = arith.constant 0 : i32
    %dma_wait3A_1754 = tpu.memref_slice %arg2[%dma_wait3A_1753, %multiple_of3A_1211] : memref<64x1000000xf32, #tpu.memory_space<hbm>> -> memref<64x128xf32, #tpu.memory_space<hbm>>
    %dma_wait3A_1755 = arith.constant 0 : i32
    %dma_wait3A_1756 = arith.constant 0 : i32
    %dma_wait3A_1757 = tpu.memref_slice %arg6[%dma_wait3A_1748, %dma_wait3A_1755, %dma_wait3A_1756] : memref<12x64x128xf32, #tpu.memory_space<vmem>> -> memref<1x64x128xf32, #tpu.memory_space<vmem>>
    %dma_wait3A_1758 = tpu.memref_squeeze %dma_wait3A_1757 : memref<1x64x128xf32, #tpu.memory_space<vmem>> -> memref<64x128xf32, #tpu.memory_space<vmem>>
    %dma_wait3A_1759 = arith.constant 0 : i32
    %dma_wait3A_1760 = tpu.memref_slice %arg2[%dma_wait3A_1759, %multiple_of3A_1211] : memref<64x1000000xf32, #tpu.memory_space<hbm>> -> memref<64x128xf32, #tpu.memory_space<hbm>>
    tpu.wait_dma2 semaphore(%arg11 : memref<!tpu.dma_semaphore, #tpu.memory_space<semaphore_mem>>) src(%dma_wait3A_1760 : memref<64x128xf32, #tpu.memory_space<hbm>>) dst(%dma_wait3A_1758 : memref<64x128xf32, #tpu.memory_space<vmem>>)
    %jit3A_1761 = arith.constant 128 : i32
    %div3A_1762 = arith.divsi %squeeze3A_47, %jit3A_1761 : i32
    %sign3A_1763 = arith.constant 0 : i32
    %sign3A_1764 = arith.cmpi sgt, %squeeze3A_47, %sign3A_1763 : i32
    %sign3A_1765 = arith.extui %sign3A_1764 : i1 to i32
    %sign3A_1766 = arith.constant 0 : i32
    %sign3A_1767 = arith.cmpi slt, %squeeze3A_47, %sign3A_1766 : i32
    %sign3A_1768 = arith.extui %sign3A_1767 : i1 to i32
    %sign3A_1769 = arith.subi %sign3A_1765, %sign3A_1768 : i32
    %sign3A_1770 = arith.constant 0 : i32
    %sign3A_1771 = arith.cmpi sgt, %jit3A_1761, %sign3A_1770 : i32
    %sign3A_1772 = arith.extui %sign3A_1771 : i1 to i32
    %sign3A_1773 = arith.constant 0 : i32
    %sign3A_1774 = arith.cmpi slt, %jit3A_1761, %sign3A_1773 : i32
    %sign3A_1775 = arith.extui %sign3A_1774 : i1 to i32
    %sign3A_1776 = arith.subi %sign3A_1772, %sign3A_1775 : i32
    %ne3A_1777 = arith.cmpi ne, %sign3A_1769, %sign3A_1776 : i32
    %rem3A_1778 = arith.remsi %squeeze3A_47, %jit3A_1761 : i32
    %ne3A_1779 = arith.constant 0 : i32
    %ne3A_1780 = arith.cmpi ne, %rem3A_1778, %ne3A_1779 : i32
    %and3A_1781 = arith.andi %ne3A_1777, %ne3A_1780 : i1
    %sub3A_1782 = arith.constant 1 : i32
    %sub3A_1783 = arith.subi %div3A_1762, %sub3A_1782 : i32
    %select_n3A_1784 = arith.select %and3A_1781, %sub3A_1783, %div3A_1762 : i32
    %mul3A_1785 = arith.constant 128 : i32
    %mul3A_1786 = arith.muli %select_n3A_1784, %mul3A_1785 : i32
    %multiple_of3A_1787 = tpu.assume_multiple %mul3A_1786, 128 : i32
    %dma_start3A_1788 = arith.constant 9 : i32
    %dma_start3A_1789 = arith.constant 0 : i32
    %dma_start3A_1790 = arith.constant 0 : i32
    %dma_start3A_1791 = tpu.memref_slice %arg6[%dma_start3A_1788, %dma_start3A_1789, %dma_start3A_1790] : memref<12x64x128xf32, #tpu.memory_space<vmem>> -> memref<1x64x128xf32, #tpu.memory_space<vmem>>
    %dma_start3A_1792 = tpu.memref_squeeze %dma_start3A_1791 : memref<1x64x128xf32, #tpu.memory_space<vmem>> -> memref<64x128xf32, #tpu.memory_space<vmem>>
    %dma_start3A_1793 = arith.constant 0 : i32
    %dma_start3A_1794 = tpu.memref_slice %arg2[%dma_start3A_1793, %multiple_of3A_1787] : memref<64x1000000xf32, #tpu.memory_space<hbm>> -> memref<64x128xf32, #tpu.memory_space<hbm>>
    %dma_start3A_1795 = arith.constant 0 : i32
    %dma_start3A_1796 = arith.constant 0 : i32
    %dma_start3A_1797 = tpu.memref_slice %arg6[%dma_start3A_1788, %dma_start3A_1795, %dma_start3A_1796] : memref<12x64x128xf32, #tpu.memory_space<vmem>> -> memref<1x64x128xf32, #tpu.memory_space<vmem>>
    %dma_start3A_1798 = tpu.memref_squeeze %dma_start3A_1797 : memref<1x64x128xf32, #tpu.memory_space<vmem>> -> memref<64x128xf32, #tpu.memory_space<vmem>>
    %dma_start3A_1799 = arith.constant 0 : i32
    %dma_start3A_1800 = tpu.memref_slice %arg2[%dma_start3A_1799, %multiple_of3A_1787] : memref<64x1000000xf32, #tpu.memory_space<hbm>> -> memref<64x128xf32, #tpu.memory_space<hbm>>
    tpu.enqueue_dma source(%dma_start3A_1800 : memref<64x128xf32, #tpu.memory_space<hbm>>) target(%dma_start3A_1798 : memref<64x128xf32, #tpu.memory_space<vmem>>) target_semaphore(%arg17 : memref<!tpu.dma_semaphore, #tpu.memory_space<semaphore_mem>>)
    %jit3A_1801 = arith.constant 128 : i32
    %eq3A_1802 = arith.constant 0 : i32
    %eq3A_1803 = arith.cmpi eq, %jit3A_1801, %eq3A_1802 : i32
    %jit3A_1804 = arith.constant 1 : i32
    %select_n3A_1805 = arith.select %eq3A_1803, %jit3A_1804, %jit3A_1801 : i32
    %rem3A_1806 = arith.remsi %squeeze3A_33, %select_n3A_1805 : i32
    %ne3A_1807 = arith.constant 0 : i32
    %ne3A_1808 = arith.cmpi ne, %rem3A_1806, %ne3A_1807 : i32
    %lt3A_1809 = arith.constant 0 : i32
    %lt3A_1810 = arith.cmpi slt, %rem3A_1806, %lt3A_1809 : i32
    %lt3A_1811 = arith.constant 0 : i32
    %lt3A_1812 = arith.cmpi slt, %select_n3A_1805, %lt3A_1811 : i32
    %ne3A_1813 = arith.xori %lt3A_1810, %lt3A_1812 : i1
    %and3A_1814 = arith.andi %ne3A_1813, %ne3A_1808 : i1
    %add3A_1815 = arith.addi %rem3A_1806, %select_n3A_1805 : i32
    %select_n3A_1816 = arith.select %and3A_1814, %add3A_1815, %rem3A_1806 : i32
    %broadcast_in_dim3A_1817 = vector.broadcast %select_n3A_1816 : i32 to vector<16xi32>
    %broadcast_in_dim3A_1818 = arith.constant 15 : i32
    %broadcast_in_dim3A_1819 = vector.broadcast %broadcast_in_dim3A_1818 : i32 to vector<16xi32>
    %gather3A_1820 = arith.constant 3 : i32
    %gather3A_1821 = arith.constant 0 : i32
    %gather3A_1822 = arith.constant 0 : i32
    %gather3A_1823 = tpu.memref_slice %arg6[%gather3A_1820, %gather3A_1821, %gather3A_1822] : memref<12x64x128xf32, #tpu.memory_space<vmem>> -> memref<1x64x128xf32, #tpu.memory_space<vmem>>
    %gather3A_1824 = tpu.memref_squeeze %gather3A_1823 : memref<1x64x128xf32, #tpu.memory_space<vmem>> -> memref<64x128xf32, #tpu.memory_space<vmem>>
    %gather3A_1825 = tpu.vector_load_idx %gather3A_1824[%add3A_70, %broadcast_in_dim3A_1817] : memref<64x128xf32, #tpu.memory_space<vmem>>[vector<16xi32>, vector<16xi32>], vector<16xf32>,
    tpu.vector_store_idx %arg7[%add3A_70, %broadcast_in_dim3A_1819], %gather3A_1825 : memref<64x32xf32, #tpu.memory_space<vmem>>[vector<16xi32>, vector<16xi32>], vector<16xf32>,
    %gather3A_1826 = arith.constant 3 : i32
    %gather3A_1827 = arith.constant 0 : i32
    %gather3A_1828 = arith.constant 0 : i32
    %gather3A_1829 = tpu.memref_slice %arg6[%gather3A_1826, %gather3A_1827, %gather3A_1828] : memref<12x64x128xf32, #tpu.memory_space<vmem>> -> memref<1x64x128xf32, #tpu.memory_space<vmem>>
    %gather3A_1830 = tpu.memref_squeeze %gather3A_1829 : memref<1x64x128xf32, #tpu.memory_space<vmem>> -> memref<64x128xf32, #tpu.memory_space<vmem>>
    %gather3A_1831 = tpu.vector_load_idx %gather3A_1830[%add3A_74, %broadcast_in_dim3A_1817] : memref<64x128xf32, #tpu.memory_space<vmem>>[vector<16xi32>, vector<16xi32>], vector<16xf32>,
    tpu.vector_store_idx %arg7[%add3A_74, %broadcast_in_dim3A_1819], %gather3A_1831 : memref<64x32xf32, #tpu.memory_space<vmem>>[vector<16xi32>, vector<16xi32>], vector<16xf32>,
    %gather3A_1832 = arith.constant 3 : i32
    %gather3A_1833 = arith.constant 0 : i32
    %gather3A_1834 = arith.constant 0 : i32
    %gather3A_1835 = tpu.memref_slice %arg6[%gather3A_1832, %gather3A_1833, %gather3A_1834] : memref<12x64x128xf32, #tpu.memory_space<vmem>> -> memref<1x64x128xf32, #tpu.memory_space<vmem>>
    %gather3A_1836 = tpu.memref_squeeze %gather3A_1835 : memref<1x64x128xf32, #tpu.memory_space<vmem>> -> memref<64x128xf32, #tpu.memory_space<vmem>>
    %gather3A_1837 = tpu.vector_load_idx %gather3A_1836[%add3A_78, %broadcast_in_dim3A_1817] : memref<64x128xf32, #tpu.memory_space<vmem>>[vector<16xi32>, vector<16xi32>], vector<16xf32>,
    tpu.vector_store_idx %arg7[%add3A_78, %broadcast_in_dim3A_1819], %gather3A_1837 : memref<64x32xf32, #tpu.memory_space<vmem>>[vector<16xi32>, vector<16xi32>], vector<16xf32>,
    %gather3A_1838 = arith.constant 3 : i32
    %gather3A_1839 = arith.constant 0 : i32
    %gather3A_1840 = arith.constant 0 : i32
    %gather3A_1841 = tpu.memref_slice %arg6[%gather3A_1838, %gather3A_1839, %gather3A_1840] : memref<12x64x128xf32, #tpu.memory_space<vmem>> -> memref<1x64x128xf32, #tpu.memory_space<vmem>>
    %gather3A_1842 = tpu.memref_squeeze %gather3A_1841 : memref<1x64x128xf32, #tpu.memory_space<vmem>> -> memref<64x128xf32, #tpu.memory_space<vmem>>
    %gather3A_1843 = tpu.vector_load_idx %gather3A_1842[%add3A_82, %broadcast_in_dim3A_1817] : memref<64x128xf32, #tpu.memory_space<vmem>>[vector<16xi32>, vector<16xi32>], vector<16xf32>,
    tpu.vector_store_idx %arg7[%add3A_82, %broadcast_in_dim3A_1819], %gather3A_1843 : memref<64x32xf32, #tpu.memory_space<vmem>>[vector<16xi32>, vector<16xi32>], vector<16xf32>,
    %dma_wait3A_1844 = arith.constant 4 : i32
    %dma_wait3A_1845 = arith.constant 0 : i32
    %dma_wait3A_1846 = arith.constant 0 : i32
    %dma_wait3A_1847 = tpu.memref_slice %arg6[%dma_wait3A_1844, %dma_wait3A_1845, %dma_wait3A_1846] : memref<12x64x128xf32, #tpu.memory_space<vmem>> -> memref<1x64x128xf32, #tpu.memory_space<vmem>>
    %dma_wait3A_1848 = tpu.memref_squeeze %dma_wait3A_1847 : memref<1x64x128xf32, #tpu.memory_space<vmem>> -> memref<64x128xf32, #tpu.memory_space<vmem>>
    %dma_wait3A_1849 = arith.constant 0 : i32
    %dma_wait3A_1850 = tpu.memref_slice %arg2[%dma_wait3A_1849, %multiple_of3A_1307] : memref<64x1000000xf32, #tpu.memory_space<hbm>> -> memref<64x128xf32, #tpu.memory_space<hbm>>
    %dma_wait3A_1851 = arith.constant 0 : i32
    %dma_wait3A_1852 = arith.constant 0 : i32
    %dma_wait3A_1853 = tpu.memref_slice %arg6[%dma_wait3A_1844, %dma_wait3A_1851, %dma_wait3A_1852] : memref<12x64x128xf32, #tpu.memory_space<vmem>> -> memref<1x64x128xf32, #tpu.memory_space<vmem>>
    %dma_wait3A_1854 = tpu.memref_squeeze %dma_wait3A_1853 : memref<1x64x128xf32, #tpu.memory_space<vmem>> -> memref<64x128xf32, #tpu.memory_space<vmem>>
    %dma_wait3A_1855 = arith.constant 0 : i32
    %dma_wait3A_1856 = tpu.memref_slice %arg2[%dma_wait3A_1855, %multiple_of3A_1307] : memref<64x1000000xf32, #tpu.memory_space<hbm>> -> memref<64x128xf32, #tpu.memory_space<hbm>>
    tpu.wait_dma2 semaphore(%arg12 : memref<!tpu.dma_semaphore, #tpu.memory_space<semaphore_mem>>) src(%dma_wait3A_1856 : memref<64x128xf32, #tpu.memory_space<hbm>>) dst(%dma_wait3A_1854 : memref<64x128xf32, #tpu.memory_space<vmem>>)
    %jit3A_1857 = arith.constant 128 : i32
    %div3A_1858 = arith.divsi %squeeze3A_49, %jit3A_1857 : i32
    %sign3A_1859 = arith.constant 0 : i32
    %sign3A_1860 = arith.cmpi sgt, %squeeze3A_49, %sign3A_1859 : i32
    %sign3A_1861 = arith.extui %sign3A_1860 : i1 to i32
    %sign3A_1862 = arith.constant 0 : i32
    %sign3A_1863 = arith.cmpi slt, %squeeze3A_49, %sign3A_1862 : i32
    %sign3A_1864 = arith.extui %sign3A_1863 : i1 to i32
    %sign3A_1865 = arith.subi %sign3A_1861, %sign3A_1864 : i32
    %sign3A_1866 = arith.constant 0 : i32
    %sign3A_1867 = arith.cmpi sgt, %jit3A_1857, %sign3A_1866 : i32
    %sign3A_1868 = arith.extui %sign3A_1867 : i1 to i32
    %sign3A_1869 = arith.constant 0 : i32
    %sign3A_1870 = arith.cmpi slt, %jit3A_1857, %sign3A_1869 : i32
    %sign3A_1871 = arith.extui %sign3A_1870 : i1 to i32
    %sign3A_1872 = arith.subi %sign3A_1868, %sign3A_1871 : i32
    %ne3A_1873 = arith.cmpi ne, %sign3A_1865, %sign3A_1872 : i32
    %rem3A_1874 = arith.remsi %squeeze3A_49, %jit3A_1857 : i32
    %ne3A_1875 = arith.constant 0 : i32
    %ne3A_1876 = arith.cmpi ne, %rem3A_1874, %ne3A_1875 : i32
    %and3A_1877 = arith.andi %ne3A_1873, %ne3A_1876 : i1
    %sub3A_1878 = arith.constant 1 : i32
    %sub3A_1879 = arith.subi %div3A_1858, %sub3A_1878 : i32
    %select_n3A_1880 = arith.select %and3A_1877, %sub3A_1879, %div3A_1858 : i32
    %mul3A_1881 = arith.constant 128 : i32
    %mul3A_1882 = arith.muli %select_n3A_1880, %mul3A_1881 : i32
    %multiple_of3A_1883 = tpu.assume_multiple %mul3A_1882, 128 : i32
    %dma_start3A_1884 = arith.constant 10 : i32
    %dma_start3A_1885 = arith.constant 0 : i32
    %dma_start3A_1886 = arith.constant 0 : i32
    %dma_start3A_1887 = tpu.memref_slice %arg6[%dma_start3A_1884, %dma_start3A_1885, %dma_start3A_1886] : memref<12x64x128xf32, #tpu.memory_space<vmem>> -> memref<1x64x128xf32, #tpu.memory_space<vmem>>
    %dma_start3A_1888 = tpu.memref_squeeze %dma_start3A_1887 : memref<1x64x128xf32, #tpu.memory_space<vmem>> -> memref<64x128xf32, #tpu.memory_space<vmem>>
    %dma_start3A_1889 = arith.constant 0 : i32
    %dma_start3A_1890 = tpu.memref_slice %arg2[%dma_start3A_1889, %multiple_of3A_1883] : memref<64x1000000xf32, #tpu.memory_space<hbm>> -> memref<64x128xf32, #tpu.memory_space<hbm>>
    %dma_start3A_1891 = arith.constant 0 : i32
    %dma_start3A_1892 = arith.constant 0 : i32
    %dma_start3A_1893 = tpu.memref_slice %arg6[%dma_start3A_1884, %dma_start3A_1891, %dma_start3A_1892] : memref<12x64x128xf32, #tpu.memory_space<vmem>> -> memref<1x64x128xf32, #tpu.memory_space<vmem>>
    %dma_start3A_1894 = tpu.memref_squeeze %dma_start3A_1893 : memref<1x64x128xf32, #tpu.memory_space<vmem>> -> memref<64x128xf32, #tpu.memory_space<vmem>>
    %dma_start3A_1895 = arith.constant 0 : i32
    %dma_start3A_1896 = tpu.memref_slice %arg2[%dma_start3A_1895, %multiple_of3A_1883] : memref<64x1000000xf32, #tpu.memory_space<hbm>> -> memref<64x128xf32, #tpu.memory_space<hbm>>
    tpu.enqueue_dma source(%dma_start3A_1896 : memref<64x128xf32, #tpu.memory_space<hbm>>) target(%dma_start3A_1894 : memref<64x128xf32, #tpu.memory_space<vmem>>) target_semaphore(%arg18 : memref<!tpu.dma_semaphore, #tpu.memory_space<semaphore_mem>>)
    %jit3A_1897 = arith.constant 128 : i32
    %eq3A_1898 = arith.constant 0 : i32
    %eq3A_1899 = arith.cmpi eq, %jit3A_1897, %eq3A_1898 : i32
    %jit3A_1900 = arith.constant 1 : i32
    %select_n3A_1901 = arith.select %eq3A_1899, %jit3A_1900, %jit3A_1897 : i32
    %rem3A_1902 = arith.remsi %squeeze3A_37, %select_n3A_1901 : i32
    %ne3A_1903 = arith.constant 0 : i32
    %ne3A_1904 = arith.cmpi ne, %rem3A_1902, %ne3A_1903 : i32
    %lt3A_1905 = arith.constant 0 : i32
    %lt3A_1906 = arith.cmpi slt, %rem3A_1902, %lt3A_1905 : i32
    %lt3A_1907 = arith.constant 0 : i32
    %lt3A_1908 = arith.cmpi slt, %select_n3A_1901, %lt3A_1907 : i32
    %ne3A_1909 = arith.xori %lt3A_1906, %lt3A_1908 : i1
    %and3A_1910 = arith.andi %ne3A_1909, %ne3A_1904 : i1
    %add3A_1911 = arith.addi %rem3A_1902, %select_n3A_1901 : i32
    %select_n3A_1912 = arith.select %and3A_1910, %add3A_1911, %rem3A_1902 : i32
    %broadcast_in_dim3A_1913 = vector.broadcast %select_n3A_1912 : i32 to vector<16xi32>
    %broadcast_in_dim3A_1914 = arith.constant 16 : i32
    %broadcast_in_dim3A_1915 = vector.broadcast %broadcast_in_dim3A_1914 : i32 to vector<16xi32>
    %gather3A_1916 = arith.constant 4 : i32
    %gather3A_1917 = arith.constant 0 : i32
    %gather3A_1918 = arith.constant 0 : i32
    %gather3A_1919 = tpu.memref_slice %arg6[%gather3A_1916, %gather3A_1917, %gather3A_1918] : memref<12x64x128xf32, #tpu.memory_space<vmem>> -> memref<1x64x128xf32, #tpu.memory_space<vmem>>
    %gather3A_1920 = tpu.memref_squeeze %gather3A_1919 : memref<1x64x128xf32, #tpu.memory_space<vmem>> -> memref<64x128xf32, #tpu.memory_space<vmem>>
    %gather3A_1921 = tpu.vector_load_idx %gather3A_1920[%add3A_70, %broadcast_in_dim3A_1913] : memref<64x128xf32, #tpu.memory_space<vmem>>[vector<16xi32>, vector<16xi32>], vector<16xf32>,
    tpu.vector_store_idx %arg7[%add3A_70, %broadcast_in_dim3A_1915], %gather3A_1921 : memref<64x32xf32, #tpu.memory_space<vmem>>[vector<16xi32>, vector<16xi32>], vector<16xf32>,
    %gather3A_1922 = arith.constant 4 : i32
    %gather3A_1923 = arith.constant 0 : i32
    %gather3A_1924 = arith.constant 0 : i32
    %gather3A_1925 = tpu.memref_slice %arg6[%gather3A_1922, %gather3A_1923, %gather3A_1924] : memref<12x64x128xf32, #tpu.memory_space<vmem>> -> memref<1x64x128xf32, #tpu.memory_space<vmem>>
    %gather3A_1926 = tpu.memref_squeeze %gather3A_1925 : memref<1x64x128xf32, #tpu.memory_space<vmem>> -> memref<64x128xf32, #tpu.memory_space<vmem>>
    %gather3A_1927 = tpu.vector_load_idx %gather3A_1926[%add3A_74, %broadcast_in_dim3A_1913] : memref<64x128xf32, #tpu.memory_space<vmem>>[vector<16xi32>, vector<16xi32>], vector<16xf32>,
    tpu.vector_store_idx %arg7[%add3A_74, %broadcast_in_dim3A_1915], %gather3A_1927 : memref<64x32xf32, #tpu.memory_space<vmem>>[vector<16xi32>, vector<16xi32>], vector<16xf32>,
    %gather3A_1928 = arith.constant 4 : i32
    %gather3A_1929 = arith.constant 0 : i32
    %gather3A_1930 = arith.constant 0 : i32
    %gather3A_1931 = tpu.memref_slice %arg6[%gather3A_1928, %gather3A_1929, %gather3A_1930] : memref<12x64x128xf32, #tpu.memory_space<vmem>> -> memref<1x64x128xf32, #tpu.memory_space<vmem>>
    %gather3A_1932 = tpu.memref_squeeze %gather3A_1931 : memref<1x64x128xf32, #tpu.memory_space<vmem>> -> memref<64x128xf32, #tpu.memory_space<vmem>>
    %gather3A_1933 = tpu.vector_load_idx %gather3A_1932[%add3A_78, %broadcast_in_dim3A_1913] : memref<64x128xf32, #tpu.memory_space<vmem>>[vector<16xi32>, vector<16xi32>], vector<16xf32>,
    tpu.vector_store_idx %arg7[%add3A_78, %broadcast_in_dim3A_1915], %gather3A_1933 : memref<64x32xf32, #tpu.memory_space<vmem>>[vector<16xi32>, vector<16xi32>], vector<16xf32>,
    %gather3A_1934 = arith.constant 4 : i32
    %gather3A_1935 = arith.constant 0 : i32
    %gather3A_1936 = arith.constant 0 : i32
    %gather3A_1937 = tpu.memref_slice %arg6[%gather3A_1934, %gather3A_1935, %gather3A_1936] : memref<12x64x128xf32, #tpu.memory_space<vmem>> -> memref<1x64x128xf32, #tpu.memory_space<vmem>>
    %gather3A_1938 = tpu.memref_squeeze %gather3A_1937 : memref<1x64x128xf32, #tpu.memory_space<vmem>> -> memref<64x128xf32, #tpu.memory_space<vmem>>
    %gather3A_1939 = tpu.vector_load_idx %gather3A_1938[%add3A_82, %broadcast_in_dim3A_1913] : memref<64x128xf32, #tpu.memory_space<vmem>>[vector<16xi32>, vector<16xi32>], vector<16xf32>,
    tpu.vector_store_idx %arg7[%add3A_82, %broadcast_in_dim3A_1915], %gather3A_1939 : memref<64x32xf32, #tpu.memory_space<vmem>>[vector<16xi32>, vector<16xi32>], vector<16xf32>,
    %dma_wait3A_1940 = arith.constant 5 : i32
    %dma_wait3A_1941 = arith.constant 0 : i32
    %dma_wait3A_1942 = arith.constant 0 : i32
    %dma_wait3A_1943 = tpu.memref_slice %arg6[%dma_wait3A_1940, %dma_wait3A_1941, %dma_wait3A_1942] : memref<12x64x128xf32, #tpu.memory_space<vmem>> -> memref<1x64x128xf32, #tpu.memory_space<vmem>>
    %dma_wait3A_1944 = tpu.memref_squeeze %dma_wait3A_1943 : memref<1x64x128xf32, #tpu.memory_space<vmem>> -> memref<64x128xf32, #tpu.memory_space<vmem>>
    %dma_wait3A_1945 = arith.constant 0 : i32
    %dma_wait3A_1946 = tpu.memref_slice %arg2[%dma_wait3A_1945, %multiple_of3A_1403] : memref<64x1000000xf32, #tpu.memory_space<hbm>> -> memref<64x128xf32, #tpu.memory_space<hbm>>
    %dma_wait3A_1947 = arith.constant 0 : i32
    %dma_wait3A_1948 = arith.constant 0 : i32
    %dma_wait3A_1949 = tpu.memref_slice %arg6[%dma_wait3A_1940, %dma_wait3A_1947, %dma_wait3A_1948] : memref<12x64x128xf32, #tpu.memory_space<vmem>> -> memref<1x64x128xf32, #tpu.memory_space<vmem>>
    %dma_wait3A_1950 = tpu.memref_squeeze %dma_wait3A_1949 : memref<1x64x128xf32, #tpu.memory_space<vmem>> -> memref<64x128xf32, #tpu.memory_space<vmem>>
    %dma_wait3A_1951 = arith.constant 0 : i32
    %dma_wait3A_1952 = tpu.memref_slice %arg2[%dma_wait3A_1951, %multiple_of3A_1403] : memref<64x1000000xf32, #tpu.memory_space<hbm>> -> memref<64x128xf32, #tpu.memory_space<hbm>>
    tpu.wait_dma2 semaphore(%arg13 : memref<!tpu.dma_semaphore, #tpu.memory_space<semaphore_mem>>) src(%dma_wait3A_1952 : memref<64x128xf32, #tpu.memory_space<hbm>>) dst(%dma_wait3A_1950 : memref<64x128xf32, #tpu.memory_space<vmem>>)
    %jit3A_1953 = arith.constant 128 : i32
    %div3A_1954 = arith.divsi %squeeze3A_51, %jit3A_1953 : i32
    %sign3A_1955 = arith.constant 0 : i32
    %sign3A_1956 = arith.cmpi sgt, %squeeze3A_51, %sign3A_1955 : i32
    %sign3A_1957 = arith.extui %sign3A_1956 : i1 to i32
    %sign3A_1958 = arith.constant 0 : i32
    %sign3A_1959 = arith.cmpi slt, %squeeze3A_51, %sign3A_1958 : i32
    %sign3A_1960 = arith.extui %sign3A_1959 : i1 to i32
    %sign3A_1961 = arith.subi %sign3A_1957, %sign3A_1960 : i32
    %sign3A_1962 = arith.constant 0 : i32
    %sign3A_1963 = arith.cmpi sgt, %jit3A_1953, %sign3A_1962 : i32
    %sign3A_1964 = arith.extui %sign3A_1963 : i1 to i32
    %sign3A_1965 = arith.constant 0 : i32
    %sign3A_1966 = arith.cmpi slt, %jit3A_1953, %sign3A_1965 : i32
    %sign3A_1967 = arith.extui %sign3A_1966 : i1 to i32
    %sign3A_1968 = arith.subi %sign3A_1964, %sign3A_1967 : i32
    %ne3A_1969 = arith.cmpi ne, %sign3A_1961, %sign3A_1968 : i32
    %rem3A_1970 = arith.remsi %squeeze3A_51, %jit3A_1953 : i32
    %ne3A_1971 = arith.constant 0 : i32
    %ne3A_1972 = arith.cmpi ne, %rem3A_1970, %ne3A_1971 : i32
    %and3A_1973 = arith.andi %ne3A_1969, %ne3A_1972 : i1
    %sub3A_1974 = arith.constant 1 : i32
    %sub3A_1975 = arith.subi %div3A_1954, %sub3A_1974 : i32
    %select_n3A_1976 = arith.select %and3A_1973, %sub3A_1975, %div3A_1954 : i32
    %mul3A_1977 = arith.constant 128 : i32
    %mul3A_1978 = arith.muli %select_n3A_1976, %mul3A_1977 : i32
    %multiple_of3A_1979 = tpu.assume_multiple %mul3A_1978, 128 : i32
    %dma_start3A_1980 = arith.constant 11 : i32
    %dma_start3A_1981 = arith.constant 0 : i32
    %dma_start3A_1982 = arith.constant 0 : i32
    %dma_start3A_1983 = tpu.memref_slice %arg6[%dma_start3A_1980, %dma_start3A_1981, %dma_start3A_1982] : memref<12x64x128xf32, #tpu.memory_space<vmem>> -> memref<1x64x128xf32, #tpu.memory_space<vmem>>
    %dma_start3A_1984 = tpu.memref_squeeze %dma_start3A_1983 : memref<1x64x128xf32, #tpu.memory_space<vmem>> -> memref<64x128xf32, #tpu.memory_space<vmem>>
    %dma_start3A_1985 = arith.constant 0 : i32
    %dma_start3A_1986 = tpu.memref_slice %arg2[%dma_start3A_1985, %multiple_of3A_1979] : memref<64x1000000xf32, #tpu.memory_space<hbm>> -> memref<64x128xf32, #tpu.memory_space<hbm>>
    %dma_start3A_1987 = arith.constant 0 : i32
    %dma_start3A_1988 = arith.constant 0 : i32
    %dma_start3A_1989 = tpu.memref_slice %arg6[%dma_start3A_1980, %dma_start3A_1987, %dma_start3A_1988] : memref<12x64x128xf32, #tpu.memory_space<vmem>> -> memref<1x64x128xf32, #tpu.memory_space<vmem>>
    %dma_start3A_1990 = tpu.memref_squeeze %dma_start3A_1989 : memref<1x64x128xf32, #tpu.memory_space<vmem>> -> memref<64x128xf32, #tpu.memory_space<vmem>>
    %dma_start3A_1991 = arith.constant 0 : i32
    %dma_start3A_1992 = tpu.memref_slice %arg2[%dma_start3A_1991, %multiple_of3A_1979] : memref<64x1000000xf32, #tpu.memory_space<hbm>> -> memref<64x128xf32, #tpu.memory_space<hbm>>
    tpu.enqueue_dma source(%dma_start3A_1992 : memref<64x128xf32, #tpu.memory_space<hbm>>) target(%dma_start3A_1990 : memref<64x128xf32, #tpu.memory_space<vmem>>) target_semaphore(%arg19 : memref<!tpu.dma_semaphore, #tpu.memory_space<semaphore_mem>>)
    %jit3A_1993 = arith.constant 128 : i32
    %eq3A_1994 = arith.constant 0 : i32
    %eq3A_1995 = arith.cmpi eq, %jit3A_1993, %eq3A_1994 : i32
    %jit3A_1996 = arith.constant 1 : i32
    %select_n3A_1997 = arith.select %eq3A_1995, %jit3A_1996, %jit3A_1993 : i32
    %rem3A_1998 = arith.remsi %squeeze3A_39, %select_n3A_1997 : i32
    %ne3A_1999 = arith.constant 0 : i32
    %ne3A_2000 = arith.cmpi ne, %rem3A_1998, %ne3A_1999 : i32
    %lt3A_2001 = arith.constant 0 : i32
    %lt3A_2002 = arith.cmpi slt, %rem3A_1998, %lt3A_2001 : i32
    %lt3A_2003 = arith.constant 0 : i32
    %lt3A_2004 = arith.cmpi slt, %select_n3A_1997, %lt3A_2003 : i32
    %ne3A_2005 = arith.xori %lt3A_2002, %lt3A_2004 : i1
    %and3A_2006 = arith.andi %ne3A_2005, %ne3A_2000 : i1
    %add3A_2007 = arith.addi %rem3A_1998, %select_n3A_1997 : i32
    %select_n3A_2008 = arith.select %and3A_2006, %add3A_2007, %rem3A_1998 : i32
    %broadcast_in_dim3A_2009 = vector.broadcast %select_n3A_2008 : i32 to vector<16xi32>
    %broadcast_in_dim3A_2010 = arith.constant 17 : i32
    %broadcast_in_dim3A_2011 = vector.broadcast %broadcast_in_dim3A_2010 : i32 to vector<16xi32>
    %gather3A_2012 = arith.constant 5 : i32
    %gather3A_2013 = arith.constant 0 : i32
    %gather3A_2014 = arith.constant 0 : i32
    %gather3A_2015 = tpu.memref_slice %arg6[%gather3A_2012, %gather3A_2013, %gather3A_2014] : memref<12x64x128xf32, #tpu.memory_space<vmem>> -> memref<1x64x128xf32, #tpu.memory_space<vmem>>
    %gather3A_2016 = tpu.memref_squeeze %gather3A_2015 : memref<1x64x128xf32, #tpu.memory_space<vmem>> -> memref<64x128xf32, #tpu.memory_space<vmem>>
    %gather3A_2017 = tpu.vector_load_idx %gather3A_2016[%add3A_70, %broadcast_in_dim3A_2009] : memref<64x128xf32, #tpu.memory_space<vmem>>[vector<16xi32>, vector<16xi32>], vector<16xf32>,
    tpu.vector_store_idx %arg7[%add3A_70, %broadcast_in_dim3A_2011], %gather3A_2017 : memref<64x32xf32, #tpu.memory_space<vmem>>[vector<16xi32>, vector<16xi32>], vector<16xf32>,
    %gather3A_2018 = arith.constant 5 : i32
    %gather3A_2019 = arith.constant 0 : i32
    %gather3A_2020 = arith.constant 0 : i32
    %gather3A_2021 = tpu.memref_slice %arg6[%gather3A_2018, %gather3A_2019, %gather3A_2020] : memref<12x64x128xf32, #tpu.memory_space<vmem>> -> memref<1x64x128xf32, #tpu.memory_space<vmem>>
    %gather3A_2022 = tpu.memref_squeeze %gather3A_2021 : memref<1x64x128xf32, #tpu.memory_space<vmem>> -> memref<64x128xf32, #tpu.memory_space<vmem>>
    %gather3A_2023 = tpu.vector_load_idx %gather3A_2022[%add3A_74, %broadcast_in_dim3A_2009] : memref<64x128xf32, #tpu.memory_space<vmem>>[vector<16xi32>, vector<16xi32>], vector<16xf32>,
    tpu.vector_store_idx %arg7[%add3A_74, %broadcast_in_dim3A_2011], %gather3A_2023 : memref<64x32xf32, #tpu.memory_space<vmem>>[vector<16xi32>, vector<16xi32>], vector<16xf32>,
    %gather3A_2024 = arith.constant 5 : i32
    %gather3A_2025 = arith.constant 0 : i32
    %gather3A_2026 = arith.constant 0 : i32
    %gather3A_2027 = tpu.memref_slice %arg6[%gather3A_2024, %gather3A_2025, %gather3A_2026] : memref<12x64x128xf32, #tpu.memory_space<vmem>> -> memref<1x64x128xf32, #tpu.memory_space<vmem>>
    %gather3A_2028 = tpu.memref_squeeze %gather3A_2027 : memref<1x64x128xf32, #tpu.memory_space<vmem>> -> memref<64x128xf32, #tpu.memory_space<vmem>>
    %gather3A_2029 = tpu.vector_load_idx %gather3A_2028[%add3A_78, %broadcast_in_dim3A_2009] : memref<64x128xf32, #tpu.memory_space<vmem>>[vector<16xi32>, vector<16xi32>], vector<16xf32>,
    tpu.vector_store_idx %arg7[%add3A_78, %broadcast_in_dim3A_2011], %gather3A_2029 : memref<64x32xf32, #tpu.memory_space<vmem>>[vector<16xi32>, vector<16xi32>], vector<16xf32>,
    %gather3A_2030 = arith.constant 5 : i32
    %gather3A_2031 = arith.constant 0 : i32
    %gather3A_2032 = arith.constant 0 : i32
    %gather3A_2033 = tpu.memref_slice %arg6[%gather3A_2030, %gather3A_2031, %gather3A_2032] : memref<12x64x128xf32, #tpu.memory_space<vmem>> -> memref<1x64x128xf32, #tpu.memory_space<vmem>>
    %gather3A_2034 = tpu.memref_squeeze %gather3A_2033 : memref<1x64x128xf32, #tpu.memory_space<vmem>> -> memref<64x128xf32, #tpu.memory_space<vmem>>
    %gather3A_2035 = tpu.vector_load_idx %gather3A_2034[%add3A_82, %broadcast_in_dim3A_2009] : memref<64x128xf32, #tpu.memory_space<vmem>>[vector<16xi32>, vector<16xi32>], vector<16xf32>,
    tpu.vector_store_idx %arg7[%add3A_82, %broadcast_in_dim3A_2011], %gather3A_2035 : memref<64x32xf32, #tpu.memory_space<vmem>>[vector<16xi32>, vector<16xi32>], vector<16xf32>,
    %dma_wait3A_2036 = arith.constant 6 : i32
    %dma_wait3A_2037 = arith.constant 0 : i32
    %dma_wait3A_2038 = arith.constant 0 : i32
    %dma_wait3A_2039 = tpu.memref_slice %arg6[%dma_wait3A_2036, %dma_wait3A_2037, %dma_wait3A_2038] : memref<12x64x128xf32, #tpu.memory_space<vmem>> -> memref<1x64x128xf32, #tpu.memory_space<vmem>>
    %dma_wait3A_2040 = tpu.memref_squeeze %dma_wait3A_2039 : memref<1x64x128xf32, #tpu.memory_space<vmem>> -> memref<64x128xf32, #tpu.memory_space<vmem>>
    %dma_wait3A_2041 = arith.constant 0 : i32
    %dma_wait3A_2042 = tpu.memref_slice %arg2[%dma_wait3A_2041, %multiple_of3A_1499] : memref<64x1000000xf32, #tpu.memory_space<hbm>> -> memref<64x128xf32, #tpu.memory_space<hbm>>
    %dma_wait3A_2043 = arith.constant 0 : i32
    %dma_wait3A_2044 = arith.constant 0 : i32
    %dma_wait3A_2045 = tpu.memref_slice %arg6[%dma_wait3A_2036, %dma_wait3A_2043, %dma_wait3A_2044] : memref<12x64x128xf32, #tpu.memory_space<vmem>> -> memref<1x64x128xf32, #tpu.memory_space<vmem>>
    %dma_wait3A_2046 = tpu.memref_squeeze %dma_wait3A_2045 : memref<1x64x128xf32, #tpu.memory_space<vmem>> -> memref<64x128xf32, #tpu.memory_space<vmem>>
    %dma_wait3A_2047 = arith.constant 0 : i32
    %dma_wait3A_2048 = tpu.memref_slice %arg2[%dma_wait3A_2047, %multiple_of3A_1499] : memref<64x1000000xf32, #tpu.memory_space<hbm>> -> memref<64x128xf32, #tpu.memory_space<hbm>>
    tpu.wait_dma2 semaphore(%arg14 : memref<!tpu.dma_semaphore, #tpu.memory_space<semaphore_mem>>) src(%dma_wait3A_2048 : memref<64x128xf32, #tpu.memory_space<hbm>>) dst(%dma_wait3A_2046 : memref<64x128xf32, #tpu.memory_space<vmem>>)
    %jit3A_2049 = arith.constant 128 : i32
    %div3A_2050 = arith.divsi %squeeze3A_53, %jit3A_2049 : i32
    %sign3A_2051 = arith.constant 0 : i32
    %sign3A_2052 = arith.cmpi sgt, %squeeze3A_53, %sign3A_2051 : i32
    %sign3A_2053 = arith.extui %sign3A_2052 : i1 to i32
    %sign3A_2054 = arith.constant 0 : i32
    %sign3A_2055 = arith.cmpi slt, %squeeze3A_53, %sign3A_2054 : i32
    %sign3A_2056 = arith.extui %sign3A_2055 : i1 to i32
    %sign3A_2057 = arith.subi %sign3A_2053, %sign3A_2056 : i32
    %sign3A_2058 = arith.constant 0 : i32
    %sign3A_2059 = arith.cmpi sgt, %jit3A_2049, %sign3A_2058 : i32
    %sign3A_2060 = arith.extui %sign3A_2059 : i1 to i32
    %sign3A_2061 = arith.constant 0 : i32
    %sign3A_2062 = arith.cmpi slt, %jit3A_2049, %sign3A_2061 : i32
    %sign3A_2063 = arith.extui %sign3A_2062 : i1 to i32
    %sign3A_2064 = arith.subi %sign3A_2060, %sign3A_2063 : i32
    %ne3A_2065 = arith.cmpi ne, %sign3A_2057, %sign3A_2064 : i32
    %rem3A_2066 = arith.remsi %squeeze3A_53, %jit3A_2049 : i32
    %ne3A_2067 = arith.constant 0 : i32
    %ne3A_2068 = arith.cmpi ne, %rem3A_2066, %ne3A_2067 : i32
    %and3A_2069 = arith.andi %ne3A_2065, %ne3A_2068 : i1
    %sub3A_2070 = arith.constant 1 : i32
    %sub3A_2071 = arith.subi %div3A_2050, %sub3A_2070 : i32
    %select_n3A_2072 = arith.select %and3A_2069, %sub3A_2071, %div3A_2050 : i32
    %mul3A_2073 = arith.constant 128 : i32
    %mul3A_2074 = arith.muli %select_n3A_2072, %mul3A_2073 : i32
    %multiple_of3A_2075 = tpu.assume_multiple %mul3A_2074, 128 : i32
    %dma_start3A_2076 = arith.constant 0 : i32
    %dma_start3A_2077 = arith.constant 0 : i32
    %dma_start3A_2078 = arith.constant 0 : i32
    %dma_start3A_2079 = tpu.memref_slice %arg6[%dma_start3A_2076, %dma_start3A_2077, %dma_start3A_2078] : memref<12x64x128xf32, #tpu.memory_space<vmem>> -> memref<1x64x128xf32, #tpu.memory_space<vmem>>
    %dma_start3A_2080 = tpu.memref_squeeze %dma_start3A_2079 : memref<1x64x128xf32, #tpu.memory_space<vmem>> -> memref<64x128xf32, #tpu.memory_space<vmem>>
    %dma_start3A_2081 = arith.constant 0 : i32
    %dma_start3A_2082 = tpu.memref_slice %arg2[%dma_start3A_2081, %multiple_of3A_2075] : memref<64x1000000xf32, #tpu.memory_space<hbm>> -> memref<64x128xf32, #tpu.memory_space<hbm>>
    %dma_start3A_2083 = arith.constant 0 : i32
    %dma_start3A_2084 = arith.constant 0 : i32
    %dma_start3A_2085 = tpu.memref_slice %arg6[%dma_start3A_2076, %dma_start3A_2083, %dma_start3A_2084] : memref<12x64x128xf32, #tpu.memory_space<vmem>> -> memref<1x64x128xf32, #tpu.memory_space<vmem>>
    %dma_start3A_2086 = tpu.memref_squeeze %dma_start3A_2085 : memref<1x64x128xf32, #tpu.memory_space<vmem>> -> memref<64x128xf32, #tpu.memory_space<vmem>>
    %dma_start3A_2087 = arith.constant 0 : i32
    %dma_start3A_2088 = tpu.memref_slice %arg2[%dma_start3A_2087, %multiple_of3A_2075] : memref<64x1000000xf32, #tpu.memory_space<hbm>> -> memref<64x128xf32, #tpu.memory_space<hbm>>
    tpu.enqueue_dma source(%dma_start3A_2088 : memref<64x128xf32, #tpu.memory_space<hbm>>) target(%dma_start3A_2086 : memref<64x128xf32, #tpu.memory_space<vmem>>) target_semaphore(%arg8 : memref<!tpu.dma_semaphore, #tpu.memory_space<semaphore_mem>>)
    %jit3A_2089 = arith.constant 128 : i32
    %eq3A_2090 = arith.constant 0 : i32
    %eq3A_2091 = arith.cmpi eq, %jit3A_2089, %eq3A_2090 : i32
    %jit3A_2092 = arith.constant 1 : i32
    %select_n3A_2093 = arith.select %eq3A_2091, %jit3A_2092, %jit3A_2089 : i32
    %rem3A_2094 = arith.remsi %squeeze3A_41, %select_n3A_2093 : i32
    %ne3A_2095 = arith.constant 0 : i32
    %ne3A_2096 = arith.cmpi ne, %rem3A_2094, %ne3A_2095 : i32
    %lt3A_2097 = arith.constant 0 : i32
    %lt3A_2098 = arith.cmpi slt, %rem3A_2094, %lt3A_2097 : i32
    %lt3A_2099 = arith.constant 0 : i32
    %lt3A_2100 = arith.cmpi slt, %select_n3A_2093, %lt3A_2099 : i32
    %ne3A_2101 = arith.xori %lt3A_2098, %lt3A_2100 : i1
    %and3A_2102 = arith.andi %ne3A_2101, %ne3A_2096 : i1
    %add3A_2103 = arith.addi %rem3A_2094, %select_n3A_2093 : i32
    %select_n3A_2104 = arith.select %and3A_2102, %add3A_2103, %rem3A_2094 : i32
    %broadcast_in_dim3A_2105 = vector.broadcast %select_n3A_2104 : i32 to vector<16xi32>
    %broadcast_in_dim3A_2106 = arith.constant 18 : i32
    %broadcast_in_dim3A_2107 = vector.broadcast %broadcast_in_dim3A_2106 : i32 to vector<16xi32>
    %gather3A_2108 = arith.constant 6 : i32
    %gather3A_2109 = arith.constant 0 : i32
    %gather3A_2110 = arith.constant 0 : i32
    %gather3A_2111 = tpu.memref_slice %arg6[%gather3A_2108, %gather3A_2109, %gather3A_2110] : memref<12x64x128xf32, #tpu.memory_space<vmem>> -> memref<1x64x128xf32, #tpu.memory_space<vmem>>
    %gather3A_2112 = tpu.memref_squeeze %gather3A_2111 : memref<1x64x128xf32, #tpu.memory_space<vmem>> -> memref<64x128xf32, #tpu.memory_space<vmem>>
    %gather3A_2113 = tpu.vector_load_idx %gather3A_2112[%add3A_70, %broadcast_in_dim3A_2105] : memref<64x128xf32, #tpu.memory_space<vmem>>[vector<16xi32>, vector<16xi32>], vector<16xf32>,
    tpu.vector_store_idx %arg7[%add3A_70, %broadcast_in_dim3A_2107], %gather3A_2113 : memref<64x32xf32, #tpu.memory_space<vmem>>[vector<16xi32>, vector<16xi32>], vector<16xf32>,
    %gather3A_2114 = arith.constant 6 : i32
    %gather3A_2115 = arith.constant 0 : i32
    %gather3A_2116 = arith.constant 0 : i32
    %gather3A_2117 = tpu.memref_slice %arg6[%gather3A_2114, %gather3A_2115, %gather3A_2116] : memref<12x64x128xf32, #tpu.memory_space<vmem>> -> memref<1x64x128xf32, #tpu.memory_space<vmem>>
    %gather3A_2118 = tpu.memref_squeeze %gather3A_2117 : memref<1x64x128xf32, #tpu.memory_space<vmem>> -> memref<64x128xf32, #tpu.memory_space<vmem>>
    %gather3A_2119 = tpu.vector_load_idx %gather3A_2118[%add3A_74, %broadcast_in_dim3A_2105] : memref<64x128xf32, #tpu.memory_space<vmem>>[vector<16xi32>, vector<16xi32>], vector<16xf32>,
    tpu.vector_store_idx %arg7[%add3A_74, %broadcast_in_dim3A_2107], %gather3A_2119 : memref<64x32xf32, #tpu.memory_space<vmem>>[vector<16xi32>, vector<16xi32>], vector<16xf32>,
    %gather3A_2120 = arith.constant 6 : i32
    %gather3A_2121 = arith.constant 0 : i32
    %gather3A_2122 = arith.constant 0 : i32
    %gather3A_2123 = tpu.memref_slice %arg6[%gather3A_2120, %gather3A_2121, %gather3A_2122] : memref<12x64x128xf32, #tpu.memory_space<vmem>> -> memref<1x64x128xf32, #tpu.memory_space<vmem>>
    %gather3A_2124 = tpu.memref_squeeze %gather3A_2123 : memref<1x64x128xf32, #tpu.memory_space<vmem>> -> memref<64x128xf32, #tpu.memory_space<vmem>>
    %gather3A_2125 = tpu.vector_load_idx %gather3A_2124[%add3A_78, %broadcast_in_dim3A_2105] : memref<64x128xf32, #tpu.memory_space<vmem>>[vector<16xi32>, vector<16xi32>], vector<16xf32>,
    tpu.vector_store_idx %arg7[%add3A_78, %broadcast_in_dim3A_2107], %gather3A_2125 : memref<64x32xf32, #tpu.memory_space<vmem>>[vector<16xi32>, vector<16xi32>], vector<16xf32>,
    %gather3A_2126 = arith.constant 6 : i32
    %gather3A_2127 = arith.constant 0 : i32
    %gather3A_2128 = arith.constant 0 : i32
    %gather3A_2129 = tpu.memref_slice %arg6[%gather3A_2126, %gather3A_2127, %gather3A_2128] : memref<12x64x128xf32, #tpu.memory_space<vmem>> -> memref<1x64x128xf32, #tpu.memory_space<vmem>>
    %gather3A_2130 = tpu.memref_squeeze %gather3A_2129 : memref<1x64x128xf32, #tpu.memory_space<vmem>> -> memref<64x128xf32, #tpu.memory_space<vmem>>
    %gather3A_2131 = tpu.vector_load_idx %gather3A_2130[%add3A_82, %broadcast_in_dim3A_2105] : memref<64x128xf32, #tpu.memory_space<vmem>>[vector<16xi32>, vector<16xi32>], vector<16xf32>,
    tpu.vector_store_idx %arg7[%add3A_82, %broadcast_in_dim3A_2107], %gather3A_2131 : memref<64x32xf32, #tpu.memory_space<vmem>>[vector<16xi32>, vector<16xi32>], vector<16xf32>,
    %dma_wait3A_2132 = arith.constant 7 : i32
    %dma_wait3A_2133 = arith.constant 0 : i32
    %dma_wait3A_2134 = arith.constant 0 : i32
    %dma_wait3A_2135 = tpu.memref_slice %arg6[%dma_wait3A_2132, %dma_wait3A_2133, %dma_wait3A_2134] : memref<12x64x128xf32, #tpu.memory_space<vmem>> -> memref<1x64x128xf32, #tpu.memory_space<vmem>>
    %dma_wait3A_2136 = tpu.memref_squeeze %dma_wait3A_2135 : memref<1x64x128xf32, #tpu.memory_space<vmem>> -> memref<64x128xf32, #tpu.memory_space<vmem>>
    %dma_wait3A_2137 = arith.constant 0 : i32
    %dma_wait3A_2138 = tpu.memref_slice %arg2[%dma_wait3A_2137, %multiple_of3A_1595] : memref<64x1000000xf32, #tpu.memory_space<hbm>> -> memref<64x128xf32, #tpu.memory_space<hbm>>
    %dma_wait3A_2139 = arith.constant 0 : i32
    %dma_wait3A_2140 = arith.constant 0 : i32
    %dma_wait3A_2141 = tpu.memref_slice %arg6[%dma_wait3A_2132, %dma_wait3A_2139, %dma_wait3A_2140] : memref<12x64x128xf32, #tpu.memory_space<vmem>> -> memref<1x64x128xf32, #tpu.memory_space<vmem>>
    %dma_wait3A_2142 = tpu.memref_squeeze %dma_wait3A_2141 : memref<1x64x128xf32, #tpu.memory_space<vmem>> -> memref<64x128xf32, #tpu.memory_space<vmem>>
    %dma_wait3A_2143 = arith.constant 0 : i32
    %dma_wait3A_2144 = tpu.memref_slice %arg2[%dma_wait3A_2143, %multiple_of3A_1595] : memref<64x1000000xf32, #tpu.memory_space<hbm>> -> memref<64x128xf32, #tpu.memory_space<hbm>>
    tpu.wait_dma2 semaphore(%arg15 : memref<!tpu.dma_semaphore, #tpu.memory_space<semaphore_mem>>) src(%dma_wait3A_2144 : memref<64x128xf32, #tpu.memory_space<hbm>>) dst(%dma_wait3A_2142 : memref<64x128xf32, #tpu.memory_space<vmem>>)
    %jit3A_2145 = arith.constant 128 : i32
    %div3A_2146 = arith.divsi %squeeze3A_55, %jit3A_2145 : i32
    %sign3A_2147 = arith.constant 0 : i32
    %sign3A_2148 = arith.cmpi sgt, %squeeze3A_55, %sign3A_2147 : i32
    %sign3A_2149 = arith.extui %sign3A_2148 : i1 to i32
    %sign3A_2150 = arith.constant 0 : i32
    %sign3A_2151 = arith.cmpi slt, %squeeze3A_55, %sign3A_2150 : i32
    %sign3A_2152 = arith.extui %sign3A_2151 : i1 to i32
    %sign3A_2153 = arith.subi %sign3A_2149, %sign3A_2152 : i32
    %sign3A_2154 = arith.constant 0 : i32
    %sign3A_2155 = arith.cmpi sgt, %jit3A_2145, %sign3A_2154 : i32
    %sign3A_2156 = arith.extui %sign3A_2155 : i1 to i32
    %sign3A_2157 = arith.constant 0 : i32
    %sign3A_2158 = arith.cmpi slt, %jit3A_2145, %sign3A_2157 : i32
    %sign3A_2159 = arith.extui %sign3A_2158 : i1 to i32
    %sign3A_2160 = arith.subi %sign3A_2156, %sign3A_2159 : i32
    %ne3A_2161 = arith.cmpi ne, %sign3A_2153, %sign3A_2160 : i32
    %rem3A_2162 = arith.remsi %squeeze3A_55, %jit3A_2145 : i32
    %ne3A_2163 = arith.constant 0 : i32
    %ne3A_2164 = arith.cmpi ne, %rem3A_2162, %ne3A_2163 : i32
    %and3A_2165 = arith.andi %ne3A_2161, %ne3A_2164 : i1
    %sub3A_2166 = arith.constant 1 : i32
    %sub3A_2167 = arith.subi %div3A_2146, %sub3A_2166 : i32
    %select_n3A_2168 = arith.select %and3A_2165, %sub3A_2167, %div3A_2146 : i32
    %mul3A_2169 = arith.constant 128 : i32
    %mul3A_2170 = arith.muli %select_n3A_2168, %mul3A_2169 : i32
    %multiple_of3A_2171 = tpu.assume_multiple %mul3A_2170, 128 : i32
    %dma_start3A_2172 = arith.constant 1 : i32
    %dma_start3A_2173 = arith.constant 0 : i32
    %dma_start3A_2174 = arith.constant 0 : i32
    %dma_start3A_2175 = tpu.memref_slice %arg6[%dma_start3A_2172, %dma_start3A_2173, %dma_start3A_2174] : memref<12x64x128xf32, #tpu.memory_space<vmem>> -> memref<1x64x128xf32, #tpu.memory_space<vmem>>
    %dma_start3A_2176 = tpu.memref_squeeze %dma_start3A_2175 : memref<1x64x128xf32, #tpu.memory_space<vmem>> -> memref<64x128xf32, #tpu.memory_space<vmem>>
    %dma_start3A_2177 = arith.constant 0 : i32
    %dma_start3A_2178 = tpu.memref_slice %arg2[%dma_start3A_2177, %multiple_of3A_2171] : memref<64x1000000xf32, #tpu.memory_space<hbm>> -> memref<64x128xf32, #tpu.memory_space<hbm>>
    %dma_start3A_2179 = arith.constant 0 : i32
    %dma_start3A_2180 = arith.constant 0 : i32
    %dma_start3A_2181 = tpu.memref_slice %arg6[%dma_start3A_2172, %dma_start3A_2179, %dma_start3A_2180] : memref<12x64x128xf32, #tpu.memory_space<vmem>> -> memref<1x64x128xf32, #tpu.memory_space<vmem>>
    %dma_start3A_2182 = tpu.memref_squeeze %dma_start3A_2181 : memref<1x64x128xf32, #tpu.memory_space<vmem>> -> memref<64x128xf32, #tpu.memory_space<vmem>>
    %dma_start3A_2183 = arith.constant 0 : i32
    %dma_start3A_2184 = tpu.memref_slice %arg2[%dma_start3A_2183, %multiple_of3A_2171] : memref<64x1000000xf32, #tpu.memory_space<hbm>> -> memref<64x128xf32, #tpu.memory_space<hbm>>
    tpu.enqueue_dma source(%dma_start3A_2184 : memref<64x128xf32, #tpu.memory_space<hbm>>) target(%dma_start3A_2182 : memref<64x128xf32, #tpu.memory_space<vmem>>) target_semaphore(%arg9 : memref<!tpu.dma_semaphore, #tpu.memory_space<semaphore_mem>>)
    %jit3A_2185 = arith.constant 128 : i32
    %eq3A_2186 = arith.constant 0 : i32
    %eq3A_2187 = arith.cmpi eq, %jit3A_2185, %eq3A_2186 : i32
    %jit3A_2188 = arith.constant 1 : i32
    %select_n3A_2189 = arith.select %eq3A_2187, %jit3A_2188, %jit3A_2185 : i32
    %rem3A_2190 = arith.remsi %squeeze3A_43, %select_n3A_2189 : i32
    %ne3A_2191 = arith.constant 0 : i32
    %ne3A_2192 = arith.cmpi ne, %rem3A_2190, %ne3A_2191 : i32
    %lt3A_2193 = arith.constant 0 : i32
    %lt3A_2194 = arith.cmpi slt, %rem3A_2190, %lt3A_2193 : i32
    %lt3A_2195 = arith.constant 0 : i32
    %lt3A_2196 = arith.cmpi slt, %select_n3A_2189, %lt3A_2195 : i32
    %ne3A_2197 = arith.xori %lt3A_2194, %lt3A_2196 : i1
    %and3A_2198 = arith.andi %ne3A_2197, %ne3A_2192 : i1
    %add3A_2199 = arith.addi %rem3A_2190, %select_n3A_2189 : i32
    %select_n3A_2200 = arith.select %and3A_2198, %add3A_2199, %rem3A_2190 : i32
    %broadcast_in_dim3A_2201 = vector.broadcast %select_n3A_2200 : i32 to vector<16xi32>
    %broadcast_in_dim3A_2202 = arith.constant 19 : i32
    %broadcast_in_dim3A_2203 = vector.broadcast %broadcast_in_dim3A_2202 : i32 to vector<16xi32>
    %gather3A_2204 = arith.constant 7 : i32
    %gather3A_2205 = arith.constant 0 : i32
    %gather3A_2206 = arith.constant 0 : i32
    %gather3A_2207 = tpu.memref_slice %arg6[%gather3A_2204, %gather3A_2205, %gather3A_2206] : memref<12x64x128xf32, #tpu.memory_space<vmem>> -> memref<1x64x128xf32, #tpu.memory_space<vmem>>
    %gather3A_2208 = tpu.memref_squeeze %gather3A_2207 : memref<1x64x128xf32, #tpu.memory_space<vmem>> -> memref<64x128xf32, #tpu.memory_space<vmem>>
    %gather3A_2209 = tpu.vector_load_idx %gather3A_2208[%add3A_70, %broadcast_in_dim3A_2201] : memref<64x128xf32, #tpu.memory_space<vmem>>[vector<16xi32>, vector<16xi32>], vector<16xf32>,
    tpu.vector_store_idx %arg7[%add3A_70, %broadcast_in_dim3A_2203], %gather3A_2209 : memref<64x32xf32, #tpu.memory_space<vmem>>[vector<16xi32>, vector<16xi32>], vector<16xf32>,
    %gather3A_2210 = arith.constant 7 : i32
    %gather3A_2211 = arith.constant 0 : i32
    %gather3A_2212 = arith.constant 0 : i32
    %gather3A_2213 = tpu.memref_slice %arg6[%gather3A_2210, %gather3A_2211, %gather3A_2212] : memref<12x64x128xf32, #tpu.memory_space<vmem>> -> memref<1x64x128xf32, #tpu.memory_space<vmem>>
    %gather3A_2214 = tpu.memref_squeeze %gather3A_2213 : memref<1x64x128xf32, #tpu.memory_space<vmem>> -> memref<64x128xf32, #tpu.memory_space<vmem>>
    %gather3A_2215 = tpu.vector_load_idx %gather3A_2214[%add3A_74, %broadcast_in_dim3A_2201] : memref<64x128xf32, #tpu.memory_space<vmem>>[vector<16xi32>, vector<16xi32>], vector<16xf32>,
    tpu.vector_store_idx %arg7[%add3A_74, %broadcast_in_dim3A_2203], %gather3A_2215 : memref<64x32xf32, #tpu.memory_space<vmem>>[vector<16xi32>, vector<16xi32>], vector<16xf32>,
    %gather3A_2216 = arith.constant 7 : i32
    %gather3A_2217 = arith.constant 0 : i32
    %gather3A_2218 = arith.constant 0 : i32
    %gather3A_2219 = tpu.memref_slice %arg6[%gather3A_2216, %gather3A_2217, %gather3A_2218] : memref<12x64x128xf32, #tpu.memory_space<vmem>> -> memref<1x64x128xf32, #tpu.memory_space<vmem>>
    %gather3A_2220 = tpu.memref_squeeze %gather3A_2219 : memref<1x64x128xf32, #tpu.memory_space<vmem>> -> memref<64x128xf32, #tpu.memory_space<vmem>>
    %gather3A_2221 = tpu.vector_load_idx %gather3A_2220[%add3A_78, %broadcast_in_dim3A_2201] : memref<64x128xf32, #tpu.memory_space<vmem>>[vector<16xi32>, vector<16xi32>], vector<16xf32>,
    tpu.vector_store_idx %arg7[%add3A_78, %broadcast_in_dim3A_2203], %gather3A_2221 : memref<64x32xf32, #tpu.memory_space<vmem>>[vector<16xi32>, vector<16xi32>], vector<16xf32>,
    %gather3A_2222 = arith.constant 7 : i32
    %gather3A_2223 = arith.constant 0 : i32
    %gather3A_2224 = arith.constant 0 : i32
    %gather3A_2225 = tpu.memref_slice %arg6[%gather3A_2222, %gather3A_2223, %gather3A_2224] : memref<12x64x128xf32, #tpu.memory_space<vmem>> -> memref<1x64x128xf32, #tpu.memory_space<vmem>>
    %gather3A_2226 = tpu.memref_squeeze %gather3A_2225 : memref<1x64x128xf32, #tpu.memory_space<vmem>> -> memref<64x128xf32, #tpu.memory_space<vmem>>
    %gather3A_2227 = tpu.vector_load_idx %gather3A_2226[%add3A_82, %broadcast_in_dim3A_2201] : memref<64x128xf32, #tpu.memory_space<vmem>>[vector<16xi32>, vector<16xi32>], vector<16xf32>,
    tpu.vector_store_idx %arg7[%add3A_82, %broadcast_in_dim3A_2203], %gather3A_2227 : memref<64x32xf32, #tpu.memory_space<vmem>>[vector<16xi32>, vector<16xi32>], vector<16xf32>,
    %dma_wait3A_2228 = arith.constant 8 : i32
    %dma_wait3A_2229 = arith.constant 0 : i32
    %dma_wait3A_2230 = arith.constant 0 : i32
    %dma_wait3A_2231 = tpu.memref_slice %arg6[%dma_wait3A_2228, %dma_wait3A_2229, %dma_wait3A_2230] : memref<12x64x128xf32, #tpu.memory_space<vmem>> -> memref<1x64x128xf32, #tpu.memory_space<vmem>>
    %dma_wait3A_2232 = tpu.memref_squeeze %dma_wait3A_2231 : memref<1x64x128xf32, #tpu.memory_space<vmem>> -> memref<64x128xf32, #tpu.memory_space<vmem>>
    %dma_wait3A_2233 = arith.constant 0 : i32
    %dma_wait3A_2234 = tpu.memref_slice %arg2[%dma_wait3A_2233, %multiple_of3A_1691] : memref<64x1000000xf32, #tpu.memory_space<hbm>> -> memref<64x128xf32, #tpu.memory_space<hbm>>
    %dma_wait3A_2235 = arith.constant 0 : i32
    %dma_wait3A_2236 = arith.constant 0 : i32
    %dma_wait3A_2237 = tpu.memref_slice %arg6[%dma_wait3A_2228, %dma_wait3A_2235, %dma_wait3A_2236] : memref<12x64x128xf32, #tpu.memory_space<vmem>> -> memref<1x64x128xf32, #tpu.memory_space<vmem>>
    %dma_wait3A_2238 = tpu.memref_squeeze %dma_wait3A_2237 : memref<1x64x128xf32, #tpu.memory_space<vmem>> -> memref<64x128xf32, #tpu.memory_space<vmem>>
    %dma_wait3A_2239 = arith.constant 0 : i32
    %dma_wait3A_2240 = tpu.memref_slice %arg2[%dma_wait3A_2239, %multiple_of3A_1691] : memref<64x1000000xf32, #tpu.memory_space<hbm>> -> memref<64x128xf32, #tpu.memory_space<hbm>>
    tpu.wait_dma2 semaphore(%arg16 : memref<!tpu.dma_semaphore, #tpu.memory_space<semaphore_mem>>) src(%dma_wait3A_2240 : memref<64x128xf32, #tpu.memory_space<hbm>>) dst(%dma_wait3A_2238 : memref<64x128xf32, #tpu.memory_space<vmem>>)
    %jit3A_2241 = arith.constant 128 : i32
    %div3A_2242 = arith.divsi %squeeze3A_57, %jit3A_2241 : i32
    %sign3A_2243 = arith.constant 0 : i32
    %sign3A_2244 = arith.cmpi sgt, %squeeze3A_57, %sign3A_2243 : i32
    %sign3A_2245 = arith.extui %sign3A_2244 : i1 to i32
    %sign3A_2246 = arith.constant 0 : i32
    %sign3A_2247 = arith.cmpi slt, %squeeze3A_57, %sign3A_2246 : i32
    %sign3A_2248 = arith.extui %sign3A_2247 : i1 to i32
    %sign3A_2249 = arith.subi %sign3A_2245, %sign3A_2248 : i32
    %sign3A_2250 = arith.constant 0 : i32
    %sign3A_2251 = arith.cmpi sgt, %jit3A_2241, %sign3A_2250 : i32
    %sign3A_2252 = arith.extui %sign3A_2251 : i1 to i32
    %sign3A_2253 = arith.constant 0 : i32
    %sign3A_2254 = arith.cmpi slt, %jit3A_2241, %sign3A_2253 : i32
    %sign3A_2255 = arith.extui %sign3A_2254 : i1 to i32
    %sign3A_2256 = arith.subi %sign3A_2252, %sign3A_2255 : i32
    %ne3A_2257 = arith.cmpi ne, %sign3A_2249, %sign3A_2256 : i32
    %rem3A_2258 = arith.remsi %squeeze3A_57, %jit3A_2241 : i32
    %ne3A_2259 = arith.constant 0 : i32
    %ne3A_2260 = arith.cmpi ne, %rem3A_2258, %ne3A_2259 : i32
    %and3A_2261 = arith.andi %ne3A_2257, %ne3A_2260 : i1
    %sub3A_2262 = arith.constant 1 : i32
    %sub3A_2263 = arith.subi %div3A_2242, %sub3A_2262 : i32
    %select_n3A_2264 = arith.select %and3A_2261, %sub3A_2263, %div3A_2242 : i32
    %mul3A_2265 = arith.constant 128 : i32
    %mul3A_2266 = arith.muli %select_n3A_2264, %mul3A_2265 : i32
    %multiple_of3A_2267 = tpu.assume_multiple %mul3A_2266, 128 : i32
    %dma_start3A_2268 = arith.constant 2 : i32
    %dma_start3A_2269 = arith.constant 0 : i32
    %dma_start3A_2270 = arith.constant 0 : i32
    %dma_start3A_2271 = tpu.memref_slice %arg6[%dma_start3A_2268, %dma_start3A_2269, %dma_start3A_2270] : memref<12x64x128xf32, #tpu.memory_space<vmem>> -> memref<1x64x128xf32, #tpu.memory_space<vmem>>
    %dma_start3A_2272 = tpu.memref_squeeze %dma_start3A_2271 : memref<1x64x128xf32, #tpu.memory_space<vmem>> -> memref<64x128xf32, #tpu.memory_space<vmem>>
    %dma_start3A_2273 = arith.constant 0 : i32
    %dma_start3A_2274 = tpu.memref_slice %arg2[%dma_start3A_2273, %multiple_of3A_2267] : memref<64x1000000xf32, #tpu.memory_space<hbm>> -> memref<64x128xf32, #tpu.memory_space<hbm>>
    %dma_start3A_2275 = arith.constant 0 : i32
    %dma_start3A_2276 = arith.constant 0 : i32
    %dma_start3A_2277 = tpu.memref_slice %arg6[%dma_start3A_2268, %dma_start3A_2275, %dma_start3A_2276] : memref<12x64x128xf32, #tpu.memory_space<vmem>> -> memref<1x64x128xf32, #tpu.memory_space<vmem>>
    %dma_start3A_2278 = tpu.memref_squeeze %dma_start3A_2277 : memref<1x64x128xf32, #tpu.memory_space<vmem>> -> memref<64x128xf32, #tpu.memory_space<vmem>>
    %dma_start3A_2279 = arith.constant 0 : i32
    %dma_start3A_2280 = tpu.memref_slice %arg2[%dma_start3A_2279, %multiple_of3A_2267] : memref<64x1000000xf32, #tpu.memory_space<hbm>> -> memref<64x128xf32, #tpu.memory_space<hbm>>
    tpu.enqueue_dma source(%dma_start3A_2280 : memref<64x128xf32, #tpu.memory_space<hbm>>) target(%dma_start3A_2278 : memref<64x128xf32, #tpu.memory_space<vmem>>) target_semaphore(%arg10 : memref<!tpu.dma_semaphore, #tpu.memory_space<semaphore_mem>>)
    %jit3A_2281 = arith.constant 128 : i32
    %eq3A_2282 = arith.constant 0 : i32
    %eq3A_2283 = arith.cmpi eq, %jit3A_2281, %eq3A_2282 : i32
    %jit3A_2284 = arith.constant 1 : i32
    %select_n3A_2285 = arith.select %eq3A_2283, %jit3A_2284, %jit3A_2281 : i32
    %rem3A_2286 = arith.remsi %squeeze3A_45, %select_n3A_2285 : i32
    %ne3A_2287 = arith.constant 0 : i32
    %ne3A_2288 = arith.cmpi ne, %rem3A_2286, %ne3A_2287 : i32
    %lt3A_2289 = arith.constant 0 : i32
    %lt3A_2290 = arith.cmpi slt, %rem3A_2286, %lt3A_2289 : i32
    %lt3A_2291 = arith.constant 0 : i32
    %lt3A_2292 = arith.cmpi slt, %select_n3A_2285, %lt3A_2291 : i32
    %ne3A_2293 = arith.xori %lt3A_2290, %lt3A_2292 : i1
    %and3A_2294 = arith.andi %ne3A_2293, %ne3A_2288 : i1
    %add3A_2295 = arith.addi %rem3A_2286, %select_n3A_2285 : i32
    %select_n3A_2296 = arith.select %and3A_2294, %add3A_2295, %rem3A_2286 : i32
    %broadcast_in_dim3A_2297 = vector.broadcast %select_n3A_2296 : i32 to vector<16xi32>
    %broadcast_in_dim3A_2298 = arith.constant 20 : i32
    %broadcast_in_dim3A_2299 = vector.broadcast %broadcast_in_dim3A_2298 : i32 to vector<16xi32>
    %gather3A_2300 = arith.constant 8 : i32
    %gather3A_2301 = arith.constant 0 : i32
    %gather3A_2302 = arith.constant 0 : i32
    %gather3A_2303 = tpu.memref_slice %arg6[%gather3A_2300, %gather3A_2301, %gather3A_2302] : memref<12x64x128xf32, #tpu.memory_space<vmem>> -> memref<1x64x128xf32, #tpu.memory_space<vmem>>
    %gather3A_2304 = tpu.memref_squeeze %gather3A_2303 : memref<1x64x128xf32, #tpu.memory_space<vmem>> -> memref<64x128xf32, #tpu.memory_space<vmem>>
    %gather3A_2305 = tpu.vector_load_idx %gather3A_2304[%add3A_70, %broadcast_in_dim3A_2297] : memref<64x128xf32, #tpu.memory_space<vmem>>[vector<16xi32>, vector<16xi32>], vector<16xf32>,
    tpu.vector_store_idx %arg7[%add3A_70, %broadcast_in_dim3A_2299], %gather3A_2305 : memref<64x32xf32, #tpu.memory_space<vmem>>[vector<16xi32>, vector<16xi32>], vector<16xf32>,
    %gather3A_2306 = arith.constant 8 : i32
    %gather3A_2307 = arith.constant 0 : i32
    %gather3A_2308 = arith.constant 0 : i32
    %gather3A_2309 = tpu.memref_slice %arg6[%gather3A_2306, %gather3A_2307, %gather3A_2308] : memref<12x64x128xf32, #tpu.memory_space<vmem>> -> memref<1x64x128xf32, #tpu.memory_space<vmem>>
    %gather3A_2310 = tpu.memref_squeeze %gather3A_2309 : memref<1x64x128xf32, #tpu.memory_space<vmem>> -> memref<64x128xf32, #tpu.memory_space<vmem>>
    %gather3A_2311 = tpu.vector_load_idx %gather3A_2310[%add3A_74, %broadcast_in_dim3A_2297] : memref<64x128xf32, #tpu.memory_space<vmem>>[vector<16xi32>, vector<16xi32>], vector<16xf32>,
    tpu.vector_store_idx %arg7[%add3A_74, %broadcast_in_dim3A_2299], %gather3A_2311 : memref<64x32xf32, #tpu.memory_space<vmem>>[vector<16xi32>, vector<16xi32>], vector<16xf32>,
    %gather3A_2312 = arith.constant 8 : i32
    %gather3A_2313 = arith.constant 0 : i32
    %gather3A_2314 = arith.constant 0 : i32
    %gather3A_2315 = tpu.memref_slice %arg6[%gather3A_2312, %gather3A_2313, %gather3A_2314] : memref<12x64x128xf32, #tpu.memory_space<vmem>> -> memref<1x64x128xf32, #tpu.memory_space<vmem>>
    %gather3A_2316 = tpu.memref_squeeze %gather3A_2315 : memref<1x64x128xf32, #tpu.memory_space<vmem>> -> memref<64x128xf32, #tpu.memory_space<vmem>>
    %gather3A_2317 = tpu.vector_load_idx %gather3A_2316[%add3A_78, %broadcast_in_dim3A_2297] : memref<64x128xf32, #tpu.memory_space<vmem>>[vector<16xi32>, vector<16xi32>], vector<16xf32>,
    tpu.vector_store_idx %arg7[%add3A_78, %broadcast_in_dim3A_2299], %gather3A_2317 : memref<64x32xf32, #tpu.memory_space<vmem>>[vector<16xi32>, vector<16xi32>], vector<16xf32>,
    %gather3A_2318 = arith.constant 8 : i32
    %gather3A_2319 = arith.constant 0 : i32
    %gather3A_2320 = arith.constant 0 : i32
    %gather3A_2321 = tpu.memref_slice %arg6[%gather3A_2318, %gather3A_2319, %gather3A_2320] : memref<12x64x128xf32, #tpu.memory_space<vmem>> -> memref<1x64x128xf32, #tpu.memory_space<vmem>>
    %gather3A_2322 = tpu.memref_squeeze %gather3A_2321 : memref<1x64x128xf32, #tpu.memory_space<vmem>> -> memref<64x128xf32, #tpu.memory_space<vmem>>
    %gather3A_2323 = tpu.vector_load_idx %gather3A_2322[%add3A_82, %broadcast_in_dim3A_2297] : memref<64x128xf32, #tpu.memory_space<vmem>>[vector<16xi32>, vector<16xi32>], vector<16xf32>,
    tpu.vector_store_idx %arg7[%add3A_82, %broadcast_in_dim3A_2299], %gather3A_2323 : memref<64x32xf32, #tpu.memory_space<vmem>>[vector<16xi32>, vector<16xi32>], vector<16xf32>,
    %dma_wait3A_2324 = arith.constant 9 : i32
    %dma_wait3A_2325 = arith.constant 0 : i32
    %dma_wait3A_2326 = arith.constant 0 : i32
    %dma_wait3A_2327 = tpu.memref_slice %arg6[%dma_wait3A_2324, %dma_wait3A_2325, %dma_wait3A_2326] : memref<12x64x128xf32, #tpu.memory_space<vmem>> -> memref<1x64x128xf32, #tpu.memory_space<vmem>>
    %dma_wait3A_2328 = tpu.memref_squeeze %dma_wait3A_2327 : memref<1x64x128xf32, #tpu.memory_space<vmem>> -> memref<64x128xf32, #tpu.memory_space<vmem>>
    %dma_wait3A_2329 = arith.constant 0 : i32
    %dma_wait3A_2330 = tpu.memref_slice %arg2[%dma_wait3A_2329, %multiple_of3A_1787] : memref<64x1000000xf32, #tpu.memory_space<hbm>> -> memref<64x128xf32, #tpu.memory_space<hbm>>
    %dma_wait3A_2331 = arith.constant 0 : i32
    %dma_wait3A_2332 = arith.constant 0 : i32
    %dma_wait3A_2333 = tpu.memref_slice %arg6[%dma_wait3A_2324, %dma_wait3A_2331, %dma_wait3A_2332] : memref<12x64x128xf32, #tpu.memory_space<vmem>> -> memref<1x64x128xf32, #tpu.memory_space<vmem>>
    %dma_wait3A_2334 = tpu.memref_squeeze %dma_wait3A_2333 : memref<1x64x128xf32, #tpu.memory_space<vmem>> -> memref<64x128xf32, #tpu.memory_space<vmem>>
    %dma_wait3A_2335 = arith.constant 0 : i32
    %dma_wait3A_2336 = tpu.memref_slice %arg2[%dma_wait3A_2335, %multiple_of3A_1787] : memref<64x1000000xf32, #tpu.memory_space<hbm>> -> memref<64x128xf32, #tpu.memory_space<hbm>>
    tpu.wait_dma2 semaphore(%arg17 : memref<!tpu.dma_semaphore, #tpu.memory_space<semaphore_mem>>) src(%dma_wait3A_2336 : memref<64x128xf32, #tpu.memory_space<hbm>>) dst(%dma_wait3A_2334 : memref<64x128xf32, #tpu.memory_space<vmem>>)
    %jit3A_2337 = arith.constant 128 : i32
    %div3A_2338 = arith.divsi %squeeze3A_59, %jit3A_2337 : i32
    %sign3A_2339 = arith.constant 0 : i32
    %sign3A_2340 = arith.cmpi sgt, %squeeze3A_59, %sign3A_2339 : i32
    %sign3A_2341 = arith.extui %sign3A_2340 : i1 to i32
    %sign3A_2342 = arith.constant 0 : i32
    %sign3A_2343 = arith.cmpi slt, %squeeze3A_59, %sign3A_2342 : i32
    %sign3A_2344 = arith.extui %sign3A_2343 : i1 to i32
    %sign3A_2345 = arith.subi %sign3A_2341, %sign3A_2344 : i32
    %sign3A_2346 = arith.constant 0 : i32
    %sign3A_2347 = arith.cmpi sgt, %jit3A_2337, %sign3A_2346 : i32
    %sign3A_2348 = arith.extui %sign3A_2347 : i1 to i32
    %sign3A_2349 = arith.constant 0 : i32
    %sign3A_2350 = arith.cmpi slt, %jit3A_2337, %sign3A_2349 : i32
    %sign3A_2351 = arith.extui %sign3A_2350 : i1 to i32
    %sign3A_2352 = arith.subi %sign3A_2348, %sign3A_2351 : i32
    %ne3A_2353 = arith.cmpi ne, %sign3A_2345, %sign3A_2352 : i32
    %rem3A_2354 = arith.remsi %squeeze3A_59, %jit3A_2337 : i32
    %ne3A_2355 = arith.constant 0 : i32
    %ne3A_2356 = arith.cmpi ne, %rem3A_2354, %ne3A_2355 : i32
    %and3A_2357 = arith.andi %ne3A_2353, %ne3A_2356 : i1
    %sub3A_2358 = arith.constant 1 : i32
    %sub3A_2359 = arith.subi %div3A_2338, %sub3A_2358 : i32
    %select_n3A_2360 = arith.select %and3A_2357, %sub3A_2359, %div3A_2338 : i32
    %mul3A_2361 = arith.constant 128 : i32
    %mul3A_2362 = arith.muli %select_n3A_2360, %mul3A_2361 : i32
    %multiple_of3A_2363 = tpu.assume_multiple %mul3A_2362, 128 : i32
    %dma_start3A_2364 = arith.constant 3 : i32
    %dma_start3A_2365 = arith.constant 0 : i32
    %dma_start3A_2366 = arith.constant 0 : i32
    %dma_start3A_2367 = tpu.memref_slice %arg6[%dma_start3A_2364, %dma_start3A_2365, %dma_start3A_2366] : memref<12x64x128xf32, #tpu.memory_space<vmem>> -> memref<1x64x128xf32, #tpu.memory_space<vmem>>
    %dma_start3A_2368 = tpu.memref_squeeze %dma_start3A_2367 : memref<1x64x128xf32, #tpu.memory_space<vmem>> -> memref<64x128xf32, #tpu.memory_space<vmem>>
    %dma_start3A_2369 = arith.constant 0 : i32
    %dma_start3A_2370 = tpu.memref_slice %arg2[%dma_start3A_2369, %multiple_of3A_2363] : memref<64x1000000xf32, #tpu.memory_space<hbm>> -> memref<64x128xf32, #tpu.memory_space<hbm>>
    %dma_start3A_2371 = arith.constant 0 : i32
    %dma_start3A_2372 = arith.constant 0 : i32
    %dma_start3A_2373 = tpu.memref_slice %arg6[%dma_start3A_2364, %dma_start3A_2371, %dma_start3A_2372] : memref<12x64x128xf32, #tpu.memory_space<vmem>> -> memref<1x64x128xf32, #tpu.memory_space<vmem>>
    %dma_start3A_2374 = tpu.memref_squeeze %dma_start3A_2373 : memref<1x64x128xf32, #tpu.memory_space<vmem>> -> memref<64x128xf32, #tpu.memory_space<vmem>>
    %dma_start3A_2375 = arith.constant 0 : i32
    %dma_start3A_2376 = tpu.memref_slice %arg2[%dma_start3A_2375, %multiple_of3A_2363] : memref<64x1000000xf32, #tpu.memory_space<hbm>> -> memref<64x128xf32, #tpu.memory_space<hbm>>
    tpu.enqueue_dma source(%dma_start3A_2376 : memref<64x128xf32, #tpu.memory_space<hbm>>) target(%dma_start3A_2374 : memref<64x128xf32, #tpu.memory_space<vmem>>) target_semaphore(%arg11 : memref<!tpu.dma_semaphore, #tpu.memory_space<semaphore_mem>>)
    %jit3A_2377 = arith.constant 128 : i32
    %eq3A_2378 = arith.constant 0 : i32
    %eq3A_2379 = arith.cmpi eq, %jit3A_2377, %eq3A_2378 : i32
    %jit3A_2380 = arith.constant 1 : i32
    %select_n3A_2381 = arith.select %eq3A_2379, %jit3A_2380, %jit3A_2377 : i32
    %rem3A_2382 = arith.remsi %squeeze3A_47, %select_n3A_2381 : i32
    %ne3A_2383 = arith.constant 0 : i32
    %ne3A_2384 = arith.cmpi ne, %rem3A_2382, %ne3A_2383 : i32
    %lt3A_2385 = arith.constant 0 : i32
    %lt3A_2386 = arith.cmpi slt, %rem3A_2382, %lt3A_2385 : i32
    %lt3A_2387 = arith.constant 0 : i32
    %lt3A_2388 = arith.cmpi slt, %select_n3A_2381, %lt3A_2387 : i32
    %ne3A_2389 = arith.xori %lt3A_2386, %lt3A_2388 : i1
    %and3A_2390 = arith.andi %ne3A_2389, %ne3A_2384 : i1
    %add3A_2391 = arith.addi %rem3A_2382, %select_n3A_2381 : i32
    %select_n3A_2392 = arith.select %and3A_2390, %add3A_2391, %rem3A_2382 : i32
    %broadcast_in_dim3A_2393 = vector.broadcast %select_n3A_2392 : i32 to vector<16xi32>
    %broadcast_in_dim3A_2394 = arith.constant 21 : i32
    %broadcast_in_dim3A_2395 = vector.broadcast %broadcast_in_dim3A_2394 : i32 to vector<16xi32>
    %gather3A_2396 = arith.constant 9 : i32
    %gather3A_2397 = arith.constant 0 : i32
    %gather3A_2398 = arith.constant 0 : i32
    %gather3A_2399 = tpu.memref_slice %arg6[%gather3A_2396, %gather3A_2397, %gather3A_2398] : memref<12x64x128xf32, #tpu.memory_space<vmem>> -> memref<1x64x128xf32, #tpu.memory_space<vmem>>
    %gather3A_2400 = tpu.memref_squeeze %gather3A_2399 : memref<1x64x128xf32, #tpu.memory_space<vmem>> -> memref<64x128xf32, #tpu.memory_space<vmem>>
    %gather3A_2401 = tpu.vector_load_idx %gather3A_2400[%add3A_70, %broadcast_in_dim3A_2393] : memref<64x128xf32, #tpu.memory_space<vmem>>[vector<16xi32>, vector<16xi32>], vector<16xf32>,
    tpu.vector_store_idx %arg7[%add3A_70, %broadcast_in_dim3A_2395], %gather3A_2401 : memref<64x32xf32, #tpu.memory_space<vmem>>[vector<16xi32>, vector<16xi32>], vector<16xf32>,
    %gather3A_2402 = arith.constant 9 : i32
    %gather3A_2403 = arith.constant 0 : i32
    %gather3A_2404 = arith.constant 0 : i32
    %gather3A_2405 = tpu.memref_slice %arg6[%gather3A_2402, %gather3A_2403, %gather3A_2404] : memref<12x64x128xf32, #tpu.memory_space<vmem>> -> memref<1x64x128xf32, #tpu.memory_space<vmem>>
    %gather3A_2406 = tpu.memref_squeeze %gather3A_2405 : memref<1x64x128xf32, #tpu.memory_space<vmem>> -> memref<64x128xf32, #tpu.memory_space<vmem>>
    %gather3A_2407 = tpu.vector_load_idx %gather3A_2406[%add3A_74, %broadcast_in_dim3A_2393] : memref<64x128xf32, #tpu.memory_space<vmem>>[vector<16xi32>, vector<16xi32>], vector<16xf32>,
    tpu.vector_store_idx %arg7[%add3A_74, %broadcast_in_dim3A_2395], %gather3A_2407 : memref<64x32xf32, #tpu.memory_space<vmem>>[vector<16xi32>, vector<16xi32>], vector<16xf32>,
    %gather3A_2408 = arith.constant 9 : i32
    %gather3A_2409 = arith.constant 0 : i32
    %gather3A_2410 = arith.constant 0 : i32
    %gather3A_2411 = tpu.memref_slice %arg6[%gather3A_2408, %gather3A_2409, %gather3A_2410] : memref<12x64x128xf32, #tpu.memory_space<vmem>> -> memref<1x64x128xf32, #tpu.memory_space<vmem>>
    %gather3A_2412 = tpu.memref_squeeze %gather3A_2411 : memref<1x64x128xf32, #tpu.memory_space<vmem>> -> memref<64x128xf32, #tpu.memory_space<vmem>>
    %gather3A_2413 = tpu.vector_load_idx %gather3A_2412[%add3A_78, %broadcast_in_dim3A_2393] : memref<64x128xf32, #tpu.memory_space<vmem>>[vector<16xi32>, vector<16xi32>], vector<16xf32>,
    tpu.vector_store_idx %arg7[%add3A_78, %broadcast_in_dim3A_2395], %gather3A_2413 : memref<64x32xf32, #tpu.memory_space<vmem>>[vector<16xi32>, vector<16xi32>], vector<16xf32>,
    %gather3A_2414 = arith.constant 9 : i32
    %gather3A_2415 = arith.constant 0 : i32
    %gather3A_2416 = arith.constant 0 : i32
    %gather3A_2417 = tpu.memref_slice %arg6[%gather3A_2414, %gather3A_2415, %gather3A_2416] : memref<12x64x128xf32, #tpu.memory_space<vmem>> -> memref<1x64x128xf32, #tpu.memory_space<vmem>>
    %gather3A_2418 = tpu.memref_squeeze %gather3A_2417 : memref<1x64x128xf32, #tpu.memory_space<vmem>> -> memref<64x128xf32, #tpu.memory_space<vmem>>
    %gather3A_2419 = tpu.vector_load_idx %gather3A_2418[%add3A_82, %broadcast_in_dim3A_2393] : memref<64x128xf32, #tpu.memory_space<vmem>>[vector<16xi32>, vector<16xi32>], vector<16xf32>,
    tpu.vector_store_idx %arg7[%add3A_82, %broadcast_in_dim3A_2395], %gather3A_2419 : memref<64x32xf32, #tpu.memory_space<vmem>>[vector<16xi32>, vector<16xi32>], vector<16xf32>,
    %dma_wait3A_2420 = arith.constant 10 : i32
    %dma_wait3A_2421 = arith.constant 0 : i32
    %dma_wait3A_2422 = arith.constant 0 : i32
    %dma_wait3A_2423 = tpu.memref_slice %arg6[%dma_wait3A_2420, %dma_wait3A_2421, %dma_wait3A_2422] : memref<12x64x128xf32, #tpu.memory_space<vmem>> -> memref<1x64x128xf32, #tpu.memory_space<vmem>>
    %dma_wait3A_2424 = tpu.memref_squeeze %dma_wait3A_2423 : memref<1x64x128xf32, #tpu.memory_space<vmem>> -> memref<64x128xf32, #tpu.memory_space<vmem>>
    %dma_wait3A_2425 = arith.constant 0 : i32
    %dma_wait3A_2426 = tpu.memref_slice %arg2[%dma_wait3A_2425, %multiple_of3A_1883] : memref<64x1000000xf32, #tpu.memory_space<hbm>> -> memref<64x128xf32, #tpu.memory_space<hbm>>
    %dma_wait3A_2427 = arith.constant 0 : i32
    %dma_wait3A_2428 = arith.constant 0 : i32
    %dma_wait3A_2429 = tpu.memref_slice %arg6[%dma_wait3A_2420, %dma_wait3A_2427, %dma_wait3A_2428] : memref<12x64x128xf32, #tpu.memory_space<vmem>> -> memref<1x64x128xf32, #tpu.memory_space<vmem>>
    %dma_wait3A_2430 = tpu.memref_squeeze %dma_wait3A_2429 : memref<1x64x128xf32, #tpu.memory_space<vmem>> -> memref<64x128xf32, #tpu.memory_space<vmem>>
    %dma_wait3A_2431 = arith.constant 0 : i32
    %dma_wait3A_2432 = tpu.memref_slice %arg2[%dma_wait3A_2431, %multiple_of3A_1883] : memref<64x1000000xf32, #tpu.memory_space<hbm>> -> memref<64x128xf32, #tpu.memory_space<hbm>>
    tpu.wait_dma2 semaphore(%arg18 : memref<!tpu.dma_semaphore, #tpu.memory_space<semaphore_mem>>) src(%dma_wait3A_2432 : memref<64x128xf32, #tpu.memory_space<hbm>>) dst(%dma_wait3A_2430 : memref<64x128xf32, #tpu.memory_space<vmem>>)
    %jit3A_2433 = arith.constant 128 : i32
    %div3A_2434 = arith.divsi %squeeze3A_61, %jit3A_2433 : i32
    %sign3A_2435 = arith.constant 0 : i32
    %sign3A_2436 = arith.cmpi sgt, %squeeze3A_61, %sign3A_2435 : i32
    %sign3A_2437 = arith.extui %sign3A_2436 : i1 to i32
    %sign3A_2438 = arith.constant 0 : i32
    %sign3A_2439 = arith.cmpi slt, %squeeze3A_61, %sign3A_2438 : i32
    %sign3A_2440 = arith.extui %sign3A_2439 : i1 to i32
    %sign3A_2441 = arith.subi %sign3A_2437, %sign3A_2440 : i32
    %sign3A_2442 = arith.constant 0 : i32
    %sign3A_2443 = arith.cmpi sgt, %jit3A_2433, %sign3A_2442 : i32
    %sign3A_2444 = arith.extui %sign3A_2443 : i1 to i32
    %sign3A_2445 = arith.constant 0 : i32
    %sign3A_2446 = arith.cmpi slt, %jit3A_2433, %sign3A_2445 : i32
    %sign3A_2447 = arith.extui %sign3A_2446 : i1 to i32
    %sign3A_2448 = arith.subi %sign3A_2444, %sign3A_2447 : i32
    %ne3A_2449 = arith.cmpi ne, %sign3A_2441, %sign3A_2448 : i32
    %rem3A_2450 = arith.remsi %squeeze3A_61, %jit3A_2433 : i32
    %ne3A_2451 = arith.constant 0 : i32
    %ne3A_2452 = arith.cmpi ne, %rem3A_2450, %ne3A_2451 : i32
    %and3A_2453 = arith.andi %ne3A_2449, %ne3A_2452 : i1
    %sub3A_2454 = arith.constant 1 : i32
    %sub3A_2455 = arith.subi %div3A_2434, %sub3A_2454 : i32
    %select_n3A_2456 = arith.select %and3A_2453, %sub3A_2455, %div3A_2434 : i32
    %mul3A_2457 = arith.constant 128 : i32
    %mul3A_2458 = arith.muli %select_n3A_2456, %mul3A_2457 : i32
    %multiple_of3A_2459 = tpu.assume_multiple %mul3A_2458, 128 : i32
    %dma_start3A_2460 = arith.constant 4 : i32
    %dma_start3A_2461 = arith.constant 0 : i32
    %dma_start3A_2462 = arith.constant 0 : i32
    %dma_start3A_2463 = tpu.memref_slice %arg6[%dma_start3A_2460, %dma_start3A_2461, %dma_start3A_2462] : memref<12x64x128xf32, #tpu.memory_space<vmem>> -> memref<1x64x128xf32, #tpu.memory_space<vmem>>
    %dma_start3A_2464 = tpu.memref_squeeze %dma_start3A_2463 : memref<1x64x128xf32, #tpu.memory_space<vmem>> -> memref<64x128xf32, #tpu.memory_space<vmem>>
    %dma_start3A_2465 = arith.constant 0 : i32
    %dma_start3A_2466 = tpu.memref_slice %arg2[%dma_start3A_2465, %multiple_of3A_2459] : memref<64x1000000xf32, #tpu.memory_space<hbm>> -> memref<64x128xf32, #tpu.memory_space<hbm>>
    %dma_start3A_2467 = arith.constant 0 : i32
    %dma_start3A_2468 = arith.constant 0 : i32
    %dma_start3A_2469 = tpu.memref_slice %arg6[%dma_start3A_2460, %dma_start3A_2467, %dma_start3A_2468] : memref<12x64x128xf32, #tpu.memory_space<vmem>> -> memref<1x64x128xf32, #tpu.memory_space<vmem>>
    %dma_start3A_2470 = tpu.memref_squeeze %dma_start3A_2469 : memref<1x64x128xf32, #tpu.memory_space<vmem>> -> memref<64x128xf32, #tpu.memory_space<vmem>>
    %dma_start3A_2471 = arith.constant 0 : i32
    %dma_start3A_2472 = tpu.memref_slice %arg2[%dma_start3A_2471, %multiple_of3A_2459] : memref<64x1000000xf32, #tpu.memory_space<hbm>> -> memref<64x128xf32, #tpu.memory_space<hbm>>
    tpu.enqueue_dma source(%dma_start3A_2472 : memref<64x128xf32, #tpu.memory_space<hbm>>) target(%dma_start3A_2470 : memref<64x128xf32, #tpu.memory_space<vmem>>) target_semaphore(%arg12 : memref<!tpu.dma_semaphore, #tpu.memory_space<semaphore_mem>>)
    %jit3A_2473 = arith.constant 128 : i32
    %eq3A_2474 = arith.constant 0 : i32
    %eq3A_2475 = arith.cmpi eq, %jit3A_2473, %eq3A_2474 : i32
    %jit3A_2476 = arith.constant 1 : i32
    %select_n3A_2477 = arith.select %eq3A_2475, %jit3A_2476, %jit3A_2473 : i32
    %rem3A_2478 = arith.remsi %squeeze3A_49, %select_n3A_2477 : i32
    %ne3A_2479 = arith.constant 0 : i32
    %ne3A_2480 = arith.cmpi ne, %rem3A_2478, %ne3A_2479 : i32
    %lt3A_2481 = arith.constant 0 : i32
    %lt3A_2482 = arith.cmpi slt, %rem3A_2478, %lt3A_2481 : i32
    %lt3A_2483 = arith.constant 0 : i32
    %lt3A_2484 = arith.cmpi slt, %select_n3A_2477, %lt3A_2483 : i32
    %ne3A_2485 = arith.xori %lt3A_2482, %lt3A_2484 : i1
    %and3A_2486 = arith.andi %ne3A_2485, %ne3A_2480 : i1
    %add3A_2487 = arith.addi %rem3A_2478, %select_n3A_2477 : i32
    %select_n3A_2488 = arith.select %and3A_2486, %add3A_2487, %rem3A_2478 : i32
    %broadcast_in_dim3A_2489 = vector.broadcast %select_n3A_2488 : i32 to vector<16xi32>
    %broadcast_in_dim3A_2490 = arith.constant 22 : i32
    %broadcast_in_dim3A_2491 = vector.broadcast %broadcast_in_dim3A_2490 : i32 to vector<16xi32>
    %gather3A_2492 = arith.constant 10 : i32
    %gather3A_2493 = arith.constant 0 : i32
    %gather3A_2494 = arith.constant 0 : i32
    %gather3A_2495 = tpu.memref_slice %arg6[%gather3A_2492, %gather3A_2493, %gather3A_2494] : memref<12x64x128xf32, #tpu.memory_space<vmem>> -> memref<1x64x128xf32, #tpu.memory_space<vmem>>
    %gather3A_2496 = tpu.memref_squeeze %gather3A_2495 : memref<1x64x128xf32, #tpu.memory_space<vmem>> -> memref<64x128xf32, #tpu.memory_space<vmem>>
    %gather3A_2497 = tpu.vector_load_idx %gather3A_2496[%add3A_70, %broadcast_in_dim3A_2489] : memref<64x128xf32, #tpu.memory_space<vmem>>[vector<16xi32>, vector<16xi32>], vector<16xf32>,
    tpu.vector_store_idx %arg7[%add3A_70, %broadcast_in_dim3A_2491], %gather3A_2497 : memref<64x32xf32, #tpu.memory_space<vmem>>[vector<16xi32>, vector<16xi32>], vector<16xf32>,
    %gather3A_2498 = arith.constant 10 : i32
    %gather3A_2499 = arith.constant 0 : i32
    %gather3A_2500 = arith.constant 0 : i32
    %gather3A_2501 = tpu.memref_slice %arg6[%gather3A_2498, %gather3A_2499, %gather3A_2500] : memref<12x64x128xf32, #tpu.memory_space<vmem>> -> memref<1x64x128xf32, #tpu.memory_space<vmem>>
    %gather3A_2502 = tpu.memref_squeeze %gather3A_2501 : memref<1x64x128xf32, #tpu.memory_space<vmem>> -> memref<64x128xf32, #tpu.memory_space<vmem>>
    %gather3A_2503 = tpu.vector_load_idx %gather3A_2502[%add3A_74, %broadcast_in_dim3A_2489] : memref<64x128xf32, #tpu.memory_space<vmem>>[vector<16xi32>, vector<16xi32>], vector<16xf32>,
    tpu.vector_store_idx %arg7[%add3A_74, %broadcast_in_dim3A_2491], %gather3A_2503 : memref<64x32xf32, #tpu.memory_space<vmem>>[vector<16xi32>, vector<16xi32>], vector<16xf32>,
    %gather3A_2504 = arith.constant 10 : i32
    %gather3A_2505 = arith.constant 0 : i32
    %gather3A_2506 = arith.constant 0 : i32
    %gather3A_2507 = tpu.memref_slice %arg6[%gather3A_2504, %gather3A_2505, %gather3A_2506] : memref<12x64x128xf32, #tpu.memory_space<vmem>> -> memref<1x64x128xf32, #tpu.memory_space<vmem>>
    %gather3A_2508 = tpu.memref_squeeze %gather3A_2507 : memref<1x64x128xf32, #tpu.memory_space<vmem>> -> memref<64x128xf32, #tpu.memory_space<vmem>>
    %gather3A_2509 = tpu.vector_load_idx %gather3A_2508[%add3A_78, %broadcast_in_dim3A_2489] : memref<64x128xf32, #tpu.memory_space<vmem>>[vector<16xi32>, vector<16xi32>], vector<16xf32>,
    tpu.vector_store_idx %arg7[%add3A_78, %broadcast_in_dim3A_2491], %gather3A_2509 : memref<64x32xf32, #tpu.memory_space<vmem>>[vector<16xi32>, vector<16xi32>], vector<16xf32>,
    %gather3A_2510 = arith.constant 10 : i32
    %gather3A_2511 = arith.constant 0 : i32
    %gather3A_2512 = arith.constant 0 : i32
    %gather3A_2513 = tpu.memref_slice %arg6[%gather3A_2510, %gather3A_2511, %gather3A_2512] : memref<12x64x128xf32, #tpu.memory_space<vmem>> -> memref<1x64x128xf32, #tpu.memory_space<vmem>>
    %gather3A_2514 = tpu.memref_squeeze %gather3A_2513 : memref<1x64x128xf32, #tpu.memory_space<vmem>> -> memref<64x128xf32, #tpu.memory_space<vmem>>
    %gather3A_2515 = tpu.vector_load_idx %gather3A_2514[%add3A_82, %broadcast_in_dim3A_2489] : memref<64x128xf32, #tpu.memory_space<vmem>>[vector<16xi32>, vector<16xi32>], vector<16xf32>,
    tpu.vector_store_idx %arg7[%add3A_82, %broadcast_in_dim3A_2491], %gather3A_2515 : memref<64x32xf32, #tpu.memory_space<vmem>>[vector<16xi32>, vector<16xi32>], vector<16xf32>,
    %dma_wait3A_2516 = arith.constant 11 : i32
    %dma_wait3A_2517 = arith.constant 0 : i32
    %dma_wait3A_2518 = arith.constant 0 : i32
    %dma_wait3A_2519 = tpu.memref_slice %arg6[%dma_wait3A_2516, %dma_wait3A_2517, %dma_wait3A_2518] : memref<12x64x128xf32, #tpu.memory_space<vmem>> -> memref<1x64x128xf32, #tpu.memory_space<vmem>>
    %dma_wait3A_2520 = tpu.memref_squeeze %dma_wait3A_2519 : memref<1x64x128xf32, #tpu.memory_space<vmem>> -> memref<64x128xf32, #tpu.memory_space<vmem>>
    %dma_wait3A_2521 = arith.constant 0 : i32
    %dma_wait3A_2522 = tpu.memref_slice %arg2[%dma_wait3A_2521, %multiple_of3A_1979] : memref<64x1000000xf32, #tpu.memory_space<hbm>> -> memref<64x128xf32, #tpu.memory_space<hbm>>
    %dma_wait3A_2523 = arith.constant 0 : i32
    %dma_wait3A_2524 = arith.constant 0 : i32
    %dma_wait3A_2525 = tpu.memref_slice %arg6[%dma_wait3A_2516, %dma_wait3A_2523, %dma_wait3A_2524] : memref<12x64x128xf32, #tpu.memory_space<vmem>> -> memref<1x64x128xf32, #tpu.memory_space<vmem>>
    %dma_wait3A_2526 = tpu.memref_squeeze %dma_wait3A_2525 : memref<1x64x128xf32, #tpu.memory_space<vmem>> -> memref<64x128xf32, #tpu.memory_space<vmem>>
    %dma_wait3A_2527 = arith.constant 0 : i32
    %dma_wait3A_2528 = tpu.memref_slice %arg2[%dma_wait3A_2527, %multiple_of3A_1979] : memref<64x1000000xf32, #tpu.memory_space<hbm>> -> memref<64x128xf32, #tpu.memory_space<hbm>>
    tpu.wait_dma2 semaphore(%arg19 : memref<!tpu.dma_semaphore, #tpu.memory_space<semaphore_mem>>) src(%dma_wait3A_2528 : memref<64x128xf32, #tpu.memory_space<hbm>>) dst(%dma_wait3A_2526 : memref<64x128xf32, #tpu.memory_space<vmem>>)
    %jit3A_2529 = arith.constant 128 : i32
    %div3A_2530 = arith.divsi %squeeze3A_63, %jit3A_2529 : i32
    %sign3A_2531 = arith.constant 0 : i32
    %sign3A_2532 = arith.cmpi sgt, %squeeze3A_63, %sign3A_2531 : i32
    %sign3A_2533 = arith.extui %sign3A_2532 : i1 to i32
    %sign3A_2534 = arith.constant 0 : i32
    %sign3A_2535 = arith.cmpi slt, %squeeze3A_63, %sign3A_2534 : i32
    %sign3A_2536 = arith.extui %sign3A_2535 : i1 to i32
    %sign3A_2537 = arith.subi %sign3A_2533, %sign3A_2536 : i32
    %sign3A_2538 = arith.constant 0 : i32
    %sign3A_2539 = arith.cmpi sgt, %jit3A_2529, %sign3A_2538 : i32
    %sign3A_2540 = arith.extui %sign3A_2539 : i1 to i32
    %sign3A_2541 = arith.constant 0 : i32
    %sign3A_2542 = arith.cmpi slt, %jit3A_2529, %sign3A_2541 : i32
    %sign3A_2543 = arith.extui %sign3A_2542 : i1 to i32
    %sign3A_2544 = arith.subi %sign3A_2540, %sign3A_2543 : i32
    %ne3A_2545 = arith.cmpi ne, %sign3A_2537, %sign3A_2544 : i32
    %rem3A_2546 = arith.remsi %squeeze3A_63, %jit3A_2529 : i32
    %ne3A_2547 = arith.constant 0 : i32
    %ne3A_2548 = arith.cmpi ne, %rem3A_2546, %ne3A_2547 : i32
    %and3A_2549 = arith.andi %ne3A_2545, %ne3A_2548 : i1
    %sub3A_2550 = arith.constant 1 : i32
    %sub3A_2551 = arith.subi %div3A_2530, %sub3A_2550 : i32
    %select_n3A_2552 = arith.select %and3A_2549, %sub3A_2551, %div3A_2530 : i32
    %mul3A_2553 = arith.constant 128 : i32
    %mul3A_2554 = arith.muli %select_n3A_2552, %mul3A_2553 : i32
    %multiple_of3A_2555 = tpu.assume_multiple %mul3A_2554, 128 : i32
    %dma_start3A_2556 = arith.constant 5 : i32
    %dma_start3A_2557 = arith.constant 0 : i32
    %dma_start3A_2558 = arith.constant 0 : i32
    %dma_start3A_2559 = tpu.memref_slice %arg6[%dma_start3A_2556, %dma_start3A_2557, %dma_start3A_2558] : memref<12x64x128xf32, #tpu.memory_space<vmem>> -> memref<1x64x128xf32, #tpu.memory_space<vmem>>
    %dma_start3A_2560 = tpu.memref_squeeze %dma_start3A_2559 : memref<1x64x128xf32, #tpu.memory_space<vmem>> -> memref<64x128xf32, #tpu.memory_space<vmem>>
    %dma_start3A_2561 = arith.constant 0 : i32
    %dma_start3A_2562 = tpu.memref_slice %arg2[%dma_start3A_2561, %multiple_of3A_2555] : memref<64x1000000xf32, #tpu.memory_space<hbm>> -> memref<64x128xf32, #tpu.memory_space<hbm>>
    %dma_start3A_2563 = arith.constant 0 : i32
    %dma_start3A_2564 = arith.constant 0 : i32
    %dma_start3A_2565 = tpu.memref_slice %arg6[%dma_start3A_2556, %dma_start3A_2563, %dma_start3A_2564] : memref<12x64x128xf32, #tpu.memory_space<vmem>> -> memref<1x64x128xf32, #tpu.memory_space<vmem>>
    %dma_start3A_2566 = tpu.memref_squeeze %dma_start3A_2565 : memref<1x64x128xf32, #tpu.memory_space<vmem>> -> memref<64x128xf32, #tpu.memory_space<vmem>>
    %dma_start3A_2567 = arith.constant 0 : i32
    %dma_start3A_2568 = tpu.memref_slice %arg2[%dma_start3A_2567, %multiple_of3A_2555] : memref<64x1000000xf32, #tpu.memory_space<hbm>> -> memref<64x128xf32, #tpu.memory_space<hbm>>
    tpu.enqueue_dma source(%dma_start3A_2568 : memref<64x128xf32, #tpu.memory_space<hbm>>) target(%dma_start3A_2566 : memref<64x128xf32, #tpu.memory_space<vmem>>) target_semaphore(%arg13 : memref<!tpu.dma_semaphore, #tpu.memory_space<semaphore_mem>>)
    %jit3A_2569 = arith.constant 128 : i32
    %eq3A_2570 = arith.constant 0 : i32
    %eq3A_2571 = arith.cmpi eq, %jit3A_2569, %eq3A_2570 : i32
    %jit3A_2572 = arith.constant 1 : i32
    %select_n3A_2573 = arith.select %eq3A_2571, %jit3A_2572, %jit3A_2569 : i32
    %rem3A_2574 = arith.remsi %squeeze3A_51, %select_n3A_2573 : i32
    %ne3A_2575 = arith.constant 0 : i32
    %ne3A_2576 = arith.cmpi ne, %rem3A_2574, %ne3A_2575 : i32
    %lt3A_2577 = arith.constant 0 : i32
    %lt3A_2578 = arith.cmpi slt, %rem3A_2574, %lt3A_2577 : i32
    %lt3A_2579 = arith.constant 0 : i32
    %lt3A_2580 = arith.cmpi slt, %select_n3A_2573, %lt3A_2579 : i32
    %ne3A_2581 = arith.xori %lt3A_2578, %lt3A_2580 : i1
    %and3A_2582 = arith.andi %ne3A_2581, %ne3A_2576 : i1
    %add3A_2583 = arith.addi %rem3A_2574, %select_n3A_2573 : i32
    %select_n3A_2584 = arith.select %and3A_2582, %add3A_2583, %rem3A_2574 : i32
    %broadcast_in_dim3A_2585 = vector.broadcast %select_n3A_2584 : i32 to vector<16xi32>
    %broadcast_in_dim3A_2586 = arith.constant 23 : i32
    %broadcast_in_dim3A_2587 = vector.broadcast %broadcast_in_dim3A_2586 : i32 to vector<16xi32>
    %gather3A_2588 = arith.constant 11 : i32
    %gather3A_2589 = arith.constant 0 : i32
    %gather3A_2590 = arith.constant 0 : i32
    %gather3A_2591 = tpu.memref_slice %arg6[%gather3A_2588, %gather3A_2589, %gather3A_2590] : memref<12x64x128xf32, #tpu.memory_space<vmem>> -> memref<1x64x128xf32, #tpu.memory_space<vmem>>
    %gather3A_2592 = tpu.memref_squeeze %gather3A_2591 : memref<1x64x128xf32, #tpu.memory_space<vmem>> -> memref<64x128xf32, #tpu.memory_space<vmem>>
    %gather3A_2593 = tpu.vector_load_idx %gather3A_2592[%add3A_70, %broadcast_in_dim3A_2585] : memref<64x128xf32, #tpu.memory_space<vmem>>[vector<16xi32>, vector<16xi32>], vector<16xf32>,
    tpu.vector_store_idx %arg7[%add3A_70, %broadcast_in_dim3A_2587], %gather3A_2593 : memref<64x32xf32, #tpu.memory_space<vmem>>[vector<16xi32>, vector<16xi32>], vector<16xf32>,
    %gather3A_2594 = arith.constant 11 : i32
    %gather3A_2595 = arith.constant 0 : i32
    %gather3A_2596 = arith.constant 0 : i32
    %gather3A_2597 = tpu.memref_slice %arg6[%gather3A_2594, %gather3A_2595, %gather3A_2596] : memref<12x64x128xf32, #tpu.memory_space<vmem>> -> memref<1x64x128xf32, #tpu.memory_space<vmem>>
    %gather3A_2598 = tpu.memref_squeeze %gather3A_2597 : memref<1x64x128xf32, #tpu.memory_space<vmem>> -> memref<64x128xf32, #tpu.memory_space<vmem>>
    %gather3A_2599 = tpu.vector_load_idx %gather3A_2598[%add3A_74, %broadcast_in_dim3A_2585] : memref<64x128xf32, #tpu.memory_space<vmem>>[vector<16xi32>, vector<16xi32>], vector<16xf32>,
    tpu.vector_store_idx %arg7[%add3A_74, %broadcast_in_dim3A_2587], %gather3A_2599 : memref<64x32xf32, #tpu.memory_space<vmem>>[vector<16xi32>, vector<16xi32>], vector<16xf32>,
    %gather3A_2600 = arith.constant 11 : i32
    %gather3A_2601 = arith.constant 0 : i32
    %gather3A_2602 = arith.constant 0 : i32
    %gather3A_2603 = tpu.memref_slice %arg6[%gather3A_2600, %gather3A_2601, %gather3A_2602] : memref<12x64x128xf32, #tpu.memory_space<vmem>> -> memref<1x64x128xf32, #tpu.memory_space<vmem>>
    %gather3A_2604 = tpu.memref_squeeze %gather3A_2603 : memref<1x64x128xf32, #tpu.memory_space<vmem>> -> memref<64x128xf32, #tpu.memory_space<vmem>>
    %gather3A_2605 = tpu.vector_load_idx %gather3A_2604[%add3A_78, %broadcast_in_dim3A_2585] : memref<64x128xf32, #tpu.memory_space<vmem>>[vector<16xi32>, vector<16xi32>], vector<16xf32>,
    tpu.vector_store_idx %arg7[%add3A_78, %broadcast_in_dim3A_2587], %gather3A_2605 : memref<64x32xf32, #tpu.memory_space<vmem>>[vector<16xi32>, vector<16xi32>], vector<16xf32>,
    %gather3A_2606 = arith.constant 11 : i32
    %gather3A_2607 = arith.constant 0 : i32
    %gather3A_2608 = arith.constant 0 : i32
    %gather3A_2609 = tpu.memref_slice %arg6[%gather3A_2606, %gather3A_2607, %gather3A_2608] : memref<12x64x128xf32, #tpu.memory_space<vmem>> -> memref<1x64x128xf32, #tpu.memory_space<vmem>>
    %gather3A_2610 = tpu.memref_squeeze %gather3A_2609 : memref<1x64x128xf32, #tpu.memory_space<vmem>> -> memref<64x128xf32, #tpu.memory_space<vmem>>
    %gather3A_2611 = tpu.vector_load_idx %gather3A_2610[%add3A_82, %broadcast_in_dim3A_2585] : memref<64x128xf32, #tpu.memory_space<vmem>>[vector<16xi32>, vector<16xi32>], vector<16xf32>,
    tpu.vector_store_idx %arg7[%add3A_82, %broadcast_in_dim3A_2587], %gather3A_2611 : memref<64x32xf32, #tpu.memory_space<vmem>>[vector<16xi32>, vector<16xi32>], vector<16xf32>,
    %dma_wait3A_2612 = arith.constant 0 : i32
    %dma_wait3A_2613 = arith.constant 0 : i32
    %dma_wait3A_2614 = arith.constant 0 : i32
    %dma_wait3A_2615 = tpu.memref_slice %arg6[%dma_wait3A_2612, %dma_wait3A_2613, %dma_wait3A_2614] : memref<12x64x128xf32, #tpu.memory_space<vmem>> -> memref<1x64x128xf32, #tpu.memory_space<vmem>>
    %dma_wait3A_2616 = tpu.memref_squeeze %dma_wait3A_2615 : memref<1x64x128xf32, #tpu.memory_space<vmem>> -> memref<64x128xf32, #tpu.memory_space<vmem>>
    %dma_wait3A_2617 = arith.constant 0 : i32
    %dma_wait3A_2618 = tpu.memref_slice %arg2[%dma_wait3A_2617, %multiple_of3A_2075] : memref<64x1000000xf32, #tpu.memory_space<hbm>> -> memref<64x128xf32, #tpu.memory_space<hbm>>
    %dma_wait3A_2619 = arith.constant 0 : i32
    %dma_wait3A_2620 = arith.constant 0 : i32
    %dma_wait3A_2621 = tpu.memref_slice %arg6[%dma_wait3A_2612, %dma_wait3A_2619, %dma_wait3A_2620] : memref<12x64x128xf32, #tpu.memory_space<vmem>> -> memref<1x64x128xf32, #tpu.memory_space<vmem>>
    %dma_wait3A_2622 = tpu.memref_squeeze %dma_wait3A_2621 : memref<1x64x128xf32, #tpu.memory_space<vmem>> -> memref<64x128xf32, #tpu.memory_space<vmem>>
    %dma_wait3A_2623 = arith.constant 0 : i32
    %dma_wait3A_2624 = tpu.memref_slice %arg2[%dma_wait3A_2623, %multiple_of3A_2075] : memref<64x1000000xf32, #tpu.memory_space<hbm>> -> memref<64x128xf32, #tpu.memory_space<hbm>>
    tpu.wait_dma2 semaphore(%arg8 : memref<!tpu.dma_semaphore, #tpu.memory_space<semaphore_mem>>) src(%dma_wait3A_2624 : memref<64x128xf32, #tpu.memory_space<hbm>>) dst(%dma_wait3A_2622 : memref<64x128xf32, #tpu.memory_space<vmem>>)
    %jit3A_2625 = arith.constant 128 : i32
    %div3A_2626 = arith.divsi %squeeze3A_65, %jit3A_2625 : i32
    %sign3A_2627 = arith.constant 0 : i32
    %sign3A_2628 = arith.cmpi sgt, %squeeze3A_65, %sign3A_2627 : i32
    %sign3A_2629 = arith.extui %sign3A_2628 : i1 to i32
    %sign3A_2630 = arith.constant 0 : i32
    %sign3A_2631 = arith.cmpi slt, %squeeze3A_65, %sign3A_2630 : i32
    %sign3A_2632 = arith.extui %sign3A_2631 : i1 to i32
    %sign3A_2633 = arith.subi %sign3A_2629, %sign3A_2632 : i32
    %sign3A_2634 = arith.constant 0 : i32
    %sign3A_2635 = arith.cmpi sgt, %jit3A_2625, %sign3A_2634 : i32
    %sign3A_2636 = arith.extui %sign3A_2635 : i1 to i32
    %sign3A_2637 = arith.constant 0 : i32
    %sign3A_2638 = arith.cmpi slt, %jit3A_2625, %sign3A_2637 : i32
    %sign3A_2639 = arith.extui %sign3A_2638 : i1 to i32
    %sign3A_2640 = arith.subi %sign3A_2636, %sign3A_2639 : i32
    %ne3A_2641 = arith.cmpi ne, %sign3A_2633, %sign3A_2640 : i32
    %rem3A_2642 = arith.remsi %squeeze3A_65, %jit3A_2625 : i32
    %ne3A_2643 = arith.constant 0 : i32
    %ne3A_2644 = arith.cmpi ne, %rem3A_2642, %ne3A_2643 : i32
    %and3A_2645 = arith.andi %ne3A_2641, %ne3A_2644 : i1
    %sub3A_2646 = arith.constant 1 : i32
    %sub3A_2647 = arith.subi %div3A_2626, %sub3A_2646 : i32
    %select_n3A_2648 = arith.select %and3A_2645, %sub3A_2647, %div3A_2626 : i32
    %mul3A_2649 = arith.constant 128 : i32
    %mul3A_2650 = arith.muli %select_n3A_2648, %mul3A_2649 : i32
    %multiple_of3A_2651 = tpu.assume_multiple %mul3A_2650, 128 : i32
    %dma_start3A_2652 = arith.constant 6 : i32
    %dma_start3A_2653 = arith.constant 0 : i32
    %dma_start3A_2654 = arith.constant 0 : i32
    %dma_start3A_2655 = tpu.memref_slice %arg6[%dma_start3A_2652, %dma_start3A_2653, %dma_start3A_2654] : memref<12x64x128xf32, #tpu.memory_space<vmem>> -> memref<1x64x128xf32, #tpu.memory_space<vmem>>
    %dma_start3A_2656 = tpu.memref_squeeze %dma_start3A_2655 : memref<1x64x128xf32, #tpu.memory_space<vmem>> -> memref<64x128xf32, #tpu.memory_space<vmem>>
    %dma_start3A_2657 = arith.constant 0 : i32
    %dma_start3A_2658 = tpu.memref_slice %arg2[%dma_start3A_2657, %multiple_of3A_2651] : memref<64x1000000xf32, #tpu.memory_space<hbm>> -> memref<64x128xf32, #tpu.memory_space<hbm>>
    %dma_start3A_2659 = arith.constant 0 : i32
    %dma_start3A_2660 = arith.constant 0 : i32
    %dma_start3A_2661 = tpu.memref_slice %arg6[%dma_start3A_2652, %dma_start3A_2659, %dma_start3A_2660] : memref<12x64x128xf32, #tpu.memory_space<vmem>> -> memref<1x64x128xf32, #tpu.memory_space<vmem>>
    %dma_start3A_2662 = tpu.memref_squeeze %dma_start3A_2661 : memref<1x64x128xf32, #tpu.memory_space<vmem>> -> memref<64x128xf32, #tpu.memory_space<vmem>>
    %dma_start3A_2663 = arith.constant 0 : i32
    %dma_start3A_2664 = tpu.memref_slice %arg2[%dma_start3A_2663, %multiple_of3A_2651] : memref<64x1000000xf32, #tpu.memory_space<hbm>> -> memref<64x128xf32, #tpu.memory_space<hbm>>
    tpu.enqueue_dma source(%dma_start3A_2664 : memref<64x128xf32, #tpu.memory_space<hbm>>) target(%dma_start3A_2662 : memref<64x128xf32, #tpu.memory_space<vmem>>) target_semaphore(%arg14 : memref<!tpu.dma_semaphore, #tpu.memory_space<semaphore_mem>>)
    %jit3A_2665 = arith.constant 128 : i32
    %eq3A_2666 = arith.constant 0 : i32
    %eq3A_2667 = arith.cmpi eq, %jit3A_2665, %eq3A_2666 : i32
    %jit3A_2668 = arith.constant 1 : i32
    %select_n3A_2669 = arith.select %eq3A_2667, %jit3A_2668, %jit3A_2665 : i32
    %rem3A_2670 = arith.remsi %squeeze3A_53, %select_n3A_2669 : i32
    %ne3A_2671 = arith.constant 0 : i32
    %ne3A_2672 = arith.cmpi ne, %rem3A_2670, %ne3A_2671 : i32
    %lt3A_2673 = arith.constant 0 : i32
    %lt3A_2674 = arith.cmpi slt, %rem3A_2670, %lt3A_2673 : i32
    %lt3A_2675 = arith.constant 0 : i32
    %lt3A_2676 = arith.cmpi slt, %select_n3A_2669, %lt3A_2675 : i32
    %ne3A_2677 = arith.xori %lt3A_2674, %lt3A_2676 : i1
    %and3A_2678 = arith.andi %ne3A_2677, %ne3A_2672 : i1
    %add3A_2679 = arith.addi %rem3A_2670, %select_n3A_2669 : i32
    %select_n3A_2680 = arith.select %and3A_2678, %add3A_2679, %rem3A_2670 : i32
    %broadcast_in_dim3A_2681 = vector.broadcast %select_n3A_2680 : i32 to vector<16xi32>
    %broadcast_in_dim3A_2682 = arith.constant 24 : i32
    %broadcast_in_dim3A_2683 = vector.broadcast %broadcast_in_dim3A_2682 : i32 to vector<16xi32>
    %gather3A_2684 = arith.constant 0 : i32
    %gather3A_2685 = arith.constant 0 : i32
    %gather3A_2686 = arith.constant 0 : i32
    %gather3A_2687 = tpu.memref_slice %arg6[%gather3A_2684, %gather3A_2685, %gather3A_2686] : memref<12x64x128xf32, #tpu.memory_space<vmem>> -> memref<1x64x128xf32, #tpu.memory_space<vmem>>
    %gather3A_2688 = tpu.memref_squeeze %gather3A_2687 : memref<1x64x128xf32, #tpu.memory_space<vmem>> -> memref<64x128xf32, #tpu.memory_space<vmem>>
    %gather3A_2689 = tpu.vector_load_idx %gather3A_2688[%add3A_70, %broadcast_in_dim3A_2681] : memref<64x128xf32, #tpu.memory_space<vmem>>[vector<16xi32>, vector<16xi32>], vector<16xf32>,
    tpu.vector_store_idx %arg7[%add3A_70, %broadcast_in_dim3A_2683], %gather3A_2689 : memref<64x32xf32, #tpu.memory_space<vmem>>[vector<16xi32>, vector<16xi32>], vector<16xf32>,
    %gather3A_2690 = arith.constant 0 : i32
    %gather3A_2691 = arith.constant 0 : i32
    %gather3A_2692 = arith.constant 0 : i32
    %gather3A_2693 = tpu.memref_slice %arg6[%gather3A_2690, %gather3A_2691, %gather3A_2692] : memref<12x64x128xf32, #tpu.memory_space<vmem>> -> memref<1x64x128xf32, #tpu.memory_space<vmem>>
    %gather3A_2694 = tpu.memref_squeeze %gather3A_2693 : memref<1x64x128xf32, #tpu.memory_space<vmem>> -> memref<64x128xf32, #tpu.memory_space<vmem>>
    %gather3A_2695 = tpu.vector_load_idx %gather3A_2694[%add3A_74, %broadcast_in_dim3A_2681] : memref<64x128xf32, #tpu.memory_space<vmem>>[vector<16xi32>, vector<16xi32>], vector<16xf32>,
    tpu.vector_store_idx %arg7[%add3A_74, %broadcast_in_dim3A_2683], %gather3A_2695 : memref<64x32xf32, #tpu.memory_space<vmem>>[vector<16xi32>, vector<16xi32>], vector<16xf32>,
    %gather3A_2696 = arith.constant 0 : i32
    %gather3A_2697 = arith.constant 0 : i32
    %gather3A_2698 = arith.constant 0 : i32
    %gather3A_2699 = tpu.memref_slice %arg6[%gather3A_2696, %gather3A_2697, %gather3A_2698] : memref<12x64x128xf32, #tpu.memory_space<vmem>> -> memref<1x64x128xf32, #tpu.memory_space<vmem>>
    %gather3A_2700 = tpu.memref_squeeze %gather3A_2699 : memref<1x64x128xf32, #tpu.memory_space<vmem>> -> memref<64x128xf32, #tpu.memory_space<vmem>>
    %gather3A_2701 = tpu.vector_load_idx %gather3A_2700[%add3A_78, %broadcast_in_dim3A_2681] : memref<64x128xf32, #tpu.memory_space<vmem>>[vector<16xi32>, vector<16xi32>], vector<16xf32>,
    tpu.vector_store_idx %arg7[%add3A_78, %broadcast_in_dim3A_2683], %gather3A_2701 : memref<64x32xf32, #tpu.memory_space<vmem>>[vector<16xi32>, vector<16xi32>], vector<16xf32>,
    %gather3A_2702 = arith.constant 0 : i32
    %gather3A_2703 = arith.constant 0 : i32
    %gather3A_2704 = arith.constant 0 : i32
    %gather3A_2705 = tpu.memref_slice %arg6[%gather3A_2702, %gather3A_2703, %gather3A_2704] : memref<12x64x128xf32, #tpu.memory_space<vmem>> -> memref<1x64x128xf32, #tpu.memory_space<vmem>>
    %gather3A_2706 = tpu.memref_squeeze %gather3A_2705 : memref<1x64x128xf32, #tpu.memory_space<vmem>> -> memref<64x128xf32, #tpu.memory_space<vmem>>
    %gather3A_2707 = tpu.vector_load_idx %gather3A_2706[%add3A_82, %broadcast_in_dim3A_2681] : memref<64x128xf32, #tpu.memory_space<vmem>>[vector<16xi32>, vector<16xi32>], vector<16xf32>,
    tpu.vector_store_idx %arg7[%add3A_82, %broadcast_in_dim3A_2683], %gather3A_2707 : memref<64x32xf32, #tpu.memory_space<vmem>>[vector<16xi32>, vector<16xi32>], vector<16xf32>,
    %dma_wait3A_2708 = arith.constant 1 : i32
    %dma_wait3A_2709 = arith.constant 0 : i32
    %dma_wait3A_2710 = arith.constant 0 : i32
    %dma_wait3A_2711 = tpu.memref_slice %arg6[%dma_wait3A_2708, %dma_wait3A_2709, %dma_wait3A_2710] : memref<12x64x128xf32, #tpu.memory_space<vmem>> -> memref<1x64x128xf32, #tpu.memory_space<vmem>>
    %dma_wait3A_2712 = tpu.memref_squeeze %dma_wait3A_2711 : memref<1x64x128xf32, #tpu.memory_space<vmem>> -> memref<64x128xf32, #tpu.memory_space<vmem>>
    %dma_wait3A_2713 = arith.constant 0 : i32
    %dma_wait3A_2714 = tpu.memref_slice %arg2[%dma_wait3A_2713, %multiple_of3A_2171] : memref<64x1000000xf32, #tpu.memory_space<hbm>> -> memref<64x128xf32, #tpu.memory_space<hbm>>
    %dma_wait3A_2715 = arith.constant 0 : i32
    %dma_wait3A_2716 = arith.constant 0 : i32
    %dma_wait3A_2717 = tpu.memref_slice %arg6[%dma_wait3A_2708, %dma_wait3A_2715, %dma_wait3A_2716] : memref<12x64x128xf32, #tpu.memory_space<vmem>> -> memref<1x64x128xf32, #tpu.memory_space<vmem>>
    %dma_wait3A_2718 = tpu.memref_squeeze %dma_wait3A_2717 : memref<1x64x128xf32, #tpu.memory_space<vmem>> -> memref<64x128xf32, #tpu.memory_space<vmem>>
    %dma_wait3A_2719 = arith.constant 0 : i32
    %dma_wait3A_2720 = tpu.memref_slice %arg2[%dma_wait3A_2719, %multiple_of3A_2171] : memref<64x1000000xf32, #tpu.memory_space<hbm>> -> memref<64x128xf32, #tpu.memory_space<hbm>>
    tpu.wait_dma2 semaphore(%arg9 : memref<!tpu.dma_semaphore, #tpu.memory_space<semaphore_mem>>) src(%dma_wait3A_2720 : memref<64x128xf32, #tpu.memory_space<hbm>>) dst(%dma_wait3A_2718 : memref<64x128xf32, #tpu.memory_space<vmem>>)
    %jit3A_2721 = arith.constant 128 : i32
    %div3A_2722 = arith.divsi %squeeze3A_67, %jit3A_2721 : i32
    %sign3A_2723 = arith.constant 0 : i32
    %sign3A_2724 = arith.cmpi sgt, %squeeze3A_67, %sign3A_2723 : i32
    %sign3A_2725 = arith.extui %sign3A_2724 : i1 to i32
    %sign3A_2726 = arith.constant 0 : i32
    %sign3A_2727 = arith.cmpi slt, %squeeze3A_67, %sign3A_2726 : i32
    %sign3A_2728 = arith.extui %sign3A_2727 : i1 to i32
    %sign3A_2729 = arith.subi %sign3A_2725, %sign3A_2728 : i32
    %sign3A_2730 = arith.constant 0 : i32
    %sign3A_2731 = arith.cmpi sgt, %jit3A_2721, %sign3A_2730 : i32
    %sign3A_2732 = arith.extui %sign3A_2731 : i1 to i32
    %sign3A_2733 = arith.constant 0 : i32
    %sign3A_2734 = arith.cmpi slt, %jit3A_2721, %sign3A_2733 : i32
    %sign3A_2735 = arith.extui %sign3A_2734 : i1 to i32
    %sign3A_2736 = arith.subi %sign3A_2732, %sign3A_2735 : i32
    %ne3A_2737 = arith.cmpi ne, %sign3A_2729, %sign3A_2736 : i32
    %rem3A_2738 = arith.remsi %squeeze3A_67, %jit3A_2721 : i32
    %ne3A_2739 = arith.constant 0 : i32
    %ne3A_2740 = arith.cmpi ne, %rem3A_2738, %ne3A_2739 : i32
    %and3A_2741 = arith.andi %ne3A_2737, %ne3A_2740 : i1
    %sub3A_2742 = arith.constant 1 : i32
    %sub3A_2743 = arith.subi %div3A_2722, %sub3A_2742 : i32
    %select_n3A_2744 = arith.select %and3A_2741, %sub3A_2743, %div3A_2722 : i32
    %mul3A_2745 = arith.constant 128 : i32
    %mul3A_2746 = arith.muli %select_n3A_2744, %mul3A_2745 : i32
    %multiple_of3A_2747 = tpu.assume_multiple %mul3A_2746, 128 : i32
    %dma_start3A_2748 = arith.constant 7 : i32
    %dma_start3A_2749 = arith.constant 0 : i32
    %dma_start3A_2750 = arith.constant 0 : i32
    %dma_start3A_2751 = tpu.memref_slice %arg6[%dma_start3A_2748, %dma_start3A_2749, %dma_start3A_2750] : memref<12x64x128xf32, #tpu.memory_space<vmem>> -> memref<1x64x128xf32, #tpu.memory_space<vmem>>
    %dma_start3A_2752 = tpu.memref_squeeze %dma_start3A_2751 : memref<1x64x128xf32, #tpu.memory_space<vmem>> -> memref<64x128xf32, #tpu.memory_space<vmem>>
    %dma_start3A_2753 = arith.constant 0 : i32
    %dma_start3A_2754 = tpu.memref_slice %arg2[%dma_start3A_2753, %multiple_of3A_2747] : memref<64x1000000xf32, #tpu.memory_space<hbm>> -> memref<64x128xf32, #tpu.memory_space<hbm>>
    %dma_start3A_2755 = arith.constant 0 : i32
    %dma_start3A_2756 = arith.constant 0 : i32
    %dma_start3A_2757 = tpu.memref_slice %arg6[%dma_start3A_2748, %dma_start3A_2755, %dma_start3A_2756] : memref<12x64x128xf32, #tpu.memory_space<vmem>> -> memref<1x64x128xf32, #tpu.memory_space<vmem>>
    %dma_start3A_2758 = tpu.memref_squeeze %dma_start3A_2757 : memref<1x64x128xf32, #tpu.memory_space<vmem>> -> memref<64x128xf32, #tpu.memory_space<vmem>>
    %dma_start3A_2759 = arith.constant 0 : i32
    %dma_start3A_2760 = tpu.memref_slice %arg2[%dma_start3A_2759, %multiple_of3A_2747] : memref<64x1000000xf32, #tpu.memory_space<hbm>> -> memref<64x128xf32, #tpu.memory_space<hbm>>
    tpu.enqueue_dma source(%dma_start3A_2760 : memref<64x128xf32, #tpu.memory_space<hbm>>) target(%dma_start3A_2758 : memref<64x128xf32, #tpu.memory_space<vmem>>) target_semaphore(%arg15 : memref<!tpu.dma_semaphore, #tpu.memory_space<semaphore_mem>>)
    %jit3A_2761 = arith.constant 128 : i32
    %eq3A_2762 = arith.constant 0 : i32
    %eq3A_2763 = arith.cmpi eq, %jit3A_2761, %eq3A_2762 : i32
    %jit3A_2764 = arith.constant 1 : i32
    %select_n3A_2765 = arith.select %eq3A_2763, %jit3A_2764, %jit3A_2761 : i32
    %rem3A_2766 = arith.remsi %squeeze3A_55, %select_n3A_2765 : i32
    %ne3A_2767 = arith.constant 0 : i32
    %ne3A_2768 = arith.cmpi ne, %rem3A_2766, %ne3A_2767 : i32
    %lt3A_2769 = arith.constant 0 : i32
    %lt3A_2770 = arith.cmpi slt, %rem3A_2766, %lt3A_2769 : i32
    %lt3A_2771 = arith.constant 0 : i32
    %lt3A_2772 = arith.cmpi slt, %select_n3A_2765, %lt3A_2771 : i32
    %ne3A_2773 = arith.xori %lt3A_2770, %lt3A_2772 : i1
    %and3A_2774 = arith.andi %ne3A_2773, %ne3A_2768 : i1
    %add3A_2775 = arith.addi %rem3A_2766, %select_n3A_2765 : i32
    %select_n3A_2776 = arith.select %and3A_2774, %add3A_2775, %rem3A_2766 : i32
    %broadcast_in_dim3A_2777 = vector.broadcast %select_n3A_2776 : i32 to vector<16xi32>
    %broadcast_in_dim3A_2778 = arith.constant 25 : i32
    %broadcast_in_dim3A_2779 = vector.broadcast %broadcast_in_dim3A_2778 : i32 to vector<16xi32>
    %gather3A_2780 = arith.constant 1 : i32
    %gather3A_2781 = arith.constant 0 : i32
    %gather3A_2782 = arith.constant 0 : i32
    %gather3A_2783 = tpu.memref_slice %arg6[%gather3A_2780, %gather3A_2781, %gather3A_2782] : memref<12x64x128xf32, #tpu.memory_space<vmem>> -> memref<1x64x128xf32, #tpu.memory_space<vmem>>
    %gather3A_2784 = tpu.memref_squeeze %gather3A_2783 : memref<1x64x128xf32, #tpu.memory_space<vmem>> -> memref<64x128xf32, #tpu.memory_space<vmem>>
    %gather3A_2785 = tpu.vector_load_idx %gather3A_2784[%add3A_70, %broadcast_in_dim3A_2777] : memref<64x128xf32, #tpu.memory_space<vmem>>[vector<16xi32>, vector<16xi32>], vector<16xf32>,
    tpu.vector_store_idx %arg7[%add3A_70, %broadcast_in_dim3A_2779], %gather3A_2785 : memref<64x32xf32, #tpu.memory_space<vmem>>[vector<16xi32>, vector<16xi32>], vector<16xf32>,
    %gather3A_2786 = arith.constant 1 : i32
    %gather3A_2787 = arith.constant 0 : i32
    %gather3A_2788 = arith.constant 0 : i32
    %gather3A_2789 = tpu.memref_slice %arg6[%gather3A_2786, %gather3A_2787, %gather3A_2788] : memref<12x64x128xf32, #tpu.memory_space<vmem>> -> memref<1x64x128xf32, #tpu.memory_space<vmem>>
    %gather3A_2790 = tpu.memref_squeeze %gather3A_2789 : memref<1x64x128xf32, #tpu.memory_space<vmem>> -> memref<64x128xf32, #tpu.memory_space<vmem>>
    %gather3A_2791 = tpu.vector_load_idx %gather3A_2790[%add3A_74, %broadcast_in_dim3A_2777] : memref<64x128xf32, #tpu.memory_space<vmem>>[vector<16xi32>, vector<16xi32>], vector<16xf32>,
    tpu.vector_store_idx %arg7[%add3A_74, %broadcast_in_dim3A_2779], %gather3A_2791 : memref<64x32xf32, #tpu.memory_space<vmem>>[vector<16xi32>, vector<16xi32>], vector<16xf32>,
    %gather3A_2792 = arith.constant 1 : i32
    %gather3A_2793 = arith.constant 0 : i32
    %gather3A_2794 = arith.constant 0 : i32
    %gather3A_2795 = tpu.memref_slice %arg6[%gather3A_2792, %gather3A_2793, %gather3A_2794] : memref<12x64x128xf32, #tpu.memory_space<vmem>> -> memref<1x64x128xf32, #tpu.memory_space<vmem>>
    %gather3A_2796 = tpu.memref_squeeze %gather3A_2795 : memref<1x64x128xf32, #tpu.memory_space<vmem>> -> memref<64x128xf32, #tpu.memory_space<vmem>>
    %gather3A_2797 = tpu.vector_load_idx %gather3A_2796[%add3A_78, %broadcast_in_dim3A_2777] : memref<64x128xf32, #tpu.memory_space<vmem>>[vector<16xi32>, vector<16xi32>], vector<16xf32>,
    tpu.vector_store_idx %arg7[%add3A_78, %broadcast_in_dim3A_2779], %gather3A_2797 : memref<64x32xf32, #tpu.memory_space<vmem>>[vector<16xi32>, vector<16xi32>], vector<16xf32>,
    %gather3A_2798 = arith.constant 1 : i32
    %gather3A_2799 = arith.constant 0 : i32
    %gather3A_2800 = arith.constant 0 : i32
    %gather3A_2801 = tpu.memref_slice %arg6[%gather3A_2798, %gather3A_2799, %gather3A_2800] : memref<12x64x128xf32, #tpu.memory_space<vmem>> -> memref<1x64x128xf32, #tpu.memory_space<vmem>>
    %gather3A_2802 = tpu.memref_squeeze %gather3A_2801 : memref<1x64x128xf32, #tpu.memory_space<vmem>> -> memref<64x128xf32, #tpu.memory_space<vmem>>
    %gather3A_2803 = tpu.vector_load_idx %gather3A_2802[%add3A_82, %broadcast_in_dim3A_2777] : memref<64x128xf32, #tpu.memory_space<vmem>>[vector<16xi32>, vector<16xi32>], vector<16xf32>,
    tpu.vector_store_idx %arg7[%add3A_82, %broadcast_in_dim3A_2779], %gather3A_2803 : memref<64x32xf32, #tpu.memory_space<vmem>>[vector<16xi32>, vector<16xi32>], vector<16xf32>,
    %dma_wait3A_2804 = arith.constant 2 : i32
    %dma_wait3A_2805 = arith.constant 0 : i32
    %dma_wait3A_2806 = arith.constant 0 : i32
    %dma_wait3A_2807 = tpu.memref_slice %arg6[%dma_wait3A_2804, %dma_wait3A_2805, %dma_wait3A_2806] : memref<12x64x128xf32, #tpu.memory_space<vmem>> -> memref<1x64x128xf32, #tpu.memory_space<vmem>>
    %dma_wait3A_2808 = tpu.memref_squeeze %dma_wait3A_2807 : memref<1x64x128xf32, #tpu.memory_space<vmem>> -> memref<64x128xf32, #tpu.memory_space<vmem>>
    %dma_wait3A_2809 = arith.constant 0 : i32
    %dma_wait3A_2810 = tpu.memref_slice %arg2[%dma_wait3A_2809, %multiple_of3A_2267] : memref<64x1000000xf32, #tpu.memory_space<hbm>> -> memref<64x128xf32, #tpu.memory_space<hbm>>
    %dma_wait3A_2811 = arith.constant 0 : i32
    %dma_wait3A_2812 = arith.constant 0 : i32
    %dma_wait3A_2813 = tpu.memref_slice %arg6[%dma_wait3A_2804, %dma_wait3A_2811, %dma_wait3A_2812] : memref<12x64x128xf32, #tpu.memory_space<vmem>> -> memref<1x64x128xf32, #tpu.memory_space<vmem>>
    %dma_wait3A_2814 = tpu.memref_squeeze %dma_wait3A_2813 : memref<1x64x128xf32, #tpu.memory_space<vmem>> -> memref<64x128xf32, #tpu.memory_space<vmem>>
    %dma_wait3A_2815 = arith.constant 0 : i32
    %dma_wait3A_2816 = tpu.memref_slice %arg2[%dma_wait3A_2815, %multiple_of3A_2267] : memref<64x1000000xf32, #tpu.memory_space<hbm>> -> memref<64x128xf32, #tpu.memory_space<hbm>>
    tpu.wait_dma2 semaphore(%arg10 : memref<!tpu.dma_semaphore, #tpu.memory_space<semaphore_mem>>) src(%dma_wait3A_2816 : memref<64x128xf32, #tpu.memory_space<hbm>>) dst(%dma_wait3A_2814 : memref<64x128xf32, #tpu.memory_space<vmem>>)
    %jit3A_2817 = arith.constant 128 : i32
    %eq3A_2818 = arith.constant 0 : i32
    %eq3A_2819 = arith.cmpi eq, %jit3A_2817, %eq3A_2818 : i32
    %jit3A_2820 = arith.constant 1 : i32
    %select_n3A_2821 = arith.select %eq3A_2819, %jit3A_2820, %jit3A_2817 : i32
    %rem3A_2822 = arith.remsi %squeeze3A_57, %select_n3A_2821 : i32
    %ne3A_2823 = arith.constant 0 : i32
    %ne3A_2824 = arith.cmpi ne, %rem3A_2822, %ne3A_2823 : i32
    %lt3A_2825 = arith.constant 0 : i32
    %lt3A_2826 = arith.cmpi slt, %rem3A_2822, %lt3A_2825 : i32
    %lt3A_2827 = arith.constant 0 : i32
    %lt3A_2828 = arith.cmpi slt, %select_n3A_2821, %lt3A_2827 : i32
    %ne3A_2829 = arith.xori %lt3A_2826, %lt3A_2828 : i1
    %and3A_2830 = arith.andi %ne3A_2829, %ne3A_2824 : i1
    %add3A_2831 = arith.addi %rem3A_2822, %select_n3A_2821 : i32
    %select_n3A_2832 = arith.select %and3A_2830, %add3A_2831, %rem3A_2822 : i32
    %broadcast_in_dim3A_2833 = vector.broadcast %select_n3A_2832 : i32 to vector<16xi32>
    %broadcast_in_dim3A_2834 = arith.constant 26 : i32
    %broadcast_in_dim3A_2835 = vector.broadcast %broadcast_in_dim3A_2834 : i32 to vector<16xi32>
    %gather3A_2836 = arith.constant 2 : i32
    %gather3A_2837 = arith.constant 0 : i32
    %gather3A_2838 = arith.constant 0 : i32
    %gather3A_2839 = tpu.memref_slice %arg6[%gather3A_2836, %gather3A_2837, %gather3A_2838] : memref<12x64x128xf32, #tpu.memory_space<vmem>> -> memref<1x64x128xf32, #tpu.memory_space<vmem>>
    %gather3A_2840 = tpu.memref_squeeze %gather3A_2839 : memref<1x64x128xf32, #tpu.memory_space<vmem>> -> memref<64x128xf32, #tpu.memory_space<vmem>>
    %gather3A_2841 = tpu.vector_load_idx %gather3A_2840[%add3A_70, %broadcast_in_dim3A_2833] : memref<64x128xf32, #tpu.memory_space<vmem>>[vector<16xi32>, vector<16xi32>], vector<16xf32>,
    tpu.vector_store_idx %arg7[%add3A_70, %broadcast_in_dim3A_2835], %gather3A_2841 : memref<64x32xf32, #tpu.memory_space<vmem>>[vector<16xi32>, vector<16xi32>], vector<16xf32>,
    %gather3A_2842 = arith.constant 2 : i32
    %gather3A_2843 = arith.constant 0 : i32
    %gather3A_2844 = arith.constant 0 : i32
    %gather3A_2845 = tpu.memref_slice %arg6[%gather3A_2842, %gather3A_2843, %gather3A_2844] : memref<12x64x128xf32, #tpu.memory_space<vmem>> -> memref<1x64x128xf32, #tpu.memory_space<vmem>>
    %gather3A_2846 = tpu.memref_squeeze %gather3A_2845 : memref<1x64x128xf32, #tpu.memory_space<vmem>> -> memref<64x128xf32, #tpu.memory_space<vmem>>
    %gather3A_2847 = tpu.vector_load_idx %gather3A_2846[%add3A_74, %broadcast_in_dim3A_2833] : memref<64x128xf32, #tpu.memory_space<vmem>>[vector<16xi32>, vector<16xi32>], vector<16xf32>,
    tpu.vector_store_idx %arg7[%add3A_74, %broadcast_in_dim3A_2835], %gather3A_2847 : memref<64x32xf32, #tpu.memory_space<vmem>>[vector<16xi32>, vector<16xi32>], vector<16xf32>,
    %gather3A_2848 = arith.constant 2 : i32
    %gather3A_2849 = arith.constant 0 : i32
    %gather3A_2850 = arith.constant 0 : i32
    %gather3A_2851 = tpu.memref_slice %arg6[%gather3A_2848, %gather3A_2849, %gather3A_2850] : memref<12x64x128xf32, #tpu.memory_space<vmem>> -> memref<1x64x128xf32, #tpu.memory_space<vmem>>
    %gather3A_2852 = tpu.memref_squeeze %gather3A_2851 : memref<1x64x128xf32, #tpu.memory_space<vmem>> -> memref<64x128xf32, #tpu.memory_space<vmem>>
    %gather3A_2853 = tpu.vector_load_idx %gather3A_2852[%add3A_78, %broadcast_in_dim3A_2833] : memref<64x128xf32, #tpu.memory_space<vmem>>[vector<16xi32>, vector<16xi32>], vector<16xf32>,
    tpu.vector_store_idx %arg7[%add3A_78, %broadcast_in_dim3A_2835], %gather3A_2853 : memref<64x32xf32, #tpu.memory_space<vmem>>[vector<16xi32>, vector<16xi32>], vector<16xf32>,
    %gather3A_2854 = arith.constant 2 : i32
    %gather3A_2855 = arith.constant 0 : i32
    %gather3A_2856 = arith.constant 0 : i32
    %gather3A_2857 = tpu.memref_slice %arg6[%gather3A_2854, %gather3A_2855, %gather3A_2856] : memref<12x64x128xf32, #tpu.memory_space<vmem>> -> memref<1x64x128xf32, #tpu.memory_space<vmem>>
    %gather3A_2858 = tpu.memref_squeeze %gather3A_2857 : memref<1x64x128xf32, #tpu.memory_space<vmem>> -> memref<64x128xf32, #tpu.memory_space<vmem>>
    %gather3A_2859 = tpu.vector_load_idx %gather3A_2858[%add3A_82, %broadcast_in_dim3A_2833] : memref<64x128xf32, #tpu.memory_space<vmem>>[vector<16xi32>, vector<16xi32>], vector<16xf32>,
    tpu.vector_store_idx %arg7[%add3A_82, %broadcast_in_dim3A_2835], %gather3A_2859 : memref<64x32xf32, #tpu.memory_space<vmem>>[vector<16xi32>, vector<16xi32>], vector<16xf32>,
    %dma_wait3A_2860 = arith.constant 3 : i32
    %dma_wait3A_2861 = arith.constant 0 : i32
    %dma_wait3A_2862 = arith.constant 0 : i32
    %dma_wait3A_2863 = tpu.memref_slice %arg6[%dma_wait3A_2860, %dma_wait3A_2861, %dma_wait3A_2862] : memref<12x64x128xf32, #tpu.memory_space<vmem>> -> memref<1x64x128xf32, #tpu.memory_space<vmem>>
    %dma_wait3A_2864 = tpu.memref_squeeze %dma_wait3A_2863 : memref<1x64x128xf32, #tpu.memory_space<vmem>> -> memref<64x128xf32, #tpu.memory_space<vmem>>
    %dma_wait3A_2865 = arith.constant 0 : i32
    %dma_wait3A_2866 = tpu.memref_slice %arg2[%dma_wait3A_2865, %multiple_of3A_2363] : memref<64x1000000xf32, #tpu.memory_space<hbm>> -> memref<64x128xf32, #tpu.memory_space<hbm>>
    %dma_wait3A_2867 = arith.constant 0 : i32
    %dma_wait3A_2868 = arith.constant 0 : i32
    %dma_wait3A_2869 = tpu.memref_slice %arg6[%dma_wait3A_2860, %dma_wait3A_2867, %dma_wait3A_2868] : memref<12x64x128xf32, #tpu.memory_space<vmem>> -> memref<1x64x128xf32, #tpu.memory_space<vmem>>
    %dma_wait3A_2870 = tpu.memref_squeeze %dma_wait3A_2869 : memref<1x64x128xf32, #tpu.memory_space<vmem>> -> memref<64x128xf32, #tpu.memory_space<vmem>>
    %dma_wait3A_2871 = arith.constant 0 : i32
    %dma_wait3A_2872 = tpu.memref_slice %arg2[%dma_wait3A_2871, %multiple_of3A_2363] : memref<64x1000000xf32, #tpu.memory_space<hbm>> -> memref<64x128xf32, #tpu.memory_space<hbm>>
    tpu.wait_dma2 semaphore(%arg11 : memref<!tpu.dma_semaphore, #tpu.memory_space<semaphore_mem>>) src(%dma_wait3A_2872 : memref<64x128xf32, #tpu.memory_space<hbm>>) dst(%dma_wait3A_2870 : memref<64x128xf32, #tpu.memory_space<vmem>>)
    %jit3A_2873 = arith.constant 128 : i32
    %eq3A_2874 = arith.constant 0 : i32
    %eq3A_2875 = arith.cmpi eq, %jit3A_2873, %eq3A_2874 : i32
    %jit3A_2876 = arith.constant 1 : i32
    %select_n3A_2877 = arith.select %eq3A_2875, %jit3A_2876, %jit3A_2873 : i32
    %rem3A_2878 = arith.remsi %squeeze3A_59, %select_n3A_2877 : i32
    %ne3A_2879 = arith.constant 0 : i32
    %ne3A_2880 = arith.cmpi ne, %rem3A_2878, %ne3A_2879 : i32
    %lt3A_2881 = arith.constant 0 : i32
    %lt3A_2882 = arith.cmpi slt, %rem3A_2878, %lt3A_2881 : i32
    %lt3A_2883 = arith.constant 0 : i32
    %lt3A_2884 = arith.cmpi slt, %select_n3A_2877, %lt3A_2883 : i32
    %ne3A_2885 = arith.xori %lt3A_2882, %lt3A_2884 : i1
    %and3A_2886 = arith.andi %ne3A_2885, %ne3A_2880 : i1
    %add3A_2887 = arith.addi %rem3A_2878, %select_n3A_2877 : i32
    %select_n3A_2888 = arith.select %and3A_2886, %add3A_2887, %rem3A_2878 : i32
    %broadcast_in_dim3A_2889 = vector.broadcast %select_n3A_2888 : i32 to vector<16xi32>
    %broadcast_in_dim3A_2890 = arith.constant 27 : i32
    %broadcast_in_dim3A_2891 = vector.broadcast %broadcast_in_dim3A_2890 : i32 to vector<16xi32>
    %gather3A_2892 = arith.constant 3 : i32
    %gather3A_2893 = arith.constant 0 : i32
    %gather3A_2894 = arith.constant 0 : i32
    %gather3A_2895 = tpu.memref_slice %arg6[%gather3A_2892, %gather3A_2893, %gather3A_2894] : memref<12x64x128xf32, #tpu.memory_space<vmem>> -> memref<1x64x128xf32, #tpu.memory_space<vmem>>
    %gather3A_2896 = tpu.memref_squeeze %gather3A_2895 : memref<1x64x128xf32, #tpu.memory_space<vmem>> -> memref<64x128xf32, #tpu.memory_space<vmem>>
    %gather3A_2897 = tpu.vector_load_idx %gather3A_2896[%add3A_70, %broadcast_in_dim3A_2889] : memref<64x128xf32, #tpu.memory_space<vmem>>[vector<16xi32>, vector<16xi32>], vector<16xf32>,
    tpu.vector_store_idx %arg7[%add3A_70, %broadcast_in_dim3A_2891], %gather3A_2897 : memref<64x32xf32, #tpu.memory_space<vmem>>[vector<16xi32>, vector<16xi32>], vector<16xf32>,
    %gather3A_2898 = arith.constant 3 : i32
    %gather3A_2899 = arith.constant 0 : i32
    %gather3A_2900 = arith.constant 0 : i32
    %gather3A_2901 = tpu.memref_slice %arg6[%gather3A_2898, %gather3A_2899, %gather3A_2900] : memref<12x64x128xf32, #tpu.memory_space<vmem>> -> memref<1x64x128xf32, #tpu.memory_space<vmem>>
    %gather3A_2902 = tpu.memref_squeeze %gather3A_2901 : memref<1x64x128xf32, #tpu.memory_space<vmem>> -> memref<64x128xf32, #tpu.memory_space<vmem>>
    %gather3A_2903 = tpu.vector_load_idx %gather3A_2902[%add3A_74, %broadcast_in_dim3A_2889] : memref<64x128xf32, #tpu.memory_space<vmem>>[vector<16xi32>, vector<16xi32>], vector<16xf32>,
    tpu.vector_store_idx %arg7[%add3A_74, %broadcast_in_dim3A_2891], %gather3A_2903 : memref<64x32xf32, #tpu.memory_space<vmem>>[vector<16xi32>, vector<16xi32>], vector<16xf32>,
    %gather3A_2904 = arith.constant 3 : i32
    %gather3A_2905 = arith.constant 0 : i32
    %gather3A_2906 = arith.constant 0 : i32
    %gather3A_2907 = tpu.memref_slice %arg6[%gather3A_2904, %gather3A_2905, %gather3A_2906] : memref<12x64x128xf32, #tpu.memory_space<vmem>> -> memref<1x64x128xf32, #tpu.memory_space<vmem>>
    %gather3A_2908 = tpu.memref_squeeze %gather3A_2907 : memref<1x64x128xf32, #tpu.memory_space<vmem>> -> memref<64x128xf32, #tpu.memory_space<vmem>>
    %gather3A_2909 = tpu.vector_load_idx %gather3A_2908[%add3A_78, %broadcast_in_dim3A_2889] : memref<64x128xf32, #tpu.memory_space<vmem>>[vector<16xi32>, vector<16xi32>], vector<16xf32>,
    tpu.vector_store_idx %arg7[%add3A_78, %broadcast_in_dim3A_2891], %gather3A_2909 : memref<64x32xf32, #tpu.memory_space<vmem>>[vector<16xi32>, vector<16xi32>], vector<16xf32>,
    %gather3A_2910 = arith.constant 3 : i32
    %gather3A_2911 = arith.constant 0 : i32
    %gather3A_2912 = arith.constant 0 : i32
    %gather3A_2913 = tpu.memref_slice %arg6[%gather3A_2910, %gather3A_2911, %gather3A_2912] : memref<12x64x128xf32, #tpu.memory_space<vmem>> -> memref<1x64x128xf32, #tpu.memory_space<vmem>>
    %gather3A_2914 = tpu.memref_squeeze %gather3A_2913 : memref<1x64x128xf32, #tpu.memory_space<vmem>> -> memref<64x128xf32, #tpu.memory_space<vmem>>
    %gather3A_2915 = tpu.vector_load_idx %gather3A_2914[%add3A_82, %broadcast_in_dim3A_2889] : memref<64x128xf32, #tpu.memory_space<vmem>>[vector<16xi32>, vector<16xi32>], vector<16xf32>,
    tpu.vector_store_idx %arg7[%add3A_82, %broadcast_in_dim3A_2891], %gather3A_2915 : memref<64x32xf32, #tpu.memory_space<vmem>>[vector<16xi32>, vector<16xi32>], vector<16xf32>,
    %dma_wait3A_2916 = arith.constant 4 : i32
    %dma_wait3A_2917 = arith.constant 0 : i32
    %dma_wait3A_2918 = arith.constant 0 : i32
    %dma_wait3A_2919 = tpu.memref_slice %arg6[%dma_wait3A_2916, %dma_wait3A_2917, %dma_wait3A_2918] : memref<12x64x128xf32, #tpu.memory_space<vmem>> -> memref<1x64x128xf32, #tpu.memory_space<vmem>>
    %dma_wait3A_2920 = tpu.memref_squeeze %dma_wait3A_2919 : memref<1x64x128xf32, #tpu.memory_space<vmem>> -> memref<64x128xf32, #tpu.memory_space<vmem>>
    %dma_wait3A_2921 = arith.constant 0 : i32
    %dma_wait3A_2922 = tpu.memref_slice %arg2[%dma_wait3A_2921, %multiple_of3A_2459] : memref<64x1000000xf32, #tpu.memory_space<hbm>> -> memref<64x128xf32, #tpu.memory_space<hbm>>
    %dma_wait3A_2923 = arith.constant 0 : i32
    %dma_wait3A_2924 = arith.constant 0 : i32
    %dma_wait3A_2925 = tpu.memref_slice %arg6[%dma_wait3A_2916, %dma_wait3A_2923, %dma_wait3A_2924] : memref<12x64x128xf32, #tpu.memory_space<vmem>> -> memref<1x64x128xf32, #tpu.memory_space<vmem>>
    %dma_wait3A_2926 = tpu.memref_squeeze %dma_wait3A_2925 : memref<1x64x128xf32, #tpu.memory_space<vmem>> -> memref<64x128xf32, #tpu.memory_space<vmem>>
    %dma_wait3A_2927 = arith.constant 0 : i32
    %dma_wait3A_2928 = tpu.memref_slice %arg2[%dma_wait3A_2927, %multiple_of3A_2459] : memref<64x1000000xf32, #tpu.memory_space<hbm>> -> memref<64x128xf32, #tpu.memory_space<hbm>>
    tpu.wait_dma2 semaphore(%arg12 : memref<!tpu.dma_semaphore, #tpu.memory_space<semaphore_mem>>) src(%dma_wait3A_2928 : memref<64x128xf32, #tpu.memory_space<hbm>>) dst(%dma_wait3A_2926 : memref<64x128xf32, #tpu.memory_space<vmem>>)
    %jit3A_2929 = arith.constant 128 : i32
    %eq3A_2930 = arith.constant 0 : i32
    %eq3A_2931 = arith.cmpi eq, %jit3A_2929, %eq3A_2930 : i32
    %jit3A_2932 = arith.constant 1 : i32
    %select_n3A_2933 = arith.select %eq3A_2931, %jit3A_2932, %jit3A_2929 : i32
    %rem3A_2934 = arith.remsi %squeeze3A_61, %select_n3A_2933 : i32
    %ne3A_2935 = arith.constant 0 : i32
    %ne3A_2936 = arith.cmpi ne, %rem3A_2934, %ne3A_2935 : i32
    %lt3A_2937 = arith.constant 0 : i32
    %lt3A_2938 = arith.cmpi slt, %rem3A_2934, %lt3A_2937 : i32
    %lt3A_2939 = arith.constant 0 : i32
    %lt3A_2940 = arith.cmpi slt, %select_n3A_2933, %lt3A_2939 : i32
    %ne3A_2941 = arith.xori %lt3A_2938, %lt3A_2940 : i1
    %and3A_2942 = arith.andi %ne3A_2941, %ne3A_2936 : i1
    %add3A_2943 = arith.addi %rem3A_2934, %select_n3A_2933 : i32
    %select_n3A_2944 = arith.select %and3A_2942, %add3A_2943, %rem3A_2934 : i32
    %broadcast_in_dim3A_2945 = vector.broadcast %select_n3A_2944 : i32 to vector<16xi32>
    %broadcast_in_dim3A_2946 = arith.constant 28 : i32
    %broadcast_in_dim3A_2947 = vector.broadcast %broadcast_in_dim3A_2946 : i32 to vector<16xi32>
    %gather3A_2948 = arith.constant 4 : i32
    %gather3A_2949 = arith.constant 0 : i32
    %gather3A_2950 = arith.constant 0 : i32
    %gather3A_2951 = tpu.memref_slice %arg6[%gather3A_2948, %gather3A_2949, %gather3A_2950] : memref<12x64x128xf32, #tpu.memory_space<vmem>> -> memref<1x64x128xf32, #tpu.memory_space<vmem>>
    %gather3A_2952 = tpu.memref_squeeze %gather3A_2951 : memref<1x64x128xf32, #tpu.memory_space<vmem>> -> memref<64x128xf32, #tpu.memory_space<vmem>>
    %gather3A_2953 = tpu.vector_load_idx %gather3A_2952[%add3A_70, %broadcast_in_dim3A_2945] : memref<64x128xf32, #tpu.memory_space<vmem>>[vector<16xi32>, vector<16xi32>], vector<16xf32>,
    tpu.vector_store_idx %arg7[%add3A_70, %broadcast_in_dim3A_2947], %gather3A_2953 : memref<64x32xf32, #tpu.memory_space<vmem>>[vector<16xi32>, vector<16xi32>], vector<16xf32>,
    %gather3A_2954 = arith.constant 4 : i32
    %gather3A_2955 = arith.constant 0 : i32
    %gather3A_2956 = arith.constant 0 : i32
    %gather3A_2957 = tpu.memref_slice %arg6[%gather3A_2954, %gather3A_2955, %gather3A_2956] : memref<12x64x128xf32, #tpu.memory_space<vmem>> -> memref<1x64x128xf32, #tpu.memory_space<vmem>>
    %gather3A_2958 = tpu.memref_squeeze %gather3A_2957 : memref<1x64x128xf32, #tpu.memory_space<vmem>> -> memref<64x128xf32, #tpu.memory_space<vmem>>
    %gather3A_2959 = tpu.vector_load_idx %gather3A_2958[%add3A_74, %broadcast_in_dim3A_2945] : memref<64x128xf32, #tpu.memory_space<vmem>>[vector<16xi32>, vector<16xi32>], vector<16xf32>,
    tpu.vector_store_idx %arg7[%add3A_74, %broadcast_in_dim3A_2947], %gather3A_2959 : memref<64x32xf32, #tpu.memory_space<vmem>>[vector<16xi32>, vector<16xi32>], vector<16xf32>,
    %gather3A_2960 = arith.constant 4 : i32
    %gather3A_2961 = arith.constant 0 : i32
    %gather3A_2962 = arith.constant 0 : i32
    %gather3A_2963 = tpu.memref_slice %arg6[%gather3A_2960, %gather3A_2961, %gather3A_2962] : memref<12x64x128xf32, #tpu.memory_space<vmem>> -> memref<1x64x128xf32, #tpu.memory_space<vmem>>
    %gather3A_2964 = tpu.memref_squeeze %gather3A_2963 : memref<1x64x128xf32, #tpu.memory_space<vmem>> -> memref<64x128xf32, #tpu.memory_space<vmem>>
    %gather3A_2965 = tpu.vector_load_idx %gather3A_2964[%add3A_78, %broadcast_in_dim3A_2945] : memref<64x128xf32, #tpu.memory_space<vmem>>[vector<16xi32>, vector<16xi32>], vector<16xf32>,
    tpu.vector_store_idx %arg7[%add3A_78, %broadcast_in_dim3A_2947], %gather3A_2965 : memref<64x32xf32, #tpu.memory_space<vmem>>[vector<16xi32>, vector<16xi32>], vector<16xf32>,
    %gather3A_2966 = arith.constant 4 : i32
    %gather3A_2967 = arith.constant 0 : i32
    %gather3A_2968 = arith.constant 0 : i32
    %gather3A_2969 = tpu.memref_slice %arg6[%gather3A_2966, %gather3A_2967, %gather3A_2968] : memref<12x64x128xf32, #tpu.memory_space<vmem>> -> memref<1x64x128xf32, #tpu.memory_space<vmem>>
    %gather3A_2970 = tpu.memref_squeeze %gather3A_2969 : memref<1x64x128xf32, #tpu.memory_space<vmem>> -> memref<64x128xf32, #tpu.memory_space<vmem>>
    %gather3A_2971 = tpu.vector_load_idx %gather3A_2970[%add3A_82, %broadcast_in_dim3A_2945] : memref<64x128xf32, #tpu.memory_space<vmem>>[vector<16xi32>, vector<16xi32>], vector<16xf32>,
    tpu.vector_store_idx %arg7[%add3A_82, %broadcast_in_dim3A_2947], %gather3A_2971 : memref<64x32xf32, #tpu.memory_space<vmem>>[vector<16xi32>, vector<16xi32>], vector<16xf32>,
    %dma_wait3A_2972 = arith.constant 5 : i32
    %dma_wait3A_2973 = arith.constant 0 : i32
    %dma_wait3A_2974 = arith.constant 0 : i32
    %dma_wait3A_2975 = tpu.memref_slice %arg6[%dma_wait3A_2972, %dma_wait3A_2973, %dma_wait3A_2974] : memref<12x64x128xf32, #tpu.memory_space<vmem>> -> memref<1x64x128xf32, #tpu.memory_space<vmem>>
    %dma_wait3A_2976 = tpu.memref_squeeze %dma_wait3A_2975 : memref<1x64x128xf32, #tpu.memory_space<vmem>> -> memref<64x128xf32, #tpu.memory_space<vmem>>
    %dma_wait3A_2977 = arith.constant 0 : i32
    %dma_wait3A_2978 = tpu.memref_slice %arg2[%dma_wait3A_2977, %multiple_of3A_2555] : memref<64x1000000xf32, #tpu.memory_space<hbm>> -> memref<64x128xf32, #tpu.memory_space<hbm>>
    %dma_wait3A_2979 = arith.constant 0 : i32
    %dma_wait3A_2980 = arith.constant 0 : i32
    %dma_wait3A_2981 = tpu.memref_slice %arg6[%dma_wait3A_2972, %dma_wait3A_2979, %dma_wait3A_2980] : memref<12x64x128xf32, #tpu.memory_space<vmem>> -> memref<1x64x128xf32, #tpu.memory_space<vmem>>
    %dma_wait3A_2982 = tpu.memref_squeeze %dma_wait3A_2981 : memref<1x64x128xf32, #tpu.memory_space<vmem>> -> memref<64x128xf32, #tpu.memory_space<vmem>>
    %dma_wait3A_2983 = arith.constant 0 : i32
    %dma_wait3A_2984 = tpu.memref_slice %arg2[%dma_wait3A_2983, %multiple_of3A_2555] : memref<64x1000000xf32, #tpu.memory_space<hbm>> -> memref<64x128xf32, #tpu.memory_space<hbm>>
    tpu.wait_dma2 semaphore(%arg13 : memref<!tpu.dma_semaphore, #tpu.memory_space<semaphore_mem>>) src(%dma_wait3A_2984 : memref<64x128xf32, #tpu.memory_space<hbm>>) dst(%dma_wait3A_2982 : memref<64x128xf32, #tpu.memory_space<vmem>>)
    %jit3A_2985 = arith.constant 128 : i32
    %eq3A_2986 = arith.constant 0 : i32
    %eq3A_2987 = arith.cmpi eq, %jit3A_2985, %eq3A_2986 : i32
    %jit3A_2988 = arith.constant 1 : i32
    %select_n3A_2989 = arith.select %eq3A_2987, %jit3A_2988, %jit3A_2985 : i32
    %rem3A_2990 = arith.remsi %squeeze3A_63, %select_n3A_2989 : i32
    %ne3A_2991 = arith.constant 0 : i32
    %ne3A_2992 = arith.cmpi ne, %rem3A_2990, %ne3A_2991 : i32
    %lt3A_2993 = arith.constant 0 : i32
    %lt3A_2994 = arith.cmpi slt, %rem3A_2990, %lt3A_2993 : i32
    %lt3A_2995 = arith.constant 0 : i32
    %lt3A_2996 = arith.cmpi slt, %select_n3A_2989, %lt3A_2995 : i32
    %ne3A_2997 = arith.xori %lt3A_2994, %lt3A_2996 : i1
    %and3A_2998 = arith.andi %ne3A_2997, %ne3A_2992 : i1
    %add3A_2999 = arith.addi %rem3A_2990, %select_n3A_2989 : i32
    %select_n3A_3000 = arith.select %and3A_2998, %add3A_2999, %rem3A_2990 : i32
    %broadcast_in_dim3A_3001 = vector.broadcast %select_n3A_3000 : i32 to vector<16xi32>
    %broadcast_in_dim3A_3002 = arith.constant 29 : i32
    %broadcast_in_dim3A_3003 = vector.broadcast %broadcast_in_dim3A_3002 : i32 to vector<16xi32>
    %gather3A_3004 = arith.constant 5 : i32
    %gather3A_3005 = arith.constant 0 : i32
    %gather3A_3006 = arith.constant 0 : i32
    %gather3A_3007 = tpu.memref_slice %arg6[%gather3A_3004, %gather3A_3005, %gather3A_3006] : memref<12x64x128xf32, #tpu.memory_space<vmem>> -> memref<1x64x128xf32, #tpu.memory_space<vmem>>
    %gather3A_3008 = tpu.memref_squeeze %gather3A_3007 : memref<1x64x128xf32, #tpu.memory_space<vmem>> -> memref<64x128xf32, #tpu.memory_space<vmem>>
    %gather3A_3009 = tpu.vector_load_idx %gather3A_3008[%add3A_70, %broadcast_in_dim3A_3001] : memref<64x128xf32, #tpu.memory_space<vmem>>[vector<16xi32>, vector<16xi32>], vector<16xf32>,
    tpu.vector_store_idx %arg7[%add3A_70, %broadcast_in_dim3A_3003], %gather3A_3009 : memref<64x32xf32, #tpu.memory_space<vmem>>[vector<16xi32>, vector<16xi32>], vector<16xf32>,
    %gather3A_3010 = arith.constant 5 : i32
    %gather3A_3011 = arith.constant 0 : i32
    %gather3A_3012 = arith.constant 0 : i32
    %gather3A_3013 = tpu.memref_slice %arg6[%gather3A_3010, %gather3A_3011, %gather3A_3012] : memref<12x64x128xf32, #tpu.memory_space<vmem>> -> memref<1x64x128xf32, #tpu.memory_space<vmem>>
    %gather3A_3014 = tpu.memref_squeeze %gather3A_3013 : memref<1x64x128xf32, #tpu.memory_space<vmem>> -> memref<64x128xf32, #tpu.memory_space<vmem>>
    %gather3A_3015 = tpu.vector_load_idx %gather3A_3014[%add3A_74, %broadcast_in_dim3A_3001] : memref<64x128xf32, #tpu.memory_space<vmem>>[vector<16xi32>, vector<16xi32>], vector<16xf32>,
    tpu.vector_store_idx %arg7[%add3A_74, %broadcast_in_dim3A_3003], %gather3A_3015 : memref<64x32xf32, #tpu.memory_space<vmem>>[vector<16xi32>, vector<16xi32>], vector<16xf32>,
    %gather3A_3016 = arith.constant 5 : i32
    %gather3A_3017 = arith.constant 0 : i32
    %gather3A_3018 = arith.constant 0 : i32
    %gather3A_3019 = tpu.memref_slice %arg6[%gather3A_3016, %gather3A_3017, %gather3A_3018] : memref<12x64x128xf32, #tpu.memory_space<vmem>> -> memref<1x64x128xf32, #tpu.memory_space<vmem>>
    %gather3A_3020 = tpu.memref_squeeze %gather3A_3019 : memref<1x64x128xf32, #tpu.memory_space<vmem>> -> memref<64x128xf32, #tpu.memory_space<vmem>>
    %gather3A_3021 = tpu.vector_load_idx %gather3A_3020[%add3A_78, %broadcast_in_dim3A_3001] : memref<64x128xf32, #tpu.memory_space<vmem>>[vector<16xi32>, vector<16xi32>], vector<16xf32>,
    tpu.vector_store_idx %arg7[%add3A_78, %broadcast_in_dim3A_3003], %gather3A_3021 : memref<64x32xf32, #tpu.memory_space<vmem>>[vector<16xi32>, vector<16xi32>], vector<16xf32>,
    %gather3A_3022 = arith.constant 5 : i32
    %gather3A_3023 = arith.constant 0 : i32
    %gather3A_3024 = arith.constant 0 : i32
    %gather3A_3025 = tpu.memref_slice %arg6[%gather3A_3022, %gather3A_3023, %gather3A_3024] : memref<12x64x128xf32, #tpu.memory_space<vmem>> -> memref<1x64x128xf32, #tpu.memory_space<vmem>>
    %gather3A_3026 = tpu.memref_squeeze %gather3A_3025 : memref<1x64x128xf32, #tpu.memory_space<vmem>> -> memref<64x128xf32, #tpu.memory_space<vmem>>
    %gather3A_3027 = tpu.vector_load_idx %gather3A_3026[%add3A_82, %broadcast_in_dim3A_3001] : memref<64x128xf32, #tpu.memory_space<vmem>>[vector<16xi32>, vector<16xi32>], vector<16xf32>,
    tpu.vector_store_idx %arg7[%add3A_82, %broadcast_in_dim3A_3003], %gather3A_3027 : memref<64x32xf32, #tpu.memory_space<vmem>>[vector<16xi32>, vector<16xi32>], vector<16xf32>,
    %dma_wait3A_3028 = arith.constant 6 : i32
    %dma_wait3A_3029 = arith.constant 0 : i32
    %dma_wait3A_3030 = arith.constant 0 : i32
    %dma_wait3A_3031 = tpu.memref_slice %arg6[%dma_wait3A_3028, %dma_wait3A_3029, %dma_wait3A_3030] : memref<12x64x128xf32, #tpu.memory_space<vmem>> -> memref<1x64x128xf32, #tpu.memory_space<vmem>>
    %dma_wait3A_3032 = tpu.memref_squeeze %dma_wait3A_3031 : memref<1x64x128xf32, #tpu.memory_space<vmem>> -> memref<64x128xf32, #tpu.memory_space<vmem>>
    %dma_wait3A_3033 = arith.constant 0 : i32
    %dma_wait3A_3034 = tpu.memref_slice %arg2[%dma_wait3A_3033, %multiple_of3A_2651] : memref<64x1000000xf32, #tpu.memory_space<hbm>> -> memref<64x128xf32, #tpu.memory_space<hbm>>
    %dma_wait3A_3035 = arith.constant 0 : i32
    %dma_wait3A_3036 = arith.constant 0 : i32
    %dma_wait3A_3037 = tpu.memref_slice %arg6[%dma_wait3A_3028, %dma_wait3A_3035, %dma_wait3A_3036] : memref<12x64x128xf32, #tpu.memory_space<vmem>> -> memref<1x64x128xf32, #tpu.memory_space<vmem>>
    %dma_wait3A_3038 = tpu.memref_squeeze %dma_wait3A_3037 : memref<1x64x128xf32, #tpu.memory_space<vmem>> -> memref<64x128xf32, #tpu.memory_space<vmem>>
    %dma_wait3A_3039 = arith.constant 0 : i32
    %dma_wait3A_3040 = tpu.memref_slice %arg2[%dma_wait3A_3039, %multiple_of3A_2651] : memref<64x1000000xf32, #tpu.memory_space<hbm>> -> memref<64x128xf32, #tpu.memory_space<hbm>>
    tpu.wait_dma2 semaphore(%arg14 : memref<!tpu.dma_semaphore, #tpu.memory_space<semaphore_mem>>) src(%dma_wait3A_3040 : memref<64x128xf32, #tpu.memory_space<hbm>>) dst(%dma_wait3A_3038 : memref<64x128xf32, #tpu.memory_space<vmem>>)
    %jit3A_3041 = arith.constant 128 : i32
    %eq3A_3042 = arith.constant 0 : i32
    %eq3A_3043 = arith.cmpi eq, %jit3A_3041, %eq3A_3042 : i32
    %jit3A_3044 = arith.constant 1 : i32
    %select_n3A_3045 = arith.select %eq3A_3043, %jit3A_3044, %jit3A_3041 : i32
    %rem3A_3046 = arith.remsi %squeeze3A_65, %select_n3A_3045 : i32
    %ne3A_3047 = arith.constant 0 : i32
    %ne3A_3048 = arith.cmpi ne, %rem3A_3046, %ne3A_3047 : i32
    %lt3A_3049 = arith.constant 0 : i32
    %lt3A_3050 = arith.cmpi slt, %rem3A_3046, %lt3A_3049 : i32
    %lt3A_3051 = arith.constant 0 : i32
    %lt3A_3052 = arith.cmpi slt, %select_n3A_3045, %lt3A_3051 : i32
    %ne3A_3053 = arith.xori %lt3A_3050, %lt3A_3052 : i1
    %and3A_3054 = arith.andi %ne3A_3053, %ne3A_3048 : i1
    %add3A_3055 = arith.addi %rem3A_3046, %select_n3A_3045 : i32
    %select_n3A_3056 = arith.select %and3A_3054, %add3A_3055, %rem3A_3046 : i32
    %broadcast_in_dim3A_3057 = vector.broadcast %select_n3A_3056 : i32 to vector<16xi32>
    %broadcast_in_dim3A_3058 = arith.constant 30 : i32
    %broadcast_in_dim3A_3059 = vector.broadcast %broadcast_in_dim3A_3058 : i32 to vector<16xi32>
    %gather3A_3060 = arith.constant 6 : i32
    %gather3A_3061 = arith.constant 0 : i32
    %gather3A_3062 = arith.constant 0 : i32
    %gather3A_3063 = tpu.memref_slice %arg6[%gather3A_3060, %gather3A_3061, %gather3A_3062] : memref<12x64x128xf32, #tpu.memory_space<vmem>> -> memref<1x64x128xf32, #tpu.memory_space<vmem>>
    %gather3A_3064 = tpu.memref_squeeze %gather3A_3063 : memref<1x64x128xf32, #tpu.memory_space<vmem>> -> memref<64x128xf32, #tpu.memory_space<vmem>>
    %gather3A_3065 = tpu.vector_load_idx %gather3A_3064[%add3A_70, %broadcast_in_dim3A_3057] : memref<64x128xf32, #tpu.memory_space<vmem>>[vector<16xi32>, vector<16xi32>], vector<16xf32>,
    tpu.vector_store_idx %arg7[%add3A_70, %broadcast_in_dim3A_3059], %gather3A_3065 : memref<64x32xf32, #tpu.memory_space<vmem>>[vector<16xi32>, vector<16xi32>], vector<16xf32>,
    %gather3A_3066 = arith.constant 6 : i32
    %gather3A_3067 = arith.constant 0 : i32
    %gather3A_3068 = arith.constant 0 : i32
    %gather3A_3069 = tpu.memref_slice %arg6[%gather3A_3066, %gather3A_3067, %gather3A_3068] : memref<12x64x128xf32, #tpu.memory_space<vmem>> -> memref<1x64x128xf32, #tpu.memory_space<vmem>>
    %gather3A_3070 = tpu.memref_squeeze %gather3A_3069 : memref<1x64x128xf32, #tpu.memory_space<vmem>> -> memref<64x128xf32, #tpu.memory_space<vmem>>
    %gather3A_3071 = tpu.vector_load_idx %gather3A_3070[%add3A_74, %broadcast_in_dim3A_3057] : memref<64x128xf32, #tpu.memory_space<vmem>>[vector<16xi32>, vector<16xi32>], vector<16xf32>,
    tpu.vector_store_idx %arg7[%add3A_74, %broadcast_in_dim3A_3059], %gather3A_3071 : memref<64x32xf32, #tpu.memory_space<vmem>>[vector<16xi32>, vector<16xi32>], vector<16xf32>,
    %gather3A_3072 = arith.constant 6 : i32
    %gather3A_3073 = arith.constant 0 : i32
    %gather3A_3074 = arith.constant 0 : i32
    %gather3A_3075 = tpu.memref_slice %arg6[%gather3A_3072, %gather3A_3073, %gather3A_3074] : memref<12x64x128xf32, #tpu.memory_space<vmem>> -> memref<1x64x128xf32, #tpu.memory_space<vmem>>
    %gather3A_3076 = tpu.memref_squeeze %gather3A_3075 : memref<1x64x128xf32, #tpu.memory_space<vmem>> -> memref<64x128xf32, #tpu.memory_space<vmem>>
    %gather3A_3077 = tpu.vector_load_idx %gather3A_3076[%add3A_78, %broadcast_in_dim3A_3057] : memref<64x128xf32, #tpu.memory_space<vmem>>[vector<16xi32>, vector<16xi32>], vector<16xf32>,
    tpu.vector_store_idx %arg7[%add3A_78, %broadcast_in_dim3A_3059], %gather3A_3077 : memref<64x32xf32, #tpu.memory_space<vmem>>[vector<16xi32>, vector<16xi32>], vector<16xf32>,
    %gather3A_3078 = arith.constant 6 : i32
    %gather3A_3079 = arith.constant 0 : i32
    %gather3A_3080 = arith.constant 0 : i32
    %gather3A_3081 = tpu.memref_slice %arg6[%gather3A_3078, %gather3A_3079, %gather3A_3080] : memref<12x64x128xf32, #tpu.memory_space<vmem>> -> memref<1x64x128xf32, #tpu.memory_space<vmem>>
    %gather3A_3082 = tpu.memref_squeeze %gather3A_3081 : memref<1x64x128xf32, #tpu.memory_space<vmem>> -> memref<64x128xf32, #tpu.memory_space<vmem>>
    %gather3A_3083 = tpu.vector_load_idx %gather3A_3082[%add3A_82, %broadcast_in_dim3A_3057] : memref<64x128xf32, #tpu.memory_space<vmem>>[vector<16xi32>, vector<16xi32>], vector<16xf32>,
    tpu.vector_store_idx %arg7[%add3A_82, %broadcast_in_dim3A_3059], %gather3A_3083 : memref<64x32xf32, #tpu.memory_space<vmem>>[vector<16xi32>, vector<16xi32>], vector<16xf32>,
    %dma_wait3A_3084 = arith.constant 7 : i32
    %dma_wait3A_3085 = arith.constant 0 : i32
    %dma_wait3A_3086 = arith.constant 0 : i32
    %dma_wait3A_3087 = tpu.memref_slice %arg6[%dma_wait3A_3084, %dma_wait3A_3085, %dma_wait3A_3086] : memref<12x64x128xf32, #tpu.memory_space<vmem>> -> memref<1x64x128xf32, #tpu.memory_space<vmem>>
    %dma_wait3A_3088 = tpu.memref_squeeze %dma_wait3A_3087 : memref<1x64x128xf32, #tpu.memory_space<vmem>> -> memref<64x128xf32, #tpu.memory_space<vmem>>
    %dma_wait3A_3089 = arith.constant 0 : i32
    %dma_wait3A_3090 = tpu.memref_slice %arg2[%dma_wait3A_3089, %multiple_of3A_2747] : memref<64x1000000xf32, #tpu.memory_space<hbm>> -> memref<64x128xf32, #tpu.memory_space<hbm>>
    %dma_wait3A_3091 = arith.constant 0 : i32
    %dma_wait3A_3092 = arith.constant 0 : i32
    %dma_wait3A_3093 = tpu.memref_slice %arg6[%dma_wait3A_3084, %dma_wait3A_3091, %dma_wait3A_3092] : memref<12x64x128xf32, #tpu.memory_space<vmem>> -> memref<1x64x128xf32, #tpu.memory_space<vmem>>
    %dma_wait3A_3094 = tpu.memref_squeeze %dma_wait3A_3093 : memref<1x64x128xf32, #tpu.memory_space<vmem>> -> memref<64x128xf32, #tpu.memory_space<vmem>>
    %dma_wait3A_3095 = arith.constant 0 : i32
    %dma_wait3A_3096 = tpu.memref_slice %arg2[%dma_wait3A_3095, %multiple_of3A_2747] : memref<64x1000000xf32, #tpu.memory_space<hbm>> -> memref<64x128xf32, #tpu.memory_space<hbm>>
    tpu.wait_dma2 semaphore(%arg15 : memref<!tpu.dma_semaphore, #tpu.memory_space<semaphore_mem>>) src(%dma_wait3A_3096 : memref<64x128xf32, #tpu.memory_space<hbm>>) dst(%dma_wait3A_3094 : memref<64x128xf32, #tpu.memory_space<vmem>>)
    %jit3A_3097 = arith.constant 128 : i32
    %eq3A_3098 = arith.constant 0 : i32
    %eq3A_3099 = arith.cmpi eq, %jit3A_3097, %eq3A_3098 : i32
    %jit3A_3100 = arith.constant 1 : i32
    %select_n3A_3101 = arith.select %eq3A_3099, %jit3A_3100, %jit3A_3097 : i32
    %rem3A_3102 = arith.remsi %squeeze3A_67, %select_n3A_3101 : i32
    %ne3A_3103 = arith.constant 0 : i32
    %ne3A_3104 = arith.cmpi ne, %rem3A_3102, %ne3A_3103 : i32
    %lt3A_3105 = arith.constant 0 : i32
    %lt3A_3106 = arith.cmpi slt, %rem3A_3102, %lt3A_3105 : i32
    %lt3A_3107 = arith.constant 0 : i32
    %lt3A_3108 = arith.cmpi slt, %select_n3A_3101, %lt3A_3107 : i32
    %ne3A_3109 = arith.xori %lt3A_3106, %lt3A_3108 : i1
    %and3A_3110 = arith.andi %ne3A_3109, %ne3A_3104 : i1
    %add3A_3111 = arith.addi %rem3A_3102, %select_n3A_3101 : i32
    %select_n3A_3112 = arith.select %and3A_3110, %add3A_3111, %rem3A_3102 : i32
    %broadcast_in_dim3A_3113 = vector.broadcast %select_n3A_3112 : i32 to vector<16xi32>
    %broadcast_in_dim3A_3114 = arith.constant 31 : i32
    %broadcast_in_dim3A_3115 = vector.broadcast %broadcast_in_dim3A_3114 : i32 to vector<16xi32>
    %gather3A_3116 = arith.constant 7 : i32
    %gather3A_3117 = arith.constant 0 : i32
    %gather3A_3118 = arith.constant 0 : i32
    %gather3A_3119 = tpu.memref_slice %arg6[%gather3A_3116, %gather3A_3117, %gather3A_3118] : memref<12x64x128xf32, #tpu.memory_space<vmem>> -> memref<1x64x128xf32, #tpu.memory_space<vmem>>
    %gather3A_3120 = tpu.memref_squeeze %gather3A_3119 : memref<1x64x128xf32, #tpu.memory_space<vmem>> -> memref<64x128xf32, #tpu.memory_space<vmem>>
    %gather3A_3121 = tpu.vector_load_idx %gather3A_3120[%add3A_70, %broadcast_in_dim3A_3113] : memref<64x128xf32, #tpu.memory_space<vmem>>[vector<16xi32>, vector<16xi32>], vector<16xf32>,
    tpu.vector_store_idx %arg7[%add3A_70, %broadcast_in_dim3A_3115], %gather3A_3121 : memref<64x32xf32, #tpu.memory_space<vmem>>[vector<16xi32>, vector<16xi32>], vector<16xf32>,
    %gather3A_3122 = arith.constant 7 : i32
    %gather3A_3123 = arith.constant 0 : i32
    %gather3A_3124 = arith.constant 0 : i32
    %gather3A_3125 = tpu.memref_slice %arg6[%gather3A_3122, %gather3A_3123, %gather3A_3124] : memref<12x64x128xf32, #tpu.memory_space<vmem>> -> memref<1x64x128xf32, #tpu.memory_space<vmem>>
    %gather3A_3126 = tpu.memref_squeeze %gather3A_3125 : memref<1x64x128xf32, #tpu.memory_space<vmem>> -> memref<64x128xf32, #tpu.memory_space<vmem>>
    %gather3A_3127 = tpu.vector_load_idx %gather3A_3126[%add3A_74, %broadcast_in_dim3A_3113] : memref<64x128xf32, #tpu.memory_space<vmem>>[vector<16xi32>, vector<16xi32>], vector<16xf32>,
    tpu.vector_store_idx %arg7[%add3A_74, %broadcast_in_dim3A_3115], %gather3A_3127 : memref<64x32xf32, #tpu.memory_space<vmem>>[vector<16xi32>, vector<16xi32>], vector<16xf32>,
    %gather3A_3128 = arith.constant 7 : i32
    %gather3A_3129 = arith.constant 0 : i32
    %gather3A_3130 = arith.constant 0 : i32
    %gather3A_3131 = tpu.memref_slice %arg6[%gather3A_3128, %gather3A_3129, %gather3A_3130] : memref<12x64x128xf32, #tpu.memory_space<vmem>> -> memref<1x64x128xf32, #tpu.memory_space<vmem>>
    %gather3A_3132 = tpu.memref_squeeze %gather3A_3131 : memref<1x64x128xf32, #tpu.memory_space<vmem>> -> memref<64x128xf32, #tpu.memory_space<vmem>>
    %gather3A_3133 = tpu.vector_load_idx %gather3A_3132[%add3A_78, %broadcast_in_dim3A_3113] : memref<64x128xf32, #tpu.memory_space<vmem>>[vector<16xi32>, vector<16xi32>], vector<16xf32>,
    tpu.vector_store_idx %arg7[%add3A_78, %broadcast_in_dim3A_3115], %gather3A_3133 : memref<64x32xf32, #tpu.memory_space<vmem>>[vector<16xi32>, vector<16xi32>], vector<16xf32>,
    %gather3A_3134 = arith.constant 7 : i32
    %gather3A_3135 = arith.constant 0 : i32
    %gather3A_3136 = arith.constant 0 : i32
    %gather3A_3137 = tpu.memref_slice %arg6[%gather3A_3134, %gather3A_3135, %gather3A_3136] : memref<12x64x128xf32, #tpu.memory_space<vmem>> -> memref<1x64x128xf32, #tpu.memory_space<vmem>>
    %gather3A_3138 = tpu.memref_squeeze %gather3A_3137 : memref<1x64x128xf32, #tpu.memory_space<vmem>> -> memref<64x128xf32, #tpu.memory_space<vmem>>
    %gather3A_3139 = tpu.vector_load_idx %gather3A_3138[%add3A_82, %broadcast_in_dim3A_3113] : memref<64x128xf32, #tpu.memory_space<vmem>>[vector<16xi32>, vector<16xi32>], vector<16xf32>,
    tpu.vector_store_idx %arg7[%add3A_82, %broadcast_in_dim3A_3115], %gather3A_3139 : memref<64x32xf32, #tpu.memory_space<vmem>>[vector<16xi32>, vector<16xi32>], vector<16xf32>,
    "tpu.region"() ({
      %run_scoped3A = tpu.sem_alloc : memref<!tpu.dma_semaphore, #tpu.memory_space<semaphore_mem>>
      %dma_start3A_3140 = arith.constant 0 : i32
      %dma_start3A_3141 = arith.constant 0 : i32
      %dma_start3A_3142 = tpu.memref_slice %arg4[%add3A, %dma_start3A_3140, %dma_start3A_3141] : memref<32x64x32xf32, #tpu.memory_space<hbm>> -> memref<1x64x32xf32, #tpu.memory_space<hbm>>
      %dma_start3A_3143 = tpu.memref_squeeze %dma_start3A_3142 : memref<1x64x32xf32, #tpu.memory_space<hbm>> -> memref<64x32xf32, #tpu.memory_space<hbm>>
      %dma_start3A_3144 = arith.constant 0 : i32
      %dma_start3A_3145 = arith.constant 0 : i32
      %dma_start3A_3146 = tpu.memref_slice %arg4[%add3A, %dma_start3A_3144, %dma_start3A_3145] : memref<32x64x32xf32, #tpu.memory_space<hbm>> -> memref<1x64x32xf32, #tpu.memory_space<hbm>>
      %dma_start3A_3147 = tpu.memref_squeeze %dma_start3A_3146 : memref<1x64x32xf32, #tpu.memory_space<hbm>> -> memref<64x32xf32, #tpu.memory_space<hbm>>
      tpu.enqueue_dma source(%arg7 : memref<64x32xf32, #tpu.memory_space<vmem>>) target(%dma_start3A_3147 : memref<64x32xf32, #tpu.memory_space<hbm>>) target_semaphore(%run_scoped3A : memref<!tpu.dma_semaphore, #tpu.memory_space<semaphore_mem>>)
      %dma_wait3A_3148 = arith.constant 0 : i32
      %dma_wait3A_3149 = arith.constant 0 : i32
      %dma_wait3A_3150 = tpu.memref_slice %arg4[%add3A, %dma_wait3A_3148, %dma_wait3A_3149] : memref<32x64x32xf32, #tpu.memory_space<hbm>> -> memref<1x64x32xf32, #tpu.memory_space<hbm>>
      %dma_wait3A_3151 = tpu.memref_squeeze %dma_wait3A_3150 : memref<1x64x32xf32, #tpu.memory_space<hbm>> -> memref<64x32xf32, #tpu.memory_space<hbm>>
      %dma_wait3A_3152 = arith.constant 0 : i32
      %dma_wait3A_3153 = arith.constant 0 : i32
      %dma_wait3A_3154 = tpu.memref_slice %arg4[%add3A, %dma_wait3A_3152, %dma_wait3A_3153] : memref<32x64x32xf32, #tpu.memory_space<hbm>> -> memref<1x64x32xf32, #tpu.memory_space<hbm>>
      %dma_wait3A_3155 = tpu.memref_squeeze %dma_wait3A_3154 : memref<1x64x32xf32, #tpu.memory_space<hbm>> -> memref<64x32xf32, #tpu.memory_space<hbm>>
      tpu.wait_dma2 semaphore(%run_scoped3A : memref<!tpu.dma_semaphore, #tpu.memory_space<semaphore_mem>>) src(%arg7 : memref<64x32xf32, #tpu.memory_space<vmem>>) dst(%dma_wait3A_3155 : memref<64x32xf32, #tpu.memory_space<hbm>>)
      tpu.yield
    }) : () -> ()
    return
  }
}

module attributes {stable_mosaic.version = 14 : i64} {
  func.func @_tc_prep_body(%arg0: memref<1x1000xi32, #tpu.memory_space<vmem>>, %arg1: memref<32x1000xf32, #tpu.memory_space<vmem>>, %arg2: memref<10x100xf32, #tpu.memory_space<vmem>>, %arg3: memref<2x10xf32, #tpu.memory_space<vmem>>, %arg4: memref<67x1000xf32, #tpu.memory_space<vmem>>) attributes {dimension_semantics = [], scalar_prefetch = 0 : i64, scratch_operands = 0 : i64, tpu.core_type = #tpu.core_type<tc>} {
    %get3A = arith.constant 0 : index
    %get3A_0 = arith.constant 0 : index
    %get3A_1 = vector.load %arg0[%get3A, %get3A_0] : memref<1x1000xi32, #tpu.memory_space<vmem>>, vector<1x1000xi32>
    %get3A_2 = arith.constant 0 : index
    %get3A_3 = arith.constant 0 : index
    %get3A_4 = vector.load %arg1[%get3A_2, %get3A_3] : memref<32x1000xf32, #tpu.memory_space<vmem>>, vector<32x1000xf32>
    %get3A_5 = arith.constant 0 : index
    %get3A_6 = arith.constant 0 : index
    %get3A_7 = vector.load %arg2[%get3A_5, %get3A_6] : memref<10x100xf32, #tpu.memory_space<vmem>>, vector<10x100xf32>
    %get3A_8 = arith.constant 0 : index
    %get3A_9 = arith.constant 0 : index
    %get3A_10 = vector.load %arg3[%get3A_8, %get3A_9] : memref<2x10xf32, #tpu.memory_space<vmem>>, vector<2x10xf32>
    %dot_general3A = arith.constant dense<0.000000e+00> : vector<2x100xf32>
    %dot_general3A_11 = tpu.matmul %get3A_10, %get3A_7, %dot_general3A {dimension_numbers = #tpu.dot_dimension_numbers<[1], [0], [0], [1], [0, 0, 1, 1], [], []>, precision = #tpu.contract_precision<fp32>, transpose_lhs_hint = false} : vector<2x10xf32>, vector<10x100xf32>, vector<2x100xf32> -> vector<2x100xf32>
    %iota3A = tpu.iota {dimensions = array<i32: 0>} : vector<100x1000xi32>
    %eq3A = vector.broadcast %get3A_1 : vector<1x1000xi32> to vector<100x1000xi32>
    %eq3A_12 = arith.cmpi eq, %iota3A, %eq3A : vector<100x1000xi32>
    %convert_element_type3A = arith.extui %eq3A_12 : vector<100x1000xi1> to vector<100x1000xi32>
    %convert_element_type3A_13 = arith.sitofp %convert_element_type3A : vector<100x1000xi32> to vector<100x1000xf32>
    %dot_general3A_14 = arith.constant dense<0.000000e+00> : vector<2x1000xf32>
    %dot_general3A_15 = tpu.matmul %dot_general3A_11, %convert_element_type3A_13, %dot_general3A_14 {dimension_numbers = #tpu.dot_dimension_numbers<[1], [0], [0], [1], [0, 0, 1, 1], [], []>, precision = #tpu.contract_precision<fp32>, transpose_lhs_hint = false} : vector<2x100xf32>, vector<100x1000xf32>, vector<2x1000xf32> -> vector<2x1000xf32>
    %mul3A = arith.constant 1.000000e+01 : f32
    %mul3A_16 = vector.broadcast %mul3A : f32 to vector<2x1000xf32>
    %mul3A_17 = arith.mulf %dot_general3A_15, %mul3A_16 : vector<2x1000xf32>
    %exp3A = math.exp %mul3A_17 : vector<2x1000xf32>
    %slice3A = vector.extract_strided_slice %exp3A {offsets = [0, 0], sizes = [1, 1000], strides = [1, 1]} : vector<2x1000xf32> to vector<1x1000xf32>
    %slice3A_18 = vector.extract_strided_slice %exp3A {offsets = [1, 0], sizes = [1, 1000], strides = [1, 1]} : vector<2x1000xf32> to vector<1x1000xf32>
    %add3A = arith.addf %slice3A, %slice3A_18 : vector<1x1000xf32>
    %slice3A_19 = vector.extract_strided_slice %exp3A {offsets = [0, 0], sizes = [1, 1000], strides = [1, 1]} : vector<2x1000xf32> to vector<1x1000xf32>
    %div3A = arith.divf %slice3A_19, %add3A : vector<1x1000xf32>
    %slice3A_20 = vector.extract_strided_slice %exp3A {offsets = [1, 0], sizes = [1, 1000], strides = [1, 1]} : vector<2x1000xf32> to vector<1x1000xf32>
    %div3A_21 = arith.divf %slice3A_20, %add3A : vector<1x1000xf32>
    %mul3A_22 = arith.mulf %get3A_4, %get3A_4 : vector<32x1000xf32>
    %reduce_sum3A = arith.constant dense<0.000000e+00> : vector<1000xf32>
    %reduce_sum3A_23 = vector.multi_reduction <add>, %mul3A_22, %reduce_sum3A [0] : vector<32x1000xf32> to vector<1000xf32>
    %broadcast_in_dim3A = vector.shape_cast %reduce_sum3A_23 : vector<1000xf32> to vector<1x1000xf32>
    %mul3A_24 = arith.constant 2.000000e+00 : f32
    %mul3A_25 = vector.broadcast %mul3A_24 : f32 to vector<1x1000xf32>
    %mul3A_26 = arith.mulf %mul3A_25, %div3A : vector<1x1000xf32>
    %mul3A_27 = vector.broadcast %mul3A_26 : vector<1x1000xf32> to vector<32x1000xf32>
    %mul3A_28 = arith.mulf %get3A_4, %mul3A_27 : vector<32x1000xf32>
    %mul3A_29 = arith.constant 2.000000e+00 : f32
    %mul3A_30 = vector.broadcast %mul3A_29 : f32 to vector<1x1000xf32>
    %mul3A_31 = arith.mulf %mul3A_30, %div3A_21 : vector<1x1000xf32>
    %mul3A_32 = vector.broadcast %mul3A_31 : vector<1x1000xf32> to vector<32x1000xf32>
    %mul3A_33 = arith.mulf %get3A_4, %mul3A_32 : vector<32x1000xf32>
    %neg3A = arith.constant 0.000000e+00 : f32
    %neg3A_34 = vector.broadcast %neg3A : f32 to vector<1x1000xf32>
    %neg3A_35 = arith.subf %neg3A_34, %div3A : vector<1x1000xf32>
    %neg3A_36 = arith.constant 0.000000e+00 : f32
    %neg3A_37 = vector.broadcast %neg3A_36 : f32 to vector<1x1000xf32>
    %neg3A_38 = arith.subf %neg3A_37, %div3A_21 : vector<1x1000xf32>
    %neg3A_39 = arith.constant 0.000000e+00 : f32
    %neg3A_40 = vector.broadcast %neg3A_39 : f32 to vector<1x1000xf32>
    %neg3A_41 = arith.subf %neg3A_40, %broadcast_in_dim3A : vector<1x1000xf32>
    %concatenate3A = tpu.concatenate %mul3A_28, %mul3A_33, %neg3A_35, %neg3A_38, %neg3A_41 in 0 : vector<32x1000xf32>, vector<32x1000xf32>, vector<1x1000xf32>, vector<1x1000xf32>, vector<1x1000xf32> -> vector<67x1000xf32>
    %swap3A = arith.constant 0 : index
    %swap3A_42 = arith.constant 0 : index
    %swap3A_43 = vector.load %arg4[%swap3A, %swap3A_42] : memref<67x1000xf32, #tpu.memory_space<vmem>>, vector<67x1000xf32>
    tpu.vector_store %arg4[%swap3A, %swap3A_42], %concatenate3A {strides = array<i32>} : memref<67x1000xf32, #tpu.memory_space<vmem>>, vector<67x1000xf32>,
    return
  }
}

module attributes {stable_mosaic.version = 14 : i64} {
  func.func @_tc_main_body(%arg0: memref<32x64x32xf32, #tpu.memory_space<vmem>>, %arg1: memref<67x1000xf32, #tpu.memory_space<vmem>>, %arg2: memref<1000x1024xf32, #tpu.memory_space<vmem>>) attributes {dimension_semantics = [], scalar_prefetch = 0 : i64, scratch_operands = 0 : i64, tpu.core_type = #tpu.core_type<tc>} {
    %get3A = arith.constant 0 : index
    %get3A_0 = arith.constant 0 : index
    %get3A_1 = arith.constant 0 : index
    %get3A_2 = vector.load %arg0[%get3A, %get3A_0, %get3A_1] : memref<32x64x32xf32, #tpu.memory_space<vmem>>, vector<32x64x32xf32>
    %slice3A = vector.extract_strided_slice %get3A_2 {offsets = [0, 0, 0], sizes = [1, 64, 32], strides = [1, 1, 1]} : vector<32x64x32xf32> to vector<1x64x32xf32>
    %squeeze3A = vector.shape_cast %slice3A : vector<1x64x32xf32> to vector<64x32xf32>
    %slice3A_3 = vector.extract_strided_slice %get3A_2 {offsets = [1, 0, 0], sizes = [1, 64, 32], strides = [1, 1, 1]} : vector<32x64x32xf32> to vector<1x64x32xf32>
    %squeeze3A_4 = vector.shape_cast %slice3A_3 : vector<1x64x32xf32> to vector<64x32xf32>
    %slice3A_5 = vector.extract_strided_slice %get3A_2 {offsets = [2, 0, 0], sizes = [1, 64, 32], strides = [1, 1, 1]} : vector<32x64x32xf32> to vector<1x64x32xf32>
    %squeeze3A_6 = vector.shape_cast %slice3A_5 : vector<1x64x32xf32> to vector<64x32xf32>
    %slice3A_7 = vector.extract_strided_slice %get3A_2 {offsets = [3, 0, 0], sizes = [1, 64, 32], strides = [1, 1, 1]} : vector<32x64x32xf32> to vector<1x64x32xf32>
    %squeeze3A_8 = vector.shape_cast %slice3A_7 : vector<1x64x32xf32> to vector<64x32xf32>
    %slice3A_9 = vector.extract_strided_slice %get3A_2 {offsets = [4, 0, 0], sizes = [1, 64, 32], strides = [1, 1, 1]} : vector<32x64x32xf32> to vector<1x64x32xf32>
    %squeeze3A_10 = vector.shape_cast %slice3A_9 : vector<1x64x32xf32> to vector<64x32xf32>
    %slice3A_11 = vector.extract_strided_slice %get3A_2 {offsets = [5, 0, 0], sizes = [1, 64, 32], strides = [1, 1, 1]} : vector<32x64x32xf32> to vector<1x64x32xf32>
    %squeeze3A_12 = vector.shape_cast %slice3A_11 : vector<1x64x32xf32> to vector<64x32xf32>
    %slice3A_13 = vector.extract_strided_slice %get3A_2 {offsets = [6, 0, 0], sizes = [1, 64, 32], strides = [1, 1, 1]} : vector<32x64x32xf32> to vector<1x64x32xf32>
    %squeeze3A_14 = vector.shape_cast %slice3A_13 : vector<1x64x32xf32> to vector<64x32xf32>
    %slice3A_15 = vector.extract_strided_slice %get3A_2 {offsets = [7, 0, 0], sizes = [1, 64, 32], strides = [1, 1, 1]} : vector<32x64x32xf32> to vector<1x64x32xf32>
    %squeeze3A_16 = vector.shape_cast %slice3A_15 : vector<1x64x32xf32> to vector<64x32xf32>
    %slice3A_17 = vector.extract_strided_slice %get3A_2 {offsets = [8, 0, 0], sizes = [1, 64, 32], strides = [1, 1, 1]} : vector<32x64x32xf32> to vector<1x64x32xf32>
    %squeeze3A_18 = vector.shape_cast %slice3A_17 : vector<1x64x32xf32> to vector<64x32xf32>
    %slice3A_19 = vector.extract_strided_slice %get3A_2 {offsets = [9, 0, 0], sizes = [1, 64, 32], strides = [1, 1, 1]} : vector<32x64x32xf32> to vector<1x64x32xf32>
    %squeeze3A_20 = vector.shape_cast %slice3A_19 : vector<1x64x32xf32> to vector<64x32xf32>
    %slice3A_21 = vector.extract_strided_slice %get3A_2 {offsets = [10, 0, 0], sizes = [1, 64, 32], strides = [1, 1, 1]} : vector<32x64x32xf32> to vector<1x64x32xf32>
    %squeeze3A_22 = vector.shape_cast %slice3A_21 : vector<1x64x32xf32> to vector<64x32xf32>
    %slice3A_23 = vector.extract_strided_slice %get3A_2 {offsets = [11, 0, 0], sizes = [1, 64, 32], strides = [1, 1, 1]} : vector<32x64x32xf32> to vector<1x64x32xf32>
    %squeeze3A_24 = vector.shape_cast %slice3A_23 : vector<1x64x32xf32> to vector<64x32xf32>
    %slice3A_25 = vector.extract_strided_slice %get3A_2 {offsets = [12, 0, 0], sizes = [1, 64, 32], strides = [1, 1, 1]} : vector<32x64x32xf32> to vector<1x64x32xf32>
    %squeeze3A_26 = vector.shape_cast %slice3A_25 : vector<1x64x32xf32> to vector<64x32xf32>
    %slice3A_27 = vector.extract_strided_slice %get3A_2 {offsets = [13, 0, 0], sizes = [1, 64, 32], strides = [1, 1, 1]} : vector<32x64x32xf32> to vector<1x64x32xf32>
    %squeeze3A_28 = vector.shape_cast %slice3A_27 : vector<1x64x32xf32> to vector<64x32xf32>
    %slice3A_29 = vector.extract_strided_slice %get3A_2 {offsets = [14, 0, 0], sizes = [1, 64, 32], strides = [1, 1, 1]} : vector<32x64x32xf32> to vector<1x64x32xf32>
    %squeeze3A_30 = vector.shape_cast %slice3A_29 : vector<1x64x32xf32> to vector<64x32xf32>
    %slice3A_31 = vector.extract_strided_slice %get3A_2 {offsets = [15, 0, 0], sizes = [1, 64, 32], strides = [1, 1, 1]} : vector<32x64x32xf32> to vector<1x64x32xf32>
    %squeeze3A_32 = vector.shape_cast %slice3A_31 : vector<1x64x32xf32> to vector<64x32xf32>
    %slice3A_33 = vector.extract_strided_slice %get3A_2 {offsets = [16, 0, 0], sizes = [1, 64, 32], strides = [1, 1, 1]} : vector<32x64x32xf32> to vector<1x64x32xf32>
    %squeeze3A_34 = vector.shape_cast %slice3A_33 : vector<1x64x32xf32> to vector<64x32xf32>
    %slice3A_35 = vector.extract_strided_slice %get3A_2 {offsets = [17, 0, 0], sizes = [1, 64, 32], strides = [1, 1, 1]} : vector<32x64x32xf32> to vector<1x64x32xf32>
    %squeeze3A_36 = vector.shape_cast %slice3A_35 : vector<1x64x32xf32> to vector<64x32xf32>
    %slice3A_37 = vector.extract_strided_slice %get3A_2 {offsets = [18, 0, 0], sizes = [1, 64, 32], strides = [1, 1, 1]} : vector<32x64x32xf32> to vector<1x64x32xf32>
    %squeeze3A_38 = vector.shape_cast %slice3A_37 : vector<1x64x32xf32> to vector<64x32xf32>
    %slice3A_39 = vector.extract_strided_slice %get3A_2 {offsets = [19, 0, 0], sizes = [1, 64, 32], strides = [1, 1, 1]} : vector<32x64x32xf32> to vector<1x64x32xf32>
    %squeeze3A_40 = vector.shape_cast %slice3A_39 : vector<1x64x32xf32> to vector<64x32xf32>
    %slice3A_41 = vector.extract_strided_slice %get3A_2 {offsets = [20, 0, 0], sizes = [1, 64, 32], strides = [1, 1, 1]} : vector<32x64x32xf32> to vector<1x64x32xf32>
    %squeeze3A_42 = vector.shape_cast %slice3A_41 : vector<1x64x32xf32> to vector<64x32xf32>
    %slice3A_43 = vector.extract_strided_slice %get3A_2 {offsets = [21, 0, 0], sizes = [1, 64, 32], strides = [1, 1, 1]} : vector<32x64x32xf32> to vector<1x64x32xf32>
    %squeeze3A_44 = vector.shape_cast %slice3A_43 : vector<1x64x32xf32> to vector<64x32xf32>
    %slice3A_45 = vector.extract_strided_slice %get3A_2 {offsets = [22, 0, 0], sizes = [1, 64, 32], strides = [1, 1, 1]} : vector<32x64x32xf32> to vector<1x64x32xf32>
    %squeeze3A_46 = vector.shape_cast %slice3A_45 : vector<1x64x32xf32> to vector<64x32xf32>
    %slice3A_47 = vector.extract_strided_slice %get3A_2 {offsets = [23, 0, 0], sizes = [1, 64, 32], strides = [1, 1, 1]} : vector<32x64x32xf32> to vector<1x64x32xf32>
    %squeeze3A_48 = vector.shape_cast %slice3A_47 : vector<1x64x32xf32> to vector<64x32xf32>
    %slice3A_49 = vector.extract_strided_slice %get3A_2 {offsets = [24, 0, 0], sizes = [1, 64, 32], strides = [1, 1, 1]} : vector<32x64x32xf32> to vector<1x64x32xf32>
    %squeeze3A_50 = vector.shape_cast %slice3A_49 : vector<1x64x32xf32> to vector<64x32xf32>
    %slice3A_51 = vector.extract_strided_slice %get3A_2 {offsets = [25, 0, 0], sizes = [1, 64, 32], strides = [1, 1, 1]} : vector<32x64x32xf32> to vector<1x64x32xf32>
    %squeeze3A_52 = vector.shape_cast %slice3A_51 : vector<1x64x32xf32> to vector<64x32xf32>
    %slice3A_53 = vector.extract_strided_slice %get3A_2 {offsets = [26, 0, 0], sizes = [1, 64, 32], strides = [1, 1, 1]} : vector<32x64x32xf32> to vector<1x64x32xf32>
    %squeeze3A_54 = vector.shape_cast %slice3A_53 : vector<1x64x32xf32> to vector<64x32xf32>
    %slice3A_55 = vector.extract_strided_slice %get3A_2 {offsets = [27, 0, 0], sizes = [1, 64, 32], strides = [1, 1, 1]} : vector<32x64x32xf32> to vector<1x64x32xf32>
    %squeeze3A_56 = vector.shape_cast %slice3A_55 : vector<1x64x32xf32> to vector<64x32xf32>
    %slice3A_57 = vector.extract_strided_slice %get3A_2 {offsets = [28, 0, 0], sizes = [1, 64, 32], strides = [1, 1, 1]} : vector<32x64x32xf32> to vector<1x64x32xf32>
    %squeeze3A_58 = vector.shape_cast %slice3A_57 : vector<1x64x32xf32> to vector<64x32xf32>
    %slice3A_59 = vector.extract_strided_slice %get3A_2 {offsets = [29, 0, 0], sizes = [1, 64, 32], strides = [1, 1, 1]} : vector<32x64x32xf32> to vector<1x64x32xf32>
    %squeeze3A_60 = vector.shape_cast %slice3A_59 : vector<1x64x32xf32> to vector<64x32xf32>
    %slice3A_61 = vector.extract_strided_slice %get3A_2 {offsets = [30, 0, 0], sizes = [1, 64, 32], strides = [1, 1, 1]} : vector<32x64x32xf32> to vector<1x64x32xf32>
    %squeeze3A_62 = vector.shape_cast %slice3A_61 : vector<1x64x32xf32> to vector<64x32xf32>
    %slice3A_63 = vector.extract_strided_slice %get3A_2 {offsets = [31, 0, 0], sizes = [1, 64, 32], strides = [1, 1, 1]} : vector<32x64x32xf32> to vector<1x64x32xf32>
    %squeeze3A_64 = vector.shape_cast %slice3A_63 : vector<1x64x32xf32> to vector<64x32xf32>
    %concatenate3A = tpu.concatenate %squeeze3A, %squeeze3A_4, %squeeze3A_6, %squeeze3A_8, %squeeze3A_10, %squeeze3A_12, %squeeze3A_14, %squeeze3A_16, %squeeze3A_18, %squeeze3A_20, %squeeze3A_22, %squeeze3A_24, %squeeze3A_26, %squeeze3A_28, %squeeze3A_30, %squeeze3A_32, %squeeze3A_34, %squeeze3A_36, %squeeze3A_38, %squeeze3A_40, %squeeze3A_42, %squeeze3A_44, %squeeze3A_46, %squeeze3A_48, %squeeze3A_50, %squeeze3A_52, %squeeze3A_54, %squeeze3A_56, %squeeze3A_58, %squeeze3A_60, %squeeze3A_62, %squeeze3A_64 in 1 : vector<64x32xf32>, vector<64x32xf32>, vector<64x32xf32>, vector<64x32xf32>, vector<64x32xf32>, vector<64x32xf32>, vector<64x32xf32>, vector<64x32xf32>, vector<64x32xf32>, vector<64x32xf32>, vector<64x32xf32>, vector<64x32xf32>, vector<64x32xf32>, vector<64x32xf32>, vector<64x32xf32>, vector<64x32xf32>, vector<64x32xf32>, vector<64x32xf32>, vector<64x32xf32>, vector<64x32xf32>, vector<64x32xf32>, vector<64x32xf32>, vector<64x32xf32>, vector<64x32xf32>, vector<64x32xf32>, vector<64x32xf32>, vector<64x32xf32>, vector<64x32xf32>, vector<64x32xf32>, vector<64x32xf32>, vector<64x32xf32>, vector<64x32xf32> -> vector<64x1024xf32>
    %get3A_65 = arith.constant 0 : index
    %get3A_66 = arith.constant 0 : index
    %get3A_67 = vector.load %arg1[%get3A_65, %get3A_66] : memref<67x1000xf32, #tpu.memory_space<vmem>>, vector<67x1000xf32>
    %slice3A_68 = vector.extract_strided_slice %concatenate3A {offsets = [0, 0], sizes = [32, 1024], strides = [1, 1]} : vector<64x1024xf32> to vector<32x1024xf32>
    %slice3A_69 = vector.extract_strided_slice %concatenate3A {offsets = [0, 0], sizes = [32, 1024], strides = [1, 1]} : vector<64x1024xf32> to vector<32x1024xf32>
    %mul3A = arith.mulf %slice3A_68, %slice3A_69 : vector<32x1024xf32>
    %reduce_sum3A = arith.constant dense<0.000000e+00> : vector<1024xf32>
    %reduce_sum3A_70 = vector.multi_reduction <add>, %mul3A, %reduce_sum3A [0] : vector<32x1024xf32> to vector<1024xf32>
    %broadcast_in_dim3A = vector.shape_cast %reduce_sum3A_70 : vector<1024xf32> to vector<1x1024xf32>
    %slice3A_71 = vector.extract_strided_slice %concatenate3A {offsets = [32, 0], sizes = [32, 1024], strides = [1, 1]} : vector<64x1024xf32> to vector<32x1024xf32>
    %slice3A_72 = vector.extract_strided_slice %concatenate3A {offsets = [32, 0], sizes = [32, 1024], strides = [1, 1]} : vector<64x1024xf32> to vector<32x1024xf32>
    %mul3A_73 = arith.mulf %slice3A_71, %slice3A_72 : vector<32x1024xf32>
    %reduce_sum3A_74 = arith.constant dense<0.000000e+00> : vector<1024xf32>
    %reduce_sum3A_75 = vector.multi_reduction <add>, %mul3A_73, %reduce_sum3A_74 [0] : vector<32x1024xf32> to vector<1024xf32>
    %broadcast_in_dim3A_76 = vector.shape_cast %reduce_sum3A_75 : vector<1024xf32> to vector<1x1024xf32>
    %broadcast_in_dim3A_77 = arith.constant 1.000000e+00 : f32
    %broadcast_in_dim3A_78 = vector.broadcast %broadcast_in_dim3A_77 : f32 to vector<1x1024xf32>
    %concatenate3A_79 = tpu.concatenate %concatenate3A, %broadcast_in_dim3A, %broadcast_in_dim3A_76, %broadcast_in_dim3A_78 in 0 : vector<64x1024xf32>, vector<1x1024xf32>, vector<1x1024xf32>, vector<1x1024xf32> -> vector<67x1024xf32>
    %dot_general3A = arith.constant dense<0.000000e+00> : vector<1000x1024xf32>
    %dot_general3A_80 = tpu.matmul %get3A_67, %concatenate3A_79, %dot_general3A {dimension_numbers = #tpu.dot_dimension_numbers<[0], [0], [1], [1], [0, 1, 1, 1], [], []>, precision = #tpu.contract_precision<fp32>, transpose_lhs_hint = false} : vector<67x1000xf32>, vector<67x1024xf32>, vector<1000x1024xf32> -> vector<1000x1024xf32>
    %swap3A = arith.constant 0 : index
    %swap3A_81 = arith.constant 0 : index
    %swap3A_82 = vector.load %arg2[%swap3A, %swap3A_81] : memref<1000x1024xf32, #tpu.memory_space<vmem>>, vector<1000x1024xf32>
    tpu.vector_store %arg2[%swap3A, %swap3A_81], %dot_general3A_80 {strides = array<i32>} : memref<1000x1024xf32, #tpu.memory_space<vmem>>, vector<1000x1024xf32>,
    return
  }
}

</mosaic_0001>

<sc_bundles>
// kernel: kernel.5.cloned.1.call-start
scs
__scs_entry_jumppad:
0x0: {  	(pc) =	sbr.rel $0x88, $3  }
0x1: {  	(tag) =	ssettag $0x0;
	lr =	simm.s32 $0x1  }
0x2: {  	[smem:$0x3F9B] =	sst lr;
	_ =	strace $0xD0000000  }
0x3: {  	_ = 	snop  }
0x4: {  	_ = 	snop  }
0x5: {  	_ = 	snop  }
0x6: {  	_ = 	snop  }
0x7: {  	_ = 	snop  }
__scs_overlays_trampoline_lowered:
0x8: {  	[smem:$0x3FAA] =	sst s0  }
0x9: {  	[smem:$0x3FAB] =	sst s1  }
0xa: {  	[smem:$0x3FAC] =	sst s2  }
0xb: {  	[smem:$0x3FAD] =	sst s3  }
0xc: {  	[smem:$0x3FAE] =	sst s4  }
0xd: {  	[smem:$0x3FAF] =	sst s5  }
0xe: {  	[smem:$0x3FB0] =	sst s6  }
0xf: {  	[smem:$0x3FB1] =	sst s7  }
0x10: {  	[smem:$0x3FB2] =	sst s8  }
0x11: {  	[smem:$0x3FB3] =	sst s9;
	s0 =	simm.s32 @!p0 $0x0  }
0x12: {  	s1 =	sld [smem:$0x3F99];
	s0 =	simm.s32 @p0 $0x1  }
0x13: {  	[smem:$0x3FB4] =	sst s0;
	s0 =	simm.s32 @!p1 $0x0  }
0x14: {  	s2 =	sld [smem:$0x3F98];
	s0 =	simm.s32 @p1 $0x1  }
0x15: {  	[smem:$0x3FB5] =	sst s0;
	s0 =	simm.s32 @!p2 $0x0  }
0x16: {  	s3 =	sld [smem:$0x3FDB];
	s0 =	simm.s32 @p2 $0x1  }
0x17: {  	s4 =	simm.s32 $0x1BF5;
	[smem:$0x3FB7] =	sst s0  }
0x18: {  	s0 =	sld [smem:$0x3F9A];
	_ =	swait.ge [sflag:s4], $0x0  }
0x19: {  	s7 =	sld [smem:$0x3F9B]  }
0x1a: {  	s8 =	sadd.s32 $0xFFFFE003, lr  }
0x1b: {  	s9 =	sadd.s32 $0xFFFFFEF7, lr;
	s5 =	simm.s32 $0xFFFFFFFF;
	p2 =	slt.u32 s8, $0xFFFFF086  }
0x1c: {  	p1 =	slt.u32 s9, $0xF7A;
	s5 =	simm.s32 @!p2 $0x0  }
0x1d: {  	s5 =	simm.s32 @p1 $0x1;
	p0 =	seq.s32 s7, s2  }
0x1e: {  	s7 =	smul.u32 @!p0 $0xF7A, s2;
	p2 =	seq.s32 @!p0 s5, $0x0  }
0x1f: {  	s9 =	smul.u32 $0xF7A, s1;
	s8 =	simm.s32 @!p0 $0x1BF5;
	p2 =	por !p2, p0  }
0x20: {  	[sflag:s8] =	ssyncset.s32 @!p0 $0xFFFFF086;
	s6 =	sadd.s32 @!p0 s3, s7;
	s7 =	simm.s32 @!p0 $0x108  }
0x21: {  	s3 =	sadd.s32 s3, s9;
	s6 =	sadd.s32 @!p0 $0x88, s6;
	s7 =	simm.s32 @p2 $0x1082  }
0x22: {  	[simem:s7], [sflag:s8] =	dma.local @!p0 [hbm:s6], $0xF7A  }
0x23: {  	s9 =	sor.u32 $0xD0000000, s2;
	s6 =	simm.s32 $0x108;
	_ =	swait.ge @!p0 [sflag:s8], $0x0  }
0x24: {  	s3 =	sadd.s32 $0x88, s3;
	s6 =	simm.s32 @!p1 $0x1082;
	[sflag:s4] =	ssyncset.s32 $0xFFFFF086  }
0x25: {  	[simem:s6], [sflag:s4] =	dma.local [hbm:s3], $0xF7A  }
0x26: {  	[smem:$0x3F9B] =	sst s1;
	(tag) =	ssettag s2;
	_ =	strace s9  }
0x27: {  	s1 =	sld [smem:$0x3FAB]  }
0x28: {  	s2 =	sld [smem:$0x3FAC]  }
0x29: {  	s4 =	sld [smem:$0x3FAE]  }
0x2a: {  	p0 =	seq.s32 s5, $0x0;
	s5 =	sld [smem:$0x3FAF]  }
0x2b: {  	s6 =	sld [smem:$0x3FB0]  }
0x2c: {  	s7 =	sld [smem:$0x3FB1]  }
0x2d: {  	s3 =	simm.s32 $0x108;
	s8 =	sld [smem:$0x3FB2]  }
0x2e: {  	s3 =	simm.s32 @!p0 $0x1082;
	s9 =	sld [smem:$0x3FB3]  }
0x2f: {  	lr =	sadd.s32 s0, s3;
	s0 =	sld [smem:$0x3FAA]  }
0x30: {  	s3 =	sld [smem:$0x3FAD]  }
0x31: {  	[smem:$0x3FB6] =	sst s10  }
0x32: {  	s10 =	sld [smem:$0x3FB4];
	_ =	sdelay $0x3  }
0x33: {  	p0 =	seq.s32 s10, $0x1;
	s10 =	sld [smem:$0x3FB6];
	_ =	sdelay $0x3  }
0x34: {  	[smem:$0x3FB6] =	sst s10  }
0x35: {  	s10 =	sld [smem:$0x3FB5];
	_ =	sdelay $0x3  }
0x36: {  	p1 =	seq.s32 s10, $0x1;
	s10 =	sld [smem:$0x3FB6];
	_ =	sdelay $0x3  }
0x37: {  	[smem:$0x3FB6] =	sst s10  }
0x38: {  	s10 =	sld [smem:$0x3FB7]  }
0x39: {  	_ = 	snop;
	(pc) =	sbr.ind lr, $3  }
0x3a: {  	_ = 	snop  }
0x3b: {  	_ = 	snop  }
0x3c: {  	p2 =	seq.s32 s10, $0x1;
	s10 =	sld [smem:$0x3FB6]  }
0x3d: {  	_ =	shalt  }
0x3e: {  	_ =	shalt  }
0x3f: {  	_ =	shalt  }
0x40: {  	_ =	shalt  }
0x41: {  	_ =	shalt  }
0x42: {  	_ =	shalt  }
0x43: {  	_ =	shalt  }
0x44: {  	_ =	shalt  }
0x45: {  	_ =	shalt  }
0x46: {  	_ =	shalt  }
0x47: {  	_ =	shalt  }
0x48: {  	_ =	shalt  }
0x49: {  	_ =	shalt  }
0x4a: {  	_ =	shalt  }
0x4b: {  	_ =	shalt  }
0x4c: {  	_ =	shalt  }
0x4d: {  	_ =	shalt  }
0x4e: {  	_ =	shalt  }
0x4f: {  	_ =	shalt  }
0x50: {  	_ =	shalt  }
0x51: {  	_ =	shalt  }
0x52: {  	_ =	shalt  }
0x53: {  	_ =	shalt  }
0x54: {  	_ =	shalt  }
0x55: {  	_ =	shalt  }
0x56: {  	_ =	shalt  }
0x57: {  	_ =	shalt  }
0x58: {  	_ =	shalt  }
0x59: {  	_ =	shalt  }
0x5a: {  	_ =	shalt  }
0x5b: {  	_ =	shalt  }
0x5c: {  	_ =	shalt  }
0x5d: {  	_ =	shalt  }
0x5e: {  	_ =	shalt  }
0x5f: {  	_ =	shalt  }
0x60: {  	_ =	shalt  }
0x61: {  	_ =	shalt  }
0x62: {  	_ =	shalt  }
0x63: {  	_ =	shalt  }
0x64: {  	_ =	shalt  }
0x65: {  	_ =	shalt  }
0x66: {  	_ =	shalt  }
0x67: {  	_ =	shalt  }
0x68: {  	_ =	shalt  }
0x69: {  	_ =	shalt  }
0x6a: {  	_ =	shalt  }
0x6b: {  	_ =	shalt  }
0x6c: {  	_ =	shalt  }
0x6d: {  	_ =	shalt  }
0x6e: {  	_ =	shalt  }
0x6f: {  	_ =	shalt  }
0x70: {  	_ =	shalt  }
0x71: {  	_ =	shalt  }
0x72: {  	_ =	shalt  }
0x73: {  	_ =	shalt  }
0x74: {  	_ =	shalt  }
0x75: {  	_ =	shalt  }
0x76: {  	_ =	shalt  }
0x77: {  	_ =	shalt  }
0x78: {  	_ =	shalt  }
0x79: {  	_ =	shalt  }
0x7a: {  	_ =	shalt  }
0x7b: {  	_ =	shalt  }
0x7c: {  	_ =	shalt  }
0x7d: {  	_ =	shalt  }
0x7e: {  	_ =	shalt  }
0x7f: {  	_ =	shalt  }
0x80: {  	_ =	shalt  }
0x81: {  	_ =	shalt  }
0x82: {  	_ =	shalt  }
0x83: {  	_ =	shalt  }
0x84: {  	_ =	shalt  }
0x85: {  	_ =	shalt  }
0x86: {  	_ =	shalt  }
0x87: {  	_ =	shalt  }
.Lfunc_end0:
.L_simem_size_0:
called_computation_lowered:
.L_overlay_start_0:
0x88: {  	s2 =	sld [smem:$0x3FD9]  }
0x89: {  	s3 =	sld [smem:$0x3FFE];
	_ =	sdelay $0x1  }
0x8a: {  	s1 =	srdreg.scid  }
0x8b: {  	s0 =	sand.u32 $0x1, s1  }
0x8c: {  	s18 =	sshll.u32 s0, $0xA;
	s2 =	sadd.s32 s3, s2  }
0x8d: {  	s2 =	sadd.s32 s2, s18  }
0x8e: {  	[smem:$0x3FC2] =	sst s2  }
0x8f: {  	_ = 	snop  }
0x90: {  	s2 =	sld [smem:$0x3FC9]  }
0x91: {  	s19 =	sld [smem:$0x3FC7]  }
0x92: {  	s4 =	sld [smem:$0x3FD0];
	(tm) =	ssettm $0x1  }
0x93: {  	s5 =	sld [smem:$0x3FFB];
	_ =	sdelay $0x3  }
0x94: {  	_ =	strace s5  }
0x95: {  	s5 =	sld [smem:$0x3FFC];
	_ =	sdelay $0x3  }
0x96: {  	_ =	strace s5  }
0x97: {  	s5 =	sld [smem:$0x3FFD];
	_ =	sdelay $0x3  }
0x98: {  	_ =	strace s5  }
0x99: {  	_ =	strace $0x8FFFFFFF  }
0x9a: {  	s20 =	sld [smem:$0x3FDB];
	_ =	sdelay $0x1  }
0x9b: {  	s6 =	simm.s32 $_scs_section_size  }
0x9c: {  	s7 =	simm.s32 $_size__tile_overlayer_lowered;
	s8 =	simm.s32 $_tile_overlayer_lowered  }
0x9d: {  	s23 =	simm.s32 $0x1BFF;
	s22 =	sshll.u32 s8, $0x1;
	s5 =	sadd.s32 s6, s20  }
0x9e: {  	s9 =	simm.s32 $0x0;
	s21 =	sshll.u32 s7, $0x1;
	s7 =	sadd.s32 s22, s5  }
0x9f: {  	[timem:s9], [sflag:s23] =	dma.local [hbm:s7], s21  }
0xa0: {  	_ =	swait.ge [sflag:s23], s21  }
0xa1: {  	s6 =	ssub.s32 $0x0, s21;
	[sflag:s23] =	ssyncset.done $0x0  }
0xa2: {  	[sflag:s23] =	ssyncadd.s32 s6;
	_ =	sdelay $0x1  }
0xa3: {  	s24 =	simm.s32 $0x1B8B  }
0xa4: {  	_ =	swait.ge [sflag:s24], $0x1  }
0xa5: {  	[sflag:s24] =	ssyncset.done $0x0  }
0xa6: {  	s25 =	simm.s32 $0x1B8E;
	[sflag:s24] =	ssyncadd.s32 $0xFFFFFFFF  }
0xa7: {  	s26 =	simm.s32 $execute0_lowered;
	[smem:$0x3FD2] =	sst s25  }
0xa8: {  	s6 =	sshll.u32 s26, $0x1;
	_ =	strace $0x80000046;
	[dreg:$0x1] =	wrdreg $0xFFFFFFFF  }
0xa9: {  	s28 =	simm.s32 $_size_execute0_lowered;
	s5 =	sadd.s32 s5, s6;
	[dreg:$0x0] =	wrdreg $0x0  }
0xaa: {  	s6 =	sshll.u32 s28, $0x1;
	[dreg:$0x2] =	wrdreg s5  }
0xab: {  	[dreg:$0x3] =	wrdreg s6  }
0xac: {  	[dreg:$0x4] =	wrdreg $0xC0  }
0xad: {  	_ =	task [dreg:s9], $0x5FFFF  }
0xae: {  	[dreg:$0x1] =	wrdreg $0xFFFFFFFF  }
0xaf: {  	[dreg:$0x0] =	wrdreg $0x60  }
0xb0: {  	[dreg:$0x2] =	wrdreg s19  }
0xb1: {  	[dreg:$0x3] =	wrdreg s2  }
0xb2: {  	[dreg:$0x4] =	wrdreg s4  }
0xb3: {  	[dreg:$0x5] =	wrdreg $0x9  }
0xb4: {  	_ =	task.clear_ibuf [dreg:s9], $0x6FFFF;
	_ =	strace $0x90000046  }
0xb5: {  	s29 =	simm.s32 $0x9;
	_ =	strace $0x80000048  }
0xb6: {  	_ =	swait.ge [sflag:s29], $0x1  }
0xb7: {  	[sflag:s29] =	ssyncadd.s32 $0xFFFFFFFF  }
0xb8: {  	_ =	strace $0x90000048  }
0xb9: {  	_ =	sfence  }
0xba: {  	s30 =	sld [smem:$0x0];
	_ =	sdelay $0x2  }
0xbb: {  	s31 =	sshll.u32 s1, $0xD;
	s1 =	sshrl.u32 s1, $0x2  }
0xbc: {  	s3 =	sand.u32 $0x4000, s31;
	s1 =	sadd.s32 s1, s30  }
0xbd: {  	s0 =	sor.u32 s3, s0;
	s1 =	sshll.u32 s1, $0x11  }
0xbe: {  	s0 =	sor.u32 s1, s0  }
0xbf: {  	s0 =	sadd.s32 $0x8F2B, s0  }
0xc0: {  	[sflag:s0] =	ssyncadd.remote.s32 $0x1  }
0xc1: {  	_ =	sfence.sel $0xFFFF  }
0xc2: {  	[dreg:$0x0] =	wrdreg $0xFFFFFFFF;
	(pc) =	sbr.abs _section_cstart, $3  }
0xc3: {  	[dreg:$0x1] =	wrdreg $0xFFFFFFFF  }
0xc4: {  	_ =	task.clear_ibuf [dreg:s9], $0x2FFFF;
	_ =	strace $0x9FFFFFFF  }
0xc5: {  	(tm) =	ssettm $0x7FFFFFFF  }
tec
execute0_lowered:
.L_overlay_start_1:
0x0: {  	(tag) =	ssettag $0x1  }
0x1: {  	v0 =	vlaneseq.u32  }
0x2: {  	v0 =	vmul.u32 $0x80, v0;
	_ =	sdelay $0x1  }
0x3: {  	v1 =	vor.u32 $0x800, v0;
	v2 =	vor.u32 $0x1000, v0;
	v3 =	vor.u32 $0x1800, v0  }
0x4: {  	v4 =	vor.u32 $0x1, v0;
	v7 =	vor.u32 $0x1801, v0;
	v8 =	vor.u32 $0x2, v0  }
0x5: {  	v9 =	vor.u32 $0x802, v0;
	v10 =	vor.u32 $0x1002, v0;
	v11 =	vor.u32 $0x1802, v0  }
0x6: {  	v12 =	vor.u32 $0x3, v0;
	v13 =	vor.u32 $0x803, v0;
	v14 =	vor.u32 $0x1003, v0  }
0x7: {  	v15 =	vor.u32 $0x1803, v0;
	v16 =	vor.u32 $0x4, v0;
	v17 =	vor.u32 $0x804, v0  }
0x8: {  	v18 =	vor.u32 $0x1004, v0;
	v19 =	vor.u32 $0x1804, v0;
	v20 =	vor.u32 $0x5, v0  }
0x9: {  	v21 =	vor.u32 $0x805, v0;
	v22 =	vor.u32 $0x1005, v0;
	v23 =	vor.u32 $0x1805, v0  }
0xa: {  	v24 =	vor.u32 $0x6, v0;
	v25 =	vor.u32 $0x806, v0;
	v26 =	vor.u32 $0x1006, v0  }
0xb: {  	v27 =	vor.u32 $0x1806, v0;
	v28 =	vor.u32 $0x7, v0;
	v29 =	vor.u32 $0x807, v0  }
0xc: {  	s0 =	rddreg [dreg:$0x0];
	v30 =	vor.u32 $0x1007, v0;
	v31 =	vor.u32 $0x1807, v0;
	v32 =	vor.u32 $0x8, v0  }
0xd: {  	s1 =	rddreg [dreg:$0x1];
	v33 =	vor.u32 $0x808, v0;
	v34 =	vor.u32 $0x1008, v0;
	v35 =	vor.u32 $0x1808, v0  }
0xe: {  	s2 =	rddreg [dreg:$0x2];
	v36 =	vor.u32 $0x9, v0;
	v37 =	vor.u32 $0x809, v0;
	v38 =	vor.u32 $0x1009, v0  }
0xf: {  	s3 =	srdreg.scid;
	s4 =	stileid.u32;
	v39 =	vor.u32 $0x1809, v0;
	v40 =	vor.u32 $0xA, v0;
	v41 =	vor.u32 $0x80A, v0  }
0x10: {  	s5 =	simm.s32 $0x0;
	s7 =	simm.s32 $0x400;
	s8 =	simm.s32 $0x7A1400;
	v42 =	vor.u32 $0x100A, v0;
	v43 =	vor.u32 $0x180A, v0;
	v44 =	vor.u32 $0xB, v0  }
0x11: {  	s16 =	simm.s32 $0x18080;
	s19 =	simm.s32 $0x2080;
	s21 =	simm.s32 $0x4080;
	v45 =	vor.u32 $0x80B, v0;
	v46 =	vor.u32 $0x100B, v0;
	v47 =	vor.u32 $0x180B, v0  }
0x12: {  	s23 =	simm.s32 $0x6080;
	s3 =	sand.u32 $0x1, s3;
	s4 =	sshll.u32 s4, $0x1;
	v48 =	vor.u32 $0xC, v0;
	v49 =	vor.u32 $0x80C, v0;
	v50 =	vor.u32 $0x100C, v0  }
0x13: {  	s25 =	simm.s32 $0x8080;
	s4 =	sor.u32 s3, s4;
	s3 =	ssub.s32 $0x2, s3;
	v51 =	vor.u32 $0x180C, v0;
	v52 =	vor.u32 $0xD, v0;
	[tilespmem:$0x1FFD0] =	vst v4;
	v4 =	vor.u32 $0x801, v0  }
0x14: {  	[smem:$0x7FF] =	sst s5;
	s30 =	sshll.u32 s4, $0x2;
	s6 =	sshrl.u32 s3, $0x1;
	v53 =	vor.u32 $0x80D, v0;
	v54 =	vor.u32 $0x100D, v0;
	[tilespmem:$0x1FFE0] =	vst v4;
	v4 =	vor.u32 $0x1001, v0  }
0x15: {  	s4 =	sshll.u32 s4, $0xA;
	v55 =	vor.u32 $0x180D, v0;
	v56 =	vor.u32 $0xE, v0;
	v57 =	vor.u32 $0x80E, v0;
	s1 =	sadd.s32 s1, s30;
	s3 =	ssub.s32 s3, s6;
	[tilespmem:$0x1FFF0] =	vst v4  }
0x16: {  	v58 =	vor.u32 $0x100E, v0;
	v59 =	vor.u32 $0x180E, v0;
	v60 =	vor.u32 $0xF, v0;
	s31 =	sadd.s32 s2, s4;
	_ =	strace $0x80000047;
	[dreg:$0x4] =	wrdreg s1  }
0x17: {  	s28 =	simm.s32 $0xC080;
	v61 =	vor.u32 $0x80F, v0;
	v62 =	vor.u32 $0x100F, v0;
	v63 =	vor.u32 $0x180F, v0;
	[dreg:$0x5] =	wrdreg s31;
	s1 =	smax.u32 s3, $0x1  }
.LBB2_1:
0x18: {  	[dreg:$0x6] =	wrdreg s1  }
0x19: {  	s14 =	rddreg [dreg:$0x4];
	s2 =	simm.s32 $0x0;
	s15 =	simm.s32 $0xD  }
0x1a: {  	[tilespmem:s2], [sflag:$0xD] =	stream.linear.gather [hbm4b:s14+s2], $0x20, $0x38;
	[tilespmem:$0x1A080] =	vst v63  }
0x1b: {  	_ =	swait.ge [sflag:s15], $0x20  }
0x1c: {  	[sflag:s15] =	ssyncset.done $0x0  }
0x1d: {  	[sflag:s15] =	ssyncadd.s32 $0xFFFFFFE0  }
0x1e: {  	v4 =	vld [tilespmem:$0x0];
	_ =	sdelay $0x4  }
0x1f: {  	(v2sf) =	vpush v4, $0x0  }
0x20: {  	(v2sf) =	vpush v4, $0x2  }
0x21: {  	(v2sf) =	vpush v4, $0x3  }
0x22: {  	(v2sf) =	vpush v4, $0x4  }
0x23: {  	(v2sf) =	vpush v4, $0x5  }
0x24: {  	(v2sf) =	vpush v4, $0x6  }
0x25: {  	(v2sf) =	vpush v4, $0x7  }
0x26: {  	(v2sf) =	vpush v4, $0x8  }
0x27: {  	(v2sf) =	vpush v4, $0x9  }
0x28: {  	(v2sf) =	vpush v4, $0xA  }
0x29: {  	v5 =	vld [tilespmem:$0x10];
	(v2sf) =	vpush v4, $0xB  }
0x2a: {  	(v2sf) =	vpush v4, $0xC  }
0x2b: {  	(v2sf) =	vpush v4, $0xD  }
0x2c: {  	(v2sf) =	vpush v4, $0xE  }
0x2d: {  	(v2sf) =	vpush v4, $0xF  }
0x2e: {  	s15 =	spop (v2sf);
	(v2sf) =	vpush v5, $0x0  }
0x2f: {  	s14 =	spop (v2sf);
	(v2sf) =	vpush v5, $0x1  }
0x30: {  	s13 =	spop (v2sf);
	(v2sf) =	vpush v5, $0x2  }
0x31: {  	s12 =	spop (v2sf);
	(v2sf) =	vpush v5, $0x3  }
0x32: {  	s11 =	spop (v2sf);
	(v2sf) =	vpush v5, $0x4  }
0x33: {  	s10 =	spop (v2sf);
	(v2sf) =	vpush v5, $0x5  }
0x34: {  	s5 =	spop (v2sf);
	(v2sf) =	vpush v5, $0x6  }
0x35: {  	s31 =	spop (v2sf);
	(v2sf) =	vpush v5, $0x7  }
0x36: {  	s30 =	spop (v2sf);
	(v2sf) =	vpush v5, $0x8  }
0x37: {  	s9 =	spop (v2sf);
	(v2sf) =	vpush v5, $0x9  }
0x38: {  	s1 =	spop (v2sf);
	(v2sf) =	vpush v5, $0xA  }
0x39: {  	s3 =	spop (v2sf)  }
0x3a: {  	(v2sf) =	vpush v5, $0xB;
	s4 =	spop (v2sf)  }
0x3b: {  	s17 =	sshra.s32 s15, $0x1F;
	(v2sf) =	vpush v5, $0xC;
	s26 =	spop (v2sf)  }
0x3c: {  	s2 =	sshrl.u32 s17, $0x19;
	(v2sf) =	vpush v5, $0xD;
	s24 =	spop (v2sf)  }
0x3d: {  	s2 =	sadd.s32 s2, s15;
	s22 =	spop (v2sf);
	(v2sf) =	vpush v5, $0xE  }
0x3e: {  	p0 =	slt.s32 s15, $0x1;
	s6 =	sand.u32 $0xFFFFFF80, s2;
	s20 =	spop (v2sf);
	(v2sf) =	vpush v5, $0xF  }
0x3f: {  	s2 =	sshrl.u32 s2, $0x7;
	p1 =	sne.s32 s15, s6;
	s29 =	spop (v2sf);
	(v2sf) =	vpush v4, $0x1  }
0x40: {  	s6 =	simm.s32 $0x1;
	p0 =	por !p0, !p1;
	s18 =	spop (v2sf)  }
0x41: {  	p0 =	por !p0, !p0;
	[dreg:$0x13] =	wrdreg s18;
	s17 =	spop (v2sf)  }
0x42: {  	s6 =	simm.s32 @!p0 $0x0;
	[dreg:$0x12] =	wrdreg s17;
	s17 =	spop (v2sf)  }
0x43: {  	s2 =	ssub.s32 s2, s6;
	[dreg:$0x11] =	wrdreg s17;
	s18 =	spop (v2sf)  }
0x44: {  	s2 =	sshll.u32 s2, $0x7;
	[dreg:$0x10] =	wrdreg s18;
	s17 =	spop (v2sf)  }
0x45: {  	s2 =	sand.u32 $0x1FFFFF80, s2;
	[dreg:$0xf] =	wrdreg s17;
	s18 =	spop (v2sf)  }
0x46: {  	s2 =	sadd.s32 s0, s2;
	[dreg:$0xe] =	wrdreg s18;
	s17 =	spop (v2sf)  }
0x47: {  	[dreg:$0xd] =	wrdreg s17;
	s17 =	simm.s32 $0x80;
	s18 =	spop (v2sf)  }
0x48: {  	[tilespmem:s17], [sflag:$0x1] =	stream.strided.gather [hbm4b:s2+s7], $0x2000, s8, s7, $0x38;
	[tilespmem:$0x1A080] =	vst v63  }
0x49: {  	s6 =	spop (v2sf)  }
0x4a: {  	[dreg:$0xc] =	wrdreg s18;
	s18 =	spop (v2sf)  }
0x4b: {  	[dreg:$0xb] =	wrdreg s6;
	s6 =	spop (v2sf)  }
0x4c: {  	[dreg:$0xa] =	wrdreg s18;
	s18 =	spop (v2sf)  }
0x4d: {  	[dreg:$0x9] =	wrdreg s6;
	s6 =	spop (v2sf)  }
0x4e: {  	s2 =	spop (v2sf)  }
0x4f: {  	[dreg:$0x8] =	wrdreg s18;
	s18 =	sshra.s32 s2, $0x1F  }
0x50: {  	s18 =	sshrl.u32 s18, $0x19  }
0x51: {  	s18 =	sadd.s32 s18, s2  }
0x52: {  	[dreg:$0x7] =	wrdreg s6;
	s6 =	sand.u32 $0xFFFFFF80, s18  }
0x53: {  	p6 =	slt.s32 s2, $0x1;
	p5 =	sne.s32 s2, s6  }
0x54: {  	p0 =	por !p6, !p5  }
0x55: {  	s6 =	simm.s32 $0x1;
	p0 =	por !p0, !p0  }
0x56: {  	s18 =	sshrl.u32 s18, $0x7;
	s6 =	simm.s32 @!p0 $0x0  }
0x57: {  	s6 =	ssub.s32 s18, s6  }
0x58: {  	s6 =	sshll.u32 s6, $0x7  }
0x59: {  	s6 =	sand.u32 $0x1FFFFF80, s6  }
0x5a: {  	s18 =	sshra.s32 s14, $0x1F;
	s6 =	sadd.s32 s0, s6  }
0x5b: {  	[tilespmem:s19], [sflag:$0x2] =	stream.strided.gather [hbm4b:s6+s7], $0x2000, s8, s7, $0x38;
	[tilespmem:$0x1A080] =	vst v63  }
0x5c: {  	s6 =	sshrl.u32 s18, $0x19  }
0x5d: {  	s6 =	sadd.s32 s6, s14  }
0x5e: {  	s18 =	sand.u32 $0xFFFFFF80, s6  }
0x5f: {  	p2 =	slt.s32 s14, $0x1;
	p1 =	sne.s32 s14, s18  }
0x60: {  	p0 =	por !p2, !p1  }
0x61: {  	s18 =	simm.s32 $0x1;
	p0 =	por !p0, !p0  }
0x62: {  	s6 =	sshrl.u32 s6, $0x7;
	s18 =	simm.s32 @!p0 $0x0  }
0x63: {  	s6 =	ssub.s32 s6, s18  }
0x64: {  	s6 =	sshll.u32 s6, $0x7  }
0x65: {  	s6 =	sand.u32 $0x1FFFFF80, s6  }
0x66: {  	s18 =	sshra.s32 s13, $0x1F;
	s6 =	sadd.s32 s0, s6  }
0x67: {  	[tilespmem:s21], [sflag:$0x3] =	stream.strided.gather [hbm4b:s6+s7], $0x2000, s8, s7, $0x38;
	[tilespmem:$0x1A080] =	vst v63  }
0x68: {  	s6 =	sshrl.u32 s18, $0x19  }
0x69: {  	s6 =	sadd.s32 s6, s13  }
0x6a: {  	s18 =	sand.u32 $0xFFFFFF80, s6  }
0x6b: {  	p4 =	slt.s32 s13, $0x1;
	p3 =	sne.s32 s13, s18  }
0x6c: {  	p0 =	por !p4, !p3  }
0x6d: {  	s18 =	simm.s32 $0x1;
	p0 =	por !p0, !p0  }
0x6e: {  	s6 =	sshrl.u32 s6, $0x7;
	s18 =	simm.s32 @!p0 $0x0  }
0x6f: {  	s6 =	ssub.s32 s6, s18  }
0x70: {  	s6 =	sshll.u32 s6, $0x7  }
0x71: {  	s6 =	sand.u32 $0x1FFFFF80, s6  }
0x72: {  	s18 =	sshra.s32 s12, $0x1F;
	s6 =	sadd.s32 s0, s6  }
0x73: {  	[tilespmem:s23], [sflag:$0x4] =	stream.strided.gather [hbm4b:s6+s7], $0x2000, s8, s7, $0x38;
	[tilespmem:$0x1A080] =	vst v63  }
0x74: {  	s6 =	sshrl.u32 s18, $0x19  }
0x75: {  	s6 =	sadd.s32 s6, s12  }
0x76: {  	s18 =	sand.u32 $0xFFFFFF80, s6  }
0x77: {  	p6 =	slt.s32 s12, $0x1;
	p5 =	sne.s32 s12, s18  }
0x78: {  	p0 =	por !p6, !p5  }
0x79: {  	s18 =	simm.s32 $0x1;
	p0 =	por !p0, !p0  }
0x7a: {  	s6 =	sshrl.u32 s6, $0x7;
	s18 =	simm.s32 @!p0 $0x0  }
0x7b: {  	s6 =	ssub.s32 s6, s18  }
0x7c: {  	s6 =	sshll.u32 s6, $0x7  }
0x7d: {  	s6 =	sand.u32 $0x1FFFFF80, s6  }
0x7e: {  	s18 =	sshra.s32 s11, $0x1F;
	s6 =	sadd.s32 s0, s6  }
0x7f: {  	[tilespmem:s25], [sflag:$0x5] =	stream.strided.gather [hbm4b:s6+s7], $0x2000, s8, s7, $0x38;
	[tilespmem:$0x1A080] =	vst v63  }
0x80: {  	s6 =	sshrl.u32 s18, $0x19  }
0x81: {  	s6 =	sadd.s32 s6, s11  }
0x82: {  	s18 =	sand.u32 $0xFFFFFF80, s6  }
0x83: {  	p2 =	slt.s32 s11, $0x1;
	p1 =	sne.s32 s11, s18  }
0x84: {  	p0 =	por !p2, !p1  }
0x85: {  	s18 =	simm.s32 $0x1;
	p0 =	por !p0, !p0  }
0x86: {  	s6 =	sshrl.u32 s6, $0x7;
	s18 =	simm.s32 @!p0 $0x0  }
0x87: {  	s6 =	ssub.s32 s6, s18  }
0x88: {  	s6 =	sshll.u32 s6, $0x7  }
0x89: {  	s6 =	sand.u32 $0x1FFFFF80, s6  }
0x8a: {  	s18 =	simm.s32 $0xA080;
	s6 =	sadd.s32 s0, s6  }
0x8b: {  	[tilespmem:s18], [sflag:$0x6] =	stream.strided.gather [hbm4b:s6+s7], $0x2000, s8, s7, $0x38;
	[tilespmem:$0x1A080] =	vst v63  }
0x8c: {  	s18 =	sshra.s32 s10, $0x1F  }
0x8d: {  	s6 =	sshrl.u32 s18, $0x19  }
0x8e: {  	s6 =	sadd.s32 s6, s10  }
0x8f: {  	s18 =	sand.u32 $0xFFFFFF80, s6  }
0x90: {  	p4 =	slt.s32 s10, $0x1;
	p3 =	sne.s32 s10, s18  }
0x91: {  	p0 =	por !p4, !p3  }
0x92: {  	s18 =	simm.s32 $0x1;
	p0 =	por !p0, !p0  }
0x93: {  	s15 =	sand.u32 $0x7F, s15;
	s6 =	sshrl.u32 s6, $0x7;
	s18 =	simm.s32 @!p0 $0x0  }
0x94: {  	v4 =	vor.u32 s15, v0;
	s6 =	ssub.s32 s6, s18;
	s18 =	simm.s32 $0x1  }
0x95: {  	_ =	swait.ge [sflag:s18], $0x2000;
	s6 =	sshll.u32 s6, $0x7  }
0x96: {  	[sflag:s18] =	ssyncset.done $0x0;
	s6 =	sand.u32 $0x1FFFFF80, s6  }
0x97: {  	[sflag:s18] =	ssyncadd.s32 $0xFFFFE000;
	s6 =	sadd.s32 s0, s6  }
0x98: {  	[tilespmem:s28], [sflag:$0x7] =	stream.strided.gather [hbm4b:s6+s7], $0x2000, s8, s7, $0x38;
	[tilespmem:$0x1A080] =	vst v63  }
0x99: {  	v4 =	vld.idx.msk [tilespmem:v4+s17+$0x0], $0xffff  }
0x9a: {  	v5 =	vor.u32 s15, v1;
	_ =	sdelay $0x3  }
0x9b: {  	[tilespmem:v0+s16+$0x0] =	vst.idx.msk $0xffff, v4  }
0x9c: {  	v4 =	vld.idx.msk [tilespmem:v5+s17+$0x0], $0xffff  }
0x9d: {  	v5 =	vor.u32 s15, v2;
	_ =	sdelay $0x3  }
0x9e: {  	[tilespmem:v1+s16+$0x0] =	vst.idx.msk $0xffff, v4  }
0x9f: {  	v4 =	vld.idx.msk [tilespmem:v5+s17+$0x0], $0xffff  }
0xa0: {  	v5 =	vor.u32 s15, v3;
	_ =	sdelay $0x1  }
0xa1: {  	s15 =	sshra.s32 s5, $0x1F  }
0xa2: {  	s6 =	sshrl.u32 s15, $0x19  }
0xa3: {  	s6 =	sadd.s32 s6, s5;
	[tilespmem:v2+s16+$0x0] =	vst.idx.msk $0xffff, v4  }
0xa4: {  	s18 =	sand.u32 $0xFFFFFF80, s6;
	v4 =	vld.idx.msk [tilespmem:v5+s17+$0x0], $0xffff  }
0xa5: {  	p6 =	slt.s32 s5, $0x1;
	p5 =	sne.s32 s5, s18  }
0xa6: {  	p0 =	por !p6, !p5  }
0xa7: {  	s15 =	simm.s32 $0x1;
	p0 =	por !p0, !p0  }
0xa8: {  	s2 =	sand.u32 $0x7F, s2;
	s6 =	sshrl.u32 s6, $0x7;
	s15 =	simm.s32 @!p0 $0x0  }
0xa9: {  	s18 =	simm.s32 $0x2;
	s6 =	ssub.s32 s6, s15;
	[tilespmem:v3+s16+$0x0] =	vst.idx.msk $0xffff, v4;
	v4 =	vor.u32 s2, v0  }
0xaa: {  	s6 =	sshll.u32 s6, $0x7;
	_ =	swait.ge [sflag:s18], $0x2000  }
0xab: {  	s6 =	sand.u32 $0x1FFFFF80, s6;
	[sflag:s18] =	ssyncset.done $0x0;
	v6 =	vld [tilespmem:$0x1FFD0]  }
0xac: {  	s6 =	sadd.s32 s0, s6;
	[sflag:s18] =	ssyncadd.s32 $0xFFFFE000;
	s18 =	simm.s32 $0xE080  }
0xad: {  	[tilespmem:s18], [sflag:$0x8] =	stream.strided.gather [hbm4b:s6+s7], $0x2000, s8, s7, $0x38;
	[tilespmem:$0x1A080] =	vst v63  }
0xae: {  	v4 =	vld.idx.msk [tilespmem:v4+s19+$0x0], $0xffff;
	_ =	sdelay $0x2  }
0xaf: {  	v5 =	vor.u32 s2, v1;
	_ =	sdelay $0x1  }
0xb0: {  	[tilespmem:v6+s16+$0x0] =	vst.idx.msk $0xffff, v4;
	v6 =	vld [tilespmem:$0x1FFE0];
	_ =	sdelay $0x2  }
0xb1: {  	v4 =	vld.idx.msk [tilespmem:v5+s19+$0x0], $0xffff;
	_ =	sdelay $0x2  }
0xb2: {  	v5 =	vor.u32 s2, v2;
	_ =	sdelay $0x1  }
0xb3: {  	[tilespmem:v6+s16+$0x0] =	vst.idx.msk $0xffff, v4;
	v6 =	vld [tilespmem:$0x1FFF0];
	_ =	sdelay $0x2  }
0xb4: {  	v4 =	vld.idx.msk [tilespmem:v5+s19+$0x0], $0xffff  }
0xb5: {  	v5 =	vor.u32 s2, v3;
	_ =	sdelay $0x1  }
0xb6: {  	s6 =	sshra.s32 s31, $0x1F  }
0xb7: {  	s2 =	sshrl.u32 s6, $0x19  }
0xb8: {  	s2 =	sadd.s32 s2, s31;
	[tilespmem:v6+s16+$0x0] =	vst.idx.msk $0xffff, v4  }
0xb9: {  	s15 =	sand.u32 $0xFFFFFF80, s2;
	v4 =	vld.idx.msk [tilespmem:v5+s19+$0x0], $0xffff  }
0xba: {  	p2 =	slt.s32 s31, $0x1;
	p1 =	sne.s32 s31, s15  }
0xbb: {  	p0 =	por !p2, !p1  }
0xbc: {  	s6 =	simm.s32 $0x1;
	p0 =	por !p0, !p0  }
0xbd: {  	s14 =	sand.u32 $0x7F, s14;
	s2 =	sshrl.u32 s2, $0x7;
	s6 =	simm.s32 @!p0 $0x0  }
0xbe: {  	s15 =	simm.s32 $0x3;
	s2 =	ssub.s32 s2, s6;
	[tilespmem:v7+s16+$0x0] =	vst.idx.msk $0xffff, v4;
	v4 =	vor.u32 s14, v0  }
0xbf: {  	s2 =	sshll.u32 s2, $0x7;
	_ =	swait.ge [sflag:s15], $0x2000  }
0xc0: {  	s2 =	sand.u32 $0x1FFFFF80, s2;
	[sflag:s15] =	ssyncset.done $0x0  }
0xc1: {  	s2 =	sadd.s32 s0, s2;
	[sflag:s15] =	ssyncadd.s32 $0xFFFFE000;
	s15 =	simm.s32 $0x10080  }
0xc2: {  	[tilespmem:s15], [sflag:$0x9] =	stream.strided.gather [hbm4b:s2+s7], $0x2000, s8, s7, $0x38;
	[tilespmem:$0x1A080] =	vst v63  }
0xc3: {  	v4 =	vld.idx.msk [tilespmem:v4+s21+$0x0], $0xffff  }
0xc4: {  	v5 =	vor.u32 s14, v1;
	_ =	sdelay $0x3  }
0xc5: {  	[tilespmem:v8+s16+$0x0] =	vst.idx.msk $0xffff, v4  }
0xc6: {  	v4 =	vld.idx.msk [tilespmem:v5+s21+$0x0], $0xffff  }
0xc7: {  	v5 =	vor.u32 s14, v2;
	_ =	sdelay $0x3  }
0xc8: {  	[tilespmem:v9+s16+$0x0] =	vst.idx.msk $0xffff, v4  }
0xc9: {  	v4 =	vld.idx.msk [tilespmem:v5+s21+$0x0], $0xffff  }
0xca: {  	v5 =	vor.u32 s14, v3;
	_ =	sdelay $0x1  }
0xcb: {  	s6 =	sshra.s32 s30, $0x1F  }
0xcc: {  	s2 =	sshrl.u32 s6, $0x19  }
0xcd: {  	s2 =	sadd.s32 s2, s30;
	[tilespmem:v10+s16+$0x0] =	vst.idx.msk $0xffff, v4  }
0xce: {  	s14 =	sand.u32 $0xFFFFFF80, s2;
	v4 =	vld.idx.msk [tilespmem:v5+s21+$0x0], $0xffff  }
0xcf: {  	p4 =	slt.s32 s30, $0x1;
	p3 =	sne.s32 s30, s14  }
0xd0: {  	p0 =	por !p4, !p3  }
0xd1: {  	s6 =	simm.s32 $0x1;
	p0 =	por !p0, !p0  }
0xd2: {  	s13 =	sand.u32 $0x7F, s13;
	s2 =	sshrl.u32 s2, $0x7;
	s6 =	simm.s32 @!p0 $0x0  }
0xd3: {  	s14 =	simm.s32 $0x4;
	s2 =	ssub.s32 s2, s6;
	[tilespmem:v11+s16+$0x0] =	vst.idx.msk $0xffff, v4;
	v4 =	vor.u32 s13, v0  }
0xd4: {  	s2 =	sshll.u32 s2, $0x7;
	_ =	swait.ge [sflag:s14], $0x2000  }
0xd5: {  	s2 =	sand.u32 $0x1FFFFF80, s2;
	[sflag:s14] =	ssyncset.done $0x0  }
0xd6: {  	s2 =	sadd.s32 s0, s2;
	[sflag:s14] =	ssyncadd.s32 $0xFFFFE000;
	s14 =	simm.s32 $0x12080  }
0xd7: {  	[tilespmem:s14], [sflag:$0xA] =	stream.strided.gather [hbm4b:s2+s7], $0x2000, s8, s7, $0x38;
	[tilespmem:$0x1A080] =	vst v63  }
0xd8: {  	v4 =	vld.idx.msk [tilespmem:v4+s23+$0x0], $0xffff  }
0xd9: {  	v5 =	vor.u32 s13, v1;
	_ =	sdelay $0x3  }
0xda: {  	[tilespmem:v12+s16+$0x0] =	vst.idx.msk $0xffff, v4  }
0xdb: {  	v4 =	vld.idx.msk [tilespmem:v5+s23+$0x0], $0xffff  }
0xdc: {  	v5 =	vor.u32 s13, v2;
	_ =	sdelay $0x3  }
0xdd: {  	[tilespmem:v13+s16+$0x0] =	vst.idx.msk $0xffff, v4  }
0xde: {  	v4 =	vld.idx.msk [tilespmem:v5+s23+$0x0], $0xffff  }
0xdf: {  	v5 =	vor.u32 s13, v3;
	_ =	sdelay $0x1  }
0xe0: {  	s6 =	sshra.s32 s9, $0x1F  }
0xe1: {  	s2 =	sshrl.u32 s6, $0x19  }
0xe2: {  	s2 =	sadd.s32 s2, s9;
	[tilespmem:v14+s16+$0x0] =	vst.idx.msk $0xffff, v4  }
0xe3: {  	s13 =	sand.u32 $0xFFFFFF80, s2;
	v4 =	vld.idx.msk [tilespmem:v5+s23+$0x0], $0xffff  }
0xe4: {  	p6 =	slt.s32 s9, $0x1;
	p5 =	sne.s32 s9, s13  }
0xe5: {  	p0 =	por !p6, !p5  }
0xe6: {  	s6 =	simm.s32 $0x1;
	p0 =	por !p0, !p0  }
0xe7: {  	s12 =	sand.u32 $0x7F, s12;
	s2 =	sshrl.u32 s2, $0x7;
	s6 =	simm.s32 @!p0 $0x0  }
0xe8: {  	s13 =	simm.s32 $0x5;
	s2 =	ssub.s32 s2, s6;
	[tilespmem:v15+s16+$0x0] =	vst.idx.msk $0xffff, v4;
	v4 =	vor.u32 s12, v0  }
0xe9: {  	s2 =	sshll.u32 s2, $0x7;
	_ =	swait.ge [sflag:s13], $0x2000  }
0xea: {  	s2 =	sand.u32 $0x1FFFFF80, s2;
	[sflag:s13] =	ssyncset.done $0x0  }
0xeb: {  	s2 =	sadd.s32 s0, s2;
	[sflag:s13] =	ssyncadd.s32 $0xFFFFE000;
	s13 =	simm.s32 $0x14080  }
0xec: {  	[tilespmem:s13], [sflag:$0xB] =	stream.strided.gather [hbm4b:s2+s7], $0x2000, s8, s7, $0x38;
	[tilespmem:$0x1A080] =	vst v63  }
0xed: {  	v4 =	vld.idx.msk [tilespmem:v4+s25+$0x0], $0xffff  }
0xee: {  	v5 =	vor.u32 s12, v1;
	_ =	sdelay $0x3  }
0xef: {  	[tilespmem:v16+s16+$0x0] =	vst.idx.msk $0xffff, v4  }
0xf0: {  	v4 =	vld.idx.msk [tilespmem:v5+s25+$0x0], $0xffff  }
0xf1: {  	v5 =	vor.u32 s12, v2;
	_ =	sdelay $0x3  }
0xf2: {  	[tilespmem:v17+s16+$0x0] =	vst.idx.msk $0xffff, v4  }
0xf3: {  	v4 =	vld.idx.msk [tilespmem:v5+s25+$0x0], $0xffff  }
0xf4: {  	v5 =	vor.u32 s12, v3;
	_ =	sdelay $0x1  }
0xf5: {  	s6 =	sshra.s32 s1, $0x1F  }
0xf6: {  	s2 =	sshrl.u32 s6, $0x19  }
0xf7: {  	s2 =	sadd.s32 s2, s1;
	[tilespmem:v18+s16+$0x0] =	vst.idx.msk $0xffff, v4  }
0xf8: {  	s12 =	sand.u32 $0xFFFFFF80, s2;
	v4 =	vld.idx.msk [tilespmem:v5+s25+$0x0], $0xffff  }
0xf9: {  	p2 =	slt.s32 s1, $0x1;
	p1 =	sne.s32 s1, s12  }
0xfa: {  	p0 =	por !p2, !p1  }
0xfb: {  	s6 =	simm.s32 $0x1;
	p0 =	por !p0, !p0  }
0xfc: {  	s11 =	sand.u32 $0x7F, s11;
	s2 =	sshrl.u32 s2, $0x7;
	s6 =	simm.s32 @!p0 $0x0  }
0xfd: {  	s12 =	simm.s32 $0x6;
	s2 =	ssub.s32 s2, s6;
	[tilespmem:v19+s16+$0x0] =	vst.idx.msk $0xffff, v4;
	v4 =	vor.u32 s11, v0  }
0xfe: {  	s2 =	sshll.u32 s2, $0x7;
	_ =	swait.ge [sflag:s12], $0x2000  }
0xff: {  	s6 =	simm.s32 $0xA080;
	s2 =	sand.u32 $0x1FFFFF80, s2;
	[sflag:s12] =	ssyncset.done $0x0  }
0x100: {  	s2 =	sadd.s32 s0, s2;
	[sflag:s12] =	ssyncadd.s32 $0xFFFFE000;
	s12 =	simm.s32 $0x16080  }
0x101: {  	[tilespmem:s12], [sflag:$0xC] =	stream.strided.gather [hbm4b:s2+s7], $0x2000, s8, s7, $0x38;
	[tilespmem:$0x1A080] =	vst v63  }
0x102: {  	v4 =	vld.idx.msk [tilespmem:v4+s6+$0x0], $0xffff  }
0x103: {  	v5 =	vor.u32 s11, v1;
	_ =	sdelay $0x3  }
0x104: {  	[tilespmem:v20+s16+$0x0] =	vst.idx.msk $0xffff, v4  }
0x105: {  	v4 =	vld.idx.msk [tilespmem:v5+s6+$0x0], $0xffff  }
0x106: {  	v5 =	vor.u32 s11, v2;
	_ =	sdelay $0x3  }
0x107: {  	[tilespmem:v21+s16+$0x0] =	vst.idx.msk $0xffff, v4  }
0x108: {  	v4 =	vld.idx.msk [tilespmem:v5+s6+$0x0], $0xffff  }
0x109: {  	v5 =	vor.u32 s11, v3;
	_ =	sdelay $0x1  }
0x10a: {  	s11 =	sshra.s32 s3, $0x1F  }
0x10b: {  	s2 =	sshrl.u32 s11, $0x19  }
0x10c: {  	s2 =	sadd.s32 s2, s3;
	[tilespmem:v22+s16+$0x0] =	vst.idx.msk $0xffff, v4  }
0x10d: {  	s11 =	sand.u32 $0xFFFFFF80, s2;
	v4 =	vld.idx.msk [tilespmem:v5+s6+$0x0], $0xffff  }
0x10e: {  	p4 =	slt.s32 s3, $0x1;
	p3 =	sne.s32 s3, s11  }
0x10f: {  	p0 =	por !p4, !p3  }
0x110: {  	p0 =	por !p0, !p0;
	s6 =	simm.s32 $0x1  }
0x111: {  	s10 =	sand.u32 $0x7F, s10;
	s2 =	sshrl.u32 s2, $0x7;
	s6 =	simm.s32 @!p0 $0x0  }
0x112: {  	s11 =	simm.s32 $0x7;
	s2 =	ssub.s32 s2, s6;
	[tilespmem:v23+s16+$0x0] =	vst.idx.msk $0xffff, v4;
	v4 =	vor.u32 s10, v0  }
0x113: {  	s2 =	sshll.u32 s2, $0x7;
	_ =	swait.ge [sflag:s11], $0x2000  }
0x114: {  	s2 =	sand.u32 $0x1FFFFF80, s2;
	[sflag:s11] =	ssyncset.done $0x0  }
0x115: {  	s2 =	sadd.s32 s0, s2;
	[sflag:s11] =	ssyncadd.s32 $0xFFFFE000  }
0x116: {  	[tilespmem:s17], [sflag:$0x1] =	stream.strided.gather [hbm4b:s2+s7], $0x2000, s8, s7, $0x38;
	[tilespmem:$0x1A080] =	vst v63  }
0x117: {  	v4 =	vld.idx.msk [tilespmem:v4+s28+$0x0], $0xffff  }
0x118: {  	v5 =	vor.u32 s10, v1;
	_ =	sdelay $0x3  }
0x119: {  	[tilespmem:v24+s16+$0x0] =	vst.idx.msk $0xffff, v4  }
0x11a: {  	v4 =	vld.idx.msk [tilespmem:v5+s28+$0x0], $0xffff  }
0x11b: {  	v5 =	vor.u32 s10, v2;
	_ =	sdelay $0x3  }
0x11c: {  	[tilespmem:v25+s16+$0x0] =	vst.idx.msk $0xffff, v4  }
0x11d: {  	v4 =	vld.idx.msk [tilespmem:v5+s28+$0x0], $0xffff  }
0x11e: {  	v5 =	vor.u32 s10, v3;
	_ =	sdelay $0x1  }
0x11f: {  	s6 =	sshra.s32 s4, $0x1F  }
0x120: {  	s2 =	sshrl.u32 s6, $0x19  }
0x121: {  	s2 =	sadd.s32 s2, s4;
	[tilespmem:v26+s16+$0x0] =	vst.idx.msk $0xffff, v4  }
0x122: {  	s10 =	sand.u32 $0xFFFFFF80, s2;
	v4 =	vld.idx.msk [tilespmem:v5+s28+$0x0], $0xffff  }
0x123: {  	p6 =	slt.s32 s4, $0x1;
	p5 =	sne.s32 s4, s10  }
0x124: {  	p0 =	por !p6, !p5  }
0x125: {  	s6 =	simm.s32 $0x1;
	p0 =	por !p0, !p0  }
0x126: {  	s5 =	sand.u32 $0x7F, s5;
	s2 =	sshrl.u32 s2, $0x7;
	s6 =	simm.s32 @!p0 $0x0  }
0x127: {  	s11 =	simm.s32 $0x8;
	s2 =	ssub.s32 s2, s6;
	[tilespmem:v27+s16+$0x0] =	vst.idx.msk $0xffff, v4;
	v4 =	vor.u32 s5, v0  }
0x128: {  	s2 =	sshll.u32 s2, $0x7;
	_ =	swait.ge [sflag:s11], $0x2000  }
0x129: {  	s2 =	sand.u32 $0x1FFFFF80, s2;
	[sflag:s11] =	ssyncset.done $0x0  }
0x12a: {  	s2 =	sadd.s32 s0, s2;
	[sflag:s11] =	ssyncadd.s32 $0xFFFFE000  }
0x12b: {  	[tilespmem:s19], [sflag:$0x2] =	stream.strided.gather [hbm4b:s2+s7], $0x2000, s8, s7, $0x38;
	[tilespmem:$0x1A080] =	vst v63  }
0x12c: {  	v4 =	vld.idx.msk [tilespmem:v4+s18+$0x0], $0xffff  }
0x12d: {  	v5 =	vor.u32 s5, v1;
	_ =	sdelay $0x3  }
0x12e: {  	[tilespmem:v28+s16+$0x0] =	vst.idx.msk $0xffff, v4  }
0x12f: {  	v4 =	vld.idx.msk [tilespmem:v5+s18+$0x0], $0xffff  }
0x130: {  	v5 =	vor.u32 s5, v2;
	_ =	sdelay $0x3  }
0x131: {  	[tilespmem:v29+s16+$0x0] =	vst.idx.msk $0xffff, v4  }
0x132: {  	v4 =	vld.idx.msk [tilespmem:v5+s18+$0x0], $0xffff  }
0x133: {  	v5 =	vor.u32 s5, v3;
	_ =	sdelay $0x1  }
0x134: {  	s6 =	sshra.s32 s26, $0x1F  }
0x135: {  	s2 =	sshrl.u32 s6, $0x19  }
0x136: {  	s2 =	sadd.s32 s2, s26;
	[tilespmem:v30+s16+$0x0] =	vst.idx.msk $0xffff, v4  }
0x137: {  	s10 =	sand.u32 $0xFFFFFF80, s2;
	v4 =	vld.idx.msk [tilespmem:v5+s18+$0x0], $0xffff  }
0x138: {  	p1 =	slt.s32 s26, $0x1;
	p2 =	sne.s32 s26, s10  }
0x139: {  	p0 =	por !p1, !p2  }
0x13a: {  	p0 =	por !p0, !p0;
	s5 =	simm.s32 $0x1  }
0x13b: {  	s11 =	sand.u32 $0x7F, s31;
	s2 =	sshrl.u32 s2, $0x7;
	s5 =	simm.s32 @!p0 $0x0  }
0x13c: {  	s31 =	simm.s32 $0x9;
	s2 =	ssub.s32 s2, s5;
	[tilespmem:v31+s16+$0x0] =	vst.idx.msk $0xffff, v4;
	v4 =	vor.u32 s11, v0  }
0x13d: {  	s2 =	sshll.u32 s2, $0x7;
	_ =	swait.ge [sflag:s31], $0x2000  }
0x13e: {  	s2 =	sand.u32 $0x1FFFFF80, s2;
	[sflag:s31] =	ssyncset.done $0x0  }
0x13f: {  	s2 =	sadd.s32 s0, s2;
	[sflag:s31] =	ssyncadd.s32 $0xFFFFE000  }
0x140: {  	[tilespmem:s21], [sflag:$0x3] =	stream.strided.gather [hbm4b:s2+s7], $0x2000, s8, s7, $0x38;
	[tilespmem:$0x1A080] =	vst v63  }
0x141: {  	v4 =	vld.idx.msk [tilespmem:v4+s15+$0x0], $0xffff  }
0x142: {  	v5 =	vor.u32 s11, v1;
	_ =	sdelay $0x3  }
0x143: {  	[tilespmem:v32+s16+$0x0] =	vst.idx.msk $0xffff, v4  }
0x144: {  	v4 =	vld.idx.msk [tilespmem:v5+s15+$0x0], $0xffff  }
0x145: {  	v5 =	vor.u32 s11, v2;
	_ =	sdelay $0x3  }
0x146: {  	[tilespmem:v33+s16+$0x0] =	vst.idx.msk $0xffff, v4  }
0x147: {  	v4 =	vld.idx.msk [tilespmem:v5+s15+$0x0], $0xffff  }
0x148: {  	v5 =	vor.u32 s11, v3;
	_ =	sdelay $0x1  }
0x149: {  	s6 =	sshra.s32 s24, $0x1F  }
0x14a: {  	s2 =	sshrl.u32 s6, $0x19  }
0x14b: {  	s2 =	sadd.s32 s2, s24;
	[tilespmem:v34+s16+$0x0] =	vst.idx.msk $0xffff, v4  }
0x14c: {  	s10 =	sand.u32 $0xFFFFFF80, s2;
	v4 =	vld.idx.msk [tilespmem:v5+s15+$0x0], $0xffff  }
0x14d: {  	p3 =	slt.s32 s24, $0x1;
	p4 =	sne.s32 s24, s10  }
0x14e: {  	p0 =	por !p3, !p4  }
0x14f: {  	s5 =	simm.s32 $0x1;
	p0 =	por !p0, !p0  }
0x150: {  	s2 =	sshrl.u32 s2, $0x7;
	s5 =	simm.s32 @!p0 $0x0;
	s11 =	sand.u32 $0x7F, s30  }
0x151: {  	s2 =	ssub.s32 s2, s5;
	s30 =	simm.s32 $0xA;
	[tilespmem:v35+s16+$0x0] =	vst.idx.msk $0xffff, v4;
	v4 =	vor.u32 s11, v0  }
0x152: {  	s2 =	sshll.u32 s2, $0x7;
	_ =	swait.ge [sflag:s30], $0x2000  }
0x153: {  	s2 =	sand.u32 $0x1FFFFF80, s2;
	[sflag:s30] =	ssyncset.done $0x0  }
0x154: {  	s2 =	sadd.s32 s0, s2;
	[sflag:s30] =	ssyncadd.s32 $0xFFFFE000  }
0x155: {  	[tilespmem:s23], [sflag:$0x4] =	stream.strided.gather [hbm4b:s2+s7], $0x2000, s8, s7, $0x38;
	[tilespmem:$0x1A080] =	vst v63  }
0x156: {  	v4 =	vld.idx.msk [tilespmem:v4+s14+$0x0], $0xffff  }
0x157: {  	v5 =	vor.u32 s11, v1;
	_ =	sdelay $0x3  }
0x158: {  	[tilespmem:v36+s16+$0x0] =	vst.idx.msk $0xffff, v4  }
0x159: {  	v4 =	vld.idx.msk [tilespmem:v5+s14+$0x0], $0xffff  }
0x15a: {  	v5 =	vor.u32 s11, v2;
	_ =	sdelay $0x3  }
0x15b: {  	[tilespmem:v37+s16+$0x0] =	vst.idx.msk $0xffff, v4  }
0x15c: {  	v4 =	vld.idx.msk [tilespmem:v5+s14+$0x0], $0xffff  }
0x15d: {  	v5 =	vor.u32 s11, v3;
	_ =	sdelay $0x1  }
0x15e: {  	s6 =	sshra.s32 s22, $0x1F  }
0x15f: {  	s2 =	sshrl.u32 s6, $0x19  }
0x160: {  	s2 =	sadd.s32 s2, s22;
	[tilespmem:v38+s16+$0x0] =	vst.idx.msk $0xffff, v4  }
0x161: {  	s10 =	sand.u32 $0xFFFFFF80, s2;
	v4 =	vld.idx.msk [tilespmem:v5+s14+$0x0], $0xffff  }
0x162: {  	p5 =	slt.s32 s22, $0x1;
	p6 =	sne.s32 s22, s10  }
0x163: {  	p0 =	por !p5, !p6  }
0x164: {  	s5 =	simm.s32 $0x1;
	p0 =	por !p0, !p0  }
0x165: {  	s2 =	sshrl.u32 s2, $0x7;
	s5 =	simm.s32 @!p0 $0x0;
	s11 =	sand.u32 $0x7F, s9  }
0x166: {  	s10 =	simm.s32 $0xB;
	s2 =	ssub.s32 s2, s5;
	[tilespmem:v39+s16+$0x0] =	vst.idx.msk $0xffff, v4;
	v4 =	vor.u32 s11, v0  }
0x167: {  	s2 =	sshll.u32 s2, $0x7;
	_ =	swait.ge [sflag:s10], $0x2000  }
0x168: {  	s2 =	sand.u32 $0x1FFFFF80, s2;
	[sflag:s10] =	ssyncset.done $0x0  }
0x169: {  	s2 =	sadd.s32 s0, s2;
	[sflag:s10] =	ssyncadd.s32 $0xFFFFE000  }
0x16a: {  	[tilespmem:s25], [sflag:$0x5] =	stream.strided.gather [hbm4b:s2+s7], $0x2000, s8, s7, $0x38;
	[tilespmem:$0x1A080] =	vst v63  }
0x16b: {  	v4 =	vld.idx.msk [tilespmem:v4+s13+$0x0], $0xffff  }
0x16c: {  	v5 =	vor.u32 s11, v1;
	_ =	sdelay $0x3  }
0x16d: {  	[tilespmem:v40+s16+$0x0] =	vst.idx.msk $0xffff, v4  }
0x16e: {  	v4 =	vld.idx.msk [tilespmem:v5+s13+$0x0], $0xffff  }
0x16f: {  	v5 =	vor.u32 s11, v2;
	_ =	sdelay $0x3  }
0x170: {  	[tilespmem:v41+s16+$0x0] =	vst.idx.msk $0xffff, v4  }
0x171: {  	v4 =	vld.idx.msk [tilespmem:v5+s13+$0x0], $0xffff  }
0x172: {  	v5 =	vor.u32 s11, v3;
	_ =	sdelay $0x1  }
0x173: {  	s5 =	sshra.s32 s20, $0x1F  }
0x174: {  	s2 =	sshrl.u32 s5, $0x19  }
0x175: {  	s2 =	sadd.s32 s2, s20;
	[tilespmem:v42+s16+$0x0] =	vst.idx.msk $0xffff, v4  }
0x176: {  	s6 =	sand.u32 $0xFFFFFF80, s2;
	v4 =	vld.idx.msk [tilespmem:v5+s13+$0x0], $0xffff  }
0x177: {  	p1 =	slt.s32 s20, $0x1;
	p2 =	sne.s32 s20, s6  }
0x178: {  	p0 =	por !p1, !p2  }
0x179: {  	s5 =	simm.s32 $0x1;
	p0 =	por !p0, !p0  }
0x17a: {  	s1 =	sand.u32 $0x7F, s1;
	s2 =	sshrl.u32 s2, $0x7;
	s5 =	simm.s32 @!p0 $0x0  }
0x17b: {  	s2 =	ssub.s32 s2, s5;
	s11 =	simm.s32 $0xC;
	[tilespmem:v43+s16+$0x0] =	vst.idx.msk $0xffff, v4;
	v4 =	vor.u32 s1, v0  }
0x17c: {  	s2 =	sshll.u32 s2, $0x7;
	_ =	swait.ge [sflag:s11], $0x2000  }
0x17d: {  	s2 =	sand.u32 $0x1FFFFF80, s2;
	[sflag:s11] =	ssyncset.done $0x0  }
0x17e: {  	s9 =	simm.s32 $0xA080;
	s2 =	sadd.s32 s0, s2;
	[sflag:s11] =	ssyncadd.s32 $0xFFFFE000  }
0x17f: {  	[tilespmem:s9], [sflag:$0x6] =	stream.strided.gather [hbm4b:s2+s7], $0x2000, s8, s7, $0x38;
	[tilespmem:$0x1A080] =	vst v63  }
0x180: {  	v4 =	vld.idx.msk [tilespmem:v4+s12+$0x0], $0xffff  }
0x181: {  	v5 =	vor.u32 s1, v1;
	_ =	sdelay $0x3  }
0x182: {  	[tilespmem:v44+s16+$0x0] =	vst.idx.msk $0xffff, v4  }
0x183: {  	v4 =	vld.idx.msk [tilespmem:v5+s12+$0x0], $0xffff  }
0x184: {  	v5 =	vor.u32 s1, v2;
	_ =	sdelay $0x3  }
0x185: {  	[tilespmem:v45+s16+$0x0] =	vst.idx.msk $0xffff, v4  }
0x186: {  	v4 =	vld.idx.msk [tilespmem:v5+s12+$0x0], $0xffff  }
0x187: {  	v5 =	vor.u32 s1, v3;
	_ =	sdelay $0x1  }
0x188: {  	s5 =	sshra.s32 s29, $0x1F  }
0x189: {  	s1 =	sshrl.u32 s5, $0x19  }
0x18a: {  	s1 =	sadd.s32 s1, s29;
	[tilespmem:v46+s16+$0x0] =	vst.idx.msk $0xffff, v4  }
0x18b: {  	s6 =	sand.u32 $0xFFFFFF80, s1;
	v4 =	vld.idx.msk [tilespmem:v5+s12+$0x0], $0xffff  }
0x18c: {  	p3 =	slt.s32 s29, $0x1;
	p4 =	sne.s32 s29, s6  }
0x18d: {  	p0 =	por !p3, !p4  }
0x18e: {  	s2 =	simm.s32 $0x1;
	p0 =	por !p0, !p0  }
0x18f: {  	s3 =	sand.u32 $0x7F, s3;
	s1 =	sshrl.u32 s1, $0x7;
	s2 =	simm.s32 @!p0 $0x0  }
0x190: {  	s9 =	simm.s32 $0x1;
	s1 =	ssub.s32 s1, s2;
	[tilespmem:v47+s16+$0x0] =	vst.idx.msk $0xffff, v4;
	v4 =	vor.u32 s3, v0  }
0x191: {  	s1 =	sshll.u32 s1, $0x7;
	_ =	swait.ge [sflag:s9], $0x2000  }
0x192: {  	s1 =	sand.u32 $0x1FFFFF80, s1;
	[sflag:s9] =	ssyncset.done $0x0  }
0x193: {  	s1 =	sadd.s32 s0, s1;
	[sflag:s9] =	ssyncadd.s32 $0xFFFFE000  }
0x194: {  	[tilespmem:s28], [sflag:$0x7] =	stream.strided.gather [hbm4b:s1+s7], $0x2000, s8, s7, $0x38;
	[tilespmem:$0x1A080] =	vst v63  }
0x195: {  	v4 =	vld.idx.msk [tilespmem:v4+s17+$0x0], $0xffff  }
0x196: {  	v5 =	vor.u32 s3, v1;
	_ =	sdelay $0x3  }
0x197: {  	[tilespmem:v48+s16+$0x0] =	vst.idx.msk $0xffff, v4  }
0x198: {  	v4 =	vld.idx.msk [tilespmem:v5+s17+$0x0], $0xffff  }
0x199: {  	v5 =	vor.u32 s3, v2;
	_ =	sdelay $0x3  }
0x19a: {  	[tilespmem:v49+s16+$0x0] =	vst.idx.msk $0xffff, v4  }
0x19b: {  	v4 =	vld.idx.msk [tilespmem:v5+s17+$0x0], $0xffff  }
0x19c: {  	v5 =	vor.u32 s3, v3  }
0x19d: {  	s9 =	rddreg [dreg:$0x13]  }
0x19e: {  	s2 =	sshra.s32 s9, $0x1F  }
0x19f: {  	s1 =	sshrl.u32 s2, $0x19  }
0x1a0: {  	s1 =	sadd.s32 s1, s9;
	[tilespmem:v50+s16+$0x0] =	vst.idx.msk $0xffff, v4  }
0x1a1: {  	s3 =	sand.u32 $0xFFFFFF80, s1;
	v4 =	vld.idx.msk [tilespmem:v5+s17+$0x0], $0xffff  }
0x1a2: {  	p5 =	slt.s32 s9, $0x1;
	p6 =	sne.s32 s9, s3  }
0x1a3: {  	p0 =	por !p5, !p6  }
0x1a4: {  	s2 =	simm.s32 $0x1;
	p0 =	por !p0, !p0  }
0x1a5: {  	s5 =	sand.u32 $0x7F, s4;
	s1 =	sshrl.u32 s1, $0x7;
	s2 =	simm.s32 @!p0 $0x0  }
0x1a6: {  	s6 =	simm.s32 $0x2;
	s1 =	ssub.s32 s1, s2;
	[tilespmem:v51+s16+$0x0] =	vst.idx.msk $0xffff, v4;
	v4 =	vor.u32 s5, v0  }
0x1a7: {  	s1 =	sshll.u32 s1, $0x7;
	_ =	swait.ge [sflag:s6], $0x2000  }
0x1a8: {  	s1 =	sand.u32 $0x1FFFFF80, s1;
	[sflag:s6] =	ssyncset.done $0x0  }
0x1a9: {  	s1 =	sadd.s32 s0, s1;
	[sflag:s6] =	ssyncadd.s32 $0xFFFFE000  }
0x1aa: {  	[tilespmem:s18], [sflag:$0x8] =	stream.strided.gather [hbm4b:s1+s7], $0x2000, s8, s7, $0x38;
	[tilespmem:$0x1A080] =	vst v63  }
0x1ab: {  	v4 =	vld.idx.msk [tilespmem:v4+s19+$0x0], $0xffff  }
0x1ac: {  	v5 =	vor.u32 s5, v1;
	_ =	sdelay $0x3  }
0x1ad: {  	[tilespmem:v52+s16+$0x0] =	vst.idx.msk $0xffff, v4  }
0x1ae: {  	v4 =	vld.idx.msk [tilespmem:v5+s19+$0x0], $0xffff  }
0x1af: {  	v5 =	vor.u32 s5, v2;
	_ =	sdelay $0x3  }
0x1b0: {  	[tilespmem:v53+s16+$0x0] =	vst.idx.msk $0xffff, v4  }
0x1b1: {  	v4 =	vld.idx.msk [tilespmem:v5+s19+$0x0], $0xffff  }
0x1b2: {  	v5 =	vor.u32 s5, v3  }
0x1b3: {  	s5 =	rddreg [dreg:$0x12]  }
0x1b4: {  	s3 =	sshra.s32 s5, $0x1F  }
0x1b5: {  	s1 =	sshrl.u32 s3, $0x19  }
0x1b6: {  	s1 =	sadd.s32 s1, s5;
	[tilespmem:v54+s16+$0x0] =	vst.idx.msk $0xffff, v4  }
0x1b7: {  	s4 =	sand.u32 $0xFFFFFF80, s1;
	v4 =	vld.idx.msk [tilespmem:v5+s19+$0x0], $0xffff  }
0x1b8: {  	p1 =	slt.s32 s5, $0x1;
	p2 =	sne.s32 s5, s4  }
0x1b9: {  	p0 =	por !p1, !p2  }
0x1ba: {  	s2 =	simm.s32 $0x1;
	p0 =	por !p0, !p0  }
0x1bb: {  	s6 =	sand.u32 $0x7F, s26;
	s1 =	sshrl.u32 s1, $0x7;
	s2 =	simm.s32 @!p0 $0x0  }
0x1bc: {  	s26 =	simm.s32 $0x3;
	s1 =	ssub.s32 s1, s2;
	[tilespmem:v55+s16+$0x0] =	vst.idx.msk $0xffff, v4;
	v4 =	vor.u32 s6, v0  }
0x1bd: {  	s1 =	sshll.u32 s1, $0x7;
	_ =	swait.ge [sflag:s26], $0x2000  }
0x1be: {  	s1 =	sand.u32 $0x1FFFFF80, s1;
	[sflag:s26] =	ssyncset.done $0x0  }
0x1bf: {  	s1 =	sadd.s32 s0, s1;
	[sflag:s26] =	ssyncadd.s32 $0xFFFFE000  }
0x1c0: {  	[tilespmem:s15], [sflag:$0x9] =	stream.strided.gather [hbm4b:s1+s7], $0x2000, s8, s7, $0x38;
	[tilespmem:$0x1A080] =	vst v63  }
0x1c1: {  	v4 =	vld.idx.msk [tilespmem:v4+s21+$0x0], $0xffff  }
0x1c2: {  	v5 =	vor.u32 s6, v1;
	_ =	sdelay $0x3  }
0x1c3: {  	[tilespmem:v56+s16+$0x0] =	vst.idx.msk $0xffff, v4  }
0x1c4: {  	v4 =	vld.idx.msk [tilespmem:v5+s21+$0x0], $0xffff  }
0x1c5: {  	v5 =	vor.u32 s6, v2;
	_ =	sdelay $0x3  }
0x1c6: {  	[tilespmem:v57+s16+$0x0] =	vst.idx.msk $0xffff, v4  }
0x1c7: {  	v4 =	vld.idx.msk [tilespmem:v5+s21+$0x0], $0xffff  }
0x1c8: {  	v5 =	vor.u32 s6, v3  }
0x1c9: {  	s26 =	rddreg [dreg:$0x11]  }
0x1ca: {  	s3 =	sshra.s32 s26, $0x1F  }
0x1cb: {  	s1 =	sshrl.u32 s3, $0x19  }
0x1cc: {  	s1 =	sadd.s32 s1, s26;
	[tilespmem:v58+s16+$0x0] =	vst.idx.msk $0xffff, v4  }
0x1cd: {  	s4 =	sand.u32 $0xFFFFFF80, s1;
	v4 =	vld.idx.msk [tilespmem:v5+s21+$0x0], $0xffff  }
0x1ce: {  	p3 =	slt.s32 s26, $0x1;
	p4 =	sne.s32 s26, s4  }
0x1cf: {  	p0 =	por !p3, !p4  }
0x1d0: {  	s2 =	simm.s32 $0x1;
	p0 =	por !p0, !p0  }
0x1d1: {  	s1 =	sshrl.u32 s1, $0x7;
	s2 =	simm.s32 @!p0 $0x0;
	s6 =	sand.u32 $0x7F, s24  }
0x1d2: {  	s1 =	ssub.s32 s1, s2;
	s24 =	simm.s32 $0x4;
	[tilespmem:v59+s16+$0x0] =	vst.idx.msk $0xffff, v4;
	v4 =	vor.u32 s6, v0  }
0x1d3: {  	s1 =	sshll.u32 s1, $0x7;
	_ =	swait.ge [sflag:s24], $0x2000  }
0x1d4: {  	s1 =	sand.u32 $0x1FFFFF80, s1;
	[sflag:s24] =	ssyncset.done $0x0  }
0x1d5: {  	s1 =	sadd.s32 s0, s1;
	[sflag:s24] =	ssyncadd.s32 $0xFFFFE000  }
0x1d6: {  	[tilespmem:s14], [sflag:$0xA] =	stream.strided.gather [hbm4b:s1+s7], $0x2000, s8, s7, $0x38;
	[tilespmem:$0x1A080] =	vst v63  }
0x1d7: {  	v4 =	vld.idx.msk [tilespmem:v4+s23+$0x0], $0xffff  }
0x1d8: {  	v5 =	vor.u32 s6, v1;
	_ =	sdelay $0x3  }
0x1d9: {  	[tilespmem:v60+s16+$0x0] =	vst.idx.msk $0xffff, v4  }
0x1da: {  	v4 =	vld.idx.msk [tilespmem:v5+s23+$0x0], $0xffff  }
0x1db: {  	v5 =	vor.u32 s6, v2;
	_ =	sdelay $0x3  }
0x1dc: {  	[tilespmem:v61+s16+$0x0] =	vst.idx.msk $0xffff, v4  }
0x1dd: {  	v4 =	vld.idx.msk [tilespmem:v5+s23+$0x0], $0xffff  }
0x1de: {  	v5 =	vor.u32 s6, v3  }
0x1df: {  	s6 =	rddreg [dreg:$0x10]  }
0x1e0: {  	s3 =	sshra.s32 s6, $0x1F  }
0x1e1: {  	s1 =	sshrl.u32 s3, $0x19  }
0x1e2: {  	s1 =	sadd.s32 s1, s6;
	[tilespmem:v62+s16+$0x0] =	vst.idx.msk $0xffff, v4  }
0x1e3: {  	s4 =	sand.u32 $0xFFFFFF80, s1;
	v4 =	vld.idx.msk [tilespmem:v5+s23+$0x0], $0xffff  }
0x1e4: {  	p5 =	slt.s32 s6, $0x1;
	p6 =	sne.s32 s6, s4  }
0x1e5: {  	p0 =	por !p5, !p6  }
0x1e6: {  	s2 =	simm.s32 $0x1;
	p0 =	por !p0, !p0  }
0x1e7: {  	s22 =	sand.u32 $0x7F, s22;
	s1 =	sshrl.u32 s1, $0x7;
	s2 =	simm.s32 @!p0 $0x0  }
0x1e8: {  	s24 =	simm.s32 $0x5;
	s1 =	ssub.s32 s1, s2;
	[tilespmem:v63+s16+$0x0] =	vst.idx.msk $0xffff, v4;
	v4 =	vor.u32 s22, v0  }
0x1e9: {  	s1 =	sshll.u32 s1, $0x7;
	_ =	swait.ge [sflag:s24], $0x2000  }
0x1ea: {  	s1 =	sand.u32 $0x1FFFFF80, s1;
	[sflag:s24] =	ssyncset.done $0x0  }
0x1eb: {  	s1 =	sadd.s32 s0, s1;
	[sflag:s24] =	ssyncadd.s32 $0xFFFFE000  }
0x1ec: {  	[tilespmem:s13], [sflag:$0xB] =	stream.strided.gather [hbm4b:s1+s7], $0x2000, s8, s7, $0x38;
	[tilespmem:$0x1A080] =	vst v63  }
0x1ed: {  	v5 =	vor.u32 $0x10, v0;
	v4 =	vld.idx.msk [tilespmem:v4+s25+$0x0], $0xffff  }
0x1ee: {  	v6 =	vor.u32 s22, v1;
	_ =	sdelay $0x3  }
0x1ef: {  	[tilespmem:v5+s16+$0x0] =	vst.idx.msk $0xffff, v4  }
0x1f0: {  	v5 =	vor.u32 $0x810, v0;
	v4 =	vld.idx.msk [tilespmem:v6+s25+$0x0], $0xffff  }
0x1f1: {  	v6 =	vor.u32 s22, v2;
	_ =	sdelay $0x3  }
0x1f2: {  	[tilespmem:v5+s16+$0x0] =	vst.idx.msk $0xffff, v4  }
0x1f3: {  	v5 =	vor.u32 $0x1010, v0;
	v4 =	vld.idx.msk [tilespmem:v6+s25+$0x0], $0xffff  }
0x1f4: {  	v6 =	vor.u32 s22, v3  }
0x1f5: {  	s24 =	rddreg [dreg:$0xf]  }
0x1f6: {  	s2 =	sshra.s32 s24, $0x1F  }
0x1f7: {  	s1 =	sshrl.u32 s2, $0x19  }
0x1f8: {  	s1 =	sadd.s32 s1, s24;
	[tilespmem:v5+s16+$0x0] =	vst.idx.msk $0xffff, v4  }
0x1f9: {  	s3 =	sand.u32 $0xFFFFFF80, s1;
	v5 =	vor.u32 $0x1810, v0;
	v4 =	vld.idx.msk [tilespmem:v6+s25+$0x0], $0xffff  }
0x1fa: {  	p1 =	slt.s32 s24, $0x1;
	p2 =	sne.s32 s24, s3  }
0x1fb: {  	p0 =	por !p1, !p2  }
0x1fc: {  	s2 =	simm.s32 $0x1;
	p0 =	por !p0, !p0  }
0x1fd: {  	s4 =	sand.u32 $0x7F, s20;
	s1 =	sshrl.u32 s1, $0x7;
	s2 =	simm.s32 @!p0 $0x0  }
0x1fe: {  	s20 =	simm.s32 $0x6;
	s1 =	ssub.s32 s1, s2;
	[tilespmem:v5+s16+$0x0] =	vst.idx.msk $0xffff, v4;
	v4 =	vor.u32 s4, v0  }
0x1ff: {  	s1 =	sshll.u32 s1, $0x7;
	_ =	swait.ge [sflag:s20], $0x2000  }
0x200: {  	s1 =	sand.u32 $0x1FFFFF80, s1;
	[sflag:s20] =	ssyncset.done $0x0  }
0x201: {  	s1 =	sadd.s32 s0, s1;
	s22 =	simm.s32 $0xA080;
	[sflag:s20] =	ssyncadd.s32 $0xFFFFE000  }
0x202: {  	[tilespmem:s12], [sflag:$0xC] =	stream.strided.gather [hbm4b:s1+s7], $0x2000, s8, s7, $0x38;
	[tilespmem:$0x1A080] =	vst v63  }
0x203: {  	v5 =	vor.u32 $0x11, v0;
	v4 =	vld.idx.msk [tilespmem:v4+s22+$0x0], $0xffff  }
0x204: {  	v6 =	vor.u32 s4, v1;
	_ =	sdelay $0x3  }
0x205: {  	[tilespmem:v5+s16+$0x0] =	vst.idx.msk $0xffff, v4  }
0x206: {  	v5 =	vor.u32 $0x811, v0;
	v4 =	vld.idx.msk [tilespmem:v6+s22+$0x0], $0xffff  }
0x207: {  	v6 =	vor.u32 s4, v2;
	_ =	sdelay $0x3  }
0x208: {  	[tilespmem:v5+s16+$0x0] =	vst.idx.msk $0xffff, v4  }
0x209: {  	v5 =	vor.u32 $0x1011, v0;
	v4 =	vld.idx.msk [tilespmem:v6+s22+$0x0], $0xffff  }
0x20a: {  	v6 =	vor.u32 s4, v3  }
0x20b: {  	s4 =	rddreg [dreg:$0xe]  }
0x20c: {  	s3 =	sshra.s32 s4, $0x1F  }
0x20d: {  	s1 =	sshrl.u32 s3, $0x19  }
0x20e: {  	s1 =	sadd.s32 s1, s4;
	[tilespmem:v5+s16+$0x0] =	vst.idx.msk $0xffff, v4  }
0x20f: {  	s20 =	sand.u32 $0xFFFFFF80, s1;
	v5 =	vor.u32 $0x1811, v0;
	v4 =	vld.idx.msk [tilespmem:v6+s22+$0x0], $0xffff  }
0x210: {  	p3 =	slt.s32 s4, $0x1;
	p4 =	sne.s32 s4, s20  }
0x211: {  	p0 =	por !p3, !p4  }
0x212: {  	s2 =	simm.s32 $0x1;
	p0 =	por !p0, !p0  }
0x213: {  	s1 =	sshrl.u32 s1, $0x7;
	s22 =	sand.u32 $0x7F, s29;
	s2 =	simm.s32 @!p0 $0x0  }
0x214: {  	s29 =	simm.s32 $0x7;
	s1 =	ssub.s32 s1, s2;
	[tilespmem:v5+s16+$0x0] =	vst.idx.msk $0xffff, v4;
	v4 =	vor.u32 s22, v0  }
0x215: {  	s1 =	sshll.u32 s1, $0x7;
	_ =	swait.ge [sflag:s29], $0x2000  }
0x216: {  	s1 =	sand.u32 $0x1FFFFF80, s1;
	[sflag:s29] =	ssyncset.done $0x0  }
0x217: {  	s1 =	sadd.s32 s0, s1;
	[sflag:s29] =	ssyncadd.s32 $0xFFFFE000  }
0x218: {  	[tilespmem:s17], [sflag:$0x1] =	stream.strided.gather [hbm4b:s1+s7], $0x2000, s8, s7, $0x38;
	[tilespmem:$0x1A080] =	vst v63  }
0x219: {  	v5 =	vor.u32 $0x12, v0;
	v4 =	vld.idx.msk [tilespmem:v4+s28+$0x0], $0xffff  }
0x21a: {  	v6 =	vor.u32 s22, v1;
	_ =	sdelay $0x3  }
0x21b: {  	[tilespmem:v5+s16+$0x0] =	vst.idx.msk $0xffff, v4  }
0x21c: {  	v5 =	vor.u32 $0x812, v0;
	v4 =	vld.idx.msk [tilespmem:v6+s28+$0x0], $0xffff  }
0x21d: {  	v6 =	vor.u32 s22, v2;
	_ =	sdelay $0x3  }
0x21e: {  	[tilespmem:v5+s16+$0x0] =	vst.idx.msk $0xffff, v4  }
0x21f: {  	v5 =	vor.u32 $0x1012, v0;
	v4 =	vld.idx.msk [tilespmem:v6+s28+$0x0], $0xffff  }
0x220: {  	v6 =	vor.u32 s22, v3  }
0x221: {  	s22 =	rddreg [dreg:$0xd]  }
0x222: {  	s2 =	sshra.s32 s22, $0x1F  }
0x223: {  	s1 =	sshrl.u32 s2, $0x19  }
0x224: {  	s1 =	sadd.s32 s1, s22;
	[tilespmem:v5+s16+$0x0] =	vst.idx.msk $0xffff, v4  }
0x225: {  	s3 =	sand.u32 $0xFFFFFF80, s1;
	v5 =	vor.u32 $0x1812, v0;
	v4 =	vld.idx.msk [tilespmem:v6+s28+$0x0], $0xffff  }
0x226: {  	p5 =	slt.s32 s22, $0x1;
	p6 =	sne.s32 s22, s3  }
0x227: {  	p0 =	por !p5, !p6  }
0x228: {  	s2 =	simm.s32 $0x1;
	p0 =	por !p0, !p0  }
0x229: {  	s1 =	sshrl.u32 s1, $0x7;
	s3 =	sand.u32 $0x7F, s9;
	s2 =	simm.s32 @!p0 $0x0  }
0x22a: {  	s20 =	simm.s32 $0x8;
	s1 =	ssub.s32 s1, s2;
	[tilespmem:v5+s16+$0x0] =	vst.idx.msk $0xffff, v4;
	v4 =	vor.u32 s3, v0  }
0x22b: {  	s1 =	sshll.u32 s1, $0x7;
	_ =	swait.ge [sflag:s20], $0x2000  }
0x22c: {  	s1 =	sand.u32 $0x1FFFFF80, s1;
	[sflag:s20] =	ssyncset.done $0x0  }
0x22d: {  	s1 =	sadd.s32 s0, s1;
	[sflag:s20] =	ssyncadd.s32 $0xFFFFE000  }
0x22e: {  	[tilespmem:s19], [sflag:$0x2] =	stream.strided.gather [hbm4b:s1+s7], $0x2000, s8, s7, $0x38;
	[tilespmem:$0x1A080] =	vst v63  }
0x22f: {  	v5 =	vor.u32 $0x13, v0;
	v4 =	vld.idx.msk [tilespmem:v4+s18+$0x0], $0xffff  }
0x230: {  	v6 =	vor.u32 s3, v1;
	_ =	sdelay $0x3  }
0x231: {  	[tilespmem:v5+s16+$0x0] =	vst.idx.msk $0xffff, v4  }
0x232: {  	v5 =	vor.u32 $0x813, v0;
	v4 =	vld.idx.msk [tilespmem:v6+s18+$0x0], $0xffff  }
0x233: {  	v6 =	vor.u32 s3, v2;
	_ =	sdelay $0x3  }
0x234: {  	[tilespmem:v5+s16+$0x0] =	vst.idx.msk $0xffff, v4  }
0x235: {  	v5 =	vor.u32 $0x1013, v0;
	v4 =	vld.idx.msk [tilespmem:v6+s18+$0x0], $0xffff  }
0x236: {  	v6 =	vor.u32 s3, v3  }
0x237: {  	s20 =	rddreg [dreg:$0xc]  }
0x238: {  	s2 =	sshra.s32 s20, $0x1F  }
0x239: {  	s1 =	sshrl.u32 s2, $0x19  }
0x23a: {  	s1 =	sadd.s32 s1, s20;
	[tilespmem:v5+s16+$0x0] =	vst.idx.msk $0xffff, v4  }
0x23b: {  	s3 =	sand.u32 $0xFFFFFF80, s1;
	v5 =	vor.u32 $0x1813, v0;
	v4 =	vld.idx.msk [tilespmem:v6+s18+$0x0], $0xffff  }
0x23c: {  	p1 =	slt.s32 s20, $0x1;
	p2 =	sne.s32 s20, s3  }
0x23d: {  	p0 =	por !p1, !p2  }
0x23e: {  	s2 =	simm.s32 $0x1;
	p0 =	por !p0, !p0  }
0x23f: {  	s5 =	sand.u32 $0x7F, s5;
	s1 =	sshrl.u32 s1, $0x7;
	s2 =	simm.s32 @!p0 $0x0  }
0x240: {  	s1 =	ssub.s32 s1, s2;
	[tilespmem:v5+s16+$0x0] =	vst.idx.msk $0xffff, v4;
	v4 =	vor.u32 s5, v0  }
0x241: {  	s1 =	sshll.u32 s1, $0x7;
	_ =	swait.ge [sflag:s31], $0x2000  }
0x242: {  	s1 =	sand.u32 $0x1FFFFF80, s1;
	[sflag:s31] =	ssyncset.done $0x0  }
0x243: {  	s1 =	sadd.s32 s0, s1;
	[sflag:s31] =	ssyncadd.s32 $0xFFFFE000  }
0x244: {  	[tilespmem:s21], [sflag:$0x3] =	stream.strided.gather [hbm4b:s1+s7], $0x2000, s8, s7, $0x38;
	[tilespmem:$0x1A080] =	vst v63  }
0x245: {  	v5 =	vor.u32 $0x14, v0;
	v4 =	vld.idx.msk [tilespmem:v4+s15+$0x0], $0xffff  }
0x246: {  	v6 =	vor.u32 s5, v1;
	_ =	sdelay $0x3  }
0x247: {  	[tilespmem:v5+s16+$0x0] =	vst.idx.msk $0xffff, v4  }
0x248: {  	v5 =	vor.u32 $0x814, v0;
	v4 =	vld.idx.msk [tilespmem:v6+s15+$0x0], $0xffff  }
0x249: {  	v6 =	vor.u32 s5, v2;
	_ =	sdelay $0x3  }
0x24a: {  	[tilespmem:v5+s16+$0x0] =	vst.idx.msk $0xffff, v4  }
0x24b: {  	v5 =	vor.u32 $0x1014, v0;
	v4 =	vld.idx.msk [tilespmem:v6+s15+$0x0], $0xffff  }
0x24c: {  	v6 =	vor.u32 s5, v3  }
0x24d: {  	s31 =	rddreg [dreg:$0xb]  }
0x24e: {  	s5 =	sshra.s32 s31, $0x1F  }
0x24f: {  	s1 =	sshrl.u32 s5, $0x19  }
0x250: {  	s1 =	sadd.s32 s1, s31;
	[tilespmem:v5+s16+$0x0] =	vst.idx.msk $0xffff, v4  }
0x251: {  	v5 =	vor.u32 $0x1814, v0;
	v4 =	vld.idx.msk [tilespmem:v6+s15+$0x0], $0xffff;
	s15 =	sand.u32 $0xFFFFFF80, s1  }
0x252: {  	p3 =	slt.s32 s31, $0x1;
	p4 =	sne.s32 s31, s15  }
0x253: {  	p0 =	por !p3, !p4  }
0x254: {  	s2 =	simm.s32 $0x1;
	p0 =	por !p0, !p0  }
0x255: {  	s26 =	sand.u32 $0x7F, s26;
	s1 =	sshrl.u32 s1, $0x7;
	s2 =	simm.s32 @!p0 $0x0  }
0x256: {  	s1 =	ssub.s32 s1, s2;
	[tilespmem:v5+s16+$0x0] =	vst.idx.msk $0xffff, v4;
	v4 =	vor.u32 s26, v0  }
0x257: {  	_ =	swait.ge [sflag:s30], $0x2000;
	s1 =	sshll.u32 s1, $0x7  }
0x258: {  	[sflag:s30] =	ssyncset.done $0x0;
	s1 =	sand.u32 $0x1FFFFF80, s1  }
0x259: {  	[sflag:s30] =	ssyncadd.s32 $0xFFFFE000;
	s1 =	sadd.s32 s0, s1  }
0x25a: {  	[tilespmem:s23], [sflag:$0x4] =	stream.strided.gather [hbm4b:s1+s7], $0x2000, s8, s7, $0x38;
	[tilespmem:$0x1A080] =	vst v63  }
0x25b: {  	v5 =	vor.u32 $0x15, v0;
	v4 =	vld.idx.msk [tilespmem:v4+s14+$0x0], $0xffff  }
0x25c: {  	v6 =	vor.u32 s26, v1;
	_ =	sdelay $0x3  }
0x25d: {  	[tilespmem:v5+s16+$0x0] =	vst.idx.msk $0xffff, v4  }
0x25e: {  	v5 =	vor.u32 $0x815, v0;
	v4 =	vld.idx.msk [tilespmem:v6+s14+$0x0], $0xffff  }
0x25f: {  	v6 =	vor.u32 s26, v2;
	_ =	sdelay $0x3  }
0x260: {  	[tilespmem:v5+s16+$0x0] =	vst.idx.msk $0xffff, v4  }
0x261: {  	v5 =	vor.u32 $0x1015, v0;
	v4 =	vld.idx.msk [tilespmem:v6+s14+$0x0], $0xffff  }
0x262: {  	v6 =	vor.u32 s26, v3  }
0x263: {  	s15 =	smov.u32 s31;
	s31 =	rddreg [dreg:$0xa]  }
0x264: {  	s2 =	sshra.s32 s31, $0x1F  }
0x265: {  	s1 =	sshrl.u32 s2, $0x19  }
0x266: {  	s1 =	sadd.s32 s1, s31;
	[tilespmem:v5+s16+$0x0] =	vst.idx.msk $0xffff, v4  }
0x267: {  	s5 =	sand.u32 $0xFFFFFF80, s1;
	v5 =	vor.u32 $0x1815, v0;
	v4 =	vld.idx.msk [tilespmem:v6+s14+$0x0], $0xffff  }
0x268: {  	p5 =	slt.s32 s31, $0x1;
	p6 =	sne.s32 s31, s5  }
0x269: {  	p0 =	por !p5, !p6  }
0x26a: {  	s2 =	simm.s32 $0x1;
	p0 =	por !p0, !p0  }
0x26b: {  	s6 =	sand.u32 $0x7F, s6;
	s1 =	sshrl.u32 s1, $0x7;
	s2 =	simm.s32 @!p0 $0x0  }
0x26c: {  	s1 =	ssub.s32 s1, s2;
	[tilespmem:v5+s16+$0x0] =	vst.idx.msk $0xffff, v4;
	v4 =	vor.u32 s6, v0  }
0x26d: {  	s1 =	sshll.u32 s1, $0x7;
	_ =	swait.ge [sflag:s10], $0x2000  }
0x26e: {  	s1 =	sand.u32 $0x1FFFFF80, s1;
	[sflag:s10] =	ssyncset.done $0x0  }
0x26f: {  	s1 =	sadd.s32 s0, s1;
	[sflag:s10] =	ssyncadd.s32 $0xFFFFE000  }
0x270: {  	[tilespmem:s25], [sflag:$0x5] =	stream.strided.gather [hbm4b:s1+s7], $0x2000, s8, s7, $0x38;
	[tilespmem:$0x1A080] =	vst v63  }
0x271: {  	v5 =	vor.u32 $0x16, v0;
	v4 =	vld.idx.msk [tilespmem:v4+s13+$0x0], $0xffff  }
0x272: {  	v6 =	vor.u32 s6, v1;
	_ =	sdelay $0x3  }
0x273: {  	[tilespmem:v5+s16+$0x0] =	vst.idx.msk $0xffff, v4  }
0x274: {  	v5 =	vor.u32 $0x816, v0;
	v4 =	vld.idx.msk [tilespmem:v6+s13+$0x0], $0xffff  }
0x275: {  	v6 =	vor.u32 s6, v2;
	_ =	sdelay $0x3  }
0x276: {  	[tilespmem:v5+s16+$0x0] =	vst.idx.msk $0xffff, v4  }
0x277: {  	v5 =	vor.u32 $0x1016, v0;
	v4 =	vld.idx.msk [tilespmem:v6+s13+$0x0], $0xffff  }
0x278: {  	v6 =	vor.u32 s6, v3  }
0x279: {  	s6 =	rddreg [dreg:$0x9]  }
0x27a: {  	s10 =	sshra.s32 s6, $0x1F  }
0x27b: {  	s1 =	sshrl.u32 s10, $0x19  }
0x27c: {  	s1 =	sadd.s32 s1, s6;
	[tilespmem:v5+s16+$0x0] =	vst.idx.msk $0xffff, v4  }
0x27d: {  	s26 =	sand.u32 $0xFFFFFF80, s1;
	v5 =	vor.u32 $0x1816, v0;
	v4 =	vld.idx.msk [tilespmem:v6+s13+$0x0], $0xffff  }
0x27e: {  	p1 =	slt.s32 s6, $0x1;
	p2 =	sne.s32 s6, s26  }
0x27f: {  	p0 =	por !p1, !p2  }
0x280: {  	s2 =	simm.s32 $0x1;
	p0 =	por !p0, !p0  }
0x281: {  	s30 =	sand.u32 $0x7F, s24;
	s1 =	sshrl.u32 s1, $0x7;
	s2 =	simm.s32 @!p0 $0x0  }
0x282: {  	s1 =	ssub.s32 s1, s2;
	[tilespmem:v5+s16+$0x0] =	vst.idx.msk $0xffff, v4;
	v4 =	vor.u32 s30, v0  }
0x283: {  	s1 =	sshll.u32 s1, $0x7;
	_ =	swait.ge [sflag:s11], $0x2000  }
0x284: {  	s14 =	smov.u32 s31;
	s1 =	sand.u32 $0x1FFFFF80, s1;
	[sflag:s11] =	ssyncset.done $0x0  }
0x285: {  	s31 =	simm.s32 $0xA080;
	s1 =	sadd.s32 s0, s1;
	[sflag:s11] =	ssyncadd.s32 $0xFFFFE000  }
0x286: {  	[tilespmem:s31], [sflag:$0x6] =	stream.strided.gather [hbm4b:s1+s7], $0x2000, s8, s7, $0x38;
	[tilespmem:$0x1A080] =	vst v63  }
0x287: {  	v5 =	vor.u32 $0x17, v0;
	v4 =	vld.idx.msk [tilespmem:v4+s12+$0x0], $0xffff  }
0x288: {  	v6 =	vor.u32 s30, v1;
	_ =	sdelay $0x3  }
0x289: {  	[tilespmem:v5+s16+$0x0] =	vst.idx.msk $0xffff, v4  }
0x28a: {  	v5 =	vor.u32 $0x817, v0;
	v4 =	vld.idx.msk [tilespmem:v6+s12+$0x0], $0xffff  }
0x28b: {  	v6 =	vor.u32 s30, v2;
	_ =	sdelay $0x3  }
0x28c: {  	[tilespmem:v5+s16+$0x0] =	vst.idx.msk $0xffff, v4  }
0x28d: {  	v5 =	vor.u32 $0x1017, v0;
	v4 =	vld.idx.msk [tilespmem:v6+s12+$0x0], $0xffff  }
0x28e: {  	v6 =	vor.u32 s30, v3  }
0x28f: {  	s5 =	rddreg [dreg:$0x8]  }
0x290: {  	s2 =	sshra.s32 s5, $0x1F  }
0x291: {  	s1 =	sshrl.u32 s2, $0x19  }
0x292: {  	s1 =	sadd.s32 s1, s5;
	[tilespmem:v5+s16+$0x0] =	vst.idx.msk $0xffff, v4  }
0x293: {  	s3 =	sand.u32 $0xFFFFFF80, s1;
	v5 =	vor.u32 $0x1817, v0;
	v4 =	vld.idx.msk [tilespmem:v6+s12+$0x0], $0xffff  }
0x294: {  	p3 =	slt.s32 s5, $0x1;
	p4 =	sne.s32 s5, s3  }
0x295: {  	p0 =	por !p3, !p4  }
0x296: {  	s2 =	simm.s32 $0x1;
	p0 =	por !p0, !p0  }
0x297: {  	s10 =	sand.u32 $0x7F, s4;
	s1 =	sshrl.u32 s1, $0x7;
	s2 =	simm.s32 @!p0 $0x0  }
0x298: {  	s11 =	simm.s32 $0x1;
	s1 =	ssub.s32 s1, s2;
	[tilespmem:v5+s16+$0x0] =	vst.idx.msk $0xffff, v4;
	v4 =	vor.u32 s10, v0  }
0x299: {  	s1 =	sshll.u32 s1, $0x7;
	_ =	swait.ge [sflag:s11], $0x2000  }
0x29a: {  	s1 =	sand.u32 $0x1FFFFF80, s1;
	s12 =	simm.s32 $0x1;
	[sflag:s11] =	ssyncset.done $0x0  }
0x29b: {  	s1 =	sadd.s32 s0, s1;
	[sflag:s12] =	ssyncadd.s32 $0xFFFFE000  }
0x29c: {  	[tilespmem:s28], [sflag:$0x7] =	stream.strided.gather [hbm4b:s1+s7], $0x2000, s8, s7, $0x38;
	[tilespmem:$0x1A080] =	vst v63  }
0x29d: {  	v5 =	vor.u32 $0x18, v0;
	v4 =	vld.idx.msk [tilespmem:v4+s17+$0x0], $0xffff  }
0x29e: {  	v6 =	vor.u32 s10, v1;
	_ =	sdelay $0x3  }
0x29f: {  	[tilespmem:v5+s16+$0x0] =	vst.idx.msk $0xffff, v4  }
0x2a0: {  	v5 =	vor.u32 $0x818, v0;
	v4 =	vld.idx.msk [tilespmem:v6+s17+$0x0], $0xffff  }
0x2a1: {  	v6 =	vor.u32 s10, v2;
	_ =	sdelay $0x3  }
0x2a2: {  	[tilespmem:v5+s16+$0x0] =	vst.idx.msk $0xffff, v4  }
0x2a3: {  	v5 =	vor.u32 $0x1018, v0;
	v4 =	vld.idx.msk [tilespmem:v6+s17+$0x0], $0xffff  }
0x2a4: {  	v6 =	vor.u32 s10, v3  }
0x2a5: {  	s4 =	rddreg [dreg:$0x7]  }
0x2a6: {  	s13 =	sshra.s32 s4, $0x1F  }
0x2a7: {  	s1 =	sshrl.u32 s13, $0x19  }
0x2a8: {  	s1 =	sadd.s32 s1, s4;
	[tilespmem:v5+s16+$0x0] =	vst.idx.msk $0xffff, v4  }
0x2a9: {  	v5 =	vor.u32 $0x1818, v0;
	v4 =	vld.idx.msk [tilespmem:v6+s17+$0x0], $0xffff;
	s17 =	sand.u32 $0xFFFFFF80, s1  }
0x2aa: {  	p5 =	slt.s32 s4, $0x1;
	p6 =	sne.s32 s4, s17  }
0x2ab: {  	p0 =	por !p5, !p6  }
0x2ac: {  	s2 =	simm.s32 $0x1;
	p0 =	por !p0, !p0  }
0x2ad: {  	s22 =	sand.u32 $0x7F, s22;
	s1 =	sshrl.u32 s1, $0x7;
	s2 =	simm.s32 @!p0 $0x0  }
0x2ae: {  	s24 =	simm.s32 $0x2;
	s1 =	ssub.s32 s1, s2;
	[tilespmem:v5+s16+$0x0] =	vst.idx.msk $0xffff, v4;
	v4 =	vor.u32 s22, v0  }
0x2af: {  	_ =	swait.ge [sflag:s24], $0x2000;
	s1 =	sshll.u32 s1, $0x7  }
0x2b0: {  	s26 =	simm.s32 $0x2;
	[sflag:s24] =	ssyncset.done $0x0;
	s1 =	sand.u32 $0x1FFFFF80, s1  }
0x2b1: {  	[sflag:s26] =	ssyncadd.s32 $0xFFFFE000;
	s1 =	sadd.s32 s0, s1  }
0x2b2: {  	[tilespmem:s18], [sflag:$0x8] =	stream.strided.gather [hbm4b:s1+s7], $0x2000, s8, s7, $0x38;
	[tilespmem:$0x1A080] =	vst v63  }
0x2b3: {  	v5 =	vor.u32 $0x19, v0;
	v4 =	vld.idx.msk [tilespmem:v4+s19+$0x0], $0xffff  }
0x2b4: {  	v6 =	vor.u32 s22, v1;
	_ =	sdelay $0x3  }
0x2b5: {  	[tilespmem:v5+s16+$0x0] =	vst.idx.msk $0xffff, v4  }
0x2b6: {  	v5 =	vor.u32 $0x819, v0;
	v4 =	vld.idx.msk [tilespmem:v6+s19+$0x0], $0xffff  }
0x2b7: {  	v6 =	vor.u32 s22, v2;
	_ =	sdelay $0x3  }
0x2b8: {  	[tilespmem:v5+s16+$0x0] =	vst.idx.msk $0xffff, v4  }
0x2b9: {  	v5 =	vor.u32 $0x1019, v0;
	v4 =	vld.idx.msk [tilespmem:v6+s19+$0x0], $0xffff  }
0x2ba: {  	v6 =	vor.u32 s22, v3;
	_ =	sdelay $0x3  }
0x2bb: {  	[tilespmem:v5+s16+$0x0] =	vst.idx.msk $0xffff, v4  }
0x2bc: {  	v5 =	vor.u32 $0x1819, v0;
	v4 =	vld.idx.msk [tilespmem:v6+s19+$0x0], $0xffff;
	_ =	sdelay $0x2  }
0x2bd: {  	s30 =	sand.u32 $0x7F, s20  }
0x2be: {  	v6 =	vor.u32 s30, v0  }
0x2bf: {  	s31 =	simm.s32 $0x3;
	[tilespmem:v5+s16+$0x0] =	vst.idx.msk $0xffff, v4  }
0x2c0: {  	_ =	swait.ge [sflag:s31], $0x2000  }
0x2c1: {  	[sflag:s31] =	ssyncset.done $0x0  }
0x2c2: {  	[sflag:s31] =	ssyncadd.s32 $0xFFFFE000  }
0x2c3: {  	v5 =	vor.u32 $0x1A, v0;
	v4 =	vld.idx.msk [tilespmem:v6+s21+$0x0], $0xffff  }
0x2c4: {  	v6 =	vor.u32 s30, v1;
	_ =	sdelay $0x3  }
0x2c5: {  	[tilespmem:v5+s16+$0x0] =	vst.idx.msk $0xffff, v4  }
0x2c6: {  	v5 =	vor.u32 $0x81A, v0;
	v4 =	vld.idx.msk [tilespmem:v6+s21+$0x0], $0xffff  }
0x2c7: {  	v6 =	vor.u32 s30, v2;
	_ =	sdelay $0x3  }
0x2c8: {  	[tilespmem:v5+s16+$0x0] =	vst.idx.msk $0xffff, v4  }
0x2c9: {  	v5 =	vor.u32 $0x101A, v0;
	v4 =	vld.idx.msk [tilespmem:v6+s21+$0x0], $0xffff  }
0x2ca: {  	v6 =	vor.u32 s30, v3;
	_ =	sdelay $0x3  }
0x2cb: {  	[tilespmem:v5+s16+$0x0] =	vst.idx.msk $0xffff, v4  }
0x2cc: {  	v5 =	vor.u32 $0x181A, v0;
	v4 =	vld.idx.msk [tilespmem:v6+s21+$0x0], $0xffff;
	_ =	sdelay $0x2  }
0x2cd: {  	s3 =	sand.u32 $0x7F, s15  }
0x2ce: {  	v6 =	vor.u32 s3, v0  }
0x2cf: {  	s10 =	simm.s32 $0x4;
	[tilespmem:v5+s16+$0x0] =	vst.idx.msk $0xffff, v4  }
0x2d0: {  	_ =	swait.ge [sflag:s10], $0x2000  }
0x2d1: {  	[sflag:s10] =	ssyncset.done $0x0  }
0x2d2: {  	[sflag:s10] =	ssyncadd.s32 $0xFFFFE000  }
0x2d3: {  	v5 =	vor.u32 $0x1B, v0;
	v4 =	vld.idx.msk [tilespmem:v6+s23+$0x0], $0xffff  }
0x2d4: {  	v6 =	vor.u32 s3, v1;
	_ =	sdelay $0x3  }
0x2d5: {  	[tilespmem:v5+s16+$0x0] =	vst.idx.msk $0xffff, v4  }
0x2d6: {  	v5 =	vor.u32 $0x81B, v0;
	v4 =	vld.idx.msk [tilespmem:v6+s23+$0x0], $0xffff  }
0x2d7: {  	v6 =	vor.u32 s3, v2;
	_ =	sdelay $0x3  }
0x2d8: {  	[tilespmem:v5+s16+$0x0] =	vst.idx.msk $0xffff, v4  }
0x2d9: {  	v5 =	vor.u32 $0x101B, v0;
	v4 =	vld.idx.msk [tilespmem:v6+s23+$0x0], $0xffff  }
0x2da: {  	v6 =	vor.u32 s3, v3;
	_ =	sdelay $0x3  }
0x2db: {  	[tilespmem:v5+s16+$0x0] =	vst.idx.msk $0xffff, v4  }
0x2dc: {  	v5 =	vor.u32 $0x181B, v0;
	v4 =	vld.idx.msk [tilespmem:v6+s23+$0x0], $0xffff;
	_ =	sdelay $0x2  }
0x2dd: {  	s11 =	sand.u32 $0x7F, s14  }
0x2de: {  	v6 =	vor.u32 s11, v0  }
0x2df: {  	s12 =	simm.s32 $0x5;
	[tilespmem:v5+s16+$0x0] =	vst.idx.msk $0xffff, v4  }
0x2e0: {  	_ =	swait.ge [sflag:s12], $0x2000  }
0x2e1: {  	[sflag:s12] =	ssyncset.done $0x0  }
0x2e2: {  	[sflag:s12] =	ssyncadd.s32 $0xFFFFE000  }
0x2e3: {  	v5 =	vor.u32 $0x1C, v0;
	v4 =	vld.idx.msk [tilespmem:v6+s25+$0x0], $0xffff  }
0x2e4: {  	v6 =	vor.u32 s11, v1;
	_ =	sdelay $0x3  }
0x2e5: {  	[tilespmem:v5+s16+$0x0] =	vst.idx.msk $0xffff, v4  }
0x2e6: {  	v5 =	vor.u32 $0x81C, v0;
	v4 =	vld.idx.msk [tilespmem:v6+s25+$0x0], $0xffff  }
0x2e7: {  	v6 =	vor.u32 s11, v2;
	_ =	sdelay $0x3  }
0x2e8: {  	[tilespmem:v5+s16+$0x0] =	vst.idx.msk $0xffff, v4  }
0x2e9: {  	v5 =	vor.u32 $0x101C, v0;
	v4 =	vld.idx.msk [tilespmem:v6+s25+$0x0], $0xffff  }
0x2ea: {  	v6 =	vor.u32 s11, v3;
	_ =	sdelay $0x3  }
0x2eb: {  	[tilespmem:v5+s16+$0x0] =	vst.idx.msk $0xffff, v4  }
0x2ec: {  	v5 =	vor.u32 $0x181C, v0;
	v4 =	vld.idx.msk [tilespmem:v6+s25+$0x0], $0xffff;
	_ =	sdelay $0x2  }
0x2ed: {  	s13 =	sand.u32 $0x7F, s6  }
0x2ee: {  	v6 =	vor.u32 s13, v0  }
0x2ef: {  	s14 =	simm.s32 $0x6;
	[tilespmem:v5+s16+$0x0] =	vst.idx.msk $0xffff, v4  }
0x2f0: {  	_ =	swait.ge [sflag:s14], $0x2000  }
0x2f1: {  	[sflag:s14] =	ssyncset.done $0x0  }
0x2f2: {  	s15 =	simm.s32 $0xA080;
	[sflag:s14] =	ssyncadd.s32 $0xFFFFE000  }
0x2f3: {  	v5 =	vor.u32 $0x1D, v0;
	v4 =	vld.idx.msk [tilespmem:v6+s15+$0x0], $0xffff  }
0x2f4: {  	v6 =	vor.u32 s13, v1;
	_ =	sdelay $0x3  }
0x2f5: {  	[tilespmem:v5+s16+$0x0] =	vst.idx.msk $0xffff, v4  }
0x2f6: {  	v5 =	vor.u32 $0x81D, v0;
	v4 =	vld.idx.msk [tilespmem:v6+s15+$0x0], $0xffff  }
0x2f7: {  	v6 =	vor.u32 s13, v2;
	_ =	sdelay $0x3  }
0x2f8: {  	[tilespmem:v5+s16+$0x0] =	vst.idx.msk $0xffff, v4  }
0x2f9: {  	v5 =	vor.u32 $0x101D, v0;
	v4 =	vld.idx.msk [tilespmem:v6+s15+$0x0], $0xffff  }
0x2fa: {  	v6 =	vor.u32 s13, v3;
	_ =	sdelay $0x3  }
0x2fb: {  	s17 =	simm.s32 $0xA080;
	[tilespmem:v5+s16+$0x0] =	vst.idx.msk $0xffff, v4  }
0x2fc: {  	v5 =	vor.u32 $0x181D, v0;
	v4 =	vld.idx.msk [tilespmem:v6+s17+$0x0], $0xffff;
	_ =	sdelay $0x2  }
0x2fd: {  	s20 =	sand.u32 $0x7F, s5  }
0x2fe: {  	v6 =	vor.u32 s20, v0  }
0x2ff: {  	s29 =	simm.s32 $0x7;
	[tilespmem:v5+s16+$0x0] =	vst.idx.msk $0xffff, v4  }
0x300: {  	_ =	swait.ge [sflag:s29], $0x2000  }
0x301: {  	[sflag:s29] =	ssyncset.done $0x0  }
0x302: {  	[sflag:s29] =	ssyncadd.s32 $0xFFFFE000  }
0x303: {  	v5 =	vor.u32 $0x1E, v0;
	v4 =	vld.idx.msk [tilespmem:v6+s28+$0x0], $0xffff  }
0x304: {  	v6 =	vor.u32 s20, v1;
	_ =	sdelay $0x3  }
0x305: {  	[tilespmem:v5+s16+$0x0] =	vst.idx.msk $0xffff, v4  }
0x306: {  	v5 =	vor.u32 $0x81E, v0;
	v4 =	vld.idx.msk [tilespmem:v6+s28+$0x0], $0xffff  }
0x307: {  	v6 =	vor.u32 s20, v2;
	_ =	sdelay $0x3  }
0x308: {  	[tilespmem:v5+s16+$0x0] =	vst.idx.msk $0xffff, v4  }
0x309: {  	v5 =	vor.u32 $0x101E, v0;
	v4 =	vld.idx.msk [tilespmem:v6+s28+$0x0], $0xffff  }
0x30a: {  	v6 =	vor.u32 s20, v3;
	_ =	sdelay $0x3  }
0x30b: {  	[tilespmem:v5+s16+$0x0] =	vst.idx.msk $0xffff, v4  }
0x30c: {  	v5 =	vor.u32 $0x181E, v0;
	v4 =	vld.idx.msk [tilespmem:v6+s28+$0x0], $0xffff;
	_ =	sdelay $0x2  }
0x30d: {  	s22 =	sand.u32 $0x7F, s4  }
0x30e: {  	v6 =	vor.u32 s22, v0  }
0x30f: {  	s9 =	simm.s32 $0x8;
	[tilespmem:v5+s16+$0x0] =	vst.idx.msk $0xffff, v4  }
0x310: {  	_ =	swait.ge [sflag:s9], $0x2000  }
0x311: {  	[sflag:s9] =	ssyncset.done $0x0  }
0x312: {  	[sflag:s9] =	ssyncadd.s32 $0xFFFFE000  }
0x313: {  	v5 =	vor.u32 $0x1F, v0;
	v4 =	vld.idx.msk [tilespmem:v6+s18+$0x0], $0xffff  }
0x314: {  	v6 =	vor.u32 s22, v1;
	_ =	sdelay $0x3  }
0x315: {  	[tilespmem:v5+s16+$0x0] =	vst.idx.msk $0xffff, v4  }
0x316: {  	v5 =	vor.u32 $0x81F, v0;
	v4 =	vld.idx.msk [tilespmem:v6+s18+$0x0], $0xffff  }
0x317: {  	v6 =	vor.u32 s22, v2;
	_ =	sdelay $0x3  }
0x318: {  	[tilespmem:v5+s16+$0x0] =	vst.idx.msk $0xffff, v4  }
0x319: {  	v5 =	vor.u32 $0x101F, v0;
	v4 =	vld.idx.msk [tilespmem:v6+s18+$0x0], $0xffff  }
0x31a: {  	v6 =	vor.u32 s22, v3;
	_ =	sdelay $0x3  }
0x31b: {  	[tilespmem:v5+s16+$0x0] =	vst.idx.msk $0xffff, v4  }
0x31c: {  	v5 =	vor.u32 $0x181F, v0;
	v4 =	vld.idx.msk [tilespmem:v6+s18+$0x0], $0xffff;
	_ =	sdelay $0x2  }
0x31d: {  	s29 =	rddreg [dreg:$0x6]  }
0x31e: {  	s26 =	simm.s32 $0x0;
	p0 =	sne.s32 s29, $0x1  }
.Ltmp0:
0x31f: {  	s30 =	simm.s32 $0xD;
	s24 =	rddreg [dreg:$0x5];
	[tilespmem:v5+s16+$0x0] =	vst.idx.msk $0xffff, v4;
	(pc) =	sbr.rel @p0 .LBB2_1-.Ltmp0, $4  }
0x320: {  	[hbm4b:s24+s26] =	stream.linear.scatter [tilespmem:s16], [sflag:$0xD], $0x2000, $0x38;
	[tilespmem:$0x1A080] =	vst v63  }
0x321: {  	_ =	swait.ge [sflag:s30], $0x2000  }
0x322: {  	s31 =	simm.s32 $0xD;
	[sflag:s30] =	ssyncset.done $0x0  }
0x323: {  	s1 =	sadd.s32 $0xFFFFFFFF, s29;
	[sflag:s31] =	ssyncadd.s32 $0xFFFFE000  }
0x324: {  	_ =	sfence.sel $0x180000  }
0x325: {  	[bflag:$0x0] =	sbarrier.arrive $0xFFFF  }
0x326: {  	_ =	strace $0x90000047  }
0x327: {  	s0 =	stileid.u32;
	[bflag:$0x2] =	sbarrier.arrive $0xFFFF  }
0x328: {  	p0 =	sne.s32 s0, $0x0;
	s0 =	rddreg [dreg:$0x3]  }
0x329: {  	s0 =	sadd.s32 @!p0 $0x100000, s0  }
0x32a: {  	[sflag:s0] =	ssyncadd.tile.s32 @!p0 $0x1;
	_ =	shalt  }
.Lfunc_end2:
_tile_overlayer_lowered:
.L_overlay_start_2:
0x32b: {  	(tag) =	ssettag $0x2  }
0x32c: {  	s0 =	rddreg [dreg:$0x0];
	s2 =	stileid.u32  }
0x32d: {  	s1 =	rddreg [dreg:$0x1];
	p0 =	sne.s32 s2, $0x0  }
0x32e: {  	s3 =	rddreg [dreg:$0x2];
	[bflag:$0x3] =	sbarrier.arrive $0xFFFF;
	s2 =	simm.s32 @!p0 $0x1C0D  }
0x32f: {  	[timem:s3], [sflag:s2] =	dma.local @!p0 [hbm:s0], s1  }
0x330: {  	s0 =	simm.s32 @!p0 $0xD  }
0x331: {  	_ =	swait.ge @!p0 [sflag:s0], s1  }
0x332: {  	s1 =	ssub.s32 @!p0 $0x0, s1;
	[sflag:s0] =	ssyncset.done @!p0 $0x0  }
0x333: {  	[sflag:s0] =	ssyncadd.s32 @!p0 s1  }
0x334: {  	[bflag:$0x3] =	sbarrier.arrive $0xFFFF  }
0x335: {  	_ =	shalt  }

</sc_bundles>
